<compile_context>
chip_gen: v7x
topology: tpu7x:2x2x1
jax: 0.10.2.dev20260603
libtpu: 0.0.44.dev20260713+nightly
codegen_flags: <defaults>
</compile_context>

<pallas_src>
import functools

import jax
import jax.numpy as jnp
from jax import lax
from jax.experimental import pallas as pl
from jax.experimental.pallas import tpu as pltpu
from jax.experimental.pallas import tpu_sc as plsc

_E = 320000
_D = 128
_N = 10000
_HN = _N // 2
_NC = 2
_NS = 16
_CH = 64
_NCHT = _E // _CH
_NB = 5
_AN = _HN + 8
_ZPT = _AN // _NS
_OPT = 312
_SPT = _E // _NS


def _sc_body(x_hbm, idx_hbm, out_hbm, idx_v, x_v, scan_v, cx_v, cxr_v, acc,
             cnts_sh, sem_in, sem_sc):
    cid = lax.axis_index("c")
    sid = lax.axis_index("s")

    pltpu.sync_copy(idx_hbm.at[pl.ds(sid * _SPT, _SPT)], scan_v.at[pl.ds(0, _SPT)])

    def _bstep(_, lohi):
        blo, bhi = lohi
        mid = (blo + bhi) // 2
        v = scan_v[pl.ds(mid, 16)]
        open_ = blo < bhi
        pred = jnp.logical_and(open_, v[0] < _HN)
        return (jnp.where(pred, mid + 1, blo),
                jnp.where(jnp.logical_and(open_, jnp.logical_not(pred)), mid, bhi))

    cnt, _ = lax.fori_loop(
        0, 15, _bstep, (jnp.int32(0), jnp.int32(_SPT)))
    cx_v[...] = jnp.full((16,), cnt, jnp.int32)
    pltpu.sync_copy(cx_v, cnts_sh.at[pl.ds(sid * 16, 16)])

    zero16 = jnp.zeros((16,), jnp.float32)

    def _zrow(r, c):
        def _zcol(j, cc):
            x_v[_NB - 1, r, pl.ds(j * 16, 16)] = zero16
            return cc
        return lax.fori_loop(0, _D // 16, _zcol, c)

    lax.fori_loop(0, _CH, _zrow, 0)

    for k in range(_ZPT // _CH):
        pltpu.sync_copy(x_v.at[_NB - 1], acc.at[pl.ds(sid * _ZPT + k * _CH, _CH), :])
    _zt = _ZPT % _CH
    pltpu.sync_copy(
        x_v.at[_NB - 1, pl.ds(0, _zt), :],
        acc.at[pl.ds(sid * _ZPT + _ZPT - _zt, _zt), :],
    )
    plsc.subcore_barrier()

    pltpu.sync_copy(cnts_sh, cxr_v)
    svec = cxr_v[pl.ds(0, 16)]
    for r in range(1, _NS):
        svec = svec + cxr_v[pl.ds(r * 16, 16)]
    s = jnp.minimum(jnp.maximum(svec[0], 0), _E)

    c0 = (s + _CH - 1) // _CH
    c1 = s // _CH
    m = jnp.where(cid == 0, c0, _NCHT - c1)
    base_c = jnp.where(cid == 0, 0, c1)
    lo = base_c + (m * sid) // _NS
    hi = base_c + (m * (sid + 1)) // _NS
    kstop = hi - lo

    def _start_load(c, b):
        pos = jnp.maximum(lo + jnp.minimum(c, kstop - 1), 0)
        pltpu.async_copy(
            idx_hbm.at[pl.ds(pos * _CH, _CH)], idx_v.at[b], sem_in.at[b])
        pltpu.async_copy(
            x_hbm.at[pl.ds(pos * _CH, _CH), :], x_v.at[b], sem_in.at[b])

    def _wait_load(b):
        pltpu.make_async_copy(
            idx_hbm.at[pl.ds(0, _CH)], idx_v.at[b], sem_in.at[b]).wait()
        pltpu.make_async_copy(
            x_hbm.at[pl.ds(0, _CH), :], x_v.at[b], sem_in.at[b]).wait()

    def _scatter_desc(b):
        return pltpu.make_async_copy(x_v.at[b], acc.at[idx_v.at[b]], sem_sc.at[b])

    base_row = cid * _HN

    def _consume(c, b):
        _wait_load(b)
        voff = jnp.full(
            (16,), base_row - jnp.where(c < kstop, 0, 2 * _HN), jnp.int32)
        for q in range(_CH // 16):
            v = idx_v[b, pl.ds(q * 16, 16)]
            loc = jnp.minimum(
                (v - voff).astype(jnp.uint32), jnp.uint32(_HN))
            idx_v[b, pl.ds(q * 16, 16)] = loc.astype(jnp.int32)
        pltpu.async_copy(x_v.at[b], acc.at[idx_v.at[b]], sem_sc.at[b], add=True)

    for b in range(_NB - 1):
        _start_load(b, b)

    for b in range(_NB):
        bp = (b + _NB - 1) % _NB
        if b >= 1:
            _scatter_desc(bp).wait()
        _start_load(b + _NB - 1, bp)
        _consume(b, b)

    def _group(j, carry):
        for b in range(_NB):
            c = j * _NB + b
            bp = (b + _NB - 1) % _NB
            _scatter_desc(bp).wait()
            _start_load(c + _NB - 1, bp)
            _consume(c, b)
        return carry

    n_groups = jnp.maximum((kstop + _NB - 1) // _NB, 1)
    lax.fori_loop(1, n_groups, _group, 0)

    _scatter_desc(_NB - 1).wait()
    for b in range(_NB - 1):
        _wait_load(b)
    plsc.subcore_barrier()

    pltpu.sync_copy(
        acc.at[pl.ds(sid * _OPT, _OPT), :],
        out_hbm.at[pl.ds(base_row + sid * _OPT, _OPT), :],
    )

    @pl.when(sid == _NS - 1)
    def _tail():
        pltpu.sync_copy(
            acc.at[pl.ds(_NS * _OPT, _HN - _NS * _OPT), :],
            out_hbm.at[pl.ds(base_row + _NS * _OPT, _HN - _NS * _OPT), :],
        )


_sc_scatter = functools.partial(
    pl.kernel,
    out_type=jax.ShapeDtypeStruct((_N, _D), jnp.float32),
    mesh=plsc.VectorSubcoreMesh(core_axis_name="c", subcore_axis_name="s"),
    scratch_types=[
        pltpu.VMEM((_NB, _CH), jnp.int32),
        pltpu.VMEM((_NB, _CH, _D), jnp.float32),
        pltpu.VMEM((_SPT + 16,), jnp.int32),
        pltpu.VMEM((16,), jnp.int32),
        pltpu.VMEM((_NS * 16,), jnp.int32),
        pltpu.VMEM_SHARED((_AN, _D), jnp.float32),
        pltpu.VMEM_SHARED((_NS * 16,), jnp.int32),
        pltpu.SemaphoreType.DMA((_NB,)),
        pltpu.SemaphoreType.DMA((_NB,)),
    ],
)(_sc_body)


def kernel(x, index, dim_size):
    del dim_size
    return _sc_scatter(x, index.astype(jnp.int32))

# --- scband reference (transcript-rebuilt; emitter-appended) ---
"""Pipeline reference for scband-base-aggr-88605175316497 (READ-ONLY COPY).

The authoritative reference and input builder live on the scoring server;
editing this copy changes nothing except your own understanding.
"""

import jax, jax.numpy as jnp
import numpy as np


def setup_inputs(seed: int = 0) -> dict:
    key = jax.random.key(seed)
    k1, k2 = jax.random.split(key)
    n_edges = 320000
    d_feat = 128
    n_nodes = 10000
    x = jax.random.normal(k1, (n_edges, d_feat), dtype=jnp.float32)
    index = jnp.sort(jax.random.randint(k2, (n_edges,), 0, n_nodes, dtype=jnp.int64))
    return {"x": x, "index": index, "dim_size": n_nodes}


def reference(x, index, dim_size):
    # BaseAggr.reduce with ptr=None, dim=-2 (i.e. dim 0 of a 2D tensor), reduce='add'
    # -> scatter(x, index, dim=0, dim_size=dim_size, reduce='add')
    n_segments = 10000
    index = jnp.minimum(index, dim_size - 1)
    out = jax.ops.segment_sum(x, index, num_segments=n_segments)
    return out

if __name__ == "__main__":
    import jax
    _d = setup_inputs()
    print(jax.jit(kernel)(*tuple(_d.values())))

</pallas_src>

<mosaic_0001>
#map = affine_map<(d0, d1) -> (0, 0)>
#map1 = affine_map<(d0, d1) -> (0)>
module attributes {stable_mosaic.version = 14 : i64} {
  func.func @_sc_body(%arg0: i32, %arg1: i32, %arg2: memref<320000x128xf32, #tpu.memory_space<hbm>>, %arg3: memref<320000xi32, #tpu.memory_space<hbm>>, %arg4: memref<10000x128xf32, #tpu.memory_space<hbm>>, %arg5: memref<5x64xi32, #tpu.memory_space<vmem>>, %arg6: memref<5x64x128xf32, #tpu.memory_space<vmem>>, %arg7: memref<20016xi32, #tpu.memory_space<vmem>>, %arg8: memref<16xi32, #tpu.memory_space<vmem>>, %arg9: memref<256xi32, #tpu.memory_space<vmem>>, %arg10: memref<5008x128xf32, #tpu.memory_space<vmem_shared>>, %arg11: memref<256xi32, #tpu.memory_space<vmem_shared>>, %arg12: memref<5x!tpu.dma_semaphore, #tpu.memory_space<semaphore_mem>>, %arg13: memref<5x!tpu.dma_semaphore, #tpu.memory_space<semaphore_mem>>) attributes {dimension_semantics = [#tpu.dimension_semantics<core_parallel>, #tpu.dimension_semantics<subcore_parallel>], iteration_bounds = array<i64: 2, 16>, scalar_prefetch = 0 : i64, scratch_operands = 9 : i64, tpu.core_type = #tpu.core_type<sc_vector_subcore>, window_params = [{transform_indices = #map}, {transform_indices = #map1}, {transform_indices = #map}]} {
    %mul3A = arith.constant 20000 : i32
    %mul3A_0 = arith.muli %arg1, %mul3A : i32
    "tpu.region"() ({
      %run_scoped3A_1388 = tpu.sem_alloc : memref<!tpu.dma_semaphore, #tpu.memory_space<semaphore_mem>>
      %dma_start3A_1389 = arith.constant 0 : i32
      %dma_start3A_1390 = tpu.memref_slice %arg7[%dma_start3A_1389] : memref<20016xi32, #tpu.memory_space<vmem>> -> memref<20000xi32, #tpu.memory_space<vmem>>
      %dma_start3A_1391 = tpu.memref_slice %arg3[%mul3A_0] : memref<320000xi32, #tpu.memory_space<hbm>> -> memref<20000xi32, #tpu.memory_space<hbm>>
      %dma_start3A_1392 = arith.constant 0 : i32
      %dma_start3A_1393 = tpu.memref_slice %arg7[%dma_start3A_1392] : memref<20016xi32, #tpu.memory_space<vmem>> -> memref<20000xi32, #tpu.memory_space<vmem>>
      %dma_start3A_1394 = tpu.memref_slice %arg3[%mul3A_0] : memref<320000xi32, #tpu.memory_space<hbm>> -> memref<20000xi32, #tpu.memory_space<hbm>>
      tpu.enqueue_dma source(%dma_start3A_1394 : memref<20000xi32, #tpu.memory_space<hbm>>) target(%dma_start3A_1393 : memref<20000xi32, #tpu.memory_space<vmem>>) target_semaphore(%run_scoped3A_1388 : memref<!tpu.dma_semaphore, #tpu.memory_space<semaphore_mem>>)
      %dma_wait3A_1395 = arith.constant 0 : i32
      %dma_wait3A_1396 = tpu.memref_slice %arg7[%dma_wait3A_1395] : memref<20016xi32, #tpu.memory_space<vmem>> -> memref<20000xi32, #tpu.memory_space<vmem>>
      %dma_wait3A_1397 = tpu.memref_slice %arg3[%mul3A_0] : memref<320000xi32, #tpu.memory_space<hbm>> -> memref<20000xi32, #tpu.memory_space<hbm>>
      %dma_wait3A_1398 = arith.constant 0 : i32
      %dma_wait3A_1399 = tpu.memref_slice %arg7[%dma_wait3A_1398] : memref<20016xi32, #tpu.memory_space<vmem>> -> memref<20000xi32, #tpu.memory_space<vmem>>
      %dma_wait3A_1400 = tpu.memref_slice %arg3[%mul3A_0] : memref<320000xi32, #tpu.memory_space<hbm>> -> memref<20000xi32, #tpu.memory_space<hbm>>
      tpu.wait_dma2 semaphore(%run_scoped3A_1388 : memref<!tpu.dma_semaphore, #tpu.memory_space<semaphore_mem>>) src(%dma_wait3A_1400 : memref<20000xi32, #tpu.memory_space<hbm>>) dst(%dma_wait3A_1399 : memref<20000xi32, #tpu.memory_space<vmem>>)
      tpu.yield
    }) : () -> ()
    %scan3A = arith.constant 0 : i32
    %scan3A_1 = arith.constant 20000 : i32
    %scan3A_2 = arith.constant 0 : i32
    %scan3A_3 = arith.constant 15 : i32
    %scan3A_4 = arith.addi %scan3A_2, %scan3A_3 : i32
    %scan3A_5 = arith.constant 1 : i32
    %scan3A_6:2 = scf.for %scan3A_1388 = %scan3A_2 to %scan3A_4 step %scan3A_5 iter_args(%scan3A_1389 = %scan3A, %scan3A_1390 = %scan3A_1) -> (i32, i32)  : i32 {
      %add3A_1391 = arith.addi %scan3A_1389, %scan3A_1390 : i32
      %jit3A_1392 = arith.constant 2 : i32
      %div3A_1393 = arith.divsi %add3A_1391, %jit3A_1392 : i32
      %sign3A_1394 = arith.constant 0 : i32
      %sign3A_1395 = arith.cmpi sgt, %add3A_1391, %sign3A_1394 : i32
      %sign3A_1396 = arith.extui %sign3A_1395 : i1 to i32
      %sign3A_1397 = arith.constant 0 : i32
      %sign3A_1398 = arith.cmpi slt, %add3A_1391, %sign3A_1397 : i32
      %sign3A_1399 = arith.extui %sign3A_1398 : i1 to i32
      %sign3A_1400 = arith.subi %sign3A_1396, %sign3A_1399 : i32
      %sign3A_1401 = arith.constant 0 : i32
      %sign3A_1402 = arith.cmpi sgt, %jit3A_1392, %sign3A_1401 : i32
      %sign3A_1403 = arith.extui %sign3A_1402 : i1 to i32
      %sign3A_1404 = arith.constant 0 : i32
      %sign3A_1405 = arith.cmpi slt, %jit3A_1392, %sign3A_1404 : i32
      %sign3A_1406 = arith.extui %sign3A_1405 : i1 to i32
      %sign3A_1407 = arith.subi %sign3A_1403, %sign3A_1406 : i32
      %ne3A_1408 = arith.cmpi ne, %sign3A_1400, %sign3A_1407 : i32
      %rem3A_1409 = arith.remsi %add3A_1391, %jit3A_1392 : i32
      %ne3A_1410 = arith.constant 0 : i32
      %ne3A_1411 = arith.cmpi ne, %rem3A_1409, %ne3A_1410 : i32
      %and3A_1412 = arith.andi %ne3A_1408, %ne3A_1411 : i1
      %sub3A_1413 = arith.constant 1 : i32
      %sub3A_1414 = arith.subi %div3A_1393, %sub3A_1413 : i32
      %select_n3A_1415 = arith.select %and3A_1412, %sub3A_1414, %div3A_1393 : i32
      %get3A_1416 = arith.index_cast %select_n3A_1415 : i32 to index
      %get3A_1417 = tpu.vector_load %arg7[%get3A_1416] {strides = array<i32>} : memref<20016xi32, #tpu.memory_space<vmem>>, vector<16xi32>,
      %get3A_1418 = vector.shape_cast %get3A_1417 : vector<16xi32> to vector<16xi32>
      %lt3A = arith.cmpi slt, %scan3A_1389, %scan3A_1390 : i32
      %slice3A_1419 = vector.extract_strided_slice %get3A_1418 {offsets = [0], sizes = [1], strides = [1]} : vector<16xi32> to vector<1xi32>
      %squeeze3A_1420 = vector.extract %slice3A_1419[0] : i32 from vector<1xi32>
      %lt3A_1421 = arith.constant 5000 : i32
      %lt3A_1422 = arith.cmpi slt, %squeeze3A_1420, %lt3A_1421 : i32
      %and3A_1423 = arith.andi %lt3A, %lt3A_1422 : i1
      %add3A_1424 = arith.constant 1 : i32
      %add3A_1425 = arith.addi %select_n3A_1415, %add3A_1424 : i32
      %select_n3A_1426 = arith.select %and3A_1423, %add3A_1425, %scan3A_1389 : i32
      %not3A = arith.constant true
      %not3A_1427 = arith.xori %and3A_1423, %not3A : i1
      %and3A_1428 = arith.andi %lt3A, %not3A_1427 : i1
      %select_n3A_1429 = arith.select %and3A_1428, %select_n3A_1415, %scan3A_1390 : i32
      scf.yield %select_n3A_1426, %select_n3A_1429 : i32, i32
    }
    %scan3A_7 = arith.constant 15 : i32
    %broadcast_in_dim3A = vector.broadcast %scan3A_6#0 : i32 to vector<16xi32>
    %swap3A = arith.constant 0 : index
    %swap3A_8 = tpu.vector_load %arg8[%swap3A] {strides = array<i32>} : memref<16xi32, #tpu.memory_space<vmem>>, vector<16xi32>,
    %swap3A_9 = vector.shape_cast %swap3A_8 : vector<16xi32> to vector<16xi32>
    %swap3A_10 = vector.shape_cast %broadcast_in_dim3A : vector<16xi32> to vector<16xi32>
    tpu.vector_store %arg8[%swap3A], %swap3A_10 {strides = array<i32>} : memref<16xi32, #tpu.memory_space<vmem>>, vector<16xi32>,
    %mul3A_11 = arith.constant 16 : i32
    %mul3A_12 = arith.muli %arg1, %mul3A_11 : i32
    "tpu.region"() ({
      %run_scoped3A_1388 = tpu.sem_alloc : memref<!tpu.dma_semaphore, #tpu.memory_space<semaphore_mem>>
      %dma_start3A_1389 = tpu.memref_slice %arg11[%mul3A_12] : memref<256xi32, #tpu.memory_space<vmem_shared>> -> memref<16xi32, #tpu.memory_space<vmem_shared>>
      %dma_start3A_1390 = tpu.memref_slice %arg11[%mul3A_12] : memref<256xi32, #tpu.memory_space<vmem_shared>> -> memref<16xi32, #tpu.memory_space<vmem_shared>>
      tpu.enqueue_dma source(%arg8 : memref<16xi32, #tpu.memory_space<vmem>>) target(%dma_start3A_1390 : memref<16xi32, #tpu.memory_space<vmem_shared>>) target_semaphore(%run_scoped3A_1388 : memref<!tpu.dma_semaphore, #tpu.memory_space<semaphore_mem>>)
      %dma_wait3A_1391 = tpu.memref_slice %arg11[%mul3A_12] : memref<256xi32, #tpu.memory_space<vmem_shared>> -> memref<16xi32, #tpu.memory_space<vmem_shared>>
      %dma_wait3A_1392 = tpu.memref_slice %arg11[%mul3A_12] : memref<256xi32, #tpu.memory_space<vmem_shared>> -> memref<16xi32, #tpu.memory_space<vmem_shared>>
      tpu.wait_dma2 semaphore(%run_scoped3A_1388 : memref<!tpu.dma_semaphore, #tpu.memory_space<semaphore_mem>>) src(%arg8 : memref<16xi32, #tpu.memory_space<vmem>>) dst(%dma_wait3A_1392 : memref<16xi32, #tpu.memory_space<vmem_shared>>)
      tpu.yield
    }) : () -> ()
    %broadcast_in_dim3A_13 = arith.constant 0.000000e+00 : f32
    %broadcast_in_dim3A_14 = vector.broadcast %broadcast_in_dim3A_13 : f32 to vector<16xf32>
    %scan3A_15 = arith.constant 0 : i32
    %scan3A_16 = arith.constant 0 : i32
    %scan3A_17 = arith.constant 64 : i32
    %scan3A_18 = arith.addi %scan3A_16, %scan3A_17 : i32
    %scan3A_19 = arith.constant 1 : i32
    scf.for %scan3A_1388 = %scan3A_16 to %scan3A_18 step %scan3A_19  : i32 {
      %scan3A_1389 = arith.constant 0 : i32
      %scan3A_1390 = arith.constant 8 : i32
      %scan3A_1391 = arith.addi %scan3A_1389, %scan3A_1390 : i32
      %scan3A_1392 = arith.constant 1 : i32
      scf.for %scan3A_1394 = %scan3A_1389 to %scan3A_1391 step %scan3A_1392  : i32 {
        %mul3A_1395 = arith.constant 16 : i32
        %mul3A_1396 = arith.muli %scan3A_1394, %mul3A_1395 : i32
        %swap3A_1397 = arith.constant 4 : i32
        %swap3A_1398 = arith.index_cast %swap3A_1397 : i32 to index
        %swap3A_1399 = arith.index_cast %scan3A_1388 : i32 to index
        %swap3A_1400 = arith.index_cast %mul3A_1396 : i32 to index
        %swap3A_1401 = tpu.vector_load %arg6[%swap3A_1398, %swap3A_1399, %swap3A_1400] {strides = array<i32>} : memref<5x64x128xf32, #tpu.memory_space<vmem>>, vector<1x1x16xf32>,
        %swap3A_1402 = vector.shape_cast %swap3A_1401 : vector<1x1x16xf32> to vector<16xf32>
        %swap3A_1403 = vector.shape_cast %broadcast_in_dim3A_14 : vector<16xf32> to vector<1x1x16xf32>
        tpu.vector_store %arg6[%swap3A_1398, %swap3A_1399, %swap3A_1400], %swap3A_1403 {strides = array<i32>} : memref<5x64x128xf32, #tpu.memory_space<vmem>>, vector<1x1x16xf32>,
      }
      %scan3A_1393 = arith.constant 8 : i32
    }
    %scan3A_20 = arith.constant 64 : i32
    %mul3A_21 = arith.constant 313 : i32
    %mul3A_22 = arith.muli %arg1, %mul3A_21 : i32
    %add3A = arith.constant 0 : i32
    %add3A_23 = arith.addi %mul3A_22, %add3A : i32
    %run_scoped3A = arith.constant 4 : i32
    "tpu.region"() ({
      %run_scoped3A_1388 = tpu.sem_alloc : memref<!tpu.dma_semaphore, #tpu.memory_space<semaphore_mem>>
      %dma_start3A_1389 = arith.constant 0 : i32
      %dma_start3A_1390 = arith.constant 0 : i32
      %dma_start3A_1391 = tpu.memref_slice %arg6[%run_scoped3A, %dma_start3A_1389, %dma_start3A_1390] : memref<5x64x128xf32, #tpu.memory_space<vmem>> -> memref<1x64x128xf32, #tpu.memory_space<vmem>>
      %dma_start3A_1392 = tpu.memref_squeeze %dma_start3A_1391 : memref<1x64x128xf32, #tpu.memory_space<vmem>> -> memref<64x128xf32, #tpu.memory_space<vmem>>
      %dma_start3A_1393 = arith.constant 0 : i32
      %dma_start3A_1394 = tpu.memref_slice %arg10[%add3A_23, %dma_start3A_1393] : memref<5008x128xf32, #tpu.memory_space<vmem_shared>> -> memref<64x128xf32, #tpu.memory_space<vmem_shared>>
      %dma_start3A_1395 = arith.constant 0 : i32
      %dma_start3A_1396 = tpu.memref_slice %arg10[%add3A_23, %dma_start3A_1395] : memref<5008x128xf32, #tpu.memory_space<vmem_shared>> -> memref<64x128xf32, #tpu.memory_space<vmem_shared>>
      %dma_start3A_1397 = arith.constant 0 : i32
      %dma_start3A_1398 = arith.constant 0 : i32
      %dma_start3A_1399 = tpu.memref_slice %arg6[%run_scoped3A, %dma_start3A_1397, %dma_start3A_1398] : memref<5x64x128xf32, #tpu.memory_space<vmem>> -> memref<1x64x128xf32, #tpu.memory_space<vmem>>
      %dma_start3A_1400 = tpu.memref_squeeze %dma_start3A_1399 : memref<1x64x128xf32, #tpu.memory_space<vmem>> -> memref<64x128xf32, #tpu.memory_space<vmem>>
      tpu.enqueue_dma source(%dma_start3A_1400 : memref<64x128xf32, #tpu.memory_space<vmem>>) target(%dma_start3A_1396 : memref<64x128xf32, #tpu.memory_space<vmem_shared>>) target_semaphore(%run_scoped3A_1388 : memref<!tpu.dma_semaphore, #tpu.memory_space<semaphore_mem>>)
      %dma_wait3A_1401 = arith.constant 0 : i32
      %dma_wait3A_1402 = arith.constant 0 : i32
      %dma_wait3A_1403 = tpu.memref_slice %arg6[%run_scoped3A, %dma_wait3A_1401, %dma_wait3A_1402] : memref<5x64x128xf32, #tpu.memory_space<vmem>> -> memref<1x64x128xf32, #tpu.memory_space<vmem>>
      %dma_wait3A_1404 = tpu.memref_squeeze %dma_wait3A_1403 : memref<1x64x128xf32, #tpu.memory_space<vmem>> -> memref<64x128xf32, #tpu.memory_space<vmem>>
      %dma_wait3A_1405 = arith.constant 0 : i32
      %dma_wait3A_1406 = tpu.memref_slice %arg10[%add3A_23, %dma_wait3A_1405] : memref<5008x128xf32, #tpu.memory_space<vmem_shared>> -> memref<64x128xf32, #tpu.memory_space<vmem_shared>>
      %dma_wait3A_1407 = arith.constant 0 : i32
      %dma_wait3A_1408 = tpu.memref_slice %arg10[%add3A_23, %dma_wait3A_1407] : memref<5008x128xf32, #tpu.memory_space<vmem_shared>> -> memref<64x128xf32, #tpu.memory_space<vmem_shared>>
      %dma_wait3A_1409 = arith.constant 0 : i32
      %dma_wait3A_1410 = arith.constant 0 : i32
      %dma_wait3A_1411 = tpu.memref_slice %arg6[%run_scoped3A, %dma_wait3A_1409, %dma_wait3A_1410] : memref<5x64x128xf32, #tpu.memory_space<vmem>> -> memref<1x64x128xf32, #tpu.memory_space<vmem>>
      %dma_wait3A_1412 = tpu.memref_squeeze %dma_wait3A_1411 : memref<1x64x128xf32, #tpu.memory_space<vmem>> -> memref<64x128xf32, #tpu.memory_space<vmem>>
      tpu.wait_dma2 semaphore(%run_scoped3A_1388 : memref<!tpu.dma_semaphore, #tpu.memory_space<semaphore_mem>>) src(%dma_wait3A_1412 : memref<64x128xf32, #tpu.memory_space<vmem>>) dst(%dma_wait3A_1408 : memref<64x128xf32, #tpu.memory_space<vmem_shared>>)
      tpu.yield
    }) : () -> ()
    %mul3A_24 = arith.constant 313 : i32
    %mul3A_25 = arith.muli %arg1, %mul3A_24 : i32
    %add3A_26 = arith.constant 64 : i32
    %add3A_27 = arith.addi %mul3A_25, %add3A_26 : i32
    %run_scoped3A_28 = arith.constant 4 : i32
    "tpu.region"() ({
      %run_scoped3A_1388 = tpu.sem_alloc : memref<!tpu.dma_semaphore, #tpu.memory_space<semaphore_mem>>
      %dma_start3A_1389 = arith.constant 0 : i32
      %dma_start3A_1390 = arith.constant 0 : i32
      %dma_start3A_1391 = tpu.memref_slice %arg6[%run_scoped3A_28, %dma_start3A_1389, %dma_start3A_1390] : memref<5x64x128xf32, #tpu.memory_space<vmem>> -> memref<1x64x128xf32, #tpu.memory_space<vmem>>
      %dma_start3A_1392 = tpu.memref_squeeze %dma_start3A_1391 : memref<1x64x128xf32, #tpu.memory_space<vmem>> -> memref<64x128xf32, #tpu.memory_space<vmem>>
      %dma_start3A_1393 = arith.constant 0 : i32
      %dma_start3A_1394 = tpu.memref_slice %arg10[%add3A_27, %dma_start3A_1393] : memref<5008x128xf32, #tpu.memory_space<vmem_shared>> -> memref<64x128xf32, #tpu.memory_space<vmem_shared>>
      %dma_start3A_1395 = arith.constant 0 : i32
      %dma_start3A_1396 = tpu.memref_slice %arg10[%add3A_27, %dma_start3A_1395] : memref<5008x128xf32, #tpu.memory_space<vmem_shared>> -> memref<64x128xf32, #tpu.memory_space<vmem_shared>>
      %dma_start3A_1397 = arith.constant 0 : i32
      %dma_start3A_1398 = arith.constant 0 : i32
      %dma_start3A_1399 = tpu.memref_slice %arg6[%run_scoped3A_28, %dma_start3A_1397, %dma_start3A_1398] : memref<5x64x128xf32, #tpu.memory_space<vmem>> -> memref<1x64x128xf32, #tpu.memory_space<vmem>>
      %dma_start3A_1400 = tpu.memref_squeeze %dma_start3A_1399 : memref<1x64x128xf32, #tpu.memory_space<vmem>> -> memref<64x128xf32, #tpu.memory_space<vmem>>
      tpu.enqueue_dma source(%dma_start3A_1400 : memref<64x128xf32, #tpu.memory_space<vmem>>) target(%dma_start3A_1396 : memref<64x128xf32, #tpu.memory_space<vmem_shared>>) target_semaphore(%run_scoped3A_1388 : memref<!tpu.dma_semaphore, #tpu.memory_space<semaphore_mem>>)
      %dma_wait3A_1401 = arith.constant 0 : i32
      %dma_wait3A_1402 = arith.constant 0 : i32
      %dma_wait3A_1403 = tpu.memref_slice %arg6[%run_scoped3A_28, %dma_wait3A_1401, %dma_wait3A_1402] : memref<5x64x128xf32, #tpu.memory_space<vmem>> -> memref<1x64x128xf32, #tpu.memory_space<vmem>>
      %dma_wait3A_1404 = tpu.memref_squeeze %dma_wait3A_1403 : memref<1x64x128xf32, #tpu.memory_space<vmem>> -> memref<64x128xf32, #tpu.memory_space<vmem>>
      %dma_wait3A_1405 = arith.constant 0 : i32
      %dma_wait3A_1406 = tpu.memref_slice %arg10[%add3A_27, %dma_wait3A_1405] : memref<5008x128xf32, #tpu.memory_space<vmem_shared>> -> memref<64x128xf32, #tpu.memory_space<vmem_shared>>
      %dma_wait3A_1407 = arith.constant 0 : i32
      %dma_wait3A_1408 = tpu.memref_slice %arg10[%add3A_27, %dma_wait3A_1407] : memref<5008x128xf32, #tpu.memory_space<vmem_shared>> -> memref<64x128xf32, #tpu.memory_space<vmem_shared>>
      %dma_wait3A_1409 = arith.constant 0 : i32
      %dma_wait3A_1410 = arith.constant 0 : i32
      %dma_wait3A_1411 = tpu.memref_slice %arg6[%run_scoped3A_28, %dma_wait3A_1409, %dma_wait3A_1410] : memref<5x64x128xf32, #tpu.memory_space<vmem>> -> memref<1x64x128xf32, #tpu.memory_space<vmem>>
      %dma_wait3A_1412 = tpu.memref_squeeze %dma_wait3A_1411 : memref<1x64x128xf32, #tpu.memory_space<vmem>> -> memref<64x128xf32, #tpu.memory_space<vmem>>
      tpu.wait_dma2 semaphore(%run_scoped3A_1388 : memref<!tpu.dma_semaphore, #tpu.memory_space<semaphore_mem>>) src(%dma_wait3A_1412 : memref<64x128xf32, #tpu.memory_space<vmem>>) dst(%dma_wait3A_1408 : memref<64x128xf32, #tpu.memory_space<vmem_shared>>)
      tpu.yield
    }) : () -> ()
    %mul3A_29 = arith.constant 313 : i32
    %mul3A_30 = arith.muli %arg1, %mul3A_29 : i32
    %add3A_31 = arith.constant 128 : i32
    %add3A_32 = arith.addi %mul3A_30, %add3A_31 : i32
    %run_scoped3A_33 = arith.constant 4 : i32
    "tpu.region"() ({
      %run_scoped3A_1388 = tpu.sem_alloc : memref<!tpu.dma_semaphore, #tpu.memory_space<semaphore_mem>>
      %dma_start3A_1389 = arith.constant 0 : i32
      %dma_start3A_1390 = arith.constant 0 : i32
      %dma_start3A_1391 = tpu.memref_slice %arg6[%run_scoped3A_33, %dma_start3A_1389, %dma_start3A_1390] : memref<5x64x128xf32, #tpu.memory_space<vmem>> -> memref<1x64x128xf32, #tpu.memory_space<vmem>>
      %dma_start3A_1392 = tpu.memref_squeeze %dma_start3A_1391 : memref<1x64x128xf32, #tpu.memory_space<vmem>> -> memref<64x128xf32, #tpu.memory_space<vmem>>
      %dma_start3A_1393 = arith.constant 0 : i32
      %dma_start3A_1394 = tpu.memref_slice %arg10[%add3A_32, %dma_start3A_1393] : memref<5008x128xf32, #tpu.memory_space<vmem_shared>> -> memref<64x128xf32, #tpu.memory_space<vmem_shared>>
      %dma_start3A_1395 = arith.constant 0 : i32
      %dma_start3A_1396 = tpu.memref_slice %arg10[%add3A_32, %dma_start3A_1395] : memref<5008x128xf32, #tpu.memory_space<vmem_shared>> -> memref<64x128xf32, #tpu.memory_space<vmem_shared>>
      %dma_start3A_1397 = arith.constant 0 : i32
      %dma_start3A_1398 = arith.constant 0 : i32
      %dma_start3A_1399 = tpu.memref_slice %arg6[%run_scoped3A_33, %dma_start3A_1397, %dma_start3A_1398] : memref<5x64x128xf32, #tpu.memory_space<vmem>> -> memref<1x64x128xf32, #tpu.memory_space<vmem>>
      %dma_start3A_1400 = tpu.memref_squeeze %dma_start3A_1399 : memref<1x64x128xf32, #tpu.memory_space<vmem>> -> memref<64x128xf32, #tpu.memory_space<vmem>>
      tpu.enqueue_dma source(%dma_start3A_1400 : memref<64x128xf32, #tpu.memory_space<vmem>>) target(%dma_start3A_1396 : memref<64x128xf32, #tpu.memory_space<vmem_shared>>) target_semaphore(%run_scoped3A_1388 : memref<!tpu.dma_semaphore, #tpu.memory_space<semaphore_mem>>)
      %dma_wait3A_1401 = arith.constant 0 : i32
      %dma_wait3A_1402 = arith.constant 0 : i32
      %dma_wait3A_1403 = tpu.memref_slice %arg6[%run_scoped3A_33, %dma_wait3A_1401, %dma_wait3A_1402] : memref<5x64x128xf32, #tpu.memory_space<vmem>> -> memref<1x64x128xf32, #tpu.memory_space<vmem>>
      %dma_wait3A_1404 = tpu.memref_squeeze %dma_wait3A_1403 : memref<1x64x128xf32, #tpu.memory_space<vmem>> -> memref<64x128xf32, #tpu.memory_space<vmem>>
      %dma_wait3A_1405 = arith.constant 0 : i32
      %dma_wait3A_1406 = tpu.memref_slice %arg10[%add3A_32, %dma_wait3A_1405] : memref<5008x128xf32, #tpu.memory_space<vmem_shared>> -> memref<64x128xf32, #tpu.memory_space<vmem_shared>>
      %dma_wait3A_1407 = arith.constant 0 : i32
      %dma_wait3A_1408 = tpu.memref_slice %arg10[%add3A_32, %dma_wait3A_1407] : memref<5008x128xf32, #tpu.memory_space<vmem_shared>> -> memref<64x128xf32, #tpu.memory_space<vmem_shared>>
      %dma_wait3A_1409 = arith.constant 0 : i32
      %dma_wait3A_1410 = arith.constant 0 : i32
      %dma_wait3A_1411 = tpu.memref_slice %arg6[%run_scoped3A_33, %dma_wait3A_1409, %dma_wait3A_1410] : memref<5x64x128xf32, #tpu.memory_space<vmem>> -> memref<1x64x128xf32, #tpu.memory_space<vmem>>
      %dma_wait3A_1412 = tpu.memref_squeeze %dma_wait3A_1411 : memref<1x64x128xf32, #tpu.memory_space<vmem>> -> memref<64x128xf32, #tpu.memory_space<vmem>>
      tpu.wait_dma2 semaphore(%run_scoped3A_1388 : memref<!tpu.dma_semaphore, #tpu.memory_space<semaphore_mem>>) src(%dma_wait3A_1412 : memref<64x128xf32, #tpu.memory_space<vmem>>) dst(%dma_wait3A_1408 : memref<64x128xf32, #tpu.memory_space<vmem_shared>>)
      tpu.yield
    }) : () -> ()
    %mul3A_34 = arith.constant 313 : i32
    %mul3A_35 = arith.muli %arg1, %mul3A_34 : i32
    %add3A_36 = arith.constant 192 : i32
    %add3A_37 = arith.addi %mul3A_35, %add3A_36 : i32
    %run_scoped3A_38 = arith.constant 4 : i32
    "tpu.region"() ({
      %run_scoped3A_1388 = tpu.sem_alloc : memref<!tpu.dma_semaphore, #tpu.memory_space<semaphore_mem>>
      %dma_start3A_1389 = arith.constant 0 : i32
      %dma_start3A_1390 = arith.constant 0 : i32
      %dma_start3A_1391 = tpu.memref_slice %arg6[%run_scoped3A_38, %dma_start3A_1389, %dma_start3A_1390] : memref<5x64x128xf32, #tpu.memory_space<vmem>> -> memref<1x64x128xf32, #tpu.memory_space<vmem>>
      %dma_start3A_1392 = tpu.memref_squeeze %dma_start3A_1391 : memref<1x64x128xf32, #tpu.memory_space<vmem>> -> memref<64x128xf32, #tpu.memory_space<vmem>>
      %dma_start3A_1393 = arith.constant 0 : i32
      %dma_start3A_1394 = tpu.memref_slice %arg10[%add3A_37, %dma_start3A_1393] : memref<5008x128xf32, #tpu.memory_space<vmem_shared>> -> memref<64x128xf32, #tpu.memory_space<vmem_shared>>
      %dma_start3A_1395 = arith.constant 0 : i32
      %dma_start3A_1396 = tpu.memref_slice %arg10[%add3A_37, %dma_start3A_1395] : memref<5008x128xf32, #tpu.memory_space<vmem_shared>> -> memref<64x128xf32, #tpu.memory_space<vmem_shared>>
      %dma_start3A_1397 = arith.constant 0 : i32
      %dma_start3A_1398 = arith.constant 0 : i32
      %dma_start3A_1399 = tpu.memref_slice %arg6[%run_scoped3A_38, %dma_start3A_1397, %dma_start3A_1398] : memref<5x64x128xf32, #tpu.memory_space<vmem>> -> memref<1x64x128xf32, #tpu.memory_space<vmem>>
      %dma_start3A_1400 = tpu.memref_squeeze %dma_start3A_1399 : memref<1x64x128xf32, #tpu.memory_space<vmem>> -> memref<64x128xf32, #tpu.memory_space<vmem>>
      tpu.enqueue_dma source(%dma_start3A_1400 : memref<64x128xf32, #tpu.memory_space<vmem>>) target(%dma_start3A_1396 : memref<64x128xf32, #tpu.memory_space<vmem_shared>>) target_semaphore(%run_scoped3A_1388 : memref<!tpu.dma_semaphore, #tpu.memory_space<semaphore_mem>>)
      %dma_wait3A_1401 = arith.constant 0 : i32
      %dma_wait3A_1402 = arith.constant 0 : i32
      %dma_wait3A_1403 = tpu.memref_slice %arg6[%run_scoped3A_38, %dma_wait3A_1401, %dma_wait3A_1402] : memref<5x64x128xf32, #tpu.memory_space<vmem>> -> memref<1x64x128xf32, #tpu.memory_space<vmem>>
      %dma_wait3A_1404 = tpu.memref_squeeze %dma_wait3A_1403 : memref<1x64x128xf32, #tpu.memory_space<vmem>> -> memref<64x128xf32, #tpu.memory_space<vmem>>
      %dma_wait3A_1405 = arith.constant 0 : i32
      %dma_wait3A_1406 = tpu.memref_slice %arg10[%add3A_37, %dma_wait3A_1405] : memref<5008x128xf32, #tpu.memory_space<vmem_shared>> -> memref<64x128xf32, #tpu.memory_space<vmem_shared>>
      %dma_wait3A_1407 = arith.constant 0 : i32
      %dma_wait3A_1408 = tpu.memref_slice %arg10[%add3A_37, %dma_wait3A_1407] : memref<5008x128xf32, #tpu.memory_space<vmem_shared>> -> memref<64x128xf32, #tpu.memory_space<vmem_shared>>
      %dma_wait3A_1409 = arith.constant 0 : i32
      %dma_wait3A_1410 = arith.constant 0 : i32
      %dma_wait3A_1411 = tpu.memref_slice %arg6[%run_scoped3A_38, %dma_wait3A_1409, %dma_wait3A_1410] : memref<5x64x128xf32, #tpu.memory_space<vmem>> -> memref<1x64x128xf32, #tpu.memory_space<vmem>>
      %dma_wait3A_1412 = tpu.memref_squeeze %dma_wait3A_1411 : memref<1x64x128xf32, #tpu.memory_space<vmem>> -> memref<64x128xf32, #tpu.memory_space<vmem>>
      tpu.wait_dma2 semaphore(%run_scoped3A_1388 : memref<!tpu.dma_semaphore, #tpu.memory_space<semaphore_mem>>) src(%dma_wait3A_1412 : memref<64x128xf32, #tpu.memory_space<vmem>>) dst(%dma_wait3A_1408 : memref<64x128xf32, #tpu.memory_space<vmem_shared>>)
      tpu.yield
    }) : () -> ()
    %mul3A_39 = arith.constant 313 : i32
    %mul3A_40 = arith.muli %arg1, %mul3A_39 : i32
    %add3A_41 = arith.constant 313 : i32
    %add3A_42 = arith.addi %mul3A_40, %add3A_41 : i32
    %sub3A = arith.constant 57 : i32
    %sub3A_43 = arith.subi %add3A_42, %sub3A : i32
    %run_scoped3A_44 = arith.constant 4 : i32
    "tpu.region"() ({
      %run_scoped3A_1388 = tpu.sem_alloc : memref<!tpu.dma_semaphore, #tpu.memory_space<semaphore_mem>>
      %dma_start3A_1389 = arith.constant 0 : i32
      %dma_start3A_1390 = arith.constant 0 : i32
      %dma_start3A_1391 = tpu.memref_slice %arg6[%run_scoped3A_44, %dma_start3A_1389, %dma_start3A_1390] : memref<5x64x128xf32, #tpu.memory_space<vmem>> -> memref<1x57x128xf32, #tpu.memory_space<vmem>>
      %dma_start3A_1392 = tpu.memref_squeeze %dma_start3A_1391 : memref<1x57x128xf32, #tpu.memory_space<vmem>> -> memref<57x128xf32, #tpu.memory_space<vmem>>
      %dma_start3A_1393 = arith.constant 0 : i32
      %dma_start3A_1394 = tpu.memref_slice %arg10[%sub3A_43, %dma_start3A_1393] : memref<5008x128xf32, #tpu.memory_space<vmem_shared>> -> memref<57x128xf32, #tpu.memory_space<vmem_shared>>
      %dma_start3A_1395 = arith.constant 0 : i32
      %dma_start3A_1396 = tpu.memref_slice %arg10[%sub3A_43, %dma_start3A_1395] : memref<5008x128xf32, #tpu.memory_space<vmem_shared>> -> memref<57x128xf32, #tpu.memory_space<vmem_shared>>
      %dma_start3A_1397 = arith.constant 0 : i32
      %dma_start3A_1398 = arith.constant 0 : i32
      %dma_start3A_1399 = tpu.memref_slice %arg6[%run_scoped3A_44, %dma_start3A_1397, %dma_start3A_1398] : memref<5x64x128xf32, #tpu.memory_space<vmem>> -> memref<1x57x128xf32, #tpu.memory_space<vmem>>
      %dma_start3A_1400 = tpu.memref_squeeze %dma_start3A_1399 : memref<1x57x128xf32, #tpu.memory_space<vmem>> -> memref<57x128xf32, #tpu.memory_space<vmem>>
      tpu.enqueue_dma source(%dma_start3A_1400 : memref<57x128xf32, #tpu.memory_space<vmem>>) target(%dma_start3A_1396 : memref<57x128xf32, #tpu.memory_space<vmem_shared>>) target_semaphore(%run_scoped3A_1388 : memref<!tpu.dma_semaphore, #tpu.memory_space<semaphore_mem>>)
      %dma_wait3A_1401 = arith.constant 0 : i32
      %dma_wait3A_1402 = arith.constant 0 : i32
      %dma_wait3A_1403 = tpu.memref_slice %arg6[%run_scoped3A_44, %dma_wait3A_1401, %dma_wait3A_1402] : memref<5x64x128xf32, #tpu.memory_space<vmem>> -> memref<1x57x128xf32, #tpu.memory_space<vmem>>
      %dma_wait3A_1404 = tpu.memref_squeeze %dma_wait3A_1403 : memref<1x57x128xf32, #tpu.memory_space<vmem>> -> memref<57x128xf32, #tpu.memory_space<vmem>>
      %dma_wait3A_1405 = arith.constant 0 : i32
      %dma_wait3A_1406 = tpu.memref_slice %arg10[%sub3A_43, %dma_wait3A_1405] : memref<5008x128xf32, #tpu.memory_space<vmem_shared>> -> memref<57x128xf32, #tpu.memory_space<vmem_shared>>
      %dma_wait3A_1407 = arith.constant 0 : i32
      %dma_wait3A_1408 = tpu.memref_slice %arg10[%sub3A_43, %dma_wait3A_1407] : memref<5008x128xf32, #tpu.memory_space<vmem_shared>> -> memref<57x128xf32, #tpu.memory_space<vmem_shared>>
      %dma_wait3A_1409 = arith.constant 0 : i32
      %dma_wait3A_1410 = arith.constant 0 : i32
      %dma_wait3A_1411 = tpu.memref_slice %arg6[%run_scoped3A_44, %dma_wait3A_1409, %dma_wait3A_1410] : memref<5x64x128xf32, #tpu.memory_space<vmem>> -> memref<1x57x128xf32, #tpu.memory_space<vmem>>
      %dma_wait3A_1412 = tpu.memref_squeeze %dma_wait3A_1411 : memref<1x57x128xf32, #tpu.memory_space<vmem>> -> memref<57x128xf32, #tpu.memory_space<vmem>>
      tpu.wait_dma2 semaphore(%run_scoped3A_1388 : memref<!tpu.dma_semaphore, #tpu.memory_space<semaphore_mem>>) src(%dma_wait3A_1412 : memref<57x128xf32, #tpu.memory_space<vmem>>) dst(%dma_wait3A_1408 : memref<57x128xf32, #tpu.memory_space<vmem_shared>>)
      tpu.yield
    }) : () -> ()
    %barrier3A = arith.constant 0 : index
    tpu.barrier barrier_id(%barrier3A)
    "tpu.region"() ({
      %run_scoped3A_1388 = tpu.sem_alloc : memref<!tpu.dma_semaphore, #tpu.memory_space<semaphore_mem>>
      tpu.enqueue_dma source(%arg11 : memref<256xi32, #tpu.memory_space<vmem_shared>>) target(%arg9 : memref<256xi32, #tpu.memory_space<vmem>>) target_semaphore(%run_scoped3A_1388 : memref<!tpu.dma_semaphore, #tpu.memory_space<semaphore_mem>>)
      tpu.wait_dma2 semaphore(%run_scoped3A_1388 : memref<!tpu.dma_semaphore, #tpu.memory_space<semaphore_mem>>) src(%arg11 : memref<256xi32, #tpu.memory_space<vmem_shared>>) dst(%arg9 : memref<256xi32, #tpu.memory_space<vmem>>)
      tpu.yield
    }) : () -> ()
    %get3A = arith.constant 0 : index
    %get3A_45 = tpu.vector_load %arg9[%get3A] {strides = array<i32>} : memref<256xi32, #tpu.memory_space<vmem>>, vector<16xi32>,
    %get3A_46 = vector.shape_cast %get3A_45 : vector<16xi32> to vector<16xi32>
    %get3A_47 = arith.constant 16 : index
    %get3A_48 = tpu.vector_load %arg9[%get3A_47] {strides = array<i32>} : memref<256xi32, #tpu.memory_space<vmem>>, vector<16xi32>,
    %get3A_49 = vector.shape_cast %get3A_48 : vector<16xi32> to vector<16xi32>
    %add3A_50 = arith.addi %get3A_46, %get3A_49 : vector<16xi32>
    %get3A_51 = arith.constant 32 : index
    %get3A_52 = tpu.vector_load %arg9[%get3A_51] {strides = array<i32>} : memref<256xi32, #tpu.memory_space<vmem>>, vector<16xi32>,
    %get3A_53 = vector.shape_cast %get3A_52 : vector<16xi32> to vector<16xi32>
    %add3A_54 = arith.addi %add3A_50, %get3A_53 : vector<16xi32>
    %get3A_55 = arith.constant 48 : index
    %get3A_56 = tpu.vector_load %arg9[%get3A_55] {strides = array<i32>} : memref<256xi32, #tpu.memory_space<vmem>>, vector<16xi32>,
    %get3A_57 = vector.shape_cast %get3A_56 : vector<16xi32> to vector<16xi32>
    %add3A_58 = arith.addi %add3A_54, %get3A_57 : vector<16xi32>
    %get3A_59 = arith.constant 64 : index
    %get3A_60 = tpu.vector_load %arg9[%get3A_59] {strides = array<i32>} : memref<256xi32, #tpu.memory_space<vmem>>, vector<16xi32>,
    %get3A_61 = vector.shape_cast %get3A_60 : vector<16xi32> to vector<16xi32>
    %add3A_62 = arith.addi %add3A_58, %get3A_61 : vector<16xi32>
    %get3A_63 = arith.constant 80 : index
    %get3A_64 = tpu.vector_load %arg9[%get3A_63] {strides = array<i32>} : memref<256xi32, #tpu.memory_space<vmem>>, vector<16xi32>,
    %get3A_65 = vector.shape_cast %get3A_64 : vector<16xi32> to vector<16xi32>
    %add3A_66 = arith.addi %add3A_62, %get3A_65 : vector<16xi32>
    %get3A_67 = arith.constant 96 : index
    %get3A_68 = tpu.vector_load %arg9[%get3A_67] {strides = array<i32>} : memref<256xi32, #tpu.memory_space<vmem>>, vector<16xi32>,
    %get3A_69 = vector.shape_cast %get3A_68 : vector<16xi32> to vector<16xi32>
    %add3A_70 = arith.addi %add3A_66, %get3A_69 : vector<16xi32>
    %get3A_71 = arith.constant 112 : index
    %get3A_72 = tpu.vector_load %arg9[%get3A_71] {strides = array<i32>} : memref<256xi32, #tpu.memory_space<vmem>>, vector<16xi32>,
    %get3A_73 = vector.shape_cast %get3A_72 : vector<16xi32> to vector<16xi32>
    %add3A_74 = arith.addi %add3A_70, %get3A_73 : vector<16xi32>
    %get3A_75 = arith.constant 128 : index
    %get3A_76 = tpu.vector_load %arg9[%get3A_75] {strides = array<i32>} : memref<256xi32, #tpu.memory_space<vmem>>, vector<16xi32>,
    %get3A_77 = vector.shape_cast %get3A_76 : vector<16xi32> to vector<16xi32>
    %add3A_78 = arith.addi %add3A_74, %get3A_77 : vector<16xi32>
    %get3A_79 = arith.constant 144 : index
    %get3A_80 = tpu.vector_load %arg9[%get3A_79] {strides = array<i32>} : memref<256xi32, #tpu.memory_space<vmem>>, vector<16xi32>,
    %get3A_81 = vector.shape_cast %get3A_80 : vector<16xi32> to vector<16xi32>
    %add3A_82 = arith.addi %add3A_78, %get3A_81 : vector<16xi32>
    %get3A_83 = arith.constant 160 : index
    %get3A_84 = tpu.vector_load %arg9[%get3A_83] {strides = array<i32>} : memref<256xi32, #tpu.memory_space<vmem>>, vector<16xi32>,
    %get3A_85 = vector.shape_cast %get3A_84 : vector<16xi32> to vector<16xi32>
    %add3A_86 = arith.addi %add3A_82, %get3A_85 : vector<16xi32>
    %get3A_87 = arith.constant 176 : index
    %get3A_88 = tpu.vector_load %arg9[%get3A_87] {strides = array<i32>} : memref<256xi32, #tpu.memory_space<vmem>>, vector<16xi32>,
    %get3A_89 = vector.shape_cast %get3A_88 : vector<16xi32> to vector<16xi32>
    %add3A_90 = arith.addi %add3A_86, %get3A_89 : vector<16xi32>
    %get3A_91 = arith.constant 192 : index
    %get3A_92 = tpu.vector_load %arg9[%get3A_91] {strides = array<i32>} : memref<256xi32, #tpu.memory_space<vmem>>, vector<16xi32>,
    %get3A_93 = vector.shape_cast %get3A_92 : vector<16xi32> to vector<16xi32>
    %add3A_94 = arith.addi %add3A_90, %get3A_93 : vector<16xi32>
    %get3A_95 = arith.constant 208 : index
    %get3A_96 = tpu.vector_load %arg9[%get3A_95] {strides = array<i32>} : memref<256xi32, #tpu.memory_space<vmem>>, vector<16xi32>,
    %get3A_97 = vector.shape_cast %get3A_96 : vector<16xi32> to vector<16xi32>
    %add3A_98 = arith.addi %add3A_94, %get3A_97 : vector<16xi32>
    %get3A_99 = arith.constant 224 : index
    %get3A_100 = tpu.vector_load %arg9[%get3A_99] {strides = array<i32>} : memref<256xi32, #tpu.memory_space<vmem>>, vector<16xi32>,
    %get3A_101 = vector.shape_cast %get3A_100 : vector<16xi32> to vector<16xi32>
    %add3A_102 = arith.addi %add3A_98, %get3A_101 : vector<16xi32>
    %get3A_103 = arith.constant 240 : index
    %get3A_104 = tpu.vector_load %arg9[%get3A_103] {strides = array<i32>} : memref<256xi32, #tpu.memory_space<vmem>>, vector<16xi32>,
    %get3A_105 = vector.shape_cast %get3A_104 : vector<16xi32> to vector<16xi32>
    %add3A_106 = arith.addi %add3A_102, %get3A_105 : vector<16xi32>
    %slice3A = vector.extract_strided_slice %add3A_106 {offsets = [0], sizes = [1], strides = [1]} : vector<16xi32> to vector<1xi32>
    %squeeze3A = vector.extract %slice3A[0] : i32 from vector<1xi32>
    %max3A = arith.constant 0 : i32
    %max3A_107 = arith.maxsi %squeeze3A, %max3A : i32
    %min3A = arith.constant 320000 : i32
    %min3A_108 = arith.minsi %max3A_107, %min3A : i32
    %add3A_109 = arith.constant 64 : i32
    %add3A_110 = arith.addi %min3A_108, %add3A_109 : i32
    %sub3A_111 = arith.constant 1 : i32
    %sub3A_112 = arith.subi %add3A_110, %sub3A_111 : i32
    %jit3A = arith.constant 64 : i32
    %div3A = arith.divsi %sub3A_112, %jit3A : i32
    %sign3A = arith.constant 0 : i32
    %sign3A_113 = arith.cmpi sgt, %sub3A_112, %sign3A : i32
    %sign3A_114 = arith.extui %sign3A_113 : i1 to i32
    %sign3A_115 = arith.constant 0 : i32
    %sign3A_116 = arith.cmpi slt, %sub3A_112, %sign3A_115 : i32
    %sign3A_117 = arith.extui %sign3A_116 : i1 to i32
    %sign3A_118 = arith.subi %sign3A_114, %sign3A_117 : i32
    %sign3A_119 = arith.constant 0 : i32
    %sign3A_120 = arith.cmpi sgt, %jit3A, %sign3A_119 : i32
    %sign3A_121 = arith.extui %sign3A_120 : i1 to i32
    %sign3A_122 = arith.constant 0 : i32
    %sign3A_123 = arith.cmpi slt, %jit3A, %sign3A_122 : i32
    %sign3A_124 = arith.extui %sign3A_123 : i1 to i32
    %sign3A_125 = arith.subi %sign3A_121, %sign3A_124 : i32
    %ne3A = arith.cmpi ne, %sign3A_118, %sign3A_125 : i32
    %rem3A = arith.remsi %sub3A_112, %jit3A : i32
    %ne3A_126 = arith.constant 0 : i32
    %ne3A_127 = arith.cmpi ne, %rem3A, %ne3A_126 : i32
    %and3A = arith.andi %ne3A, %ne3A_127 : i1
    %sub3A_128 = arith.constant 1 : i32
    %sub3A_129 = arith.subi %div3A, %sub3A_128 : i32
    %select_n3A = arith.select %and3A, %sub3A_129, %div3A : i32
    %jit3A_130 = arith.constant 64 : i32
    %div3A_131 = arith.divsi %min3A_108, %jit3A_130 : i32
    %sign3A_132 = arith.constant 0 : i32
    %sign3A_133 = arith.cmpi sgt, %min3A_108, %sign3A_132 : i32
    %sign3A_134 = arith.extui %sign3A_133 : i1 to i32
    %sign3A_135 = arith.constant 0 : i32
    %sign3A_136 = arith.cmpi slt, %min3A_108, %sign3A_135 : i32
    %sign3A_137 = arith.extui %sign3A_136 : i1 to i32
    %sign3A_138 = arith.subi %sign3A_134, %sign3A_137 : i32
    %sign3A_139 = arith.constant 0 : i32
    %sign3A_140 = arith.cmpi sgt, %jit3A_130, %sign3A_139 : i32
    %sign3A_141 = arith.extui %sign3A_140 : i1 to i32
    %sign3A_142 = arith.constant 0 : i32
    %sign3A_143 = arith.cmpi slt, %jit3A_130, %sign3A_142 : i32
    %sign3A_144 = arith.extui %sign3A_143 : i1 to i32
    %sign3A_145 = arith.subi %sign3A_141, %sign3A_144 : i32
    %ne3A_146 = arith.cmpi ne, %sign3A_138, %sign3A_145 : i32
    %rem3A_147 = arith.remsi %min3A_108, %jit3A_130 : i32
    %ne3A_148 = arith.constant 0 : i32
    %ne3A_149 = arith.cmpi ne, %rem3A_147, %ne3A_148 : i32
    %and3A_150 = arith.andi %ne3A_146, %ne3A_149 : i1
    %sub3A_151 = arith.constant 1 : i32
    %sub3A_152 = arith.subi %div3A_131, %sub3A_151 : i32
    %select_n3A_153 = arith.select %and3A_150, %sub3A_152, %div3A_131 : i32
    %eq3A = arith.constant 0 : i32
    %eq3A_154 = arith.cmpi eq, %arg0, %eq3A : i32
    %sub3A_155 = arith.constant 5000 : i32
    %sub3A_156 = arith.subi %sub3A_155, %select_n3A_153 : i32
    %select_n3A_157 = arith.select %eq3A_154, %select_n3A, %sub3A_156 : i32
    %eq3A_158 = arith.constant 0 : i32
    %eq3A_159 = arith.cmpi eq, %arg0, %eq3A_158 : i32
    %jit3A_160 = arith.constant 0 : i32
    %select_n3A_161 = arith.select %eq3A_159, %jit3A_160, %select_n3A_153 : i32
    %mul3A_162 = arith.muli %select_n3A_157, %arg1 : i32
    %jit3A_163 = arith.constant 16 : i32
    %div3A_164 = arith.divsi %mul3A_162, %jit3A_163 : i32
    %sign3A_165 = arith.constant 0 : i32
    %sign3A_166 = arith.cmpi sgt, %mul3A_162, %sign3A_165 : i32
    %sign3A_167 = arith.extui %sign3A_166 : i1 to i32
    %sign3A_168 = arith.constant 0 : i32
    %sign3A_169 = arith.cmpi slt, %mul3A_162, %sign3A_168 : i32
    %sign3A_170 = arith.extui %sign3A_169 : i1 to i32
    %sign3A_171 = arith.subi %sign3A_167, %sign3A_170 : i32
    %sign3A_172 = arith.constant 0 : i32
    %sign3A_173 = arith.cmpi sgt, %jit3A_163, %sign3A_172 : i32
    %sign3A_174 = arith.extui %sign3A_173 : i1 to i32
    %sign3A_175 = arith.constant 0 : i32
    %sign3A_176 = arith.cmpi slt, %jit3A_163, %sign3A_175 : i32
    %sign3A_177 = arith.extui %sign3A_176 : i1 to i32
    %sign3A_178 = arith.subi %sign3A_174, %sign3A_177 : i32
    %ne3A_179 = arith.cmpi ne, %sign3A_171, %sign3A_178 : i32
    %rem3A_180 = arith.remsi %mul3A_162, %jit3A_163 : i32
    %ne3A_181 = arith.constant 0 : i32
    %ne3A_182 = arith.cmpi ne, %rem3A_180, %ne3A_181 : i32
    %and3A_183 = arith.andi %ne3A_179, %ne3A_182 : i1
    %sub3A_184 = arith.constant 1 : i32
    %sub3A_185 = arith.subi %div3A_164, %sub3A_184 : i32
    %select_n3A_186 = arith.select %and3A_183, %sub3A_185, %div3A_164 : i32
    %add3A_187 = arith.addi %select_n3A_161, %select_n3A_186 : i32
    %add3A_188 = arith.constant 1 : i32
    %add3A_189 = arith.addi %arg1, %add3A_188 : i32
    %mul3A_190 = arith.muli %select_n3A_157, %add3A_189 : i32
    %jit3A_191 = arith.constant 16 : i32
    %div3A_192 = arith.divsi %mul3A_190, %jit3A_191 : i32
    %sign3A_193 = arith.constant 0 : i32
    %sign3A_194 = arith.cmpi sgt, %mul3A_190, %sign3A_193 : i32
    %sign3A_195 = arith.extui %sign3A_194 : i1 to i32
    %sign3A_196 = arith.constant 0 : i32
    %sign3A_197 = arith.cmpi slt, %mul3A_190, %sign3A_196 : i32
    %sign3A_198 = arith.extui %sign3A_197 : i1 to i32
    %sign3A_199 = arith.subi %sign3A_195, %sign3A_198 : i32
    %sign3A_200 = arith.constant 0 : i32
    %sign3A_201 = arith.cmpi sgt, %jit3A_191, %sign3A_200 : i32
    %sign3A_202 = arith.extui %sign3A_201 : i1 to i32
    %sign3A_203 = arith.constant 0 : i32
    %sign3A_204 = arith.cmpi slt, %jit3A_191, %sign3A_203 : i32
    %sign3A_205 = arith.extui %sign3A_204 : i1 to i32
    %sign3A_206 = arith.subi %sign3A_202, %sign3A_205 : i32
    %ne3A_207 = arith.cmpi ne, %sign3A_199, %sign3A_206 : i32
    %rem3A_208 = arith.remsi %mul3A_190, %jit3A_191 : i32
    %ne3A_209 = arith.constant 0 : i32
    %ne3A_210 = arith.cmpi ne, %rem3A_208, %ne3A_209 : i32
    %and3A_211 = arith.andi %ne3A_207, %ne3A_210 : i1
    %sub3A_212 = arith.constant 1 : i32
    %sub3A_213 = arith.subi %div3A_192, %sub3A_212 : i32
    %select_n3A_214 = arith.select %and3A_211, %sub3A_213, %div3A_192 : i32
    %add3A_215 = arith.addi %select_n3A_161, %select_n3A_214 : i32
    %sub3A_216 = arith.subi %add3A_215, %add3A_187 : i32
    %mul3A_217 = arith.constant 5000 : i32
    %mul3A_218 = arith.muli %arg0, %mul3A_217 : i32
    %sub3A_219 = arith.constant 1 : i32
    %sub3A_220 = arith.subi %sub3A_216, %sub3A_219 : i32
    %min3A_221 = arith.constant 0 : i32
    %min3A_222 = arith.minsi %min3A_221, %sub3A_220 : i32
    %add3A_223 = arith.addi %add3A_187, %min3A_222 : i32
    %max3A_224 = arith.constant 0 : i32
    %max3A_225 = arith.maxsi %add3A_223, %max3A_224 : i32
    %mul3A_226 = arith.constant 64 : i32
    %mul3A_227 = arith.muli %max3A_225, %mul3A_226 : i32
    %dma_start3A = arith.constant 0 : i32
    %dma_start3A_228 = arith.constant 0 : i32
    %dma_start3A_229 = arith.constant 0 : i32
    %dma_start3A_230 = tpu.memref_slice %arg5[%dma_start3A, %dma_start3A_229] : memref<5x64xi32, #tpu.memory_space<vmem>> -> memref<1x64xi32, #tpu.memory_space<vmem>>
    %dma_start3A_231 = tpu.memref_squeeze %dma_start3A_230 : memref<1x64xi32, #tpu.memory_space<vmem>> -> memref<64xi32, #tpu.memory_space<vmem>>
    %dma_start3A_232 = tpu.memref_slice %arg3[%mul3A_227] : memref<320000xi32, #tpu.memory_space<hbm>> -> memref<64xi32, #tpu.memory_space<hbm>>
    %dma_start3A_233 = tpu.memref_slice %arg12[%dma_start3A_228] : memref<5x!tpu.dma_semaphore, #tpu.memory_space<semaphore_mem>> -> memref<1x!tpu.dma_semaphore, #tpu.memory_space<semaphore_mem>>
    %dma_start3A_234 = tpu.memref_squeeze %dma_start3A_233 : memref<1x!tpu.dma_semaphore, #tpu.memory_space<semaphore_mem>> -> memref<!tpu.dma_semaphore, #tpu.memory_space<semaphore_mem>>
    %dma_start3A_235 = arith.constant 0 : i32
    %dma_start3A_236 = tpu.memref_slice %arg5[%dma_start3A, %dma_start3A_235] : memref<5x64xi32, #tpu.memory_space<vmem>> -> memref<1x64xi32, #tpu.memory_space<vmem>>
    %dma_start3A_237 = tpu.memref_squeeze %dma_start3A_236 : memref<1x64xi32, #tpu.memory_space<vmem>> -> memref<64xi32, #tpu.memory_space<vmem>>
    %dma_start3A_238 = tpu.memref_slice %arg3[%mul3A_227] : memref<320000xi32, #tpu.memory_space<hbm>> -> memref<64xi32, #tpu.memory_space<hbm>>
    tpu.enqueue_dma source(%dma_start3A_238 : memref<64xi32, #tpu.memory_space<hbm>>) target(%dma_start3A_237 : memref<64xi32, #tpu.memory_space<vmem>>) target_semaphore(%dma_start3A_234 : memref<!tpu.dma_semaphore, #tpu.memory_space<semaphore_mem>>)
    %mul3A_239 = arith.constant 64 : i32
    %mul3A_240 = arith.muli %max3A_225, %mul3A_239 : i32
    %dma_start3A_241 = arith.constant 0 : i32
    %dma_start3A_242 = arith.constant 0 : i32
    %dma_start3A_243 = arith.constant 0 : i32
    %dma_start3A_244 = arith.constant 0 : i32
    %dma_start3A_245 = tpu.memref_slice %arg6[%dma_start3A_241, %dma_start3A_243, %dma_start3A_244] : memref<5x64x128xf32, #tpu.memory_space<vmem>> -> memref<1x64x128xf32, #tpu.memory_space<vmem>>
    %dma_start3A_246 = tpu.memref_squeeze %dma_start3A_245 : memref<1x64x128xf32, #tpu.memory_space<vmem>> -> memref<64x128xf32, #tpu.memory_space<vmem>>
    %dma_start3A_247 = arith.constant 0 : i32
    %dma_start3A_248 = tpu.memref_slice %arg2[%mul3A_240, %dma_start3A_247] : memref<320000x128xf32, #tpu.memory_space<hbm>> -> memref<64x128xf32, #tpu.memory_space<hbm>>
    %dma_start3A_249 = tpu.memref_slice %arg12[%dma_start3A_242] : memref<5x!tpu.dma_semaphore, #tpu.memory_space<semaphore_mem>> -> memref<1x!tpu.dma_semaphore, #tpu.memory_space<semaphore_mem>>
    %dma_start3A_250 = tpu.memref_squeeze %dma_start3A_249 : memref<1x!tpu.dma_semaphore, #tpu.memory_space<semaphore_mem>> -> memref<!tpu.dma_semaphore, #tpu.memory_space<semaphore_mem>>
    %dma_start3A_251 = arith.constant 0 : i32
    %dma_start3A_252 = arith.constant 0 : i32
    %dma_start3A_253 = tpu.memref_slice %arg6[%dma_start3A_241, %dma_start3A_251, %dma_start3A_252] : memref<5x64x128xf32, #tpu.memory_space<vmem>> -> memref<1x64x128xf32, #tpu.memory_space<vmem>>
    %dma_start3A_254 = tpu.memref_squeeze %dma_start3A_253 : memref<1x64x128xf32, #tpu.memory_space<vmem>> -> memref<64x128xf32, #tpu.memory_space<vmem>>
    %dma_start3A_255 = arith.constant 0 : i32
    %dma_start3A_256 = tpu.memref_slice %arg2[%mul3A_240, %dma_start3A_255] : memref<320000x128xf32, #tpu.memory_space<hbm>> -> memref<64x128xf32, #tpu.memory_space<hbm>>
    tpu.enqueue_dma source(%dma_start3A_256 : memref<64x128xf32, #tpu.memory_space<hbm>>) target(%dma_start3A_254 : memref<64x128xf32, #tpu.memory_space<vmem>>) target_semaphore(%dma_start3A_250 : memref<!tpu.dma_semaphore, #tpu.memory_space<semaphore_mem>>)
    %sub3A_257 = arith.constant 1 : i32
    %sub3A_258 = arith.subi %sub3A_216, %sub3A_257 : i32
    %min3A_259 = arith.constant 1 : i32
    %min3A_260 = arith.minsi %min3A_259, %sub3A_258 : i32
    %add3A_261 = arith.addi %add3A_187, %min3A_260 : i32
    %max3A_262 = arith.constant 0 : i32
    %max3A_263 = arith.maxsi %add3A_261, %max3A_262 : i32
    %mul3A_264 = arith.constant 64 : i32
    %mul3A_265 = arith.muli %max3A_263, %mul3A_264 : i32
    %dma_start3A_266 = arith.constant 1 : i32
    %dma_start3A_267 = arith.constant 1 : i32
    %dma_start3A_268 = arith.constant 0 : i32
    %dma_start3A_269 = tpu.memref_slice %arg5[%dma_start3A_266, %dma_start3A_268] : memref<5x64xi32, #tpu.memory_space<vmem>> -> memref<1x64xi32, #tpu.memory_space<vmem>>
    %dma_start3A_270 = tpu.memref_squeeze %dma_start3A_269 : memref<1x64xi32, #tpu.memory_space<vmem>> -> memref<64xi32, #tpu.memory_space<vmem>>
    %dma_start3A_271 = tpu.memref_slice %arg3[%mul3A_265] : memref<320000xi32, #tpu.memory_space<hbm>> -> memref<64xi32, #tpu.memory_space<hbm>>
    %dma_start3A_272 = tpu.memref_slice %arg12[%dma_start3A_267] : memref<5x!tpu.dma_semaphore, #tpu.memory_space<semaphore_mem>> -> memref<1x!tpu.dma_semaphore, #tpu.memory_space<semaphore_mem>>
    %dma_start3A_273 = tpu.memref_squeeze %dma_start3A_272 : memref<1x!tpu.dma_semaphore, #tpu.memory_space<semaphore_mem>> -> memref<!tpu.dma_semaphore, #tpu.memory_space<semaphore_mem>>
    %dma_start3A_274 = arith.constant 0 : i32
    %dma_start3A_275 = tpu.memref_slice %arg5[%dma_start3A_266, %dma_start3A_274] : memref<5x64xi32, #tpu.memory_space<vmem>> -> memref<1x64xi32, #tpu.memory_space<vmem>>
    %dma_start3A_276 = tpu.memref_squeeze %dma_start3A_275 : memref<1x64xi32, #tpu.memory_space<vmem>> -> memref<64xi32, #tpu.memory_space<vmem>>
    %dma_start3A_277 = tpu.memref_slice %arg3[%mul3A_265] : memref<320000xi32, #tpu.memory_space<hbm>> -> memref<64xi32, #tpu.memory_space<hbm>>
    tpu.enqueue_dma source(%dma_start3A_277 : memref<64xi32, #tpu.memory_space<hbm>>) target(%dma_start3A_276 : memref<64xi32, #tpu.memory_space<vmem>>) target_semaphore(%dma_start3A_273 : memref<!tpu.dma_semaphore, #tpu.memory_space<semaphore_mem>>)
    %mul3A_278 = arith.constant 64 : i32
    %mul3A_279 = arith.muli %max3A_263, %mul3A_278 : i32
    %dma_start3A_280 = arith.constant 1 : i32
    %dma_start3A_281 = arith.constant 1 : i32
    %dma_start3A_282 = arith.constant 0 : i32
    %dma_start3A_283 = arith.constant 0 : i32
    %dma_start3A_284 = tpu.memref_slice %arg6[%dma_start3A_280, %dma_start3A_282, %dma_start3A_283] : memref<5x64x128xf32, #tpu.memory_space<vmem>> -> memref<1x64x128xf32, #tpu.memory_space<vmem>>
    %dma_start3A_285 = tpu.memref_squeeze %dma_start3A_284 : memref<1x64x128xf32, #tpu.memory_space<vmem>> -> memref<64x128xf32, #tpu.memory_space<vmem>>
    %dma_start3A_286 = arith.constant 0 : i32
    %dma_start3A_287 = tpu.memref_slice %arg2[%mul3A_279, %dma_start3A_286] : memref<320000x128xf32, #tpu.memory_space<hbm>> -> memref<64x128xf32, #tpu.memory_space<hbm>>
    %dma_start3A_288 = tpu.memref_slice %arg12[%dma_start3A_281] : memref<5x!tpu.dma_semaphore, #tpu.memory_space<semaphore_mem>> -> memref<1x!tpu.dma_semaphore, #tpu.memory_space<semaphore_mem>>
    %dma_start3A_289 = tpu.memref_squeeze %dma_start3A_288 : memref<1x!tpu.dma_semaphore, #tpu.memory_space<semaphore_mem>> -> memref<!tpu.dma_semaphore, #tpu.memory_space<semaphore_mem>>
    %dma_start3A_290 = arith.constant 0 : i32
    %dma_start3A_291 = arith.constant 0 : i32
    %dma_start3A_292 = tpu.memref_slice %arg6[%dma_start3A_280, %dma_start3A_290, %dma_start3A_291] : memref<5x64x128xf32, #tpu.memory_space<vmem>> -> memref<1x64x128xf32, #tpu.memory_space<vmem>>
    %dma_start3A_293 = tpu.memref_squeeze %dma_start3A_292 : memref<1x64x128xf32, #tpu.memory_space<vmem>> -> memref<64x128xf32, #tpu.memory_space<vmem>>
    %dma_start3A_294 = arith.constant 0 : i32
    %dma_start3A_295 = tpu.memref_slice %arg2[%mul3A_279, %dma_start3A_294] : memref<320000x128xf32, #tpu.memory_space<hbm>> -> memref<64x128xf32, #tpu.memory_space<hbm>>
    tpu.enqueue_dma source(%dma_start3A_295 : memref<64x128xf32, #tpu.memory_space<hbm>>) target(%dma_start3A_293 : memref<64x128xf32, #tpu.memory_space<vmem>>) target_semaphore(%dma_start3A_289 : memref<!tpu.dma_semaphore, #tpu.memory_space<semaphore_mem>>)
    %sub3A_296 = arith.constant 1 : i32
    %sub3A_297 = arith.subi %sub3A_216, %sub3A_296 : i32
    %min3A_298 = arith.constant 2 : i32
    %min3A_299 = arith.minsi %min3A_298, %sub3A_297 : i32
    %add3A_300 = arith.addi %add3A_187, %min3A_299 : i32
    %max3A_301 = arith.constant 0 : i32
    %max3A_302 = arith.maxsi %add3A_300, %max3A_301 : i32
    %mul3A_303 = arith.constant 64 : i32
    %mul3A_304 = arith.muli %max3A_302, %mul3A_303 : i32
    %dma_start3A_305 = arith.constant 2 : i32
    %dma_start3A_306 = arith.constant 2 : i32
    %dma_start3A_307 = arith.constant 0 : i32
    %dma_start3A_308 = tpu.memref_slice %arg5[%dma_start3A_305, %dma_start3A_307] : memref<5x64xi32, #tpu.memory_space<vmem>> -> memref<1x64xi32, #tpu.memory_space<vmem>>
    %dma_start3A_309 = tpu.memref_squeeze %dma_start3A_308 : memref<1x64xi32, #tpu.memory_space<vmem>> -> memref<64xi32, #tpu.memory_space<vmem>>
    %dma_start3A_310 = tpu.memref_slice %arg3[%mul3A_304] : memref<320000xi32, #tpu.memory_space<hbm>> -> memref<64xi32, #tpu.memory_space<hbm>>
    %dma_start3A_311 = tpu.memref_slice %arg12[%dma_start3A_306] : memref<5x!tpu.dma_semaphore, #tpu.memory_space<semaphore_mem>> -> memref<1x!tpu.dma_semaphore, #tpu.memory_space<semaphore_mem>>
    %dma_start3A_312 = tpu.memref_squeeze %dma_start3A_311 : memref<1x!tpu.dma_semaphore, #tpu.memory_space<semaphore_mem>> -> memref<!tpu.dma_semaphore, #tpu.memory_space<semaphore_mem>>
    %dma_start3A_313 = arith.constant 0 : i32
    %dma_start3A_314 = tpu.memref_slice %arg5[%dma_start3A_305, %dma_start3A_313] : memref<5x64xi32, #tpu.memory_space<vmem>> -> memref<1x64xi32, #tpu.memory_space<vmem>>
    %dma_start3A_315 = tpu.memref_squeeze %dma_start3A_314 : memref<1x64xi32, #tpu.memory_space<vmem>> -> memref<64xi32, #tpu.memory_space<vmem>>
    %dma_start3A_316 = tpu.memref_slice %arg3[%mul3A_304] : memref<320000xi32, #tpu.memory_space<hbm>> -> memref<64xi32, #tpu.memory_space<hbm>>
    tpu.enqueue_dma source(%dma_start3A_316 : memref<64xi32, #tpu.memory_space<hbm>>) target(%dma_start3A_315 : memref<64xi32, #tpu.memory_space<vmem>>) target_semaphore(%dma_start3A_312 : memref<!tpu.dma_semaphore, #tpu.memory_space<semaphore_mem>>)
    %mul3A_317 = arith.constant 64 : i32
    %mul3A_318 = arith.muli %max3A_302, %mul3A_317 : i32
    %dma_start3A_319 = arith.constant 2 : i32
    %dma_start3A_320 = arith.constant 2 : i32
    %dma_start3A_321 = arith.constant 0 : i32
    %dma_start3A_322 = arith.constant 0 : i32
    %dma_start3A_323 = tpu.memref_slice %arg6[%dma_start3A_319, %dma_start3A_321, %dma_start3A_322] : memref<5x64x128xf32, #tpu.memory_space<vmem>> -> memref<1x64x128xf32, #tpu.memory_space<vmem>>
    %dma_start3A_324 = tpu.memref_squeeze %dma_start3A_323 : memref<1x64x128xf32, #tpu.memory_space<vmem>> -> memref<64x128xf32, #tpu.memory_space<vmem>>
    %dma_start3A_325 = arith.constant 0 : i32
    %dma_start3A_326 = tpu.memref_slice %arg2[%mul3A_318, %dma_start3A_325] : memref<320000x128xf32, #tpu.memory_space<hbm>> -> memref<64x128xf32, #tpu.memory_space<hbm>>
    %dma_start3A_327 = tpu.memref_slice %arg12[%dma_start3A_320] : memref<5x!tpu.dma_semaphore, #tpu.memory_space<semaphore_mem>> -> memref<1x!tpu.dma_semaphore, #tpu.memory_space<semaphore_mem>>
    %dma_start3A_328 = tpu.memref_squeeze %dma_start3A_327 : memref<1x!tpu.dma_semaphore, #tpu.memory_space<semaphore_mem>> -> memref<!tpu.dma_semaphore, #tpu.memory_space<semaphore_mem>>
    %dma_start3A_329 = arith.constant 0 : i32
    %dma_start3A_330 = arith.constant 0 : i32
    %dma_start3A_331 = tpu.memref_slice %arg6[%dma_start3A_319, %dma_start3A_329, %dma_start3A_330] : memref<5x64x128xf32, #tpu.memory_space<vmem>> -> memref<1x64x128xf32, #tpu.memory_space<vmem>>
    %dma_start3A_332 = tpu.memref_squeeze %dma_start3A_331 : memref<1x64x128xf32, #tpu.memory_space<vmem>> -> memref<64x128xf32, #tpu.memory_space<vmem>>
    %dma_start3A_333 = arith.constant 0 : i32
    %dma_start3A_334 = tpu.memref_slice %arg2[%mul3A_318, %dma_start3A_333] : memref<320000x128xf32, #tpu.memory_space<hbm>> -> memref<64x128xf32, #tpu.memory_space<hbm>>
    tpu.enqueue_dma source(%dma_start3A_334 : memref<64x128xf32, #tpu.memory_space<hbm>>) target(%dma_start3A_332 : memref<64x128xf32, #tpu.memory_space<vmem>>) target_semaphore(%dma_start3A_328 : memref<!tpu.dma_semaphore, #tpu.memory_space<semaphore_mem>>)
    %sub3A_335 = arith.constant 1 : i32
    %sub3A_336 = arith.subi %sub3A_216, %sub3A_335 : i32
    %min3A_337 = arith.constant 3 : i32
    %min3A_338 = arith.minsi %min3A_337, %sub3A_336 : i32
    %add3A_339 = arith.addi %add3A_187, %min3A_338 : i32
    %max3A_340 = arith.constant 0 : i32
    %max3A_341 = arith.maxsi %add3A_339, %max3A_340 : i32
    %mul3A_342 = arith.constant 64 : i32
    %mul3A_343 = arith.muli %max3A_341, %mul3A_342 : i32
    %dma_start3A_344 = arith.constant 3 : i32
    %dma_start3A_345 = arith.constant 3 : i32
    %dma_start3A_346 = arith.constant 0 : i32
    %dma_start3A_347 = tpu.memref_slice %arg5[%dma_start3A_344, %dma_start3A_346] : memref<5x64xi32, #tpu.memory_space<vmem>> -> memref<1x64xi32, #tpu.memory_space<vmem>>
    %dma_start3A_348 = tpu.memref_squeeze %dma_start3A_347 : memref<1x64xi32, #tpu.memory_space<vmem>> -> memref<64xi32, #tpu.memory_space<vmem>>
    %dma_start3A_349 = tpu.memref_slice %arg3[%mul3A_343] : memref<320000xi32, #tpu.memory_space<hbm>> -> memref<64xi32, #tpu.memory_space<hbm>>
    %dma_start3A_350 = tpu.memref_slice %arg12[%dma_start3A_345] : memref<5x!tpu.dma_semaphore, #tpu.memory_space<semaphore_mem>> -> memref<1x!tpu.dma_semaphore, #tpu.memory_space<semaphore_mem>>
    %dma_start3A_351 = tpu.memref_squeeze %dma_start3A_350 : memref<1x!tpu.dma_semaphore, #tpu.memory_space<semaphore_mem>> -> memref<!tpu.dma_semaphore, #tpu.memory_space<semaphore_mem>>
    %dma_start3A_352 = arith.constant 0 : i32
    %dma_start3A_353 = tpu.memref_slice %arg5[%dma_start3A_344, %dma_start3A_352] : memref<5x64xi32, #tpu.memory_space<vmem>> -> memref<1x64xi32, #tpu.memory_space<vmem>>
    %dma_start3A_354 = tpu.memref_squeeze %dma_start3A_353 : memref<1x64xi32, #tpu.memory_space<vmem>> -> memref<64xi32, #tpu.memory_space<vmem>>
    %dma_start3A_355 = tpu.memref_slice %arg3[%mul3A_343] : memref<320000xi32, #tpu.memory_space<hbm>> -> memref<64xi32, #tpu.memory_space<hbm>>
    tpu.enqueue_dma source(%dma_start3A_355 : memref<64xi32, #tpu.memory_space<hbm>>) target(%dma_start3A_354 : memref<64xi32, #tpu.memory_space<vmem>>) target_semaphore(%dma_start3A_351 : memref<!tpu.dma_semaphore, #tpu.memory_space<semaphore_mem>>)
    %mul3A_356 = arith.constant 64 : i32
    %mul3A_357 = arith.muli %max3A_341, %mul3A_356 : i32
    %dma_start3A_358 = arith.constant 3 : i32
    %dma_start3A_359 = arith.constant 3 : i32
    %dma_start3A_360 = arith.constant 0 : i32
    %dma_start3A_361 = arith.constant 0 : i32
    %dma_start3A_362 = tpu.memref_slice %arg6[%dma_start3A_358, %dma_start3A_360, %dma_start3A_361] : memref<5x64x128xf32, #tpu.memory_space<vmem>> -> memref<1x64x128xf32, #tpu.memory_space<vmem>>
    %dma_start3A_363 = tpu.memref_squeeze %dma_start3A_362 : memref<1x64x128xf32, #tpu.memory_space<vmem>> -> memref<64x128xf32, #tpu.memory_space<vmem>>
    %dma_start3A_364 = arith.constant 0 : i32
    %dma_start3A_365 = tpu.memref_slice %arg2[%mul3A_357, %dma_start3A_364] : memref<320000x128xf32, #tpu.memory_space<hbm>> -> memref<64x128xf32, #tpu.memory_space<hbm>>
    %dma_start3A_366 = tpu.memref_slice %arg12[%dma_start3A_359] : memref<5x!tpu.dma_semaphore, #tpu.memory_space<semaphore_mem>> -> memref<1x!tpu.dma_semaphore, #tpu.memory_space<semaphore_mem>>
    %dma_start3A_367 = tpu.memref_squeeze %dma_start3A_366 : memref<1x!tpu.dma_semaphore, #tpu.memory_space<semaphore_mem>> -> memref<!tpu.dma_semaphore, #tpu.memory_space<semaphore_mem>>
    %dma_start3A_368 = arith.constant 0 : i32
    %dma_start3A_369 = arith.constant 0 : i32
    %dma_start3A_370 = tpu.memref_slice %arg6[%dma_start3A_358, %dma_start3A_368, %dma_start3A_369] : memref<5x64x128xf32, #tpu.memory_space<vmem>> -> memref<1x64x128xf32, #tpu.memory_space<vmem>>
    %dma_start3A_371 = tpu.memref_squeeze %dma_start3A_370 : memref<1x64x128xf32, #tpu.memory_space<vmem>> -> memref<64x128xf32, #tpu.memory_space<vmem>>
    %dma_start3A_372 = arith.constant 0 : i32
    %dma_start3A_373 = tpu.memref_slice %arg2[%mul3A_357, %dma_start3A_372] : memref<320000x128xf32, #tpu.memory_space<hbm>> -> memref<64x128xf32, #tpu.memory_space<hbm>>
    tpu.enqueue_dma source(%dma_start3A_373 : memref<64x128xf32, #tpu.memory_space<hbm>>) target(%dma_start3A_371 : memref<64x128xf32, #tpu.memory_space<vmem>>) target_semaphore(%dma_start3A_367 : memref<!tpu.dma_semaphore, #tpu.memory_space<semaphore_mem>>)
    %sub3A_374 = arith.constant 1 : i32
    %sub3A_375 = arith.subi %sub3A_216, %sub3A_374 : i32
    %min3A_376 = arith.constant 4 : i32
    %min3A_377 = arith.minsi %min3A_376, %sub3A_375 : i32
    %add3A_378 = arith.addi %add3A_187, %min3A_377 : i32
    %max3A_379 = arith.constant 0 : i32
    %max3A_380 = arith.maxsi %add3A_378, %max3A_379 : i32
    %mul3A_381 = arith.constant 64 : i32
    %mul3A_382 = arith.muli %max3A_380, %mul3A_381 : i32
    %dma_start3A_383 = arith.constant 4 : i32
    %dma_start3A_384 = arith.constant 4 : i32
    %dma_start3A_385 = arith.constant 0 : i32
    %dma_start3A_386 = tpu.memref_slice %arg5[%dma_start3A_383, %dma_start3A_385] : memref<5x64xi32, #tpu.memory_space<vmem>> -> memref<1x64xi32, #tpu.memory_space<vmem>>
    %dma_start3A_387 = tpu.memref_squeeze %dma_start3A_386 : memref<1x64xi32, #tpu.memory_space<vmem>> -> memref<64xi32, #tpu.memory_space<vmem>>
    %dma_start3A_388 = tpu.memref_slice %arg3[%mul3A_382] : memref<320000xi32, #tpu.memory_space<hbm>> -> memref<64xi32, #tpu.memory_space<hbm>>
    %dma_start3A_389 = tpu.memref_slice %arg12[%dma_start3A_384] : memref<5x!tpu.dma_semaphore, #tpu.memory_space<semaphore_mem>> -> memref<1x!tpu.dma_semaphore, #tpu.memory_space<semaphore_mem>>
    %dma_start3A_390 = tpu.memref_squeeze %dma_start3A_389 : memref<1x!tpu.dma_semaphore, #tpu.memory_space<semaphore_mem>> -> memref<!tpu.dma_semaphore, #tpu.memory_space<semaphore_mem>>
    %dma_start3A_391 = arith.constant 0 : i32
    %dma_start3A_392 = tpu.memref_slice %arg5[%dma_start3A_383, %dma_start3A_391] : memref<5x64xi32, #tpu.memory_space<vmem>> -> memref<1x64xi32, #tpu.memory_space<vmem>>
    %dma_start3A_393 = tpu.memref_squeeze %dma_start3A_392 : memref<1x64xi32, #tpu.memory_space<vmem>> -> memref<64xi32, #tpu.memory_space<vmem>>
    %dma_start3A_394 = tpu.memref_slice %arg3[%mul3A_382] : memref<320000xi32, #tpu.memory_space<hbm>> -> memref<64xi32, #tpu.memory_space<hbm>>
    tpu.enqueue_dma source(%dma_start3A_394 : memref<64xi32, #tpu.memory_space<hbm>>) target(%dma_start3A_393 : memref<64xi32, #tpu.memory_space<vmem>>) target_semaphore(%dma_start3A_390 : memref<!tpu.dma_semaphore, #tpu.memory_space<semaphore_mem>>)
    %mul3A_395 = arith.constant 64 : i32
    %mul3A_396 = arith.muli %max3A_380, %mul3A_395 : i32
    %dma_start3A_397 = arith.constant 4 : i32
    %dma_start3A_398 = arith.constant 4 : i32
    %dma_start3A_399 = arith.constant 0 : i32
    %dma_start3A_400 = arith.constant 0 : i32
    %dma_start3A_401 = tpu.memref_slice %arg6[%dma_start3A_397, %dma_start3A_399, %dma_start3A_400] : memref<5x64x128xf32, #tpu.memory_space<vmem>> -> memref<1x64x128xf32, #tpu.memory_space<vmem>>
    %dma_start3A_402 = tpu.memref_squeeze %dma_start3A_401 : memref<1x64x128xf32, #tpu.memory_space<vmem>> -> memref<64x128xf32, #tpu.memory_space<vmem>>
    %dma_start3A_403 = arith.constant 0 : i32
    %dma_start3A_404 = tpu.memref_slice %arg2[%mul3A_396, %dma_start3A_403] : memref<320000x128xf32, #tpu.memory_space<hbm>> -> memref<64x128xf32, #tpu.memory_space<hbm>>
    %dma_start3A_405 = tpu.memref_slice %arg12[%dma_start3A_398] : memref<5x!tpu.dma_semaphore, #tpu.memory_space<semaphore_mem>> -> memref<1x!tpu.dma_semaphore, #tpu.memory_space<semaphore_mem>>
    %dma_start3A_406 = tpu.memref_squeeze %dma_start3A_405 : memref<1x!tpu.dma_semaphore, #tpu.memory_space<semaphore_mem>> -> memref<!tpu.dma_semaphore, #tpu.memory_space<semaphore_mem>>
    %dma_start3A_407 = arith.constant 0 : i32
    %dma_start3A_408 = arith.constant 0 : i32
    %dma_start3A_409 = tpu.memref_slice %arg6[%dma_start3A_397, %dma_start3A_407, %dma_start3A_408] : memref<5x64x128xf32, #tpu.memory_space<vmem>> -> memref<1x64x128xf32, #tpu.memory_space<vmem>>
    %dma_start3A_410 = tpu.memref_squeeze %dma_start3A_409 : memref<1x64x128xf32, #tpu.memory_space<vmem>> -> memref<64x128xf32, #tpu.memory_space<vmem>>
    %dma_start3A_411 = arith.constant 0 : i32
    %dma_start3A_412 = tpu.memref_slice %arg2[%mul3A_396, %dma_start3A_411] : memref<320000x128xf32, #tpu.memory_space<hbm>> -> memref<64x128xf32, #tpu.memory_space<hbm>>
    tpu.enqueue_dma source(%dma_start3A_412 : memref<64x128xf32, #tpu.memory_space<hbm>>) target(%dma_start3A_410 : memref<64x128xf32, #tpu.memory_space<vmem>>) target_semaphore(%dma_start3A_406 : memref<!tpu.dma_semaphore, #tpu.memory_space<semaphore_mem>>)
    %dma_wait3A = arith.constant 0 : i32
    %dma_wait3A_413 = arith.constant 0 : i32
    %dma_wait3A_414 = arith.constant 0 : i32
    %dma_wait3A_415 = tpu.memref_slice %arg5[%dma_wait3A, %dma_wait3A_414] : memref<5x64xi32, #tpu.memory_space<vmem>> -> memref<1x64xi32, #tpu.memory_space<vmem>>
    %dma_wait3A_416 = tpu.memref_squeeze %dma_wait3A_415 : memref<1x64xi32, #tpu.memory_space<vmem>> -> memref<64xi32, #tpu.memory_space<vmem>>
    %dma_wait3A_417 = arith.constant 0 : i32
    %dma_wait3A_418 = tpu.memref_slice %arg3[%dma_wait3A_417] : memref<320000xi32, #tpu.memory_space<hbm>> -> memref<64xi32, #tpu.memory_space<hbm>>
    %dma_wait3A_419 = tpu.memref_slice %arg12[%dma_wait3A_413] : memref<5x!tpu.dma_semaphore, #tpu.memory_space<semaphore_mem>> -> memref<1x!tpu.dma_semaphore, #tpu.memory_space<semaphore_mem>>
    %dma_wait3A_420 = tpu.memref_squeeze %dma_wait3A_419 : memref<1x!tpu.dma_semaphore, #tpu.memory_space<semaphore_mem>> -> memref<!tpu.dma_semaphore, #tpu.memory_space<semaphore_mem>>
    %dma_wait3A_421 = arith.constant 0 : i32
    %dma_wait3A_422 = tpu.memref_slice %arg5[%dma_wait3A, %dma_wait3A_421] : memref<5x64xi32, #tpu.memory_space<vmem>> -> memref<1x64xi32, #tpu.memory_space<vmem>>
    %dma_wait3A_423 = tpu.memref_squeeze %dma_wait3A_422 : memref<1x64xi32, #tpu.memory_space<vmem>> -> memref<64xi32, #tpu.memory_space<vmem>>
    %dma_wait3A_424 = arith.constant 0 : i32
    %dma_wait3A_425 = tpu.memref_slice %arg3[%dma_wait3A_424] : memref<320000xi32, #tpu.memory_space<hbm>> -> memref<64xi32, #tpu.memory_space<hbm>>
    tpu.wait_dma2 semaphore(%dma_wait3A_420 : memref<!tpu.dma_semaphore, #tpu.memory_space<semaphore_mem>>) src(%dma_wait3A_425 : memref<64xi32, #tpu.memory_space<hbm>>) dst(%dma_wait3A_423 : memref<64xi32, #tpu.memory_space<vmem>>)
    %dma_wait3A_426 = arith.constant 0 : i32
    %dma_wait3A_427 = arith.constant 0 : i32
    %dma_wait3A_428 = arith.constant 0 : i32
    %dma_wait3A_429 = arith.constant 0 : i32
    %dma_wait3A_430 = tpu.memref_slice %arg6[%dma_wait3A_426, %dma_wait3A_428, %dma_wait3A_429] : memref<5x64x128xf32, #tpu.memory_space<vmem>> -> memref<1x64x128xf32, #tpu.memory_space<vmem>>
    %dma_wait3A_431 = tpu.memref_squeeze %dma_wait3A_430 : memref<1x64x128xf32, #tpu.memory_space<vmem>> -> memref<64x128xf32, #tpu.memory_space<vmem>>
    %dma_wait3A_432 = arith.constant 0 : i32
    %dma_wait3A_433 = arith.constant 0 : i32
    %dma_wait3A_434 = tpu.memref_slice %arg2[%dma_wait3A_432, %dma_wait3A_433] : memref<320000x128xf32, #tpu.memory_space<hbm>> -> memref<64x128xf32, #tpu.memory_space<hbm>>
    %dma_wait3A_435 = tpu.memref_slice %arg12[%dma_wait3A_427] : memref<5x!tpu.dma_semaphore, #tpu.memory_space<semaphore_mem>> -> memref<1x!tpu.dma_semaphore, #tpu.memory_space<semaphore_mem>>
    %dma_wait3A_436 = tpu.memref_squeeze %dma_wait3A_435 : memref<1x!tpu.dma_semaphore, #tpu.memory_space<semaphore_mem>> -> memref<!tpu.dma_semaphore, #tpu.memory_space<semaphore_mem>>
    %dma_wait3A_437 = arith.constant 0 : i32
    %dma_wait3A_438 = arith.constant 0 : i32
    %dma_wait3A_439 = tpu.memref_slice %arg6[%dma_wait3A_426, %dma_wait3A_437, %dma_wait3A_438] : memref<5x64x128xf32, #tpu.memory_space<vmem>> -> memref<1x64x128xf32, #tpu.memory_space<vmem>>
    %dma_wait3A_440 = tpu.memref_squeeze %dma_wait3A_439 : memref<1x64x128xf32, #tpu.memory_space<vmem>> -> memref<64x128xf32, #tpu.memory_space<vmem>>
    %dma_wait3A_441 = arith.constant 0 : i32
    %dma_wait3A_442 = arith.constant 0 : i32
    %dma_wait3A_443 = tpu.memref_slice %arg2[%dma_wait3A_441, %dma_wait3A_442] : memref<320000x128xf32, #tpu.memory_space<hbm>> -> memref<64x128xf32, #tpu.memory_space<hbm>>
    tpu.wait_dma2 semaphore(%dma_wait3A_436 : memref<!tpu.dma_semaphore, #tpu.memory_space<semaphore_mem>>) src(%dma_wait3A_443 : memref<64x128xf32, #tpu.memory_space<hbm>>) dst(%dma_wait3A_440 : memref<64x128xf32, #tpu.memory_space<vmem>>)
    %gt3A = arith.constant 0 : i32
    %gt3A_444 = arith.cmpi sgt, %sub3A_216, %gt3A : i32
    %jit3A_445 = arith.constant 0 : i32
    %jit3A_446 = arith.constant 10000 : i32
    %select_n3A_447 = arith.select %gt3A_444, %jit3A_445, %jit3A_446 : i32
    %sub3A_448 = arith.subi %mul3A_218, %select_n3A_447 : i32
    %broadcast_in_dim3A_449 = vector.broadcast %sub3A_448 : i32 to vector<16xi32>
    %get3A_450 = arith.constant 0 : i32
    %get3A_451 = arith.index_cast %get3A_450 : i32 to index
    %get3A_452 = arith.constant 0 : index
    %get3A_453 = tpu.vector_load %arg5[%get3A_451, %get3A_452] {strides = array<i32>} : memref<5x64xi32, #tpu.memory_space<vmem>>, vector<1x16xi32>,
    %get3A_454 = vector.shape_cast %get3A_453 : vector<1x16xi32> to vector<16xi32>
    %sub3A_455 = arith.subi %get3A_454, %broadcast_in_dim3A_449 : vector<16xi32>
    %min3A_456 = arith.constant 5000 : i32
    %min3A_457 = vector.broadcast %min3A_456 : i32 to vector<16xi32>
    %min3A_458 = arith.minui %sub3A_455, %min3A_457 : vector<16xi32>
    %swap3A_459 = arith.constant 0 : i32
    %swap3A_460 = arith.index_cast %swap3A_459 : i32 to index
    %swap3A_461 = arith.constant 0 : index
    %swap3A_462 = tpu.vector_load %arg5[%swap3A_460, %swap3A_461] {strides = array<i32>} : memref<5x64xi32, #tpu.memory_space<vmem>>, vector<1x16xi32>,
    %swap3A_463 = vector.shape_cast %swap3A_462 : vector<1x16xi32> to vector<16xi32>
    %swap3A_464 = vector.shape_cast %min3A_458 : vector<16xi32> to vector<1x16xi32>
    tpu.vector_store %arg5[%swap3A_460, %swap3A_461], %swap3A_464 {strides = array<i32>} : memref<5x64xi32, #tpu.memory_space<vmem>>, vector<1x16xi32>,
    %get3A_465 = arith.constant 0 : i32
    %get3A_466 = arith.index_cast %get3A_465 : i32 to index
    %get3A_467 = arith.constant 16 : index
    %get3A_468 = tpu.vector_load %arg5[%get3A_466, %get3A_467] {strides = array<i32>} : memref<5x64xi32, #tpu.memory_space<vmem>>, vector<1x16xi32>,
    %get3A_469 = vector.shape_cast %get3A_468 : vector<1x16xi32> to vector<16xi32>
    %sub3A_470 = arith.subi %get3A_469, %broadcast_in_dim3A_449 : vector<16xi32>
    %min3A_471 = arith.constant 5000 : i32
    %min3A_472 = vector.broadcast %min3A_471 : i32 to vector<16xi32>
    %min3A_473 = arith.minui %sub3A_470, %min3A_472 : vector<16xi32>
    %swap3A_474 = arith.constant 0 : i32
    %swap3A_475 = arith.index_cast %swap3A_474 : i32 to index
    %swap3A_476 = arith.constant 16 : index
    %swap3A_477 = tpu.vector_load %arg5[%swap3A_475, %swap3A_476] {strides = array<i32>} : memref<5x64xi32, #tpu.memory_space<vmem>>, vector<1x16xi32>,
    %swap3A_478 = vector.shape_cast %swap3A_477 : vector<1x16xi32> to vector<16xi32>
    %swap3A_479 = vector.shape_cast %min3A_473 : vector<16xi32> to vector<1x16xi32>
    tpu.vector_store %arg5[%swap3A_475, %swap3A_476], %swap3A_479 {strides = array<i32>} : memref<5x64xi32, #tpu.memory_space<vmem>>, vector<1x16xi32>,
    %get3A_480 = arith.constant 0 : i32
    %get3A_481 = arith.index_cast %get3A_480 : i32 to index
    %get3A_482 = arith.constant 32 : index
    %get3A_483 = tpu.vector_load %arg5[%get3A_481, %get3A_482] {strides = array<i32>} : memref<5x64xi32, #tpu.memory_space<vmem>>, vector<1x16xi32>,
    %get3A_484 = vector.shape_cast %get3A_483 : vector<1x16xi32> to vector<16xi32>
    %sub3A_485 = arith.subi %get3A_484, %broadcast_in_dim3A_449 : vector<16xi32>
    %min3A_486 = arith.constant 5000 : i32
    %min3A_487 = vector.broadcast %min3A_486 : i32 to vector<16xi32>
    %min3A_488 = arith.minui %sub3A_485, %min3A_487 : vector<16xi32>
    %swap3A_489 = arith.constant 0 : i32
    %swap3A_490 = arith.index_cast %swap3A_489 : i32 to index
    %swap3A_491 = arith.constant 32 : index
    %swap3A_492 = tpu.vector_load %arg5[%swap3A_490, %swap3A_491] {strides = array<i32>} : memref<5x64xi32, #tpu.memory_space<vmem>>, vector<1x16xi32>,
    %swap3A_493 = vector.shape_cast %swap3A_492 : vector<1x16xi32> to vector<16xi32>
    %swap3A_494 = vector.shape_cast %min3A_488 : vector<16xi32> to vector<1x16xi32>
    tpu.vector_store %arg5[%swap3A_490, %swap3A_491], %swap3A_494 {strides = array<i32>} : memref<5x64xi32, #tpu.memory_space<vmem>>, vector<1x16xi32>,
    %get3A_495 = arith.constant 0 : i32
    %get3A_496 = arith.index_cast %get3A_495 : i32 to index
    %get3A_497 = arith.constant 48 : index
    %get3A_498 = tpu.vector_load %arg5[%get3A_496, %get3A_497] {strides = array<i32>} : memref<5x64xi32, #tpu.memory_space<vmem>>, vector<1x16xi32>,
    %get3A_499 = vector.shape_cast %get3A_498 : vector<1x16xi32> to vector<16xi32>
    %sub3A_500 = arith.subi %get3A_499, %broadcast_in_dim3A_449 : vector<16xi32>
    %min3A_501 = arith.constant 5000 : i32
    %min3A_502 = vector.broadcast %min3A_501 : i32 to vector<16xi32>
    %min3A_503 = arith.minui %sub3A_500, %min3A_502 : vector<16xi32>
    %swap3A_504 = arith.constant 0 : i32
    %swap3A_505 = arith.index_cast %swap3A_504 : i32 to index
    %swap3A_506 = arith.constant 48 : index
    %swap3A_507 = tpu.vector_load %arg5[%swap3A_505, %swap3A_506] {strides = array<i32>} : memref<5x64xi32, #tpu.memory_space<vmem>>, vector<1x16xi32>,
    %swap3A_508 = vector.shape_cast %swap3A_507 : vector<1x16xi32> to vector<16xi32>
    %swap3A_509 = vector.shape_cast %min3A_503 : vector<16xi32> to vector<1x16xi32>
    tpu.vector_store %arg5[%swap3A_505, %swap3A_506], %swap3A_509 {strides = array<i32>} : memref<5x64xi32, #tpu.memory_space<vmem>>, vector<1x16xi32>,
    %dma_start3A_510 = arith.constant 0 : i32
    %dma_start3A_511 = arith.constant 0 : i32
    %dma_start3A_512 = arith.constant 0 : i32
    %dma_start3A_513 = arith.constant 0 : i32
    %dma_start3A_514 = arith.constant 0 : i32
    %dma_start3A_515 = tpu.memref_slice %arg6[%dma_start3A_510, %dma_start3A_513, %dma_start3A_514] : memref<5x64x128xf32, #tpu.memory_space<vmem>> -> memref<1x64x128xf32, #tpu.memory_space<vmem>>
    %dma_start3A_516 = tpu.memref_squeeze %dma_start3A_515 : memref<1x64x128xf32, #tpu.memory_space<vmem>> -> memref<64x128xf32, #tpu.memory_space<vmem>>
    %dma_start3A_517 = arith.constant 0 : i32
    %dma_start3A_518 = tpu.memref_slice %arg5[%dma_start3A_511, %dma_start3A_517] : memref<5x64xi32, #tpu.memory_space<vmem>> -> memref<1x64xi32, #tpu.memory_space<vmem>>
    %dma_start3A_519 = tpu.memref_squeeze %dma_start3A_518 : memref<1x64xi32, #tpu.memory_space<vmem>> -> memref<64xi32, #tpu.memory_space<vmem>>
    %dma_start3A_520 = arith.constant 0 : i32
    %dma_start3A_521 = arith.constant 0 : i32
    %dma_start3A_522 = tpu.memref_slice %arg10[%dma_start3A_520, %dma_start3A_521] : memref<5008x128xf32, #tpu.memory_space<vmem_shared>> -> memref<5008x128xf32, #tpu.memory_space<vmem_shared>>
    %dma_start3A_523 = tpu.memref_slice %arg13[%dma_start3A_512] : memref<5x!tpu.dma_semaphore, #tpu.memory_space<semaphore_mem>> -> memref<1x!tpu.dma_semaphore, #tpu.memory_space<semaphore_mem>>
    %dma_start3A_524 = tpu.memref_squeeze %dma_start3A_523 : memref<1x!tpu.dma_semaphore, #tpu.memory_space<semaphore_mem>> -> memref<!tpu.dma_semaphore, #tpu.memory_space<semaphore_mem>>
    tpu.enqueue_indirect_dma source(%dma_start3A_516 : memref<64x128xf32, #tpu.memory_space<vmem>>) target(%dma_start3A_522 : memref<5008x128xf32, #tpu.memory_space<vmem_shared>>) offsets(%dma_start3A_519 : memref<64xi32, #tpu.memory_space<vmem>>) semaphore(%dma_start3A_524 : memref<!tpu.dma_semaphore, #tpu.memory_space<semaphore_mem>>) {add = true}
    %dma_wait3A_525 = arith.constant 0 : i32
    %dma_wait3A_526 = arith.constant 0 : i32
    %dma_wait3A_527 = arith.constant 0 : i32
    %dma_wait3A_528 = arith.constant 0 : i32
    %dma_wait3A_529 = arith.constant 0 : i32
    %dma_wait3A_530 = tpu.memref_slice %arg6[%dma_wait3A_525, %dma_wait3A_528, %dma_wait3A_529] : memref<5x64x128xf32, #tpu.memory_space<vmem>> -> memref<1x64x128xf32, #tpu.memory_space<vmem>>
    %dma_wait3A_531 = tpu.memref_squeeze %dma_wait3A_530 : memref<1x64x128xf32, #tpu.memory_space<vmem>> -> memref<64x128xf32, #tpu.memory_space<vmem>>
    %dma_wait3A_532 = arith.constant 0 : i32
    %dma_wait3A_533 = tpu.memref_slice %arg5[%dma_wait3A_526, %dma_wait3A_532] : memref<5x64xi32, #tpu.memory_space<vmem>> -> memref<1x64xi32, #tpu.memory_space<vmem>>
    %dma_wait3A_534 = tpu.memref_squeeze %dma_wait3A_533 : memref<1x64xi32, #tpu.memory_space<vmem>> -> memref<64xi32, #tpu.memory_space<vmem>>
    %dma_wait3A_535 = arith.constant 0 : i32
    %dma_wait3A_536 = arith.constant 0 : i32
    %dma_wait3A_537 = tpu.memref_slice %arg10[%dma_wait3A_535, %dma_wait3A_536] : memref<5008x128xf32, #tpu.memory_space<vmem_shared>> -> memref<5008x128xf32, #tpu.memory_space<vmem_shared>>
    %dma_wait3A_538 = tpu.memref_slice %arg13[%dma_wait3A_527] : memref<5x!tpu.dma_semaphore, #tpu.memory_space<semaphore_mem>> -> memref<1x!tpu.dma_semaphore, #tpu.memory_space<semaphore_mem>>
    %dma_wait3A_539 = tpu.memref_squeeze %dma_wait3A_538 : memref<1x!tpu.dma_semaphore, #tpu.memory_space<semaphore_mem>> -> memref<!tpu.dma_semaphore, #tpu.memory_space<semaphore_mem>>
    tpu.wait_indirect_dma semaphore(%dma_wait3A_539 : memref<!tpu.dma_semaphore, #tpu.memory_space<semaphore_mem>>) src(%dma_wait3A_531 : memref<64x128xf32, #tpu.memory_space<vmem>>) dst(%dma_wait3A_537 : memref<5008x128xf32, #tpu.memory_space<vmem_shared>>)
    %sub3A_540 = arith.constant 1 : i32
    %sub3A_541 = arith.subi %sub3A_216, %sub3A_540 : i32
    %min3A_542 = arith.constant 5 : i32
    %min3A_543 = arith.minsi %min3A_542, %sub3A_541 : i32
    %add3A_544 = arith.addi %add3A_187, %min3A_543 : i32
    %max3A_545 = arith.constant 0 : i32
    %max3A_546 = arith.maxsi %add3A_544, %max3A_545 : i32
    %mul3A_547 = arith.constant 64 : i32
    %mul3A_548 = arith.muli %max3A_546, %mul3A_547 : i32
    %dma_start3A_549 = arith.constant 0 : i32
    %dma_start3A_550 = arith.constant 0 : i32
    %dma_start3A_551 = arith.constant 0 : i32
    %dma_start3A_552 = tpu.memref_slice %arg5[%dma_start3A_549, %dma_start3A_551] : memref<5x64xi32, #tpu.memory_space<vmem>> -> memref<1x64xi32, #tpu.memory_space<vmem>>
    %dma_start3A_553 = tpu.memref_squeeze %dma_start3A_552 : memref<1x64xi32, #tpu.memory_space<vmem>> -> memref<64xi32, #tpu.memory_space<vmem>>
    %dma_start3A_554 = tpu.memref_slice %arg3[%mul3A_548] : memref<320000xi32, #tpu.memory_space<hbm>> -> memref<64xi32, #tpu.memory_space<hbm>>
    %dma_start3A_555 = tpu.memref_slice %arg12[%dma_start3A_550] : memref<5x!tpu.dma_semaphore, #tpu.memory_space<semaphore_mem>> -> memref<1x!tpu.dma_semaphore, #tpu.memory_space<semaphore_mem>>
    %dma_start3A_556 = tpu.memref_squeeze %dma_start3A_555 : memref<1x!tpu.dma_semaphore, #tpu.memory_space<semaphore_mem>> -> memref<!tpu.dma_semaphore, #tpu.memory_space<semaphore_mem>>
    %dma_start3A_557 = arith.constant 0 : i32
    %dma_start3A_558 = tpu.memref_slice %arg5[%dma_start3A_549, %dma_start3A_557] : memref<5x64xi32, #tpu.memory_space<vmem>> -> memref<1x64xi32, #tpu.memory_space<vmem>>
    %dma_start3A_559 = tpu.memref_squeeze %dma_start3A_558 : memref<1x64xi32, #tpu.memory_space<vmem>> -> memref<64xi32, #tpu.memory_space<vmem>>
    %dma_start3A_560 = tpu.memref_slice %arg3[%mul3A_548] : memref<320000xi32, #tpu.memory_space<hbm>> -> memref<64xi32, #tpu.memory_space<hbm>>
    tpu.enqueue_dma source(%dma_start3A_560 : memref<64xi32, #tpu.memory_space<hbm>>) target(%dma_start3A_559 : memref<64xi32, #tpu.memory_space<vmem>>) target_semaphore(%dma_start3A_556 : memref<!tpu.dma_semaphore, #tpu.memory_space<semaphore_mem>>)
    %mul3A_561 = arith.constant 64 : i32
    %mul3A_562 = arith.muli %max3A_546, %mul3A_561 : i32
    %dma_start3A_563 = arith.constant 0 : i32
    %dma_start3A_564 = arith.constant 0 : i32
    %dma_start3A_565 = arith.constant 0 : i32
    %dma_start3A_566 = arith.constant 0 : i32
    %dma_start3A_567 = tpu.memref_slice %arg6[%dma_start3A_563, %dma_start3A_565, %dma_start3A_566] : memref<5x64x128xf32, #tpu.memory_space<vmem>> -> memref<1x64x128xf32, #tpu.memory_space<vmem>>
    %dma_start3A_568 = tpu.memref_squeeze %dma_start3A_567 : memref<1x64x128xf32, #tpu.memory_space<vmem>> -> memref<64x128xf32, #tpu.memory_space<vmem>>
    %dma_start3A_569 = arith.constant 0 : i32
    %dma_start3A_570 = tpu.memref_slice %arg2[%mul3A_562, %dma_start3A_569] : memref<320000x128xf32, #tpu.memory_space<hbm>> -> memref<64x128xf32, #tpu.memory_space<hbm>>
    %dma_start3A_571 = tpu.memref_slice %arg12[%dma_start3A_564] : memref<5x!tpu.dma_semaphore, #tpu.memory_space<semaphore_mem>> -> memref<1x!tpu.dma_semaphore, #tpu.memory_space<semaphore_mem>>
    %dma_start3A_572 = tpu.memref_squeeze %dma_start3A_571 : memref<1x!tpu.dma_semaphore, #tpu.memory_space<semaphore_mem>> -> memref<!tpu.dma_semaphore, #tpu.memory_space<semaphore_mem>>
    %dma_start3A_573 = arith.constant 0 : i32
    %dma_start3A_574 = arith.constant 0 : i32
    %dma_start3A_575 = tpu.memref_slice %arg6[%dma_start3A_563, %dma_start3A_573, %dma_start3A_574] : memref<5x64x128xf32, #tpu.memory_space<vmem>> -> memref<1x64x128xf32, #tpu.memory_space<vmem>>
    %dma_start3A_576 = tpu.memref_squeeze %dma_start3A_575 : memref<1x64x128xf32, #tpu.memory_space<vmem>> -> memref<64x128xf32, #tpu.memory_space<vmem>>
    %dma_start3A_577 = arith.constant 0 : i32
    %dma_start3A_578 = tpu.memref_slice %arg2[%mul3A_562, %dma_start3A_577] : memref<320000x128xf32, #tpu.memory_space<hbm>> -> memref<64x128xf32, #tpu.memory_space<hbm>>
    tpu.enqueue_dma source(%dma_start3A_578 : memref<64x128xf32, #tpu.memory_space<hbm>>) target(%dma_start3A_576 : memref<64x128xf32, #tpu.memory_space<vmem>>) target_semaphore(%dma_start3A_572 : memref<!tpu.dma_semaphore, #tpu.memory_space<semaphore_mem>>)
    %dma_wait3A_579 = arith.constant 1 : i32
    %dma_wait3A_580 = arith.constant 1 : i32
    %dma_wait3A_581 = arith.constant 0 : i32
    %dma_wait3A_582 = tpu.memref_slice %arg5[%dma_wait3A_579, %dma_wait3A_581] : memref<5x64xi32, #tpu.memory_space<vmem>> -> memref<1x64xi32, #tpu.memory_space<vmem>>
    %dma_wait3A_583 = tpu.memref_squeeze %dma_wait3A_582 : memref<1x64xi32, #tpu.memory_space<vmem>> -> memref<64xi32, #tpu.memory_space<vmem>>
    %dma_wait3A_584 = arith.constant 0 : i32
    %dma_wait3A_585 = tpu.memref_slice %arg3[%dma_wait3A_584] : memref<320000xi32, #tpu.memory_space<hbm>> -> memref<64xi32, #tpu.memory_space<hbm>>
    %dma_wait3A_586 = tpu.memref_slice %arg12[%dma_wait3A_580] : memref<5x!tpu.dma_semaphore, #tpu.memory_space<semaphore_mem>> -> memref<1x!tpu.dma_semaphore, #tpu.memory_space<semaphore_mem>>
    %dma_wait3A_587 = tpu.memref_squeeze %dma_wait3A_586 : memref<1x!tpu.dma_semaphore, #tpu.memory_space<semaphore_mem>> -> memref<!tpu.dma_semaphore, #tpu.memory_space<semaphore_mem>>
    %dma_wait3A_588 = arith.constant 0 : i32
    %dma_wait3A_589 = tpu.memref_slice %arg5[%dma_wait3A_579, %dma_wait3A_588] : memref<5x64xi32, #tpu.memory_space<vmem>> -> memref<1x64xi32, #tpu.memory_space<vmem>>
    %dma_wait3A_590 = tpu.memref_squeeze %dma_wait3A_589 : memref<1x64xi32, #tpu.memory_space<vmem>> -> memref<64xi32, #tpu.memory_space<vmem>>
    %dma_wait3A_591 = arith.constant 0 : i32
    %dma_wait3A_592 = tpu.memref_slice %arg3[%dma_wait3A_591] : memref<320000xi32, #tpu.memory_space<hbm>> -> memref<64xi32, #tpu.memory_space<hbm>>
    tpu.wait_dma2 semaphore(%dma_wait3A_587 : memref<!tpu.dma_semaphore, #tpu.memory_space<semaphore_mem>>) src(%dma_wait3A_592 : memref<64xi32, #tpu.memory_space<hbm>>) dst(%dma_wait3A_590 : memref<64xi32, #tpu.memory_space<vmem>>)
    %dma_wait3A_593 = arith.constant 1 : i32
    %dma_wait3A_594 = arith.constant 1 : i32
    %dma_wait3A_595 = arith.constant 0 : i32
    %dma_wait3A_596 = arith.constant 0 : i32
    %dma_wait3A_597 = tpu.memref_slice %arg6[%dma_wait3A_593, %dma_wait3A_595, %dma_wait3A_596] : memref<5x64x128xf32, #tpu.memory_space<vmem>> -> memref<1x64x128xf32, #tpu.memory_space<vmem>>
    %dma_wait3A_598 = tpu.memref_squeeze %dma_wait3A_597 : memref<1x64x128xf32, #tpu.memory_space<vmem>> -> memref<64x128xf32, #tpu.memory_space<vmem>>
    %dma_wait3A_599 = arith.constant 0 : i32
    %dma_wait3A_600 = arith.constant 0 : i32
    %dma_wait3A_601 = tpu.memref_slice %arg2[%dma_wait3A_599, %dma_wait3A_600] : memref<320000x128xf32, #tpu.memory_space<hbm>> -> memref<64x128xf32, #tpu.memory_space<hbm>>
    %dma_wait3A_602 = tpu.memref_slice %arg12[%dma_wait3A_594] : memref<5x!tpu.dma_semaphore, #tpu.memory_space<semaphore_mem>> -> memref<1x!tpu.dma_semaphore, #tpu.memory_space<semaphore_mem>>
    %dma_wait3A_603 = tpu.memref_squeeze %dma_wait3A_602 : memref<1x!tpu.dma_semaphore, #tpu.memory_space<semaphore_mem>> -> memref<!tpu.dma_semaphore, #tpu.memory_space<semaphore_mem>>
    %dma_wait3A_604 = arith.constant 0 : i32
    %dma_wait3A_605 = arith.constant 0 : i32
    %dma_wait3A_606 = tpu.memref_slice %arg6[%dma_wait3A_593, %dma_wait3A_604, %dma_wait3A_605] : memref<5x64x128xf32, #tpu.memory_space<vmem>> -> memref<1x64x128xf32, #tpu.memory_space<vmem>>
    %dma_wait3A_607 = tpu.memref_squeeze %dma_wait3A_606 : memref<1x64x128xf32, #tpu.memory_space<vmem>> -> memref<64x128xf32, #tpu.memory_space<vmem>>
    %dma_wait3A_608 = arith.constant 0 : i32
    %dma_wait3A_609 = arith.constant 0 : i32
    %dma_wait3A_610 = tpu.memref_slice %arg2[%dma_wait3A_608, %dma_wait3A_609] : memref<320000x128xf32, #tpu.memory_space<hbm>> -> memref<64x128xf32, #tpu.memory_space<hbm>>
    tpu.wait_dma2 semaphore(%dma_wait3A_603 : memref<!tpu.dma_semaphore, #tpu.memory_space<semaphore_mem>>) src(%dma_wait3A_610 : memref<64x128xf32, #tpu.memory_space<hbm>>) dst(%dma_wait3A_607 : memref<64x128xf32, #tpu.memory_space<vmem>>)
    %gt3A_611 = arith.constant 1 : i32
    %gt3A_612 = arith.cmpi sgt, %sub3A_216, %gt3A_611 : i32
    %jit3A_613 = arith.constant 0 : i32
    %jit3A_614 = arith.constant 10000 : i32
    %select_n3A_615 = arith.select %gt3A_612, %jit3A_613, %jit3A_614 : i32
    %sub3A_616 = arith.subi %mul3A_218, %select_n3A_615 : i32
    %broadcast_in_dim3A_617 = vector.broadcast %sub3A_616 : i32 to vector<16xi32>
    %get3A_618 = arith.constant 1 : i32
    %get3A_619 = arith.index_cast %get3A_618 : i32 to index
    %get3A_620 = arith.constant 0 : index
    %get3A_621 = tpu.vector_load %arg5[%get3A_619, %get3A_620] {strides = array<i32>} : memref<5x64xi32, #tpu.memory_space<vmem>>, vector<1x16xi32>,
    %get3A_622 = vector.shape_cast %get3A_621 : vector<1x16xi32> to vector<16xi32>
    %sub3A_623 = arith.subi %get3A_622, %broadcast_in_dim3A_617 : vector<16xi32>
    %min3A_624 = arith.constant 5000 : i32
    %min3A_625 = vector.broadcast %min3A_624 : i32 to vector<16xi32>
    %min3A_626 = arith.minui %sub3A_623, %min3A_625 : vector<16xi32>
    %swap3A_627 = arith.constant 1 : i32
    %swap3A_628 = arith.index_cast %swap3A_627 : i32 to index
    %swap3A_629 = arith.constant 0 : index
    %swap3A_630 = tpu.vector_load %arg5[%swap3A_628, %swap3A_629] {strides = array<i32>} : memref<5x64xi32, #tpu.memory_space<vmem>>, vector<1x16xi32>,
    %swap3A_631 = vector.shape_cast %swap3A_630 : vector<1x16xi32> to vector<16xi32>
    %swap3A_632 = vector.shape_cast %min3A_626 : vector<16xi32> to vector<1x16xi32>
    tpu.vector_store %arg5[%swap3A_628, %swap3A_629], %swap3A_632 {strides = array<i32>} : memref<5x64xi32, #tpu.memory_space<vmem>>, vector<1x16xi32>,
    %get3A_633 = arith.constant 1 : i32
    %get3A_634 = arith.index_cast %get3A_633 : i32 to index
    %get3A_635 = arith.constant 16 : index
    %get3A_636 = tpu.vector_load %arg5[%get3A_634, %get3A_635] {strides = array<i32>} : memref<5x64xi32, #tpu.memory_space<vmem>>, vector<1x16xi32>,
    %get3A_637 = vector.shape_cast %get3A_636 : vector<1x16xi32> to vector<16xi32>
    %sub3A_638 = arith.subi %get3A_637, %broadcast_in_dim3A_617 : vector<16xi32>
    %min3A_639 = arith.constant 5000 : i32
    %min3A_640 = vector.broadcast %min3A_639 : i32 to vector<16xi32>
    %min3A_641 = arith.minui %sub3A_638, %min3A_640 : vector<16xi32>
    %swap3A_642 = arith.constant 1 : i32
    %swap3A_643 = arith.index_cast %swap3A_642 : i32 to index
    %swap3A_644 = arith.constant 16 : index
    %swap3A_645 = tpu.vector_load %arg5[%swap3A_643, %swap3A_644] {strides = array<i32>} : memref<5x64xi32, #tpu.memory_space<vmem>>, vector<1x16xi32>,
    %swap3A_646 = vector.shape_cast %swap3A_645 : vector<1x16xi32> to vector<16xi32>
    %swap3A_647 = vector.shape_cast %min3A_641 : vector<16xi32> to vector<1x16xi32>
    tpu.vector_store %arg5[%swap3A_643, %swap3A_644], %swap3A_647 {strides = array<i32>} : memref<5x64xi32, #tpu.memory_space<vmem>>, vector<1x16xi32>,
    %get3A_648 = arith.constant 1 : i32
    %get3A_649 = arith.index_cast %get3A_648 : i32 to index
    %get3A_650 = arith.constant 32 : index
    %get3A_651 = tpu.vector_load %arg5[%get3A_649, %get3A_650] {strides = array<i32>} : memref<5x64xi32, #tpu.memory_space<vmem>>, vector<1x16xi32>,
    %get3A_652 = vector.shape_cast %get3A_651 : vector<1x16xi32> to vector<16xi32>
    %sub3A_653 = arith.subi %get3A_652, %broadcast_in_dim3A_617 : vector<16xi32>
    %min3A_654 = arith.constant 5000 : i32
    %min3A_655 = vector.broadcast %min3A_654 : i32 to vector<16xi32>
    %min3A_656 = arith.minui %sub3A_653, %min3A_655 : vector<16xi32>
    %swap3A_657 = arith.constant 1 : i32
    %swap3A_658 = arith.index_cast %swap3A_657 : i32 to index
    %swap3A_659 = arith.constant 32 : index
    %swap3A_660 = tpu.vector_load %arg5[%swap3A_658, %swap3A_659] {strides = array<i32>} : memref<5x64xi32, #tpu.memory_space<vmem>>, vector<1x16xi32>,
    %swap3A_661 = vector.shape_cast %swap3A_660 : vector<1x16xi32> to vector<16xi32>
    %swap3A_662 = vector.shape_cast %min3A_656 : vector<16xi32> to vector<1x16xi32>
    tpu.vector_store %arg5[%swap3A_658, %swap3A_659], %swap3A_662 {strides = array<i32>} : memref<5x64xi32, #tpu.memory_space<vmem>>, vector<1x16xi32>,
    %get3A_663 = arith.constant 1 : i32
    %get3A_664 = arith.index_cast %get3A_663 : i32 to index
    %get3A_665 = arith.constant 48 : index
    %get3A_666 = tpu.vector_load %arg5[%get3A_664, %get3A_665] {strides = array<i32>} : memref<5x64xi32, #tpu.memory_space<vmem>>, vector<1x16xi32>,
    %get3A_667 = vector.shape_cast %get3A_666 : vector<1x16xi32> to vector<16xi32>
    %sub3A_668 = arith.subi %get3A_667, %broadcast_in_dim3A_617 : vector<16xi32>
    %min3A_669 = arith.constant 5000 : i32
    %min3A_670 = vector.broadcast %min3A_669 : i32 to vector<16xi32>
    %min3A_671 = arith.minui %sub3A_668, %min3A_670 : vector<16xi32>
    %swap3A_672 = arith.constant 1 : i32
    %swap3A_673 = arith.index_cast %swap3A_672 : i32 to index
    %swap3A_674 = arith.constant 48 : index
    %swap3A_675 = tpu.vector_load %arg5[%swap3A_673, %swap3A_674] {strides = array<i32>} : memref<5x64xi32, #tpu.memory_space<vmem>>, vector<1x16xi32>,
    %swap3A_676 = vector.shape_cast %swap3A_675 : vector<1x16xi32> to vector<16xi32>
    %swap3A_677 = vector.shape_cast %min3A_671 : vector<16xi32> to vector<1x16xi32>
    tpu.vector_store %arg5[%swap3A_673, %swap3A_674], %swap3A_677 {strides = array<i32>} : memref<5x64xi32, #tpu.memory_space<vmem>>, vector<1x16xi32>,
    %dma_start3A_678 = arith.constant 1 : i32
    %dma_start3A_679 = arith.constant 1 : i32
    %dma_start3A_680 = arith.constant 1 : i32
    %dma_start3A_681 = arith.constant 0 : i32
    %dma_start3A_682 = arith.constant 0 : i32
    %dma_start3A_683 = tpu.memref_slice %arg6[%dma_start3A_678, %dma_start3A_681, %dma_start3A_682] : memref<5x64x128xf32, #tpu.memory_space<vmem>> -> memref<1x64x128xf32, #tpu.memory_space<vmem>>
    %dma_start3A_684 = tpu.memref_squeeze %dma_start3A_683 : memref<1x64x128xf32, #tpu.memory_space<vmem>> -> memref<64x128xf32, #tpu.memory_space<vmem>>
    %dma_start3A_685 = arith.constant 0 : i32
    %dma_start3A_686 = tpu.memref_slice %arg5[%dma_start3A_679, %dma_start3A_685] : memref<5x64xi32, #tpu.memory_space<vmem>> -> memref<1x64xi32, #tpu.memory_space<vmem>>
    %dma_start3A_687 = tpu.memref_squeeze %dma_start3A_686 : memref<1x64xi32, #tpu.memory_space<vmem>> -> memref<64xi32, #tpu.memory_space<vmem>>
    %dma_start3A_688 = arith.constant 0 : i32
    %dma_start3A_689 = arith.constant 0 : i32
    %dma_start3A_690 = tpu.memref_slice %arg10[%dma_start3A_688, %dma_start3A_689] : memref<5008x128xf32, #tpu.memory_space<vmem_shared>> -> memref<5008x128xf32, #tpu.memory_space<vmem_shared>>
    %dma_start3A_691 = tpu.memref_slice %arg13[%dma_start3A_680] : memref<5x!tpu.dma_semaphore, #tpu.memory_space<semaphore_mem>> -> memref<1x!tpu.dma_semaphore, #tpu.memory_space<semaphore_mem>>
    %dma_start3A_692 = tpu.memref_squeeze %dma_start3A_691 : memref<1x!tpu.dma_semaphore, #tpu.memory_space<semaphore_mem>> -> memref<!tpu.dma_semaphore, #tpu.memory_space<semaphore_mem>>
    tpu.enqueue_indirect_dma source(%dma_start3A_684 : memref<64x128xf32, #tpu.memory_space<vmem>>) target(%dma_start3A_690 : memref<5008x128xf32, #tpu.memory_space<vmem_shared>>) offsets(%dma_start3A_687 : memref<64xi32, #tpu.memory_space<vmem>>) semaphore(%dma_start3A_692 : memref<!tpu.dma_semaphore, #tpu.memory_space<semaphore_mem>>) {add = true}
    %dma_wait3A_693 = arith.constant 1 : i32
    %dma_wait3A_694 = arith.constant 1 : i32
    %dma_wait3A_695 = arith.constant 1 : i32
    %dma_wait3A_696 = arith.constant 0 : i32
    %dma_wait3A_697 = arith.constant 0 : i32
    %dma_wait3A_698 = tpu.memref_slice %arg6[%dma_wait3A_693, %dma_wait3A_696, %dma_wait3A_697] : memref<5x64x128xf32, #tpu.memory_space<vmem>> -> memref<1x64x128xf32, #tpu.memory_space<vmem>>
    %dma_wait3A_699 = tpu.memref_squeeze %dma_wait3A_698 : memref<1x64x128xf32, #tpu.memory_space<vmem>> -> memref<64x128xf32, #tpu.memory_space<vmem>>
    %dma_wait3A_700 = arith.constant 0 : i32
    %dma_wait3A_701 = tpu.memref_slice %arg5[%dma_wait3A_694, %dma_wait3A_700] : memref<5x64xi32, #tpu.memory_space<vmem>> -> memref<1x64xi32, #tpu.memory_space<vmem>>
    %dma_wait3A_702 = tpu.memref_squeeze %dma_wait3A_701 : memref<1x64xi32, #tpu.memory_space<vmem>> -> memref<64xi32, #tpu.memory_space<vmem>>
    %dma_wait3A_703 = arith.constant 0 : i32
    %dma_wait3A_704 = arith.constant 0 : i32
    %dma_wait3A_705 = tpu.memref_slice %arg10[%dma_wait3A_703, %dma_wait3A_704] : memref<5008x128xf32, #tpu.memory_space<vmem_shared>> -> memref<5008x128xf32, #tpu.memory_space<vmem_shared>>
    %dma_wait3A_706 = tpu.memref_slice %arg13[%dma_wait3A_695] : memref<5x!tpu.dma_semaphore, #tpu.memory_space<semaphore_mem>> -> memref<1x!tpu.dma_semaphore, #tpu.memory_space<semaphore_mem>>
    %dma_wait3A_707 = tpu.memref_squeeze %dma_wait3A_706 : memref<1x!tpu.dma_semaphore, #tpu.memory_space<semaphore_mem>> -> memref<!tpu.dma_semaphore, #tpu.memory_space<semaphore_mem>>
    tpu.wait_indirect_dma semaphore(%dma_wait3A_707 : memref<!tpu.dma_semaphore, #tpu.memory_space<semaphore_mem>>) src(%dma_wait3A_699 : memref<64x128xf32, #tpu.memory_space<vmem>>) dst(%dma_wait3A_705 : memref<5008x128xf32, #tpu.memory_space<vmem_shared>>)
    %sub3A_708 = arith.constant 1 : i32
    %sub3A_709 = arith.subi %sub3A_216, %sub3A_708 : i32
    %min3A_710 = arith.constant 6 : i32
    %min3A_711 = arith.minsi %min3A_710, %sub3A_709 : i32
    %add3A_712 = arith.addi %add3A_187, %min3A_711 : i32
    %max3A_713 = arith.constant 0 : i32
    %max3A_714 = arith.maxsi %add3A_712, %max3A_713 : i32
    %mul3A_715 = arith.constant 64 : i32
    %mul3A_716 = arith.muli %max3A_714, %mul3A_715 : i32
    %dma_start3A_717 = arith.constant 1 : i32
    %dma_start3A_718 = arith.constant 1 : i32
    %dma_start3A_719 = arith.constant 0 : i32
    %dma_start3A_720 = tpu.memref_slice %arg5[%dma_start3A_717, %dma_start3A_719] : memref<5x64xi32, #tpu.memory_space<vmem>> -> memref<1x64xi32, #tpu.memory_space<vmem>>
    %dma_start3A_721 = tpu.memref_squeeze %dma_start3A_720 : memref<1x64xi32, #tpu.memory_space<vmem>> -> memref<64xi32, #tpu.memory_space<vmem>>
    %dma_start3A_722 = tpu.memref_slice %arg3[%mul3A_716] : memref<320000xi32, #tpu.memory_space<hbm>> -> memref<64xi32, #tpu.memory_space<hbm>>
    %dma_start3A_723 = tpu.memref_slice %arg12[%dma_start3A_718] : memref<5x!tpu.dma_semaphore, #tpu.memory_space<semaphore_mem>> -> memref<1x!tpu.dma_semaphore, #tpu.memory_space<semaphore_mem>>
    %dma_start3A_724 = tpu.memref_squeeze %dma_start3A_723 : memref<1x!tpu.dma_semaphore, #tpu.memory_space<semaphore_mem>> -> memref<!tpu.dma_semaphore, #tpu.memory_space<semaphore_mem>>
    %dma_start3A_725 = arith.constant 0 : i32
    %dma_start3A_726 = tpu.memref_slice %arg5[%dma_start3A_717, %dma_start3A_725] : memref<5x64xi32, #tpu.memory_space<vmem>> -> memref<1x64xi32, #tpu.memory_space<vmem>>
    %dma_start3A_727 = tpu.memref_squeeze %dma_start3A_726 : memref<1x64xi32, #tpu.memory_space<vmem>> -> memref<64xi32, #tpu.memory_space<vmem>>
    %dma_start3A_728 = tpu.memref_slice %arg3[%mul3A_716] : memref<320000xi32, #tpu.memory_space<hbm>> -> memref<64xi32, #tpu.memory_space<hbm>>
    tpu.enqueue_dma source(%dma_start3A_728 : memref<64xi32, #tpu.memory_space<hbm>>) target(%dma_start3A_727 : memref<64xi32, #tpu.memory_space<vmem>>) target_semaphore(%dma_start3A_724 : memref<!tpu.dma_semaphore, #tpu.memory_space<semaphore_mem>>)
    %mul3A_729 = arith.constant 64 : i32
    %mul3A_730 = arith.muli %max3A_714, %mul3A_729 : i32
    %dma_start3A_731 = arith.constant 1 : i32
    %dma_start3A_732 = arith.constant 1 : i32
    %dma_start3A_733 = arith.constant 0 : i32
    %dma_start3A_734 = arith.constant 0 : i32
    %dma_start3A_735 = tpu.memref_slice %arg6[%dma_start3A_731, %dma_start3A_733, %dma_start3A_734] : memref<5x64x128xf32, #tpu.memory_space<vmem>> -> memref<1x64x128xf32, #tpu.memory_space<vmem>>
    %dma_start3A_736 = tpu.memref_squeeze %dma_start3A_735 : memref<1x64x128xf32, #tpu.memory_space<vmem>> -> memref<64x128xf32, #tpu.memory_space<vmem>>
    %dma_start3A_737 = arith.constant 0 : i32
    %dma_start3A_738 = tpu.memref_slice %arg2[%mul3A_730, %dma_start3A_737] : memref<320000x128xf32, #tpu.memory_space<hbm>> -> memref<64x128xf32, #tpu.memory_space<hbm>>
    %dma_start3A_739 = tpu.memref_slice %arg12[%dma_start3A_732] : memref<5x!tpu.dma_semaphore, #tpu.memory_space<semaphore_mem>> -> memref<1x!tpu.dma_semaphore, #tpu.memory_space<semaphore_mem>>
    %dma_start3A_740 = tpu.memref_squeeze %dma_start3A_739 : memref<1x!tpu.dma_semaphore, #tpu.memory_space<semaphore_mem>> -> memref<!tpu.dma_semaphore, #tpu.memory_space<semaphore_mem>>
    %dma_start3A_741 = arith.constant 0 : i32
    %dma_start3A_742 = arith.constant 0 : i32
    %dma_start3A_743 = tpu.memref_slice %arg6[%dma_start3A_731, %dma_start3A_741, %dma_start3A_742] : memref<5x64x128xf32, #tpu.memory_space<vmem>> -> memref<1x64x128xf32, #tpu.memory_space<vmem>>
    %dma_start3A_744 = tpu.memref_squeeze %dma_start3A_743 : memref<1x64x128xf32, #tpu.memory_space<vmem>> -> memref<64x128xf32, #tpu.memory_space<vmem>>
    %dma_start3A_745 = arith.constant 0 : i32
    %dma_start3A_746 = tpu.memref_slice %arg2[%mul3A_730, %dma_start3A_745] : memref<320000x128xf32, #tpu.memory_space<hbm>> -> memref<64x128xf32, #tpu.memory_space<hbm>>
    tpu.enqueue_dma source(%dma_start3A_746 : memref<64x128xf32, #tpu.memory_space<hbm>>) target(%dma_start3A_744 : memref<64x128xf32, #tpu.memory_space<vmem>>) target_semaphore(%dma_start3A_740 : memref<!tpu.dma_semaphore, #tpu.memory_space<semaphore_mem>>)
    %dma_wait3A_747 = arith.constant 2 : i32
    %dma_wait3A_748 = arith.constant 2 : i32
    %dma_wait3A_749 = arith.constant 0 : i32
    %dma_wait3A_750 = tpu.memref_slice %arg5[%dma_wait3A_747, %dma_wait3A_749] : memref<5x64xi32, #tpu.memory_space<vmem>> -> memref<1x64xi32, #tpu.memory_space<vmem>>
    %dma_wait3A_751 = tpu.memref_squeeze %dma_wait3A_750 : memref<1x64xi32, #tpu.memory_space<vmem>> -> memref<64xi32, #tpu.memory_space<vmem>>
    %dma_wait3A_752 = arith.constant 0 : i32
    %dma_wait3A_753 = tpu.memref_slice %arg3[%dma_wait3A_752] : memref<320000xi32, #tpu.memory_space<hbm>> -> memref<64xi32, #tpu.memory_space<hbm>>
    %dma_wait3A_754 = tpu.memref_slice %arg12[%dma_wait3A_748] : memref<5x!tpu.dma_semaphore, #tpu.memory_space<semaphore_mem>> -> memref<1x!tpu.dma_semaphore, #tpu.memory_space<semaphore_mem>>
    %dma_wait3A_755 = tpu.memref_squeeze %dma_wait3A_754 : memref<1x!tpu.dma_semaphore, #tpu.memory_space<semaphore_mem>> -> memref<!tpu.dma_semaphore, #tpu.memory_space<semaphore_mem>>
    %dma_wait3A_756 = arith.constant 0 : i32
    %dma_wait3A_757 = tpu.memref_slice %arg5[%dma_wait3A_747, %dma_wait3A_756] : memref<5x64xi32, #tpu.memory_space<vmem>> -> memref<1x64xi32, #tpu.memory_space<vmem>>
    %dma_wait3A_758 = tpu.memref_squeeze %dma_wait3A_757 : memref<1x64xi32, #tpu.memory_space<vmem>> -> memref<64xi32, #tpu.memory_space<vmem>>
    %dma_wait3A_759 = arith.constant 0 : i32
    %dma_wait3A_760 = tpu.memref_slice %arg3[%dma_wait3A_759] : memref<320000xi32, #tpu.memory_space<hbm>> -> memref<64xi32, #tpu.memory_space<hbm>>
    tpu.wait_dma2 semaphore(%dma_wait3A_755 : memref<!tpu.dma_semaphore, #tpu.memory_space<semaphore_mem>>) src(%dma_wait3A_760 : memref<64xi32, #tpu.memory_space<hbm>>) dst(%dma_wait3A_758 : memref<64xi32, #tpu.memory_space<vmem>>)
    %dma_wait3A_761 = arith.constant 2 : i32
    %dma_wait3A_762 = arith.constant 2 : i32
    %dma_wait3A_763 = arith.constant 0 : i32
    %dma_wait3A_764 = arith.constant 0 : i32
    %dma_wait3A_765 = tpu.memref_slice %arg6[%dma_wait3A_761, %dma_wait3A_763, %dma_wait3A_764] : memref<5x64x128xf32, #tpu.memory_space<vmem>> -> memref<1x64x128xf32, #tpu.memory_space<vmem>>
    %dma_wait3A_766 = tpu.memref_squeeze %dma_wait3A_765 : memref<1x64x128xf32, #tpu.memory_space<vmem>> -> memref<64x128xf32, #tpu.memory_space<vmem>>
    %dma_wait3A_767 = arith.constant 0 : i32
    %dma_wait3A_768 = arith.constant 0 : i32
    %dma_wait3A_769 = tpu.memref_slice %arg2[%dma_wait3A_767, %dma_wait3A_768] : memref<320000x128xf32, #tpu.memory_space<hbm>> -> memref<64x128xf32, #tpu.memory_space<hbm>>
    %dma_wait3A_770 = tpu.memref_slice %arg12[%dma_wait3A_762] : memref<5x!tpu.dma_semaphore, #tpu.memory_space<semaphore_mem>> -> memref<1x!tpu.dma_semaphore, #tpu.memory_space<semaphore_mem>>
    %dma_wait3A_771 = tpu.memref_squeeze %dma_wait3A_770 : memref<1x!tpu.dma_semaphore, #tpu.memory_space<semaphore_mem>> -> memref<!tpu.dma_semaphore, #tpu.memory_space<semaphore_mem>>
    %dma_wait3A_772 = arith.constant 0 : i32
    %dma_wait3A_773 = arith.constant 0 : i32
    %dma_wait3A_774 = tpu.memref_slice %arg6[%dma_wait3A_761, %dma_wait3A_772, %dma_wait3A_773] : memref<5x64x128xf32, #tpu.memory_space<vmem>> -> memref<1x64x128xf32, #tpu.memory_space<vmem>>
    %dma_wait3A_775 = tpu.memref_squeeze %dma_wait3A_774 : memref<1x64x128xf32, #tpu.memory_space<vmem>> -> memref<64x128xf32, #tpu.memory_space<vmem>>
    %dma_wait3A_776 = arith.constant 0 : i32
    %dma_wait3A_777 = arith.constant 0 : i32
    %dma_wait3A_778 = tpu.memref_slice %arg2[%dma_wait3A_776, %dma_wait3A_777] : memref<320000x128xf32, #tpu.memory_space<hbm>> -> memref<64x128xf32, #tpu.memory_space<hbm>>
    tpu.wait_dma2 semaphore(%dma_wait3A_771 : memref<!tpu.dma_semaphore, #tpu.memory_space<semaphore_mem>>) src(%dma_wait3A_778 : memref<64x128xf32, #tpu.memory_space<hbm>>) dst(%dma_wait3A_775 : memref<64x128xf32, #tpu.memory_space<vmem>>)
    %gt3A_779 = arith.constant 2 : i32
    %gt3A_780 = arith.cmpi sgt, %sub3A_216, %gt3A_779 : i32
    %jit3A_781 = arith.constant 0 : i32
    %jit3A_782 = arith.constant 10000 : i32
    %select_n3A_783 = arith.select %gt3A_780, %jit3A_781, %jit3A_782 : i32
    %sub3A_784 = arith.subi %mul3A_218, %select_n3A_783 : i32
    %broadcast_in_dim3A_785 = vector.broadcast %sub3A_784 : i32 to vector<16xi32>
    %get3A_786 = arith.constant 2 : i32
    %get3A_787 = arith.index_cast %get3A_786 : i32 to index
    %get3A_788 = arith.constant 0 : index
    %get3A_789 = tpu.vector_load %arg5[%get3A_787, %get3A_788] {strides = array<i32>} : memref<5x64xi32, #tpu.memory_space<vmem>>, vector<1x16xi32>,
    %get3A_790 = vector.shape_cast %get3A_789 : vector<1x16xi32> to vector<16xi32>
    %sub3A_791 = arith.subi %get3A_790, %broadcast_in_dim3A_785 : vector<16xi32>
    %min3A_792 = arith.constant 5000 : i32
    %min3A_793 = vector.broadcast %min3A_792 : i32 to vector<16xi32>
    %min3A_794 = arith.minui %sub3A_791, %min3A_793 : vector<16xi32>
    %swap3A_795 = arith.constant 2 : i32
    %swap3A_796 = arith.index_cast %swap3A_795 : i32 to index
    %swap3A_797 = arith.constant 0 : index
    %swap3A_798 = tpu.vector_load %arg5[%swap3A_796, %swap3A_797] {strides = array<i32>} : memref<5x64xi32, #tpu.memory_space<vmem>>, vector<1x16xi32>,
    %swap3A_799 = vector.shape_cast %swap3A_798 : vector<1x16xi32> to vector<16xi32>
    %swap3A_800 = vector.shape_cast %min3A_794 : vector<16xi32> to vector<1x16xi32>
    tpu.vector_store %arg5[%swap3A_796, %swap3A_797], %swap3A_800 {strides = array<i32>} : memref<5x64xi32, #tpu.memory_space<vmem>>, vector<1x16xi32>,
    %get3A_801 = arith.constant 2 : i32
    %get3A_802 = arith.index_cast %get3A_801 : i32 to index
    %get3A_803 = arith.constant 16 : index
    %get3A_804 = tpu.vector_load %arg5[%get3A_802, %get3A_803] {strides = array<i32>} : memref<5x64xi32, #tpu.memory_space<vmem>>, vector<1x16xi32>,
    %get3A_805 = vector.shape_cast %get3A_804 : vector<1x16xi32> to vector<16xi32>
    %sub3A_806 = arith.subi %get3A_805, %broadcast_in_dim3A_785 : vector<16xi32>
    %min3A_807 = arith.constant 5000 : i32
    %min3A_808 = vector.broadcast %min3A_807 : i32 to vector<16xi32>
    %min3A_809 = arith.minui %sub3A_806, %min3A_808 : vector<16xi32>
    %swap3A_810 = arith.constant 2 : i32
    %swap3A_811 = arith.index_cast %swap3A_810 : i32 to index
    %swap3A_812 = arith.constant 16 : index
    %swap3A_813 = tpu.vector_load %arg5[%swap3A_811, %swap3A_812] {strides = array<i32>} : memref<5x64xi32, #tpu.memory_space<vmem>>, vector<1x16xi32>,
    %swap3A_814 = vector.shape_cast %swap3A_813 : vector<1x16xi32> to vector<16xi32>
    %swap3A_815 = vector.shape_cast %min3A_809 : vector<16xi32> to vector<1x16xi32>
    tpu.vector_store %arg5[%swap3A_811, %swap3A_812], %swap3A_815 {strides = array<i32>} : memref<5x64xi32, #tpu.memory_space<vmem>>, vector<1x16xi32>,
    %get3A_816 = arith.constant 2 : i32
    %get3A_817 = arith.index_cast %get3A_816 : i32 to index
    %get3A_818 = arith.constant 32 : index
    %get3A_819 = tpu.vector_load %arg5[%get3A_817, %get3A_818] {strides = array<i32>} : memref<5x64xi32, #tpu.memory_space<vmem>>, vector<1x16xi32>,
    %get3A_820 = vector.shape_cast %get3A_819 : vector<1x16xi32> to vector<16xi32>
    %sub3A_821 = arith.subi %get3A_820, %broadcast_in_dim3A_785 : vector<16xi32>
    %min3A_822 = arith.constant 5000 : i32
    %min3A_823 = vector.broadcast %min3A_822 : i32 to vector<16xi32>
    %min3A_824 = arith.minui %sub3A_821, %min3A_823 : vector<16xi32>
    %swap3A_825 = arith.constant 2 : i32
    %swap3A_826 = arith.index_cast %swap3A_825 : i32 to index
    %swap3A_827 = arith.constant 32 : index
    %swap3A_828 = tpu.vector_load %arg5[%swap3A_826, %swap3A_827] {strides = array<i32>} : memref<5x64xi32, #tpu.memory_space<vmem>>, vector<1x16xi32>,
    %swap3A_829 = vector.shape_cast %swap3A_828 : vector<1x16xi32> to vector<16xi32>
    %swap3A_830 = vector.shape_cast %min3A_824 : vector<16xi32> to vector<1x16xi32>
    tpu.vector_store %arg5[%swap3A_826, %swap3A_827], %swap3A_830 {strides = array<i32>} : memref<5x64xi32, #tpu.memory_space<vmem>>, vector<1x16xi32>,
    %get3A_831 = arith.constant 2 : i32
    %get3A_832 = arith.index_cast %get3A_831 : i32 to index
    %get3A_833 = arith.constant 48 : index
    %get3A_834 = tpu.vector_load %arg5[%get3A_832, %get3A_833] {strides = array<i32>} : memref<5x64xi32, #tpu.memory_space<vmem>>, vector<1x16xi32>,
    %get3A_835 = vector.shape_cast %get3A_834 : vector<1x16xi32> to vector<16xi32>
    %sub3A_836 = arith.subi %get3A_835, %broadcast_in_dim3A_785 : vector<16xi32>
    %min3A_837 = arith.constant 5000 : i32
    %min3A_838 = vector.broadcast %min3A_837 : i32 to vector<16xi32>
    %min3A_839 = arith.minui %sub3A_836, %min3A_838 : vector<16xi32>
    %swap3A_840 = arith.constant 2 : i32
    %swap3A_841 = arith.index_cast %swap3A_840 : i32 to index
    %swap3A_842 = arith.constant 48 : index
    %swap3A_843 = tpu.vector_load %arg5[%swap3A_841, %swap3A_842] {strides = array<i32>} : memref<5x64xi32, #tpu.memory_space<vmem>>, vector<1x16xi32>,
    %swap3A_844 = vector.shape_cast %swap3A_843 : vector<1x16xi32> to vector<16xi32>
    %swap3A_845 = vector.shape_cast %min3A_839 : vector<16xi32> to vector<1x16xi32>
    tpu.vector_store %arg5[%swap3A_841, %swap3A_842], %swap3A_845 {strides = array<i32>} : memref<5x64xi32, #tpu.memory_space<vmem>>, vector<1x16xi32>,
    %dma_start3A_846 = arith.constant 2 : i32
    %dma_start3A_847 = arith.constant 2 : i32
    %dma_start3A_848 = arith.constant 2 : i32
    %dma_start3A_849 = arith.constant 0 : i32
    %dma_start3A_850 = arith.constant 0 : i32
    %dma_start3A_851 = tpu.memref_slice %arg6[%dma_start3A_846, %dma_start3A_849, %dma_start3A_850] : memref<5x64x128xf32, #tpu.memory_space<vmem>> -> memref<1x64x128xf32, #tpu.memory_space<vmem>>
    %dma_start3A_852 = tpu.memref_squeeze %dma_start3A_851 : memref<1x64x128xf32, #tpu.memory_space<vmem>> -> memref<64x128xf32, #tpu.memory_space<vmem>>
    %dma_start3A_853 = arith.constant 0 : i32
    %dma_start3A_854 = tpu.memref_slice %arg5[%dma_start3A_847, %dma_start3A_853] : memref<5x64xi32, #tpu.memory_space<vmem>> -> memref<1x64xi32, #tpu.memory_space<vmem>>
    %dma_start3A_855 = tpu.memref_squeeze %dma_start3A_854 : memref<1x64xi32, #tpu.memory_space<vmem>> -> memref<64xi32, #tpu.memory_space<vmem>>
    %dma_start3A_856 = arith.constant 0 : i32
    %dma_start3A_857 = arith.constant 0 : i32
    %dma_start3A_858 = tpu.memref_slice %arg10[%dma_start3A_856, %dma_start3A_857] : memref<5008x128xf32, #tpu.memory_space<vmem_shared>> -> memref<5008x128xf32, #tpu.memory_space<vmem_shared>>
    %dma_start3A_859 = tpu.memref_slice %arg13[%dma_start3A_848] : memref<5x!tpu.dma_semaphore, #tpu.memory_space<semaphore_mem>> -> memref<1x!tpu.dma_semaphore, #tpu.memory_space<semaphore_mem>>
    %dma_start3A_860 = tpu.memref_squeeze %dma_start3A_859 : memref<1x!tpu.dma_semaphore, #tpu.memory_space<semaphore_mem>> -> memref<!tpu.dma_semaphore, #tpu.memory_space<semaphore_mem>>
    tpu.enqueue_indirect_dma source(%dma_start3A_852 : memref<64x128xf32, #tpu.memory_space<vmem>>) target(%dma_start3A_858 : memref<5008x128xf32, #tpu.memory_space<vmem_shared>>) offsets(%dma_start3A_855 : memref<64xi32, #tpu.memory_space<vmem>>) semaphore(%dma_start3A_860 : memref<!tpu.dma_semaphore, #tpu.memory_space<semaphore_mem>>) {add = true}
    %dma_wait3A_861 = arith.constant 2 : i32
    %dma_wait3A_862 = arith.constant 2 : i32
    %dma_wait3A_863 = arith.constant 2 : i32
    %dma_wait3A_864 = arith.constant 0 : i32
    %dma_wait3A_865 = arith.constant 0 : i32
    %dma_wait3A_866 = tpu.memref_slice %arg6[%dma_wait3A_861, %dma_wait3A_864, %dma_wait3A_865] : memref<5x64x128xf32, #tpu.memory_space<vmem>> -> memref<1x64x128xf32, #tpu.memory_space<vmem>>
    %dma_wait3A_867 = tpu.memref_squeeze %dma_wait3A_866 : memref<1x64x128xf32, #tpu.memory_space<vmem>> -> memref<64x128xf32, #tpu.memory_space<vmem>>
    %dma_wait3A_868 = arith.constant 0 : i32
    %dma_wait3A_869 = tpu.memref_slice %arg5[%dma_wait3A_862, %dma_wait3A_868] : memref<5x64xi32, #tpu.memory_space<vmem>> -> memref<1x64xi32, #tpu.memory_space<vmem>>
    %dma_wait3A_870 = tpu.memref_squeeze %dma_wait3A_869 : memref<1x64xi32, #tpu.memory_space<vmem>> -> memref<64xi32, #tpu.memory_space<vmem>>
    %dma_wait3A_871 = arith.constant 0 : i32
    %dma_wait3A_872 = arith.constant 0 : i32
    %dma_wait3A_873 = tpu.memref_slice %arg10[%dma_wait3A_871, %dma_wait3A_872] : memref<5008x128xf32, #tpu.memory_space<vmem_shared>> -> memref<5008x128xf32, #tpu.memory_space<vmem_shared>>
    %dma_wait3A_874 = tpu.memref_slice %arg13[%dma_wait3A_863] : memref<5x!tpu.dma_semaphore, #tpu.memory_space<semaphore_mem>> -> memref<1x!tpu.dma_semaphore, #tpu.memory_space<semaphore_mem>>
    %dma_wait3A_875 = tpu.memref_squeeze %dma_wait3A_874 : memref<1x!tpu.dma_semaphore, #tpu.memory_space<semaphore_mem>> -> memref<!tpu.dma_semaphore, #tpu.memory_space<semaphore_mem>>
    tpu.wait_indirect_dma semaphore(%dma_wait3A_875 : memref<!tpu.dma_semaphore, #tpu.memory_space<semaphore_mem>>) src(%dma_wait3A_867 : memref<64x128xf32, #tpu.memory_space<vmem>>) dst(%dma_wait3A_873 : memref<5008x128xf32, #tpu.memory_space<vmem_shared>>)
    %sub3A_876 = arith.constant 1 : i32
    %sub3A_877 = arith.subi %sub3A_216, %sub3A_876 : i32
    %min3A_878 = arith.constant 7 : i32
    %min3A_879 = arith.minsi %min3A_878, %sub3A_877 : i32
    %add3A_880 = arith.addi %add3A_187, %min3A_879 : i32
    %max3A_881 = arith.constant 0 : i32
    %max3A_882 = arith.maxsi %add3A_880, %max3A_881 : i32
    %mul3A_883 = arith.constant 64 : i32
    %mul3A_884 = arith.muli %max3A_882, %mul3A_883 : i32
    %dma_start3A_885 = arith.constant 2 : i32
    %dma_start3A_886 = arith.constant 2 : i32
    %dma_start3A_887 = arith.constant 0 : i32
    %dma_start3A_888 = tpu.memref_slice %arg5[%dma_start3A_885, %dma_start3A_887] : memref<5x64xi32, #tpu.memory_space<vmem>> -> memref<1x64xi32, #tpu.memory_space<vmem>>
    %dma_start3A_889 = tpu.memref_squeeze %dma_start3A_888 : memref<1x64xi32, #tpu.memory_space<vmem>> -> memref<64xi32, #tpu.memory_space<vmem>>
    %dma_start3A_890 = tpu.memref_slice %arg3[%mul3A_884] : memref<320000xi32, #tpu.memory_space<hbm>> -> memref<64xi32, #tpu.memory_space<hbm>>
    %dma_start3A_891 = tpu.memref_slice %arg12[%dma_start3A_886] : memref<5x!tpu.dma_semaphore, #tpu.memory_space<semaphore_mem>> -> memref<1x!tpu.dma_semaphore, #tpu.memory_space<semaphore_mem>>
    %dma_start3A_892 = tpu.memref_squeeze %dma_start3A_891 : memref<1x!tpu.dma_semaphore, #tpu.memory_space<semaphore_mem>> -> memref<!tpu.dma_semaphore, #tpu.memory_space<semaphore_mem>>
    %dma_start3A_893 = arith.constant 0 : i32
    %dma_start3A_894 = tpu.memref_slice %arg5[%dma_start3A_885, %dma_start3A_893] : memref<5x64xi32, #tpu.memory_space<vmem>> -> memref<1x64xi32, #tpu.memory_space<vmem>>
    %dma_start3A_895 = tpu.memref_squeeze %dma_start3A_894 : memref<1x64xi32, #tpu.memory_space<vmem>> -> memref<64xi32, #tpu.memory_space<vmem>>
    %dma_start3A_896 = tpu.memref_slice %arg3[%mul3A_884] : memref<320000xi32, #tpu.memory_space<hbm>> -> memref<64xi32, #tpu.memory_space<hbm>>
    tpu.enqueue_dma source(%dma_start3A_896 : memref<64xi32, #tpu.memory_space<hbm>>) target(%dma_start3A_895 : memref<64xi32, #tpu.memory_space<vmem>>) target_semaphore(%dma_start3A_892 : memref<!tpu.dma_semaphore, #tpu.memory_space<semaphore_mem>>)
    %mul3A_897 = arith.constant 64 : i32
    %mul3A_898 = arith.muli %max3A_882, %mul3A_897 : i32
    %dma_start3A_899 = arith.constant 2 : i32
    %dma_start3A_900 = arith.constant 2 : i32
    %dma_start3A_901 = arith.constant 0 : i32
    %dma_start3A_902 = arith.constant 0 : i32
    %dma_start3A_903 = tpu.memref_slice %arg6[%dma_start3A_899, %dma_start3A_901, %dma_start3A_902] : memref<5x64x128xf32, #tpu.memory_space<vmem>> -> memref<1x64x128xf32, #tpu.memory_space<vmem>>
    %dma_start3A_904 = tpu.memref_squeeze %dma_start3A_903 : memref<1x64x128xf32, #tpu.memory_space<vmem>> -> memref<64x128xf32, #tpu.memory_space<vmem>>
    %dma_start3A_905 = arith.constant 0 : i32
    %dma_start3A_906 = tpu.memref_slice %arg2[%mul3A_898, %dma_start3A_905] : memref<320000x128xf32, #tpu.memory_space<hbm>> -> memref<64x128xf32, #tpu.memory_space<hbm>>
    %dma_start3A_907 = tpu.memref_slice %arg12[%dma_start3A_900] : memref<5x!tpu.dma_semaphore, #tpu.memory_space<semaphore_mem>> -> memref<1x!tpu.dma_semaphore, #tpu.memory_space<semaphore_mem>>
    %dma_start3A_908 = tpu.memref_squeeze %dma_start3A_907 : memref<1x!tpu.dma_semaphore, #tpu.memory_space<semaphore_mem>> -> memref<!tpu.dma_semaphore, #tpu.memory_space<semaphore_mem>>
    %dma_start3A_909 = arith.constant 0 : i32
    %dma_start3A_910 = arith.constant 0 : i32
    %dma_start3A_911 = tpu.memref_slice %arg6[%dma_start3A_899, %dma_start3A_909, %dma_start3A_910] : memref<5x64x128xf32, #tpu.memory_space<vmem>> -> memref<1x64x128xf32, #tpu.memory_space<vmem>>
    %dma_start3A_912 = tpu.memref_squeeze %dma_start3A_911 : memref<1x64x128xf32, #tpu.memory_space<vmem>> -> memref<64x128xf32, #tpu.memory_space<vmem>>
    %dma_start3A_913 = arith.constant 0 : i32
    %dma_start3A_914 = tpu.memref_slice %arg2[%mul3A_898, %dma_start3A_913] : memref<320000x128xf32, #tpu.memory_space<hbm>> -> memref<64x128xf32, #tpu.memory_space<hbm>>
    tpu.enqueue_dma source(%dma_start3A_914 : memref<64x128xf32, #tpu.memory_space<hbm>>) target(%dma_start3A_912 : memref<64x128xf32, #tpu.memory_space<vmem>>) target_semaphore(%dma_start3A_908 : memref<!tpu.dma_semaphore, #tpu.memory_space<semaphore_mem>>)
    %dma_wait3A_915 = arith.constant 3 : i32
    %dma_wait3A_916 = arith.constant 3 : i32
    %dma_wait3A_917 = arith.constant 0 : i32
    %dma_wait3A_918 = tpu.memref_slice %arg5[%dma_wait3A_915, %dma_wait3A_917] : memref<5x64xi32, #tpu.memory_space<vmem>> -> memref<1x64xi32, #tpu.memory_space<vmem>>
    %dma_wait3A_919 = tpu.memref_squeeze %dma_wait3A_918 : memref<1x64xi32, #tpu.memory_space<vmem>> -> memref<64xi32, #tpu.memory_space<vmem>>
    %dma_wait3A_920 = arith.constant 0 : i32
    %dma_wait3A_921 = tpu.memref_slice %arg3[%dma_wait3A_920] : memref<320000xi32, #tpu.memory_space<hbm>> -> memref<64xi32, #tpu.memory_space<hbm>>
    %dma_wait3A_922 = tpu.memref_slice %arg12[%dma_wait3A_916] : memref<5x!tpu.dma_semaphore, #tpu.memory_space<semaphore_mem>> -> memref<1x!tpu.dma_semaphore, #tpu.memory_space<semaphore_mem>>
    %dma_wait3A_923 = tpu.memref_squeeze %dma_wait3A_922 : memref<1x!tpu.dma_semaphore, #tpu.memory_space<semaphore_mem>> -> memref<!tpu.dma_semaphore, #tpu.memory_space<semaphore_mem>>
    %dma_wait3A_924 = arith.constant 0 : i32
    %dma_wait3A_925 = tpu.memref_slice %arg5[%dma_wait3A_915, %dma_wait3A_924] : memref<5x64xi32, #tpu.memory_space<vmem>> -> memref<1x64xi32, #tpu.memory_space<vmem>>
    %dma_wait3A_926 = tpu.memref_squeeze %dma_wait3A_925 : memref<1x64xi32, #tpu.memory_space<vmem>> -> memref<64xi32, #tpu.memory_space<vmem>>
    %dma_wait3A_927 = arith.constant 0 : i32
    %dma_wait3A_928 = tpu.memref_slice %arg3[%dma_wait3A_927] : memref<320000xi32, #tpu.memory_space<hbm>> -> memref<64xi32, #tpu.memory_space<hbm>>
    tpu.wait_dma2 semaphore(%dma_wait3A_923 : memref<!tpu.dma_semaphore, #tpu.memory_space<semaphore_mem>>) src(%dma_wait3A_928 : memref<64xi32, #tpu.memory_space<hbm>>) dst(%dma_wait3A_926 : memref<64xi32, #tpu.memory_space<vmem>>)
    %dma_wait3A_929 = arith.constant 3 : i32
    %dma_wait3A_930 = arith.constant 3 : i32
    %dma_wait3A_931 = arith.constant 0 : i32
    %dma_wait3A_932 = arith.constant 0 : i32
    %dma_wait3A_933 = tpu.memref_slice %arg6[%dma_wait3A_929, %dma_wait3A_931, %dma_wait3A_932] : memref<5x64x128xf32, #tpu.memory_space<vmem>> -> memref<1x64x128xf32, #tpu.memory_space<vmem>>
    %dma_wait3A_934 = tpu.memref_squeeze %dma_wait3A_933 : memref<1x64x128xf32, #tpu.memory_space<vmem>> -> memref<64x128xf32, #tpu.memory_space<vmem>>
    %dma_wait3A_935 = arith.constant 0 : i32
    %dma_wait3A_936 = arith.constant 0 : i32
    %dma_wait3A_937 = tpu.memref_slice %arg2[%dma_wait3A_935, %dma_wait3A_936] : memref<320000x128xf32, #tpu.memory_space<hbm>> -> memref<64x128xf32, #tpu.memory_space<hbm>>
    %dma_wait3A_938 = tpu.memref_slice %arg12[%dma_wait3A_930] : memref<5x!tpu.dma_semaphore, #tpu.memory_space<semaphore_mem>> -> memref<1x!tpu.dma_semaphore, #tpu.memory_space<semaphore_mem>>
    %dma_wait3A_939 = tpu.memref_squeeze %dma_wait3A_938 : memref<1x!tpu.dma_semaphore, #tpu.memory_space<semaphore_mem>> -> memref<!tpu.dma_semaphore, #tpu.memory_space<semaphore_mem>>
    %dma_wait3A_940 = arith.constant 0 : i32
    %dma_wait3A_941 = arith.constant 0 : i32
    %dma_wait3A_942 = tpu.memref_slice %arg6[%dma_wait3A_929, %dma_wait3A_940, %dma_wait3A_941] : memref<5x64x128xf32, #tpu.memory_space<vmem>> -> memref<1x64x128xf32, #tpu.memory_space<vmem>>
    %dma_wait3A_943 = tpu.memref_squeeze %dma_wait3A_942 : memref<1x64x128xf32, #tpu.memory_space<vmem>> -> memref<64x128xf32, #tpu.memory_space<vmem>>
    %dma_wait3A_944 = arith.constant 0 : i32
    %dma_wait3A_945 = arith.constant 0 : i32
    %dma_wait3A_946 = tpu.memref_slice %arg2[%dma_wait3A_944, %dma_wait3A_945] : memref<320000x128xf32, #tpu.memory_space<hbm>> -> memref<64x128xf32, #tpu.memory_space<hbm>>
    tpu.wait_dma2 semaphore(%dma_wait3A_939 : memref<!tpu.dma_semaphore, #tpu.memory_space<semaphore_mem>>) src(%dma_wait3A_946 : memref<64x128xf32, #tpu.memory_space<hbm>>) dst(%dma_wait3A_943 : memref<64x128xf32, #tpu.memory_space<vmem>>)
    %gt3A_947 = arith.constant 3 : i32
    %gt3A_948 = arith.cmpi sgt, %sub3A_216, %gt3A_947 : i32
    %jit3A_949 = arith.constant 0 : i32
    %jit3A_950 = arith.constant 10000 : i32
    %select_n3A_951 = arith.select %gt3A_948, %jit3A_949, %jit3A_950 : i32
    %sub3A_952 = arith.subi %mul3A_218, %select_n3A_951 : i32
    %broadcast_in_dim3A_953 = vector.broadcast %sub3A_952 : i32 to vector<16xi32>
    %get3A_954 = arith.constant 3 : i32
    %get3A_955 = arith.index_cast %get3A_954 : i32 to index
    %get3A_956 = arith.constant 0 : index
    %get3A_957 = tpu.vector_load %arg5[%get3A_955, %get3A_956] {strides = array<i32>} : memref<5x64xi32, #tpu.memory_space<vmem>>, vector<1x16xi32>,
    %get3A_958 = vector.shape_cast %get3A_957 : vector<1x16xi32> to vector<16xi32>
    %sub3A_959 = arith.subi %get3A_958, %broadcast_in_dim3A_953 : vector<16xi32>
    %min3A_960 = arith.constant 5000 : i32
    %min3A_961 = vector.broadcast %min3A_960 : i32 to vector<16xi32>
    %min3A_962 = arith.minui %sub3A_959, %min3A_961 : vector<16xi32>
    %swap3A_963 = arith.constant 3 : i32
    %swap3A_964 = arith.index_cast %swap3A_963 : i32 to index
    %swap3A_965 = arith.constant 0 : index
    %swap3A_966 = tpu.vector_load %arg5[%swap3A_964, %swap3A_965] {strides = array<i32>} : memref<5x64xi32, #tpu.memory_space<vmem>>, vector<1x16xi32>,
    %swap3A_967 = vector.shape_cast %swap3A_966 : vector<1x16xi32> to vector<16xi32>
    %swap3A_968 = vector.shape_cast %min3A_962 : vector<16xi32> to vector<1x16xi32>
    tpu.vector_store %arg5[%swap3A_964, %swap3A_965], %swap3A_968 {strides = array<i32>} : memref<5x64xi32, #tpu.memory_space<vmem>>, vector<1x16xi32>,
    %get3A_969 = arith.constant 3 : i32
    %get3A_970 = arith.index_cast %get3A_969 : i32 to index
    %get3A_971 = arith.constant 16 : index
    %get3A_972 = tpu.vector_load %arg5[%get3A_970, %get3A_971] {strides = array<i32>} : memref<5x64xi32, #tpu.memory_space<vmem>>, vector<1x16xi32>,
    %get3A_973 = vector.shape_cast %get3A_972 : vector<1x16xi32> to vector<16xi32>
    %sub3A_974 = arith.subi %get3A_973, %broadcast_in_dim3A_953 : vector<16xi32>
    %min3A_975 = arith.constant 5000 : i32
    %min3A_976 = vector.broadcast %min3A_975 : i32 to vector<16xi32>
    %min3A_977 = arith.minui %sub3A_974, %min3A_976 : vector<16xi32>
    %swap3A_978 = arith.constant 3 : i32
    %swap3A_979 = arith.index_cast %swap3A_978 : i32 to index
    %swap3A_980 = arith.constant 16 : index
    %swap3A_981 = tpu.vector_load %arg5[%swap3A_979, %swap3A_980] {strides = array<i32>} : memref<5x64xi32, #tpu.memory_space<vmem>>, vector<1x16xi32>,
    %swap3A_982 = vector.shape_cast %swap3A_981 : vector<1x16xi32> to vector<16xi32>
    %swap3A_983 = vector.shape_cast %min3A_977 : vector<16xi32> to vector<1x16xi32>
    tpu.vector_store %arg5[%swap3A_979, %swap3A_980], %swap3A_983 {strides = array<i32>} : memref<5x64xi32, #tpu.memory_space<vmem>>, vector<1x16xi32>,
    %get3A_984 = arith.constant 3 : i32
    %get3A_985 = arith.index_cast %get3A_984 : i32 to index
    %get3A_986 = arith.constant 32 : index
    %get3A_987 = tpu.vector_load %arg5[%get3A_985, %get3A_986] {strides = array<i32>} : memref<5x64xi32, #tpu.memory_space<vmem>>, vector<1x16xi32>,
    %get3A_988 = vector.shape_cast %get3A_987 : vector<1x16xi32> to vector<16xi32>
    %sub3A_989 = arith.subi %get3A_988, %broadcast_in_dim3A_953 : vector<16xi32>
    %min3A_990 = arith.constant 5000 : i32
    %min3A_991 = vector.broadcast %min3A_990 : i32 to vector<16xi32>
    %min3A_992 = arith.minui %sub3A_989, %min3A_991 : vector<16xi32>
    %swap3A_993 = arith.constant 3 : i32
    %swap3A_994 = arith.index_cast %swap3A_993 : i32 to index
    %swap3A_995 = arith.constant 32 : index
    %swap3A_996 = tpu.vector_load %arg5[%swap3A_994, %swap3A_995] {strides = array<i32>} : memref<5x64xi32, #tpu.memory_space<vmem>>, vector<1x16xi32>,
    %swap3A_997 = vector.shape_cast %swap3A_996 : vector<1x16xi32> to vector<16xi32>
    %swap3A_998 = vector.shape_cast %min3A_992 : vector<16xi32> to vector<1x16xi32>
    tpu.vector_store %arg5[%swap3A_994, %swap3A_995], %swap3A_998 {strides = array<i32>} : memref<5x64xi32, #tpu.memory_space<vmem>>, vector<1x16xi32>,
    %get3A_999 = arith.constant 3 : i32
    %get3A_1000 = arith.index_cast %get3A_999 : i32 to index
    %get3A_1001 = arith.constant 48 : index
    %get3A_1002 = tpu.vector_load %arg5[%get3A_1000, %get3A_1001] {strides = array<i32>} : memref<5x64xi32, #tpu.memory_space<vmem>>, vector<1x16xi32>,
    %get3A_1003 = vector.shape_cast %get3A_1002 : vector<1x16xi32> to vector<16xi32>
    %sub3A_1004 = arith.subi %get3A_1003, %broadcast_in_dim3A_953 : vector<16xi32>
    %min3A_1005 = arith.constant 5000 : i32
    %min3A_1006 = vector.broadcast %min3A_1005 : i32 to vector<16xi32>
    %min3A_1007 = arith.minui %sub3A_1004, %min3A_1006 : vector<16xi32>
    %swap3A_1008 = arith.constant 3 : i32
    %swap3A_1009 = arith.index_cast %swap3A_1008 : i32 to index
    %swap3A_1010 = arith.constant 48 : index
    %swap3A_1011 = tpu.vector_load %arg5[%swap3A_1009, %swap3A_1010] {strides = array<i32>} : memref<5x64xi32, #tpu.memory_space<vmem>>, vector<1x16xi32>,
    %swap3A_1012 = vector.shape_cast %swap3A_1011 : vector<1x16xi32> to vector<16xi32>
    %swap3A_1013 = vector.shape_cast %min3A_1007 : vector<16xi32> to vector<1x16xi32>
    tpu.vector_store %arg5[%swap3A_1009, %swap3A_1010], %swap3A_1013 {strides = array<i32>} : memref<5x64xi32, #tpu.memory_space<vmem>>, vector<1x16xi32>,
    %dma_start3A_1014 = arith.constant 3 : i32
    %dma_start3A_1015 = arith.constant 3 : i32
    %dma_start3A_1016 = arith.constant 3 : i32
    %dma_start3A_1017 = arith.constant 0 : i32
    %dma_start3A_1018 = arith.constant 0 : i32
    %dma_start3A_1019 = tpu.memref_slice %arg6[%dma_start3A_1014, %dma_start3A_1017, %dma_start3A_1018] : memref<5x64x128xf32, #tpu.memory_space<vmem>> -> memref<1x64x128xf32, #tpu.memory_space<vmem>>
    %dma_start3A_1020 = tpu.memref_squeeze %dma_start3A_1019 : memref<1x64x128xf32, #tpu.memory_space<vmem>> -> memref<64x128xf32, #tpu.memory_space<vmem>>
    %dma_start3A_1021 = arith.constant 0 : i32
    %dma_start3A_1022 = tpu.memref_slice %arg5[%dma_start3A_1015, %dma_start3A_1021] : memref<5x64xi32, #tpu.memory_space<vmem>> -> memref<1x64xi32, #tpu.memory_space<vmem>>
    %dma_start3A_1023 = tpu.memref_squeeze %dma_start3A_1022 : memref<1x64xi32, #tpu.memory_space<vmem>> -> memref<64xi32, #tpu.memory_space<vmem>>
    %dma_start3A_1024 = arith.constant 0 : i32
    %dma_start3A_1025 = arith.constant 0 : i32
    %dma_start3A_1026 = tpu.memref_slice %arg10[%dma_start3A_1024, %dma_start3A_1025] : memref<5008x128xf32, #tpu.memory_space<vmem_shared>> -> memref<5008x128xf32, #tpu.memory_space<vmem_shared>>
    %dma_start3A_1027 = tpu.memref_slice %arg13[%dma_start3A_1016] : memref<5x!tpu.dma_semaphore, #tpu.memory_space<semaphore_mem>> -> memref<1x!tpu.dma_semaphore, #tpu.memory_space<semaphore_mem>>
    %dma_start3A_1028 = tpu.memref_squeeze %dma_start3A_1027 : memref<1x!tpu.dma_semaphore, #tpu.memory_space<semaphore_mem>> -> memref<!tpu.dma_semaphore, #tpu.memory_space<semaphore_mem>>
    tpu.enqueue_indirect_dma source(%dma_start3A_1020 : memref<64x128xf32, #tpu.memory_space<vmem>>) target(%dma_start3A_1026 : memref<5008x128xf32, #tpu.memory_space<vmem_shared>>) offsets(%dma_start3A_1023 : memref<64xi32, #tpu.memory_space<vmem>>) semaphore(%dma_start3A_1028 : memref<!tpu.dma_semaphore, #tpu.memory_space<semaphore_mem>>) {add = true}
    %dma_wait3A_1029 = arith.constant 3 : i32
    %dma_wait3A_1030 = arith.constant 3 : i32
    %dma_wait3A_1031 = arith.constant 3 : i32
    %dma_wait3A_1032 = arith.constant 0 : i32
    %dma_wait3A_1033 = arith.constant 0 : i32
    %dma_wait3A_1034 = tpu.memref_slice %arg6[%dma_wait3A_1029, %dma_wait3A_1032, %dma_wait3A_1033] : memref<5x64x128xf32, #tpu.memory_space<vmem>> -> memref<1x64x128xf32, #tpu.memory_space<vmem>>
    %dma_wait3A_1035 = tpu.memref_squeeze %dma_wait3A_1034 : memref<1x64x128xf32, #tpu.memory_space<vmem>> -> memref<64x128xf32, #tpu.memory_space<vmem>>
    %dma_wait3A_1036 = arith.constant 0 : i32
    %dma_wait3A_1037 = tpu.memref_slice %arg5[%dma_wait3A_1030, %dma_wait3A_1036] : memref<5x64xi32, #tpu.memory_space<vmem>> -> memref<1x64xi32, #tpu.memory_space<vmem>>
    %dma_wait3A_1038 = tpu.memref_squeeze %dma_wait3A_1037 : memref<1x64xi32, #tpu.memory_space<vmem>> -> memref<64xi32, #tpu.memory_space<vmem>>
    %dma_wait3A_1039 = arith.constant 0 : i32
    %dma_wait3A_1040 = arith.constant 0 : i32
    %dma_wait3A_1041 = tpu.memref_slice %arg10[%dma_wait3A_1039, %dma_wait3A_1040] : memref<5008x128xf32, #tpu.memory_space<vmem_shared>> -> memref<5008x128xf32, #tpu.memory_space<vmem_shared>>
    %dma_wait3A_1042 = tpu.memref_slice %arg13[%dma_wait3A_1031] : memref<5x!tpu.dma_semaphore, #tpu.memory_space<semaphore_mem>> -> memref<1x!tpu.dma_semaphore, #tpu.memory_space<semaphore_mem>>
    %dma_wait3A_1043 = tpu.memref_squeeze %dma_wait3A_1042 : memref<1x!tpu.dma_semaphore, #tpu.memory_space<semaphore_mem>> -> memref<!tpu.dma_semaphore, #tpu.memory_space<semaphore_mem>>
    tpu.wait_indirect_dma semaphore(%dma_wait3A_1043 : memref<!tpu.dma_semaphore, #tpu.memory_space<semaphore_mem>>) src(%dma_wait3A_1035 : memref<64x128xf32, #tpu.memory_space<vmem>>) dst(%dma_wait3A_1041 : memref<5008x128xf32, #tpu.memory_space<vmem_shared>>)
    %sub3A_1044 = arith.constant 1 : i32
    %sub3A_1045 = arith.subi %sub3A_216, %sub3A_1044 : i32
    %min3A_1046 = arith.constant 8 : i32
    %min3A_1047 = arith.minsi %min3A_1046, %sub3A_1045 : i32
    %add3A_1048 = arith.addi %add3A_187, %min3A_1047 : i32
    %max3A_1049 = arith.constant 0 : i32
    %max3A_1050 = arith.maxsi %add3A_1048, %max3A_1049 : i32
    %mul3A_1051 = arith.constant 64 : i32
    %mul3A_1052 = arith.muli %max3A_1050, %mul3A_1051 : i32
    %dma_start3A_1053 = arith.constant 3 : i32
    %dma_start3A_1054 = arith.constant 3 : i32
    %dma_start3A_1055 = arith.constant 0 : i32
    %dma_start3A_1056 = tpu.memref_slice %arg5[%dma_start3A_1053, %dma_start3A_1055] : memref<5x64xi32, #tpu.memory_space<vmem>> -> memref<1x64xi32, #tpu.memory_space<vmem>>
    %dma_start3A_1057 = tpu.memref_squeeze %dma_start3A_1056 : memref<1x64xi32, #tpu.memory_space<vmem>> -> memref<64xi32, #tpu.memory_space<vmem>>
    %dma_start3A_1058 = tpu.memref_slice %arg3[%mul3A_1052] : memref<320000xi32, #tpu.memory_space<hbm>> -> memref<64xi32, #tpu.memory_space<hbm>>
    %dma_start3A_1059 = tpu.memref_slice %arg12[%dma_start3A_1054] : memref<5x!tpu.dma_semaphore, #tpu.memory_space<semaphore_mem>> -> memref<1x!tpu.dma_semaphore, #tpu.memory_space<semaphore_mem>>
    %dma_start3A_1060 = tpu.memref_squeeze %dma_start3A_1059 : memref<1x!tpu.dma_semaphore, #tpu.memory_space<semaphore_mem>> -> memref<!tpu.dma_semaphore, #tpu.memory_space<semaphore_mem>>
    %dma_start3A_1061 = arith.constant 0 : i32
    %dma_start3A_1062 = tpu.memref_slice %arg5[%dma_start3A_1053, %dma_start3A_1061] : memref<5x64xi32, #tpu.memory_space<vmem>> -> memref<1x64xi32, #tpu.memory_space<vmem>>
    %dma_start3A_1063 = tpu.memref_squeeze %dma_start3A_1062 : memref<1x64xi32, #tpu.memory_space<vmem>> -> memref<64xi32, #tpu.memory_space<vmem>>
    %dma_start3A_1064 = tpu.memref_slice %arg3[%mul3A_1052] : memref<320000xi32, #tpu.memory_space<hbm>> -> memref<64xi32, #tpu.memory_space<hbm>>
    tpu.enqueue_dma source(%dma_start3A_1064 : memref<64xi32, #tpu.memory_space<hbm>>) target(%dma_start3A_1063 : memref<64xi32, #tpu.memory_space<vmem>>) target_semaphore(%dma_start3A_1060 : memref<!tpu.dma_semaphore, #tpu.memory_space<semaphore_mem>>)
    %mul3A_1065 = arith.constant 64 : i32
    %mul3A_1066 = arith.muli %max3A_1050, %mul3A_1065 : i32
    %dma_start3A_1067 = arith.constant 3 : i32
    %dma_start3A_1068 = arith.constant 3 : i32
    %dma_start3A_1069 = arith.constant 0 : i32
    %dma_start3A_1070 = arith.constant 0 : i32
    %dma_start3A_1071 = tpu.memref_slice %arg6[%dma_start3A_1067, %dma_start3A_1069, %dma_start3A_1070] : memref<5x64x128xf32, #tpu.memory_space<vmem>> -> memref<1x64x128xf32, #tpu.memory_space<vmem>>
    %dma_start3A_1072 = tpu.memref_squeeze %dma_start3A_1071 : memref<1x64x128xf32, #tpu.memory_space<vmem>> -> memref<64x128xf32, #tpu.memory_space<vmem>>
    %dma_start3A_1073 = arith.constant 0 : i32
    %dma_start3A_1074 = tpu.memref_slice %arg2[%mul3A_1066, %dma_start3A_1073] : memref<320000x128xf32, #tpu.memory_space<hbm>> -> memref<64x128xf32, #tpu.memory_space<hbm>>
    %dma_start3A_1075 = tpu.memref_slice %arg12[%dma_start3A_1068] : memref<5x!tpu.dma_semaphore, #tpu.memory_space<semaphore_mem>> -> memref<1x!tpu.dma_semaphore, #tpu.memory_space<semaphore_mem>>
    %dma_start3A_1076 = tpu.memref_squeeze %dma_start3A_1075 : memref<1x!tpu.dma_semaphore, #tpu.memory_space<semaphore_mem>> -> memref<!tpu.dma_semaphore, #tpu.memory_space<semaphore_mem>>
    %dma_start3A_1077 = arith.constant 0 : i32
    %dma_start3A_1078 = arith.constant 0 : i32
    %dma_start3A_1079 = tpu.memref_slice %arg6[%dma_start3A_1067, %dma_start3A_1077, %dma_start3A_1078] : memref<5x64x128xf32, #tpu.memory_space<vmem>> -> memref<1x64x128xf32, #tpu.memory_space<vmem>>
    %dma_start3A_1080 = tpu.memref_squeeze %dma_start3A_1079 : memref<1x64x128xf32, #tpu.memory_space<vmem>> -> memref<64x128xf32, #tpu.memory_space<vmem>>
    %dma_start3A_1081 = arith.constant 0 : i32
    %dma_start3A_1082 = tpu.memref_slice %arg2[%mul3A_1066, %dma_start3A_1081] : memref<320000x128xf32, #tpu.memory_space<hbm>> -> memref<64x128xf32, #tpu.memory_space<hbm>>
    tpu.enqueue_dma source(%dma_start3A_1082 : memref<64x128xf32, #tpu.memory_space<hbm>>) target(%dma_start3A_1080 : memref<64x128xf32, #tpu.memory_space<vmem>>) target_semaphore(%dma_start3A_1076 : memref<!tpu.dma_semaphore, #tpu.memory_space<semaphore_mem>>)
    %dma_wait3A_1083 = arith.constant 4 : i32
    %dma_wait3A_1084 = arith.constant 4 : i32
    %dma_wait3A_1085 = arith.constant 0 : i32
    %dma_wait3A_1086 = tpu.memref_slice %arg5[%dma_wait3A_1083, %dma_wait3A_1085] : memref<5x64xi32, #tpu.memory_space<vmem>> -> memref<1x64xi32, #tpu.memory_space<vmem>>
    %dma_wait3A_1087 = tpu.memref_squeeze %dma_wait3A_1086 : memref<1x64xi32, #tpu.memory_space<vmem>> -> memref<64xi32, #tpu.memory_space<vmem>>
    %dma_wait3A_1088 = arith.constant 0 : i32
    %dma_wait3A_1089 = tpu.memref_slice %arg3[%dma_wait3A_1088] : memref<320000xi32, #tpu.memory_space<hbm>> -> memref<64xi32, #tpu.memory_space<hbm>>
    %dma_wait3A_1090 = tpu.memref_slice %arg12[%dma_wait3A_1084] : memref<5x!tpu.dma_semaphore, #tpu.memory_space<semaphore_mem>> -> memref<1x!tpu.dma_semaphore, #tpu.memory_space<semaphore_mem>>
    %dma_wait3A_1091 = tpu.memref_squeeze %dma_wait3A_1090 : memref<1x!tpu.dma_semaphore, #tpu.memory_space<semaphore_mem>> -> memref<!tpu.dma_semaphore, #tpu.memory_space<semaphore_mem>>
    %dma_wait3A_1092 = arith.constant 0 : i32
    %dma_wait3A_1093 = tpu.memref_slice %arg5[%dma_wait3A_1083, %dma_wait3A_1092] : memref<5x64xi32, #tpu.memory_space<vmem>> -> memref<1x64xi32, #tpu.memory_space<vmem>>
    %dma_wait3A_1094 = tpu.memref_squeeze %dma_wait3A_1093 : memref<1x64xi32, #tpu.memory_space<vmem>> -> memref<64xi32, #tpu.memory_space<vmem>>
    %dma_wait3A_1095 = arith.constant 0 : i32
    %dma_wait3A_1096 = tpu.memref_slice %arg3[%dma_wait3A_1095] : memref<320000xi32, #tpu.memory_space<hbm>> -> memref<64xi32, #tpu.memory_space<hbm>>
    tpu.wait_dma2 semaphore(%dma_wait3A_1091 : memref<!tpu.dma_semaphore, #tpu.memory_space<semaphore_mem>>) src(%dma_wait3A_1096 : memref<64xi32, #tpu.memory_space<hbm>>) dst(%dma_wait3A_1094 : memref<64xi32, #tpu.memory_space<vmem>>)
    %dma_wait3A_1097 = arith.constant 4 : i32
    %dma_wait3A_1098 = arith.constant 4 : i32
    %dma_wait3A_1099 = arith.constant 0 : i32
    %dma_wait3A_1100 = arith.constant 0 : i32
    %dma_wait3A_1101 = tpu.memref_slice %arg6[%dma_wait3A_1097, %dma_wait3A_1099, %dma_wait3A_1100] : memref<5x64x128xf32, #tpu.memory_space<vmem>> -> memref<1x64x128xf32, #tpu.memory_space<vmem>>
    %dma_wait3A_1102 = tpu.memref_squeeze %dma_wait3A_1101 : memref<1x64x128xf32, #tpu.memory_space<vmem>> -> memref<64x128xf32, #tpu.memory_space<vmem>>
    %dma_wait3A_1103 = arith.constant 0 : i32
    %dma_wait3A_1104 = arith.constant 0 : i32
    %dma_wait3A_1105 = tpu.memref_slice %arg2[%dma_wait3A_1103, %dma_wait3A_1104] : memref<320000x128xf32, #tpu.memory_space<hbm>> -> memref<64x128xf32, #tpu.memory_space<hbm>>
    %dma_wait3A_1106 = tpu.memref_slice %arg12[%dma_wait3A_1098] : memref<5x!tpu.dma_semaphore, #tpu.memory_space<semaphore_mem>> -> memref<1x!tpu.dma_semaphore, #tpu.memory_space<semaphore_mem>>
    %dma_wait3A_1107 = tpu.memref_squeeze %dma_wait3A_1106 : memref<1x!tpu.dma_semaphore, #tpu.memory_space<semaphore_mem>> -> memref<!tpu.dma_semaphore, #tpu.memory_space<semaphore_mem>>
    %dma_wait3A_1108 = arith.constant 0 : i32
    %dma_wait3A_1109 = arith.constant 0 : i32
    %dma_wait3A_1110 = tpu.memref_slice %arg6[%dma_wait3A_1097, %dma_wait3A_1108, %dma_wait3A_1109] : memref<5x64x128xf32, #tpu.memory_space<vmem>> -> memref<1x64x128xf32, #tpu.memory_space<vmem>>
    %dma_wait3A_1111 = tpu.memref_squeeze %dma_wait3A_1110 : memref<1x64x128xf32, #tpu.memory_space<vmem>> -> memref<64x128xf32, #tpu.memory_space<vmem>>
    %dma_wait3A_1112 = arith.constant 0 : i32
    %dma_wait3A_1113 = arith.constant 0 : i32
    %dma_wait3A_1114 = tpu.memref_slice %arg2[%dma_wait3A_1112, %dma_wait3A_1113] : memref<320000x128xf32, #tpu.memory_space<hbm>> -> memref<64x128xf32, #tpu.memory_space<hbm>>
    tpu.wait_dma2 semaphore(%dma_wait3A_1107 : memref<!tpu.dma_semaphore, #tpu.memory_space<semaphore_mem>>) src(%dma_wait3A_1114 : memref<64x128xf32, #tpu.memory_space<hbm>>) dst(%dma_wait3A_1111 : memref<64x128xf32, #tpu.memory_space<vmem>>)
    %gt3A_1115 = arith.constant 4 : i32
    %gt3A_1116 = arith.cmpi sgt, %sub3A_216, %gt3A_1115 : i32
    %jit3A_1117 = arith.constant 0 : i32
    %jit3A_1118 = arith.constant 10000 : i32
    %select_n3A_1119 = arith.select %gt3A_1116, %jit3A_1117, %jit3A_1118 : i32
    %sub3A_1120 = arith.subi %mul3A_218, %select_n3A_1119 : i32
    %broadcast_in_dim3A_1121 = vector.broadcast %sub3A_1120 : i32 to vector<16xi32>
    %get3A_1122 = arith.constant 4 : i32
    %get3A_1123 = arith.index_cast %get3A_1122 : i32 to index
    %get3A_1124 = arith.constant 0 : index
    %get3A_1125 = tpu.vector_load %arg5[%get3A_1123, %get3A_1124] {strides = array<i32>} : memref<5x64xi32, #tpu.memory_space<vmem>>, vector<1x16xi32>,
    %get3A_1126 = vector.shape_cast %get3A_1125 : vector<1x16xi32> to vector<16xi32>
    %sub3A_1127 = arith.subi %get3A_1126, %broadcast_in_dim3A_1121 : vector<16xi32>
    %min3A_1128 = arith.constant 5000 : i32
    %min3A_1129 = vector.broadcast %min3A_1128 : i32 to vector<16xi32>
    %min3A_1130 = arith.minui %sub3A_1127, %min3A_1129 : vector<16xi32>
    %swap3A_1131 = arith.constant 4 : i32
    %swap3A_1132 = arith.index_cast %swap3A_1131 : i32 to index
    %swap3A_1133 = arith.constant 0 : index
    %swap3A_1134 = tpu.vector_load %arg5[%swap3A_1132, %swap3A_1133] {strides = array<i32>} : memref<5x64xi32, #tpu.memory_space<vmem>>, vector<1x16xi32>,
    %swap3A_1135 = vector.shape_cast %swap3A_1134 : vector<1x16xi32> to vector<16xi32>
    %swap3A_1136 = vector.shape_cast %min3A_1130 : vector<16xi32> to vector<1x16xi32>
    tpu.vector_store %arg5[%swap3A_1132, %swap3A_1133], %swap3A_1136 {strides = array<i32>} : memref<5x64xi32, #tpu.memory_space<vmem>>, vector<1x16xi32>,
    %get3A_1137 = arith.constant 4 : i32
    %get3A_1138 = arith.index_cast %get3A_1137 : i32 to index
    %get3A_1139 = arith.constant 16 : index
    %get3A_1140 = tpu.vector_load %arg5[%get3A_1138, %get3A_1139] {strides = array<i32>} : memref<5x64xi32, #tpu.memory_space<vmem>>, vector<1x16xi32>,
    %get3A_1141 = vector.shape_cast %get3A_1140 : vector<1x16xi32> to vector<16xi32>
    %sub3A_1142 = arith.subi %get3A_1141, %broadcast_in_dim3A_1121 : vector<16xi32>
    %min3A_1143 = arith.constant 5000 : i32
    %min3A_1144 = vector.broadcast %min3A_1143 : i32 to vector<16xi32>
    %min3A_1145 = arith.minui %sub3A_1142, %min3A_1144 : vector<16xi32>
    %swap3A_1146 = arith.constant 4 : i32
    %swap3A_1147 = arith.index_cast %swap3A_1146 : i32 to index
    %swap3A_1148 = arith.constant 16 : index
    %swap3A_1149 = tpu.vector_load %arg5[%swap3A_1147, %swap3A_1148] {strides = array<i32>} : memref<5x64xi32, #tpu.memory_space<vmem>>, vector<1x16xi32>,
    %swap3A_1150 = vector.shape_cast %swap3A_1149 : vector<1x16xi32> to vector<16xi32>
    %swap3A_1151 = vector.shape_cast %min3A_1145 : vector<16xi32> to vector<1x16xi32>
    tpu.vector_store %arg5[%swap3A_1147, %swap3A_1148], %swap3A_1151 {strides = array<i32>} : memref<5x64xi32, #tpu.memory_space<vmem>>, vector<1x16xi32>,
    %get3A_1152 = arith.constant 4 : i32
    %get3A_1153 = arith.index_cast %get3A_1152 : i32 to index
    %get3A_1154 = arith.constant 32 : index
    %get3A_1155 = tpu.vector_load %arg5[%get3A_1153, %get3A_1154] {strides = array<i32>} : memref<5x64xi32, #tpu.memory_space<vmem>>, vector<1x16xi32>,
    %get3A_1156 = vector.shape_cast %get3A_1155 : vector<1x16xi32> to vector<16xi32>
    %sub3A_1157 = arith.subi %get3A_1156, %broadcast_in_dim3A_1121 : vector<16xi32>
    %min3A_1158 = arith.constant 5000 : i32
    %min3A_1159 = vector.broadcast %min3A_1158 : i32 to vector<16xi32>
    %min3A_1160 = arith.minui %sub3A_1157, %min3A_1159 : vector<16xi32>
    %swap3A_1161 = arith.constant 4 : i32
    %swap3A_1162 = arith.index_cast %swap3A_1161 : i32 to index
    %swap3A_1163 = arith.constant 32 : index
    %swap3A_1164 = tpu.vector_load %arg5[%swap3A_1162, %swap3A_1163] {strides = array<i32>} : memref<5x64xi32, #tpu.memory_space<vmem>>, vector<1x16xi32>,
    %swap3A_1165 = vector.shape_cast %swap3A_1164 : vector<1x16xi32> to vector<16xi32>
    %swap3A_1166 = vector.shape_cast %min3A_1160 : vector<16xi32> to vector<1x16xi32>
    tpu.vector_store %arg5[%swap3A_1162, %swap3A_1163], %swap3A_1166 {strides = array<i32>} : memref<5x64xi32, #tpu.memory_space<vmem>>, vector<1x16xi32>,
    %get3A_1167 = arith.constant 4 : i32
    %get3A_1168 = arith.index_cast %get3A_1167 : i32 to index
    %get3A_1169 = arith.constant 48 : index
    %get3A_1170 = tpu.vector_load %arg5[%get3A_1168, %get3A_1169] {strides = array<i32>} : memref<5x64xi32, #tpu.memory_space<vmem>>, vector<1x16xi32>,
    %get3A_1171 = vector.shape_cast %get3A_1170 : vector<1x16xi32> to vector<16xi32>
    %sub3A_1172 = arith.subi %get3A_1171, %broadcast_in_dim3A_1121 : vector<16xi32>
    %min3A_1173 = arith.constant 5000 : i32
    %min3A_1174 = vector.broadcast %min3A_1173 : i32 to vector<16xi32>
    %min3A_1175 = arith.minui %sub3A_1172, %min3A_1174 : vector<16xi32>
    %swap3A_1176 = arith.constant 4 : i32
    %swap3A_1177 = arith.index_cast %swap3A_1176 : i32 to index
    %swap3A_1178 = arith.constant 48 : index
    %swap3A_1179 = tpu.vector_load %arg5[%swap3A_1177, %swap3A_1178] {strides = array<i32>} : memref<5x64xi32, #tpu.memory_space<vmem>>, vector<1x16xi32>,
    %swap3A_1180 = vector.shape_cast %swap3A_1179 : vector<1x16xi32> to vector<16xi32>
    %swap3A_1181 = vector.shape_cast %min3A_1175 : vector<16xi32> to vector<1x16xi32>
    tpu.vector_store %arg5[%swap3A_1177, %swap3A_1178], %swap3A_1181 {strides = array<i32>} : memref<5x64xi32, #tpu.memory_space<vmem>>, vector<1x16xi32>,
    %dma_start3A_1182 = arith.constant 4 : i32
    %dma_start3A_1183 = arith.constant 4 : i32
    %dma_start3A_1184 = arith.constant 4 : i32
    %dma_start3A_1185 = arith.constant 0 : i32
    %dma_start3A_1186 = arith.constant 0 : i32
    %dma_start3A_1187 = tpu.memref_slice %arg6[%dma_start3A_1182, %dma_start3A_1185, %dma_start3A_1186] : memref<5x64x128xf32, #tpu.memory_space<vmem>> -> memref<1x64x128xf32, #tpu.memory_space<vmem>>
    %dma_start3A_1188 = tpu.memref_squeeze %dma_start3A_1187 : memref<1x64x128xf32, #tpu.memory_space<vmem>> -> memref<64x128xf32, #tpu.memory_space<vmem>>
    %dma_start3A_1189 = arith.constant 0 : i32
    %dma_start3A_1190 = tpu.memref_slice %arg5[%dma_start3A_1183, %dma_start3A_1189] : memref<5x64xi32, #tpu.memory_space<vmem>> -> memref<1x64xi32, #tpu.memory_space<vmem>>
    %dma_start3A_1191 = tpu.memref_squeeze %dma_start3A_1190 : memref<1x64xi32, #tpu.memory_space<vmem>> -> memref<64xi32, #tpu.memory_space<vmem>>
    %dma_start3A_1192 = arith.constant 0 : i32
    %dma_start3A_1193 = arith.constant 0 : i32
    %dma_start3A_1194 = tpu.memref_slice %arg10[%dma_start3A_1192, %dma_start3A_1193] : memref<5008x128xf32, #tpu.memory_space<vmem_shared>> -> memref<5008x128xf32, #tpu.memory_space<vmem_shared>>
    %dma_start3A_1195 = tpu.memref_slice %arg13[%dma_start3A_1184] : memref<5x!tpu.dma_semaphore, #tpu.memory_space<semaphore_mem>> -> memref<1x!tpu.dma_semaphore, #tpu.memory_space<semaphore_mem>>
    %dma_start3A_1196 = tpu.memref_squeeze %dma_start3A_1195 : memref<1x!tpu.dma_semaphore, #tpu.memory_space<semaphore_mem>> -> memref<!tpu.dma_semaphore, #tpu.memory_space<semaphore_mem>>
    tpu.enqueue_indirect_dma source(%dma_start3A_1188 : memref<64x128xf32, #tpu.memory_space<vmem>>) target(%dma_start3A_1194 : memref<5008x128xf32, #tpu.memory_space<vmem_shared>>) offsets(%dma_start3A_1191 : memref<64xi32, #tpu.memory_space<vmem>>) semaphore(%dma_start3A_1196 : memref<!tpu.dma_semaphore, #tpu.memory_space<semaphore_mem>>) {add = true}
    %add3A_1197 = arith.constant 5 : i32
    %add3A_1198 = arith.addi %sub3A_216, %add3A_1197 : i32
    %sub3A_1199 = arith.constant 1 : i32
    %sub3A_1200 = arith.subi %add3A_1198, %sub3A_1199 : i32
    %jit3A_1201 = arith.constant 5 : i32
    %div3A_1202 = arith.divsi %sub3A_1200, %jit3A_1201 : i32
    %sign3A_1203 = arith.constant 0 : i32
    %sign3A_1204 = arith.cmpi sgt, %sub3A_1200, %sign3A_1203 : i32
    %sign3A_1205 = arith.extui %sign3A_1204 : i1 to i32
    %sign3A_1206 = arith.constant 0 : i32
    %sign3A_1207 = arith.cmpi slt, %sub3A_1200, %sign3A_1206 : i32
    %sign3A_1208 = arith.extui %sign3A_1207 : i1 to i32
    %sign3A_1209 = arith.subi %sign3A_1205, %sign3A_1208 : i32
    %sign3A_1210 = arith.constant 0 : i32
    %sign3A_1211 = arith.cmpi sgt, %jit3A_1201, %sign3A_1210 : i32
    %sign3A_1212 = arith.extui %sign3A_1211 : i1 to i32
    %sign3A_1213 = arith.constant 0 : i32
    %sign3A_1214 = arith.cmpi slt, %jit3A_1201, %sign3A_1213 : i32
    %sign3A_1215 = arith.extui %sign3A_1214 : i1 to i32
    %sign3A_1216 = arith.subi %sign3A_1212, %sign3A_1215 : i32
    %ne3A_1217 = arith.cmpi ne, %sign3A_1209, %sign3A_1216 : i32
    %rem3A_1218 = arith.remsi %sub3A_1200, %jit3A_1201 : i32
    %ne3A_1219 = arith.constant 0 : i32
    %ne3A_1220 = arith.cmpi ne, %rem3A_1218, %ne3A_1219 : i32
    %and3A_1221 = arith.andi %ne3A_1217, %ne3A_1220 : i1
    %sub3A_1222 = arith.constant 1 : i32
    %sub3A_1223 = arith.subi %div3A_1202, %sub3A_1222 : i32
    %select_n3A_1224 = arith.select %and3A_1221, %sub3A_1223, %div3A_1202 : i32
    %max3A_1225 = arith.constant 1 : i32
    %max3A_1226 = arith.maxsi %select_n3A_1224, %max3A_1225 : i32
    %while3A = arith.constant 0 : i32
    %while3A_1227 = arith.constant 1 : i32
    %while3A_1228 = arith.subi %max3A_1226, %while3A_1227 : i32
    %while3A_1229 = arith.addi %while3A_1227, %while3A_1228 : i32
    %while3A_1230 = arith.constant 1 : i32
    %while3A_1231 = arith.divsi %while3A_1228, %while3A_1230 : i32
    %while3A_1232 = arith.muli %while3A_1231, %while3A_1230 : i32
    %while3A_1233 = arith.addi %while3A_1227, %while3A_1232 : i32
    %while3A_1234 = arith.constant 1 : i32
    scf.for %while3A_1388 = %while3A_1227 to %while3A_1233 step %while3A_1234  : i32 {
      %mul3A_1389 = arith.constant 5 : i32
      %mul3A_1390 = arith.muli %while3A_1388, %mul3A_1389 : i32
      %add3A_1391 = arith.constant 0 : i32
      %add3A_1392 = arith.addi %mul3A_1390, %add3A_1391 : i32
      %dma_wait3A_1393 = arith.constant 4 : i32
      %dma_wait3A_1394 = arith.constant 4 : i32
      %dma_wait3A_1395 = arith.constant 4 : i32
      %dma_wait3A_1396 = arith.constant 0 : i32
      %dma_wait3A_1397 = arith.constant 0 : i32
      %dma_wait3A_1398 = tpu.memref_slice %arg6[%dma_wait3A_1393, %dma_wait3A_1396, %dma_wait3A_1397] : memref<5x64x128xf32, #tpu.memory_space<vmem>> -> memref<1x64x128xf32, #tpu.memory_space<vmem>>
      %dma_wait3A_1399 = tpu.memref_squeeze %dma_wait3A_1398 : memref<1x64x128xf32, #tpu.memory_space<vmem>> -> memref<64x128xf32, #tpu.memory_space<vmem>>
      %dma_wait3A_1400 = arith.constant 0 : i32
      %dma_wait3A_1401 = tpu.memref_slice %arg5[%dma_wait3A_1394, %dma_wait3A_1400] : memref<5x64xi32, #tpu.memory_space<vmem>> -> memref<1x64xi32, #tpu.memory_space<vmem>>
      %dma_wait3A_1402 = tpu.memref_squeeze %dma_wait3A_1401 : memref<1x64xi32, #tpu.memory_space<vmem>> -> memref<64xi32, #tpu.memory_space<vmem>>
      %dma_wait3A_1403 = arith.constant 0 : i32
      %dma_wait3A_1404 = arith.constant 0 : i32
      %dma_wait3A_1405 = tpu.memref_slice %arg10[%dma_wait3A_1403, %dma_wait3A_1404] : memref<5008x128xf32, #tpu.memory_space<vmem_shared>> -> memref<5008x128xf32, #tpu.memory_space<vmem_shared>>
      %dma_wait3A_1406 = tpu.memref_slice %arg13[%dma_wait3A_1395] : memref<5x!tpu.dma_semaphore, #tpu.memory_space<semaphore_mem>> -> memref<1x!tpu.dma_semaphore, #tpu.memory_space<semaphore_mem>>
      %dma_wait3A_1407 = tpu.memref_squeeze %dma_wait3A_1406 : memref<1x!tpu.dma_semaphore, #tpu.memory_space<semaphore_mem>> -> memref<!tpu.dma_semaphore, #tpu.memory_space<semaphore_mem>>
      tpu.wait_indirect_dma semaphore(%dma_wait3A_1407 : memref<!tpu.dma_semaphore, #tpu.memory_space<semaphore_mem>>) src(%dma_wait3A_1399 : memref<64x128xf32, #tpu.memory_space<vmem>>) dst(%dma_wait3A_1405 : memref<5008x128xf32, #tpu.memory_space<vmem_shared>>)
      %add3A_1408 = arith.constant 5 : i32
      %add3A_1409 = arith.addi %add3A_1392, %add3A_1408 : i32
      %sub3A_1410 = arith.constant 1 : i32
      %sub3A_1411 = arith.subi %add3A_1409, %sub3A_1410 : i32
      %sub3A_1412 = arith.constant 1 : i32
      %sub3A_1413 = arith.subi %sub3A_216, %sub3A_1412 : i32
      %min3A_1414 = arith.minsi %sub3A_1411, %sub3A_1413 : i32
      %add3A_1415 = arith.addi %add3A_187, %min3A_1414 : i32
      %max3A_1416 = arith.constant 0 : i32
      %max3A_1417 = arith.maxsi %add3A_1415, %max3A_1416 : i32
      %mul3A_1418 = arith.constant 64 : i32
      %mul3A_1419 = arith.muli %max3A_1417, %mul3A_1418 : i32
      %dma_start3A_1420 = arith.constant 4 : i32
      %dma_start3A_1421 = arith.constant 4 : i32
      %dma_start3A_1422 = arith.constant 0 : i32
      %dma_start3A_1423 = tpu.memref_slice %arg5[%dma_start3A_1420, %dma_start3A_1422] : memref<5x64xi32, #tpu.memory_space<vmem>> -> memref<1x64xi32, #tpu.memory_space<vmem>>
      %dma_start3A_1424 = tpu.memref_squeeze %dma_start3A_1423 : memref<1x64xi32, #tpu.memory_space<vmem>> -> memref<64xi32, #tpu.memory_space<vmem>>
      %dma_start3A_1425 = tpu.memref_slice %arg3[%mul3A_1419] : memref<320000xi32, #tpu.memory_space<hbm>> -> memref<64xi32, #tpu.memory_space<hbm>>
      %dma_start3A_1426 = tpu.memref_slice %arg12[%dma_start3A_1421] : memref<5x!tpu.dma_semaphore, #tpu.memory_space<semaphore_mem>> -> memref<1x!tpu.dma_semaphore, #tpu.memory_space<semaphore_mem>>
      %dma_start3A_1427 = tpu.memref_squeeze %dma_start3A_1426 : memref<1x!tpu.dma_semaphore, #tpu.memory_space<semaphore_mem>> -> memref<!tpu.dma_semaphore, #tpu.memory_space<semaphore_mem>>
      %dma_start3A_1428 = arith.constant 0 : i32
      %dma_start3A_1429 = tpu.memref_slice %arg5[%dma_start3A_1420, %dma_start3A_1428] : memref<5x64xi32, #tpu.memory_space<vmem>> -> memref<1x64xi32, #tpu.memory_space<vmem>>
      %dma_start3A_1430 = tpu.memref_squeeze %dma_start3A_1429 : memref<1x64xi32, #tpu.memory_space<vmem>> -> memref<64xi32, #tpu.memory_space<vmem>>
      %dma_start3A_1431 = tpu.memref_slice %arg3[%mul3A_1419] : memref<320000xi32, #tpu.memory_space<hbm>> -> memref<64xi32, #tpu.memory_space<hbm>>
      tpu.enqueue_dma source(%dma_start3A_1431 : memref<64xi32, #tpu.memory_space<hbm>>) target(%dma_start3A_1430 : memref<64xi32, #tpu.memory_space<vmem>>) target_semaphore(%dma_start3A_1427 : memref<!tpu.dma_semaphore, #tpu.memory_space<semaphore_mem>>)
      %mul3A_1432 = arith.constant 64 : i32
      %mul3A_1433 = arith.muli %max3A_1417, %mul3A_1432 : i32
      %dma_start3A_1434 = arith.constant 4 : i32
      %dma_start3A_1435 = arith.constant 4 : i32
      %dma_start3A_1436 = arith.constant 0 : i32
      %dma_start3A_1437 = arith.constant 0 : i32
      %dma_start3A_1438 = tpu.memref_slice %arg6[%dma_start3A_1434, %dma_start3A_1436, %dma_start3A_1437] : memref<5x64x128xf32, #tpu.memory_space<vmem>> -> memref<1x64x128xf32, #tpu.memory_space<vmem>>
      %dma_start3A_1439 = tpu.memref_squeeze %dma_start3A_1438 : memref<1x64x128xf32, #tpu.memory_space<vmem>> -> memref<64x128xf32, #tpu.memory_space<vmem>>
      %dma_start3A_1440 = arith.constant 0 : i32
      %dma_start3A_1441 = tpu.memref_slice %arg2[%mul3A_1433, %dma_start3A_1440] : memref<320000x128xf32, #tpu.memory_space<hbm>> -> memref<64x128xf32, #tpu.memory_space<hbm>>
      %dma_start3A_1442 = tpu.memref_slice %arg12[%dma_start3A_1435] : memref<5x!tpu.dma_semaphore, #tpu.memory_space<semaphore_mem>> -> memref<1x!tpu.dma_semaphore, #tpu.memory_space<semaphore_mem>>
      %dma_start3A_1443 = tpu.memref_squeeze %dma_start3A_1442 : memref<1x!tpu.dma_semaphore, #tpu.memory_space<semaphore_mem>> -> memref<!tpu.dma_semaphore, #tpu.memory_space<semaphore_mem>>
      %dma_start3A_1444 = arith.constant 0 : i32
      %dma_start3A_1445 = arith.constant 0 : i32
      %dma_start3A_1446 = tpu.memref_slice %arg6[%dma_start3A_1434, %dma_start3A_1444, %dma_start3A_1445] : memref<5x64x128xf32, #tpu.memory_space<vmem>> -> memref<1x64x128xf32, #tpu.memory_space<vmem>>
      %dma_start3A_1447 = tpu.memref_squeeze %dma_start3A_1446 : memref<1x64x128xf32, #tpu.memory_space<vmem>> -> memref<64x128xf32, #tpu.memory_space<vmem>>
      %dma_start3A_1448 = arith.constant 0 : i32
      %dma_start3A_1449 = tpu.memref_slice %arg2[%mul3A_1433, %dma_start3A_1448] : memref<320000x128xf32, #tpu.memory_space<hbm>> -> memref<64x128xf32, #tpu.memory_space<hbm>>
      tpu.enqueue_dma source(%dma_start3A_1449 : memref<64x128xf32, #tpu.memory_space<hbm>>) target(%dma_start3A_1447 : memref<64x128xf32, #tpu.memory_space<vmem>>) target_semaphore(%dma_start3A_1443 : memref<!tpu.dma_semaphore, #tpu.memory_space<semaphore_mem>>)
      %dma_wait3A_1450 = arith.constant 0 : i32
      %dma_wait3A_1451 = arith.constant 0 : i32
      %dma_wait3A_1452 = arith.constant 0 : i32
      %dma_wait3A_1453 = tpu.memref_slice %arg5[%dma_wait3A_1450, %dma_wait3A_1452] : memref<5x64xi32, #tpu.memory_space<vmem>> -> memref<1x64xi32, #tpu.memory_space<vmem>>
      %dma_wait3A_1454 = tpu.memref_squeeze %dma_wait3A_1453 : memref<1x64xi32, #tpu.memory_space<vmem>> -> memref<64xi32, #tpu.memory_space<vmem>>
      %dma_wait3A_1455 = arith.constant 0 : i32
      %dma_wait3A_1456 = tpu.memref_slice %arg3[%dma_wait3A_1455] : memref<320000xi32, #tpu.memory_space<hbm>> -> memref<64xi32, #tpu.memory_space<hbm>>
      %dma_wait3A_1457 = tpu.memref_slice %arg12[%dma_wait3A_1451] : memref<5x!tpu.dma_semaphore, #tpu.memory_space<semaphore_mem>> -> memref<1x!tpu.dma_semaphore, #tpu.memory_space<semaphore_mem>>
      %dma_wait3A_1458 = tpu.memref_squeeze %dma_wait3A_1457 : memref<1x!tpu.dma_semaphore, #tpu.memory_space<semaphore_mem>> -> memref<!tpu.dma_semaphore, #tpu.memory_space<semaphore_mem>>
      %dma_wait3A_1459 = arith.constant 0 : i32
      %dma_wait3A_1460 = tpu.memref_slice %arg5[%dma_wait3A_1450, %dma_wait3A_1459] : memref<5x64xi32, #tpu.memory_space<vmem>> -> memref<1x64xi32, #tpu.memory_space<vmem>>
      %dma_wait3A_1461 = tpu.memref_squeeze %dma_wait3A_1460 : memref<1x64xi32, #tpu.memory_space<vmem>> -> memref<64xi32, #tpu.memory_space<vmem>>
      %dma_wait3A_1462 = arith.constant 0 : i32
      %dma_wait3A_1463 = tpu.memref_slice %arg3[%dma_wait3A_1462] : memref<320000xi32, #tpu.memory_space<hbm>> -> memref<64xi32, #tpu.memory_space<hbm>>
      tpu.wait_dma2 semaphore(%dma_wait3A_1458 : memref<!tpu.dma_semaphore, #tpu.memory_space<semaphore_mem>>) src(%dma_wait3A_1463 : memref<64xi32, #tpu.memory_space<hbm>>) dst(%dma_wait3A_1461 : memref<64xi32, #tpu.memory_space<vmem>>)
      %dma_wait3A_1464 = arith.constant 0 : i32
      %dma_wait3A_1465 = arith.constant 0 : i32
      %dma_wait3A_1466 = arith.constant 0 : i32
      %dma_wait3A_1467 = arith.constant 0 : i32
      %dma_wait3A_1468 = tpu.memref_slice %arg6[%dma_wait3A_1464, %dma_wait3A_1466, %dma_wait3A_1467] : memref<5x64x128xf32, #tpu.memory_space<vmem>> -> memref<1x64x128xf32, #tpu.memory_space<vmem>>
      %dma_wait3A_1469 = tpu.memref_squeeze %dma_wait3A_1468 : memref<1x64x128xf32, #tpu.memory_space<vmem>> -> memref<64x128xf32, #tpu.memory_space<vmem>>
      %dma_wait3A_1470 = arith.constant 0 : i32
      %dma_wait3A_1471 = arith.constant 0 : i32
      %dma_wait3A_1472 = tpu.memref_slice %arg2[%dma_wait3A_1470, %dma_wait3A_1471] : memref<320000x128xf32, #tpu.memory_space<hbm>> -> memref<64x128xf32, #tpu.memory_space<hbm>>
      %dma_wait3A_1473 = tpu.memref_slice %arg12[%dma_wait3A_1465] : memref<5x!tpu.dma_semaphore, #tpu.memory_space<semaphore_mem>> -> memref<1x!tpu.dma_semaphore, #tpu.memory_space<semaphore_mem>>
      %dma_wait3A_1474 = tpu.memref_squeeze %dma_wait3A_1473 : memref<1x!tpu.dma_semaphore, #tpu.memory_space<semaphore_mem>> -> memref<!tpu.dma_semaphore, #tpu.memory_space<semaphore_mem>>
      %dma_wait3A_1475 = arith.constant 0 : i32
      %dma_wait3A_1476 = arith.constant 0 : i32
      %dma_wait3A_1477 = tpu.memref_slice %arg6[%dma_wait3A_1464, %dma_wait3A_1475, %dma_wait3A_1476] : memref<5x64x128xf32, #tpu.memory_space<vmem>> -> memref<1x64x128xf32, #tpu.memory_space<vmem>>
      %dma_wait3A_1478 = tpu.memref_squeeze %dma_wait3A_1477 : memref<1x64x128xf32, #tpu.memory_space<vmem>> -> memref<64x128xf32, #tpu.memory_space<vmem>>
      %dma_wait3A_1479 = arith.constant 0 : i32
      %dma_wait3A_1480 = arith.constant 0 : i32
      %dma_wait3A_1481 = tpu.memref_slice %arg2[%dma_wait3A_1479, %dma_wait3A_1480] : memref<320000x128xf32, #tpu.memory_space<hbm>> -> memref<64x128xf32, #tpu.memory_space<hbm>>
      tpu.wait_dma2 semaphore(%dma_wait3A_1474 : memref<!tpu.dma_semaphore, #tpu.memory_space<semaphore_mem>>) src(%dma_wait3A_1481 : memref<64x128xf32, #tpu.memory_space<hbm>>) dst(%dma_wait3A_1478 : memref<64x128xf32, #tpu.memory_space<vmem>>)
      %lt3A = arith.cmpi slt, %add3A_1392, %sub3A_216 : i32
      %jit3A_1482 = arith.constant 0 : i32
      %jit3A_1483 = arith.constant 10000 : i32
      %select_n3A_1484 = arith.select %lt3A, %jit3A_1482, %jit3A_1483 : i32
      %sub3A_1485 = arith.subi %mul3A_218, %select_n3A_1484 : i32
      %broadcast_in_dim3A_1486 = vector.broadcast %sub3A_1485 : i32 to vector<16xi32>
      %get3A_1487 = arith.constant 0 : i32
      %get3A_1488 = arith.index_cast %get3A_1487 : i32 to index
      %get3A_1489 = arith.constant 0 : index
      %get3A_1490 = tpu.vector_load %arg5[%get3A_1488, %get3A_1489] {strides = array<i32>} : memref<5x64xi32, #tpu.memory_space<vmem>>, vector<1x16xi32>,
      %get3A_1491 = vector.shape_cast %get3A_1490 : vector<1x16xi32> to vector<16xi32>
      %sub3A_1492 = arith.subi %get3A_1491, %broadcast_in_dim3A_1486 : vector<16xi32>
      %min3A_1493 = arith.constant 5000 : i32
      %min3A_1494 = vector.broadcast %min3A_1493 : i32 to vector<16xi32>
      %min3A_1495 = arith.minui %sub3A_1492, %min3A_1494 : vector<16xi32>
      %swap3A_1496 = arith.constant 0 : i32
      %swap3A_1497 = arith.index_cast %swap3A_1496 : i32 to index
      %swap3A_1498 = arith.constant 0 : index
      %swap3A_1499 = tpu.vector_load %arg5[%swap3A_1497, %swap3A_1498] {strides = array<i32>} : memref<5x64xi32, #tpu.memory_space<vmem>>, vector<1x16xi32>,
      %swap3A_1500 = vector.shape_cast %swap3A_1499 : vector<1x16xi32> to vector<16xi32>
      %swap3A_1501 = vector.shape_cast %min3A_1495 : vector<16xi32> to vector<1x16xi32>
      tpu.vector_store %arg5[%swap3A_1497, %swap3A_1498], %swap3A_1501 {strides = array<i32>} : memref<5x64xi32, #tpu.memory_space<vmem>>, vector<1x16xi32>,
      %get3A_1502 = arith.constant 0 : i32
      %get3A_1503 = arith.index_cast %get3A_1502 : i32 to index
      %get3A_1504 = arith.constant 16 : index
      %get3A_1505 = tpu.vector_load %arg5[%get3A_1503, %get3A_1504] {strides = array<i32>} : memref<5x64xi32, #tpu.memory_space<vmem>>, vector<1x16xi32>,
      %get3A_1506 = vector.shape_cast %get3A_1505 : vector<1x16xi32> to vector<16xi32>
      %sub3A_1507 = arith.subi %get3A_1506, %broadcast_in_dim3A_1486 : vector<16xi32>
      %min3A_1508 = arith.constant 5000 : i32
      %min3A_1509 = vector.broadcast %min3A_1508 : i32 to vector<16xi32>
      %min3A_1510 = arith.minui %sub3A_1507, %min3A_1509 : vector<16xi32>
      %swap3A_1511 = arith.constant 0 : i32
      %swap3A_1512 = arith.index_cast %swap3A_1511 : i32 to index
      %swap3A_1513 = arith.constant 16 : index
      %swap3A_1514 = tpu.vector_load %arg5[%swap3A_1512, %swap3A_1513] {strides = array<i32>} : memref<5x64xi32, #tpu.memory_space<vmem>>, vector<1x16xi32>,
      %swap3A_1515 = vector.shape_cast %swap3A_1514 : vector<1x16xi32> to vector<16xi32>
      %swap3A_1516 = vector.shape_cast %min3A_1510 : vector<16xi32> to vector<1x16xi32>
      tpu.vector_store %arg5[%swap3A_1512, %swap3A_1513], %swap3A_1516 {strides = array<i32>} : memref<5x64xi32, #tpu.memory_space<vmem>>, vector<1x16xi32>,
      %get3A_1517 = arith.constant 0 : i32
      %get3A_1518 = arith.index_cast %get3A_1517 : i32 to index
      %get3A_1519 = arith.constant 32 : index
      %get3A_1520 = tpu.vector_load %arg5[%get3A_1518, %get3A_1519] {strides = array<i32>} : memref<5x64xi32, #tpu.memory_space<vmem>>, vector<1x16xi32>,
      %get3A_1521 = vector.shape_cast %get3A_1520 : vector<1x16xi32> to vector<16xi32>
      %sub3A_1522 = arith.subi %get3A_1521, %broadcast_in_dim3A_1486 : vector<16xi32>
      %min3A_1523 = arith.constant 5000 : i32
      %min3A_1524 = vector.broadcast %min3A_1523 : i32 to vector<16xi32>
      %min3A_1525 = arith.minui %sub3A_1522, %min3A_1524 : vector<16xi32>
      %swap3A_1526 = arith.constant 0 : i32
      %swap3A_1527 = arith.index_cast %swap3A_1526 : i32 to index
      %swap3A_1528 = arith.constant 32 : index
      %swap3A_1529 = tpu.vector_load %arg5[%swap3A_1527, %swap3A_1528] {strides = array<i32>} : memref<5x64xi32, #tpu.memory_space<vmem>>, vector<1x16xi32>,
      %swap3A_1530 = vector.shape_cast %swap3A_1529 : vector<1x16xi32> to vector<16xi32>
      %swap3A_1531 = vector.shape_cast %min3A_1525 : vector<16xi32> to vector<1x16xi32>
      tpu.vector_store %arg5[%swap3A_1527, %swap3A_1528], %swap3A_1531 {strides = array<i32>} : memref<5x64xi32, #tpu.memory_space<vmem>>, vector<1x16xi32>,
      %get3A_1532 = arith.constant 0 : i32
      %get3A_1533 = arith.index_cast %get3A_1532 : i32 to index
      %get3A_1534 = arith.constant 48 : index
      %get3A_1535 = tpu.vector_load %arg5[%get3A_1533, %get3A_1534] {strides = array<i32>} : memref<5x64xi32, #tpu.memory_space<vmem>>, vector<1x16xi32>,
      %get3A_1536 = vector.shape_cast %get3A_1535 : vector<1x16xi32> to vector<16xi32>
      %sub3A_1537 = arith.subi %get3A_1536, %broadcast_in_dim3A_1486 : vector<16xi32>
      %min3A_1538 = arith.constant 5000 : i32
      %min3A_1539 = vector.broadcast %min3A_1538 : i32 to vector<16xi32>
      %min3A_1540 = arith.minui %sub3A_1537, %min3A_1539 : vector<16xi32>
      %swap3A_1541 = arith.constant 0 : i32
      %swap3A_1542 = arith.index_cast %swap3A_1541 : i32 to index
      %swap3A_1543 = arith.constant 48 : index
      %swap3A_1544 = tpu.vector_load %arg5[%swap3A_1542, %swap3A_1543] {strides = array<i32>} : memref<5x64xi32, #tpu.memory_space<vmem>>, vector<1x16xi32>,
      %swap3A_1545 = vector.shape_cast %swap3A_1544 : vector<1x16xi32> to vector<16xi32>
      %swap3A_1546 = vector.shape_cast %min3A_1540 : vector<16xi32> to vector<1x16xi32>
      tpu.vector_store %arg5[%swap3A_1542, %swap3A_1543], %swap3A_1546 {strides = array<i32>} : memref<5x64xi32, #tpu.memory_space<vmem>>, vector<1x16xi32>,
      %dma_start3A_1547 = arith.constant 0 : i32
      %dma_start3A_1548 = arith.constant 0 : i32
      %dma_start3A_1549 = arith.constant 0 : i32
      %dma_start3A_1550 = arith.constant 0 : i32
      %dma_start3A_1551 = arith.constant 0 : i32
      %dma_start3A_1552 = tpu.memref_slice %arg6[%dma_start3A_1547, %dma_start3A_1550, %dma_start3A_1551] : memref<5x64x128xf32, #tpu.memory_space<vmem>> -> memref<1x64x128xf32, #tpu.memory_space<vmem>>
      %dma_start3A_1553 = tpu.memref_squeeze %dma_start3A_1552 : memref<1x64x128xf32, #tpu.memory_space<vmem>> -> memref<64x128xf32, #tpu.memory_space<vmem>>
      %dma_start3A_1554 = arith.constant 0 : i32
      %dma_start3A_1555 = tpu.memref_slice %arg5[%dma_start3A_1548, %dma_start3A_1554] : memref<5x64xi32, #tpu.memory_space<vmem>> -> memref<1x64xi32, #tpu.memory_space<vmem>>
      %dma_start3A_1556 = tpu.memref_squeeze %dma_start3A_1555 : memref<1x64xi32, #tpu.memory_space<vmem>> -> memref<64xi32, #tpu.memory_space<vmem>>
      %dma_start3A_1557 = arith.constant 0 : i32
      %dma_start3A_1558 = arith.constant 0 : i32
      %dma_start3A_1559 = tpu.memref_slice %arg10[%dma_start3A_1557, %dma_start3A_1558] : memref<5008x128xf32, #tpu.memory_space<vmem_shared>> -> memref<5008x128xf32, #tpu.memory_space<vmem_shared>>
      %dma_start3A_1560 = tpu.memref_slice %arg13[%dma_start3A_1549] : memref<5x!tpu.dma_semaphore, #tpu.memory_space<semaphore_mem>> -> memref<1x!tpu.dma_semaphore, #tpu.memory_space<semaphore_mem>>
      %dma_start3A_1561 = tpu.memref_squeeze %dma_start3A_1560 : memref<1x!tpu.dma_semaphore, #tpu.memory_space<semaphore_mem>> -> memref<!tpu.dma_semaphore, #tpu.memory_space<semaphore_mem>>
      tpu.enqueue_indirect_dma source(%dma_start3A_1553 : memref<64x128xf32, #tpu.memory_space<vmem>>) target(%dma_start3A_1559 : memref<5008x128xf32, #tpu.memory_space<vmem_shared>>) offsets(%dma_start3A_1556 : memref<64xi32, #tpu.memory_space<vmem>>) semaphore(%dma_start3A_1561 : memref<!tpu.dma_semaphore, #tpu.memory_space<semaphore_mem>>) {add = true}
      %mul3A_1562 = arith.constant 5 : i32
      %mul3A_1563 = arith.muli %while3A_1388, %mul3A_1562 : i32
      %add3A_1564 = arith.constant 1 : i32
      %add3A_1565 = arith.addi %mul3A_1563, %add3A_1564 : i32
      %dma_wait3A_1566 = arith.constant 0 : i32
      %dma_wait3A_1567 = arith.constant 0 : i32
      %dma_wait3A_1568 = arith.constant 0 : i32
      %dma_wait3A_1569 = arith.constant 0 : i32
      %dma_wait3A_1570 = arith.constant 0 : i32
      %dma_wait3A_1571 = tpu.memref_slice %arg6[%dma_wait3A_1566, %dma_wait3A_1569, %dma_wait3A_1570] : memref<5x64x128xf32, #tpu.memory_space<vmem>> -> memref<1x64x128xf32, #tpu.memory_space<vmem>>
      %dma_wait3A_1572 = tpu.memref_squeeze %dma_wait3A_1571 : memref<1x64x128xf32, #tpu.memory_space<vmem>> -> memref<64x128xf32, #tpu.memory_space<vmem>>
      %dma_wait3A_1573 = arith.constant 0 : i32
      %dma_wait3A_1574 = tpu.memref_slice %arg5[%dma_wait3A_1567, %dma_wait3A_1573] : memref<5x64xi32, #tpu.memory_space<vmem>> -> memref<1x64xi32, #tpu.memory_space<vmem>>
      %dma_wait3A_1575 = tpu.memref_squeeze %dma_wait3A_1574 : memref<1x64xi32, #tpu.memory_space<vmem>> -> memref<64xi32, #tpu.memory_space<vmem>>
      %dma_wait3A_1576 = arith.constant 0 : i32
      %dma_wait3A_1577 = arith.constant 0 : i32
      %dma_wait3A_1578 = tpu.memref_slice %arg10[%dma_wait3A_1576, %dma_wait3A_1577] : memref<5008x128xf32, #tpu.memory_space<vmem_shared>> -> memref<5008x128xf32, #tpu.memory_space<vmem_shared>>
      %dma_wait3A_1579 = tpu.memref_slice %arg13[%dma_wait3A_1568] : memref<5x!tpu.dma_semaphore, #tpu.memory_space<semaphore_mem>> -> memref<1x!tpu.dma_semaphore, #tpu.memory_space<semaphore_mem>>
      %dma_wait3A_1580 = tpu.memref_squeeze %dma_wait3A_1579 : memref<1x!tpu.dma_semaphore, #tpu.memory_space<semaphore_mem>> -> memref<!tpu.dma_semaphore, #tpu.memory_space<semaphore_mem>>
      tpu.wait_indirect_dma semaphore(%dma_wait3A_1580 : memref<!tpu.dma_semaphore, #tpu.memory_space<semaphore_mem>>) src(%dma_wait3A_1572 : memref<64x128xf32, #tpu.memory_space<vmem>>) dst(%dma_wait3A_1578 : memref<5008x128xf32, #tpu.memory_space<vmem_shared>>)
      %add3A_1581 = arith.constant 5 : i32
      %add3A_1582 = arith.addi %add3A_1565, %add3A_1581 : i32
      %sub3A_1583 = arith.constant 1 : i32
      %sub3A_1584 = arith.subi %add3A_1582, %sub3A_1583 : i32
      %sub3A_1585 = arith.constant 1 : i32
      %sub3A_1586 = arith.subi %sub3A_216, %sub3A_1585 : i32
      %min3A_1587 = arith.minsi %sub3A_1584, %sub3A_1586 : i32
      %add3A_1588 = arith.addi %add3A_187, %min3A_1587 : i32
      %max3A_1589 = arith.constant 0 : i32
      %max3A_1590 = arith.maxsi %add3A_1588, %max3A_1589 : i32
      %mul3A_1591 = arith.constant 64 : i32
      %mul3A_1592 = arith.muli %max3A_1590, %mul3A_1591 : i32
      %dma_start3A_1593 = arith.constant 0 : i32
      %dma_start3A_1594 = arith.constant 0 : i32
      %dma_start3A_1595 = arith.constant 0 : i32
      %dma_start3A_1596 = tpu.memref_slice %arg5[%dma_start3A_1593, %dma_start3A_1595] : memref<5x64xi32, #tpu.memory_space<vmem>> -> memref<1x64xi32, #tpu.memory_space<vmem>>
      %dma_start3A_1597 = tpu.memref_squeeze %dma_start3A_1596 : memref<1x64xi32, #tpu.memory_space<vmem>> -> memref<64xi32, #tpu.memory_space<vmem>>
      %dma_start3A_1598 = tpu.memref_slice %arg3[%mul3A_1592] : memref<320000xi32, #tpu.memory_space<hbm>> -> memref<64xi32, #tpu.memory_space<hbm>>
      %dma_start3A_1599 = tpu.memref_slice %arg12[%dma_start3A_1594] : memref<5x!tpu.dma_semaphore, #tpu.memory_space<semaphore_mem>> -> memref<1x!tpu.dma_semaphore, #tpu.memory_space<semaphore_mem>>
      %dma_start3A_1600 = tpu.memref_squeeze %dma_start3A_1599 : memref<1x!tpu.dma_semaphore, #tpu.memory_space<semaphore_mem>> -> memref<!tpu.dma_semaphore, #tpu.memory_space<semaphore_mem>>
      %dma_start3A_1601 = arith.constant 0 : i32
      %dma_start3A_1602 = tpu.memref_slice %arg5[%dma_start3A_1593, %dma_start3A_1601] : memref<5x64xi32, #tpu.memory_space<vmem>> -> memref<1x64xi32, #tpu.memory_space<vmem>>
      %dma_start3A_1603 = tpu.memref_squeeze %dma_start3A_1602 : memref<1x64xi32, #tpu.memory_space<vmem>> -> memref<64xi32, #tpu.memory_space<vmem>>
      %dma_start3A_1604 = tpu.memref_slice %arg3[%mul3A_1592] : memref<320000xi32, #tpu.memory_space<hbm>> -> memref<64xi32, #tpu.memory_space<hbm>>
      tpu.enqueue_dma source(%dma_start3A_1604 : memref<64xi32, #tpu.memory_space<hbm>>) target(%dma_start3A_1603 : memref<64xi32, #tpu.memory_space<vmem>>) target_semaphore(%dma_start3A_1600 : memref<!tpu.dma_semaphore, #tpu.memory_space<semaphore_mem>>)
      %mul3A_1605 = arith.constant 64 : i32
      %mul3A_1606 = arith.muli %max3A_1590, %mul3A_1605 : i32
      %dma_start3A_1607 = arith.constant 0 : i32
      %dma_start3A_1608 = arith.constant 0 : i32
      %dma_start3A_1609 = arith.constant 0 : i32
      %dma_start3A_1610 = arith.constant 0 : i32
      %dma_start3A_1611 = tpu.memref_slice %arg6[%dma_start3A_1607, %dma_start3A_1609, %dma_start3A_1610] : memref<5x64x128xf32, #tpu.memory_space<vmem>> -> memref<1x64x128xf32, #tpu.memory_space<vmem>>
      %dma_start3A_1612 = tpu.memref_squeeze %dma_start3A_1611 : memref<1x64x128xf32, #tpu.memory_space<vmem>> -> memref<64x128xf32, #tpu.memory_space<vmem>>
      %dma_start3A_1613 = arith.constant 0 : i32
      %dma_start3A_1614 = tpu.memref_slice %arg2[%mul3A_1606, %dma_start3A_1613] : memref<320000x128xf32, #tpu.memory_space<hbm>> -> memref<64x128xf32, #tpu.memory_space<hbm>>
      %dma_start3A_1615 = tpu.memref_slice %arg12[%dma_start3A_1608] : memref<5x!tpu.dma_semaphore, #tpu.memory_space<semaphore_mem>> -> memref<1x!tpu.dma_semaphore, #tpu.memory_space<semaphore_mem>>
      %dma_start3A_1616 = tpu.memref_squeeze %dma_start3A_1615 : memref<1x!tpu.dma_semaphore, #tpu.memory_space<semaphore_mem>> -> memref<!tpu.dma_semaphore, #tpu.memory_space<semaphore_mem>>
      %dma_start3A_1617 = arith.constant 0 : i32
      %dma_start3A_1618 = arith.constant 0 : i32
      %dma_start3A_1619 = tpu.memref_slice %arg6[%dma_start3A_1607, %dma_start3A_1617, %dma_start3A_1618] : memref<5x64x128xf32, #tpu.memory_space<vmem>> -> memref<1x64x128xf32, #tpu.memory_space<vmem>>
      %dma_start3A_1620 = tpu.memref_squeeze %dma_start3A_1619 : memref<1x64x128xf32, #tpu.memory_space<vmem>> -> memref<64x128xf32, #tpu.memory_space<vmem>>
      %dma_start3A_1621 = arith.constant 0 : i32
      %dma_start3A_1622 = tpu.memref_slice %arg2[%mul3A_1606, %dma_start3A_1621] : memref<320000x128xf32, #tpu.memory_space<hbm>> -> memref<64x128xf32, #tpu.memory_space<hbm>>
      tpu.enqueue_dma source(%dma_start3A_1622 : memref<64x128xf32, #tpu.memory_space<hbm>>) target(%dma_start3A_1620 : memref<64x128xf32, #tpu.memory_space<vmem>>) target_semaphore(%dma_start3A_1616 : memref<!tpu.dma_semaphore, #tpu.memory_space<semaphore_mem>>)
      %dma_wait3A_1623 = arith.constant 1 : i32
      %dma_wait3A_1624 = arith.constant 1 : i32
      %dma_wait3A_1625 = arith.constant 0 : i32
      %dma_wait3A_1626 = tpu.memref_slice %arg5[%dma_wait3A_1623, %dma_wait3A_1625] : memref<5x64xi32, #tpu.memory_space<vmem>> -> memref<1x64xi32, #tpu.memory_space<vmem>>
      %dma_wait3A_1627 = tpu.memref_squeeze %dma_wait3A_1626 : memref<1x64xi32, #tpu.memory_space<vmem>> -> memref<64xi32, #tpu.memory_space<vmem>>
      %dma_wait3A_1628 = arith.constant 0 : i32
      %dma_wait3A_1629 = tpu.memref_slice %arg3[%dma_wait3A_1628] : memref<320000xi32, #tpu.memory_space<hbm>> -> memref<64xi32, #tpu.memory_space<hbm>>
      %dma_wait3A_1630 = tpu.memref_slice %arg12[%dma_wait3A_1624] : memref<5x!tpu.dma_semaphore, #tpu.memory_space<semaphore_mem>> -> memref<1x!tpu.dma_semaphore, #tpu.memory_space<semaphore_mem>>
      %dma_wait3A_1631 = tpu.memref_squeeze %dma_wait3A_1630 : memref<1x!tpu.dma_semaphore, #tpu.memory_space<semaphore_mem>> -> memref<!tpu.dma_semaphore, #tpu.memory_space<semaphore_mem>>
      %dma_wait3A_1632 = arith.constant 0 : i32
      %dma_wait3A_1633 = tpu.memref_slice %arg5[%dma_wait3A_1623, %dma_wait3A_1632] : memref<5x64xi32, #tpu.memory_space<vmem>> -> memref<1x64xi32, #tpu.memory_space<vmem>>
      %dma_wait3A_1634 = tpu.memref_squeeze %dma_wait3A_1633 : memref<1x64xi32, #tpu.memory_space<vmem>> -> memref<64xi32, #tpu.memory_space<vmem>>
      %dma_wait3A_1635 = arith.constant 0 : i32
      %dma_wait3A_1636 = tpu.memref_slice %arg3[%dma_wait3A_1635] : memref<320000xi32, #tpu.memory_space<hbm>> -> memref<64xi32, #tpu.memory_space<hbm>>
      tpu.wait_dma2 semaphore(%dma_wait3A_1631 : memref<!tpu.dma_semaphore, #tpu.memory_space<semaphore_mem>>) src(%dma_wait3A_1636 : memref<64xi32, #tpu.memory_space<hbm>>) dst(%dma_wait3A_1634 : memref<64xi32, #tpu.memory_space<vmem>>)
      %dma_wait3A_1637 = arith.constant 1 : i32
      %dma_wait3A_1638 = arith.constant 1 : i32
      %dma_wait3A_1639 = arith.constant 0 : i32
      %dma_wait3A_1640 = arith.constant 0 : i32
      %dma_wait3A_1641 = tpu.memref_slice %arg6[%dma_wait3A_1637, %dma_wait3A_1639, %dma_wait3A_1640] : memref<5x64x128xf32, #tpu.memory_space<vmem>> -> memref<1x64x128xf32, #tpu.memory_space<vmem>>
      %dma_wait3A_1642 = tpu.memref_squeeze %dma_wait3A_1641 : memref<1x64x128xf32, #tpu.memory_space<vmem>> -> memref<64x128xf32, #tpu.memory_space<vmem>>
      %dma_wait3A_1643 = arith.constant 0 : i32
      %dma_wait3A_1644 = arith.constant 0 : i32
      %dma_wait3A_1645 = tpu.memref_slice %arg2[%dma_wait3A_1643, %dma_wait3A_1644] : memref<320000x128xf32, #tpu.memory_space<hbm>> -> memref<64x128xf32, #tpu.memory_space<hbm>>
      %dma_wait3A_1646 = tpu.memref_slice %arg12[%dma_wait3A_1638] : memref<5x!tpu.dma_semaphore, #tpu.memory_space<semaphore_mem>> -> memref<1x!tpu.dma_semaphore, #tpu.memory_space<semaphore_mem>>
      %dma_wait3A_1647 = tpu.memref_squeeze %dma_wait3A_1646 : memref<1x!tpu.dma_semaphore, #tpu.memory_space<semaphore_mem>> -> memref<!tpu.dma_semaphore, #tpu.memory_space<semaphore_mem>>
      %dma_wait3A_1648 = arith.constant 0 : i32
      %dma_wait3A_1649 = arith.constant 0 : i32
      %dma_wait3A_1650 = tpu.memref_slice %arg6[%dma_wait3A_1637, %dma_wait3A_1648, %dma_wait3A_1649] : memref<5x64x128xf32, #tpu.memory_space<vmem>> -> memref<1x64x128xf32, #tpu.memory_space<vmem>>
      %dma_wait3A_1651 = tpu.memref_squeeze %dma_wait3A_1650 : memref<1x64x128xf32, #tpu.memory_space<vmem>> -> memref<64x128xf32, #tpu.memory_space<vmem>>
      %dma_wait3A_1652 = arith.constant 0 : i32
      %dma_wait3A_1653 = arith.constant 0 : i32
      %dma_wait3A_1654 = tpu.memref_slice %arg2[%dma_wait3A_1652, %dma_wait3A_1653] : memref<320000x128xf32, #tpu.memory_space<hbm>> -> memref<64x128xf32, #tpu.memory_space<hbm>>
      tpu.wait_dma2 semaphore(%dma_wait3A_1647 : memref<!tpu.dma_semaphore, #tpu.memory_space<semaphore_mem>>) src(%dma_wait3A_1654 : memref<64x128xf32, #tpu.memory_space<hbm>>) dst(%dma_wait3A_1651 : memref<64x128xf32, #tpu.memory_space<vmem>>)
      %lt3A_1655 = arith.cmpi slt, %add3A_1565, %sub3A_216 : i32
      %jit3A_1656 = arith.constant 0 : i32
      %jit3A_1657 = arith.constant 10000 : i32
      %select_n3A_1658 = arith.select %lt3A_1655, %jit3A_1656, %jit3A_1657 : i32
      %sub3A_1659 = arith.subi %mul3A_218, %select_n3A_1658 : i32
      %broadcast_in_dim3A_1660 = vector.broadcast %sub3A_1659 : i32 to vector<16xi32>
      %get3A_1661 = arith.constant 1 : i32
      %get3A_1662 = arith.index_cast %get3A_1661 : i32 to index
      %get3A_1663 = arith.constant 0 : index
      %get3A_1664 = tpu.vector_load %arg5[%get3A_1662, %get3A_1663] {strides = array<i32>} : memref<5x64xi32, #tpu.memory_space<vmem>>, vector<1x16xi32>,
      %get3A_1665 = vector.shape_cast %get3A_1664 : vector<1x16xi32> to vector<16xi32>
      %sub3A_1666 = arith.subi %get3A_1665, %broadcast_in_dim3A_1660 : vector<16xi32>
      %min3A_1667 = arith.constant 5000 : i32
      %min3A_1668 = vector.broadcast %min3A_1667 : i32 to vector<16xi32>
      %min3A_1669 = arith.minui %sub3A_1666, %min3A_1668 : vector<16xi32>
      %swap3A_1670 = arith.constant 1 : i32
      %swap3A_1671 = arith.index_cast %swap3A_1670 : i32 to index
      %swap3A_1672 = arith.constant 0 : index
      %swap3A_1673 = tpu.vector_load %arg5[%swap3A_1671, %swap3A_1672] {strides = array<i32>} : memref<5x64xi32, #tpu.memory_space<vmem>>, vector<1x16xi32>,
      %swap3A_1674 = vector.shape_cast %swap3A_1673 : vector<1x16xi32> to vector<16xi32>
      %swap3A_1675 = vector.shape_cast %min3A_1669 : vector<16xi32> to vector<1x16xi32>
      tpu.vector_store %arg5[%swap3A_1671, %swap3A_1672], %swap3A_1675 {strides = array<i32>} : memref<5x64xi32, #tpu.memory_space<vmem>>, vector<1x16xi32>,
      %get3A_1676 = arith.constant 1 : i32
      %get3A_1677 = arith.index_cast %get3A_1676 : i32 to index
      %get3A_1678 = arith.constant 16 : index
      %get3A_1679 = tpu.vector_load %arg5[%get3A_1677, %get3A_1678] {strides = array<i32>} : memref<5x64xi32, #tpu.memory_space<vmem>>, vector<1x16xi32>,
      %get3A_1680 = vector.shape_cast %get3A_1679 : vector<1x16xi32> to vector<16xi32>
      %sub3A_1681 = arith.subi %get3A_1680, %broadcast_in_dim3A_1660 : vector<16xi32>
      %min3A_1682 = arith.constant 5000 : i32
      %min3A_1683 = vector.broadcast %min3A_1682 : i32 to vector<16xi32>
      %min3A_1684 = arith.minui %sub3A_1681, %min3A_1683 : vector<16xi32>
      %swap3A_1685 = arith.constant 1 : i32
      %swap3A_1686 = arith.index_cast %swap3A_1685 : i32 to index
      %swap3A_1687 = arith.constant 16 : index
      %swap3A_1688 = tpu.vector_load %arg5[%swap3A_1686, %swap3A_1687] {strides = array<i32>} : memref<5x64xi32, #tpu.memory_space<vmem>>, vector<1x16xi32>,
      %swap3A_1689 = vector.shape_cast %swap3A_1688 : vector<1x16xi32> to vector<16xi32>
      %swap3A_1690 = vector.shape_cast %min3A_1684 : vector<16xi32> to vector<1x16xi32>
      tpu.vector_store %arg5[%swap3A_1686, %swap3A_1687], %swap3A_1690 {strides = array<i32>} : memref<5x64xi32, #tpu.memory_space<vmem>>, vector<1x16xi32>,
      %get3A_1691 = arith.constant 1 : i32
      %get3A_1692 = arith.index_cast %get3A_1691 : i32 to index
      %get3A_1693 = arith.constant 32 : index
      %get3A_1694 = tpu.vector_load %arg5[%get3A_1692, %get3A_1693] {strides = array<i32>} : memref<5x64xi32, #tpu.memory_space<vmem>>, vector<1x16xi32>,
      %get3A_1695 = vector.shape_cast %get3A_1694 : vector<1x16xi32> to vector<16xi32>
      %sub3A_1696 = arith.subi %get3A_1695, %broadcast_in_dim3A_1660 : vector<16xi32>
      %min3A_1697 = arith.constant 5000 : i32
      %min3A_1698 = vector.broadcast %min3A_1697 : i32 to vector<16xi32>
      %min3A_1699 = arith.minui %sub3A_1696, %min3A_1698 : vector<16xi32>
      %swap3A_1700 = arith.constant 1 : i32
      %swap3A_1701 = arith.index_cast %swap3A_1700 : i32 to index
      %swap3A_1702 = arith.constant 32 : index
      %swap3A_1703 = tpu.vector_load %arg5[%swap3A_1701, %swap3A_1702] {strides = array<i32>} : memref<5x64xi32, #tpu.memory_space<vmem>>, vector<1x16xi32>,
      %swap3A_1704 = vector.shape_cast %swap3A_1703 : vector<1x16xi32> to vector<16xi32>
      %swap3A_1705 = vector.shape_cast %min3A_1699 : vector<16xi32> to vector<1x16xi32>
      tpu.vector_store %arg5[%swap3A_1701, %swap3A_1702], %swap3A_1705 {strides = array<i32>} : memref<5x64xi32, #tpu.memory_space<vmem>>, vector<1x16xi32>,
      %get3A_1706 = arith.constant 1 : i32
      %get3A_1707 = arith.index_cast %get3A_1706 : i32 to index
      %get3A_1708 = arith.constant 48 : index
      %get3A_1709 = tpu.vector_load %arg5[%get3A_1707, %get3A_1708] {strides = array<i32>} : memref<5x64xi32, #tpu.memory_space<vmem>>, vector<1x16xi32>,
      %get3A_1710 = vector.shape_cast %get3A_1709 : vector<1x16xi32> to vector<16xi32>
      %sub3A_1711 = arith.subi %get3A_1710, %broadcast_in_dim3A_1660 : vector<16xi32>
      %min3A_1712 = arith.constant 5000 : i32
      %min3A_1713 = vector.broadcast %min3A_1712 : i32 to vector<16xi32>
      %min3A_1714 = arith.minui %sub3A_1711, %min3A_1713 : vector<16xi32>
      %swap3A_1715 = arith.constant 1 : i32
      %swap3A_1716 = arith.index_cast %swap3A_1715 : i32 to index
      %swap3A_1717 = arith.constant 48 : index
      %swap3A_1718 = tpu.vector_load %arg5[%swap3A_1716, %swap3A_1717] {strides = array<i32>} : memref<5x64xi32, #tpu.memory_space<vmem>>, vector<1x16xi32>,
      %swap3A_1719 = vector.shape_cast %swap3A_1718 : vector<1x16xi32> to vector<16xi32>
      %swap3A_1720 = vector.shape_cast %min3A_1714 : vector<16xi32> to vector<1x16xi32>
      tpu.vector_store %arg5[%swap3A_1716, %swap3A_1717], %swap3A_1720 {strides = array<i32>} : memref<5x64xi32, #tpu.memory_space<vmem>>, vector<1x16xi32>,
      %dma_start3A_1721 = arith.constant 1 : i32
      %dma_start3A_1722 = arith.constant 1 : i32
      %dma_start3A_1723 = arith.constant 1 : i32
      %dma_start3A_1724 = arith.constant 0 : i32
      %dma_start3A_1725 = arith.constant 0 : i32
      %dma_start3A_1726 = tpu.memref_slice %arg6[%dma_start3A_1721, %dma_start3A_1724, %dma_start3A_1725] : memref<5x64x128xf32, #tpu.memory_space<vmem>> -> memref<1x64x128xf32, #tpu.memory_space<vmem>>
      %dma_start3A_1727 = tpu.memref_squeeze %dma_start3A_1726 : memref<1x64x128xf32, #tpu.memory_space<vmem>> -> memref<64x128xf32, #tpu.memory_space<vmem>>
      %dma_start3A_1728 = arith.constant 0 : i32
      %dma_start3A_1729 = tpu.memref_slice %arg5[%dma_start3A_1722, %dma_start3A_1728] : memref<5x64xi32, #tpu.memory_space<vmem>> -> memref<1x64xi32, #tpu.memory_space<vmem>>
      %dma_start3A_1730 = tpu.memref_squeeze %dma_start3A_1729 : memref<1x64xi32, #tpu.memory_space<vmem>> -> memref<64xi32, #tpu.memory_space<vmem>>
      %dma_start3A_1731 = arith.constant 0 : i32
      %dma_start3A_1732 = arith.constant 0 : i32
      %dma_start3A_1733 = tpu.memref_slice %arg10[%dma_start3A_1731, %dma_start3A_1732] : memref<5008x128xf32, #tpu.memory_space<vmem_shared>> -> memref<5008x128xf32, #tpu.memory_space<vmem_shared>>
      %dma_start3A_1734 = tpu.memref_slice %arg13[%dma_start3A_1723] : memref<5x!tpu.dma_semaphore, #tpu.memory_space<semaphore_mem>> -> memref<1x!tpu.dma_semaphore, #tpu.memory_space<semaphore_mem>>
      %dma_start3A_1735 = tpu.memref_squeeze %dma_start3A_1734 : memref<1x!tpu.dma_semaphore, #tpu.memory_space<semaphore_mem>> -> memref<!tpu.dma_semaphore, #tpu.memory_space<semaphore_mem>>
      tpu.enqueue_indirect_dma source(%dma_start3A_1727 : memref<64x128xf32, #tpu.memory_space<vmem>>) target(%dma_start3A_1733 : memref<5008x128xf32, #tpu.memory_space<vmem_shared>>) offsets(%dma_start3A_1730 : memref<64xi32, #tpu.memory_space<vmem>>) semaphore(%dma_start3A_1735 : memref<!tpu.dma_semaphore, #tpu.memory_space<semaphore_mem>>) {add = true}
      %mul3A_1736 = arith.constant 5 : i32
      %mul3A_1737 = arith.muli %while3A_1388, %mul3A_1736 : i32
      %add3A_1738 = arith.constant 2 : i32
      %add3A_1739 = arith.addi %mul3A_1737, %add3A_1738 : i32
      %dma_wait3A_1740 = arith.constant 1 : i32
      %dma_wait3A_1741 = arith.constant 1 : i32
      %dma_wait3A_1742 = arith.constant 1 : i32
      %dma_wait3A_1743 = arith.constant 0 : i32
      %dma_wait3A_1744 = arith.constant 0 : i32
      %dma_wait3A_1745 = tpu.memref_slice %arg6[%dma_wait3A_1740, %dma_wait3A_1743, %dma_wait3A_1744] : memref<5x64x128xf32, #tpu.memory_space<vmem>> -> memref<1x64x128xf32, #tpu.memory_space<vmem>>
      %dma_wait3A_1746 = tpu.memref_squeeze %dma_wait3A_1745 : memref<1x64x128xf32, #tpu.memory_space<vmem>> -> memref<64x128xf32, #tpu.memory_space<vmem>>
      %dma_wait3A_1747 = arith.constant 0 : i32
      %dma_wait3A_1748 = tpu.memref_slice %arg5[%dma_wait3A_1741, %dma_wait3A_1747] : memref<5x64xi32, #tpu.memory_space<vmem>> -> memref<1x64xi32, #tpu.memory_space<vmem>>
      %dma_wait3A_1749 = tpu.memref_squeeze %dma_wait3A_1748 : memref<1x64xi32, #tpu.memory_space<vmem>> -> memref<64xi32, #tpu.memory_space<vmem>>
      %dma_wait3A_1750 = arith.constant 0 : i32
      %dma_wait3A_1751 = arith.constant 0 : i32
      %dma_wait3A_1752 = tpu.memref_slice %arg10[%dma_wait3A_1750, %dma_wait3A_1751] : memref<5008x128xf32, #tpu.memory_space<vmem_shared>> -> memref<5008x128xf32, #tpu.memory_space<vmem_shared>>
      %dma_wait3A_1753 = tpu.memref_slice %arg13[%dma_wait3A_1742] : memref<5x!tpu.dma_semaphore, #tpu.memory_space<semaphore_mem>> -> memref<1x!tpu.dma_semaphore, #tpu.memory_space<semaphore_mem>>
      %dma_wait3A_1754 = tpu.memref_squeeze %dma_wait3A_1753 : memref<1x!tpu.dma_semaphore, #tpu.memory_space<semaphore_mem>> -> memref<!tpu.dma_semaphore, #tpu.memory_space<semaphore_mem>>
      tpu.wait_indirect_dma semaphore(%dma_wait3A_1754 : memref<!tpu.dma_semaphore, #tpu.memory_space<semaphore_mem>>) src(%dma_wait3A_1746 : memref<64x128xf32, #tpu.memory_space<vmem>>) dst(%dma_wait3A_1752 : memref<5008x128xf32, #tpu.memory_space<vmem_shared>>)
      %add3A_1755 = arith.constant 5 : i32
      %add3A_1756 = arith.addi %add3A_1739, %add3A_1755 : i32
      %sub3A_1757 = arith.constant 1 : i32
      %sub3A_1758 = arith.subi %add3A_1756, %sub3A_1757 : i32
      %sub3A_1759 = arith.constant 1 : i32
      %sub3A_1760 = arith.subi %sub3A_216, %sub3A_1759 : i32
      %min3A_1761 = arith.minsi %sub3A_1758, %sub3A_1760 : i32
      %add3A_1762 = arith.addi %add3A_187, %min3A_1761 : i32
      %max3A_1763 = arith.constant 0 : i32
      %max3A_1764 = arith.maxsi %add3A_1762, %max3A_1763 : i32
      %mul3A_1765 = arith.constant 64 : i32
      %mul3A_1766 = arith.muli %max3A_1764, %mul3A_1765 : i32
      %dma_start3A_1767 = arith.constant 1 : i32
      %dma_start3A_1768 = arith.constant 1 : i32
      %dma_start3A_1769 = arith.constant 0 : i32
      %dma_start3A_1770 = tpu.memref_slice %arg5[%dma_start3A_1767, %dma_start3A_1769] : memref<5x64xi32, #tpu.memory_space<vmem>> -> memref<1x64xi32, #tpu.memory_space<vmem>>
      %dma_start3A_1771 = tpu.memref_squeeze %dma_start3A_1770 : memref<1x64xi32, #tpu.memory_space<vmem>> -> memref<64xi32, #tpu.memory_space<vmem>>
      %dma_start3A_1772 = tpu.memref_slice %arg3[%mul3A_1766] : memref<320000xi32, #tpu.memory_space<hbm>> -> memref<64xi32, #tpu.memory_space<hbm>>
      %dma_start3A_1773 = tpu.memref_slice %arg12[%dma_start3A_1768] : memref<5x!tpu.dma_semaphore, #tpu.memory_space<semaphore_mem>> -> memref<1x!tpu.dma_semaphore, #tpu.memory_space<semaphore_mem>>
      %dma_start3A_1774 = tpu.memref_squeeze %dma_start3A_1773 : memref<1x!tpu.dma_semaphore, #tpu.memory_space<semaphore_mem>> -> memref<!tpu.dma_semaphore, #tpu.memory_space<semaphore_mem>>
      %dma_start3A_1775 = arith.constant 0 : i32
      %dma_start3A_1776 = tpu.memref_slice %arg5[%dma_start3A_1767, %dma_start3A_1775] : memref<5x64xi32, #tpu.memory_space<vmem>> -> memref<1x64xi32, #tpu.memory_space<vmem>>
      %dma_start3A_1777 = tpu.memref_squeeze %dma_start3A_1776 : memref<1x64xi32, #tpu.memory_space<vmem>> -> memref<64xi32, #tpu.memory_space<vmem>>
      %dma_start3A_1778 = tpu.memref_slice %arg3[%mul3A_1766] : memref<320000xi32, #tpu.memory_space<hbm>> -> memref<64xi32, #tpu.memory_space<hbm>>
      tpu.enqueue_dma source(%dma_start3A_1778 : memref<64xi32, #tpu.memory_space<hbm>>) target(%dma_start3A_1777 : memref<64xi32, #tpu.memory_space<vmem>>) target_semaphore(%dma_start3A_1774 : memref<!tpu.dma_semaphore, #tpu.memory_space<semaphore_mem>>)
      %mul3A_1779 = arith.constant 64 : i32
      %mul3A_1780 = arith.muli %max3A_1764, %mul3A_1779 : i32
      %dma_start3A_1781 = arith.constant 1 : i32
      %dma_start3A_1782 = arith.constant 1 : i32
      %dma_start3A_1783 = arith.constant 0 : i32
      %dma_start3A_1784 = arith.constant 0 : i32
      %dma_start3A_1785 = tpu.memref_slice %arg6[%dma_start3A_1781, %dma_start3A_1783, %dma_start3A_1784] : memref<5x64x128xf32, #tpu.memory_space<vmem>> -> memref<1x64x128xf32, #tpu.memory_space<vmem>>
      %dma_start3A_1786 = tpu.memref_squeeze %dma_start3A_1785 : memref<1x64x128xf32, #tpu.memory_space<vmem>> -> memref<64x128xf32, #tpu.memory_space<vmem>>
      %dma_start3A_1787 = arith.constant 0 : i32
      %dma_start3A_1788 = tpu.memref_slice %arg2[%mul3A_1780, %dma_start3A_1787] : memref<320000x128xf32, #tpu.memory_space<hbm>> -> memref<64x128xf32, #tpu.memory_space<hbm>>
      %dma_start3A_1789 = tpu.memref_slice %arg12[%dma_start3A_1782] : memref<5x!tpu.dma_semaphore, #tpu.memory_space<semaphore_mem>> -> memref<1x!tpu.dma_semaphore, #tpu.memory_space<semaphore_mem>>
      %dma_start3A_1790 = tpu.memref_squeeze %dma_start3A_1789 : memref<1x!tpu.dma_semaphore, #tpu.memory_space<semaphore_mem>> -> memref<!tpu.dma_semaphore, #tpu.memory_space<semaphore_mem>>
      %dma_start3A_1791 = arith.constant 0 : i32
      %dma_start3A_1792 = arith.constant 0 : i32
      %dma_start3A_1793 = tpu.memref_slice %arg6[%dma_start3A_1781, %dma_start3A_1791, %dma_start3A_1792] : memref<5x64x128xf32, #tpu.memory_space<vmem>> -> memref<1x64x128xf32, #tpu.memory_space<vmem>>
      %dma_start3A_1794 = tpu.memref_squeeze %dma_start3A_1793 : memref<1x64x128xf32, #tpu.memory_space<vmem>> -> memref<64x128xf32, #tpu.memory_space<vmem>>
      %dma_start3A_1795 = arith.constant 0 : i32
      %dma_start3A_1796 = tpu.memref_slice %arg2[%mul3A_1780, %dma_start3A_1795] : memref<320000x128xf32, #tpu.memory_space<hbm>> -> memref<64x128xf32, #tpu.memory_space<hbm>>
      tpu.enqueue_dma source(%dma_start3A_1796 : memref<64x128xf32, #tpu.memory_space<hbm>>) target(%dma_start3A_1794 : memref<64x128xf32, #tpu.memory_space<vmem>>) target_semaphore(%dma_start3A_1790 : memref<!tpu.dma_semaphore, #tpu.memory_space<semaphore_mem>>)
      %dma_wait3A_1797 = arith.constant 2 : i32
      %dma_wait3A_1798 = arith.constant 2 : i32
      %dma_wait3A_1799 = arith.constant 0 : i32
      %dma_wait3A_1800 = tpu.memref_slice %arg5[%dma_wait3A_1797, %dma_wait3A_1799] : memref<5x64xi32, #tpu.memory_space<vmem>> -> memref<1x64xi32, #tpu.memory_space<vmem>>
      %dma_wait3A_1801 = tpu.memref_squeeze %dma_wait3A_1800 : memref<1x64xi32, #tpu.memory_space<vmem>> -> memref<64xi32, #tpu.memory_space<vmem>>
      %dma_wait3A_1802 = arith.constant 0 : i32
      %dma_wait3A_1803 = tpu.memref_slice %arg3[%dma_wait3A_1802] : memref<320000xi32, #tpu.memory_space<hbm>> -> memref<64xi32, #tpu.memory_space<hbm>>
      %dma_wait3A_1804 = tpu.memref_slice %arg12[%dma_wait3A_1798] : memref<5x!tpu.dma_semaphore, #tpu.memory_space<semaphore_mem>> -> memref<1x!tpu.dma_semaphore, #tpu.memory_space<semaphore_mem>>
      %dma_wait3A_1805 = tpu.memref_squeeze %dma_wait3A_1804 : memref<1x!tpu.dma_semaphore, #tpu.memory_space<semaphore_mem>> -> memref<!tpu.dma_semaphore, #tpu.memory_space<semaphore_mem>>
      %dma_wait3A_1806 = arith.constant 0 : i32
      %dma_wait3A_1807 = tpu.memref_slice %arg5[%dma_wait3A_1797, %dma_wait3A_1806] : memref<5x64xi32, #tpu.memory_space<vmem>> -> memref<1x64xi32, #tpu.memory_space<vmem>>
      %dma_wait3A_1808 = tpu.memref_squeeze %dma_wait3A_1807 : memref<1x64xi32, #tpu.memory_space<vmem>> -> memref<64xi32, #tpu.memory_space<vmem>>
      %dma_wait3A_1809 = arith.constant 0 : i32
      %dma_wait3A_1810 = tpu.memref_slice %arg3[%dma_wait3A_1809] : memref<320000xi32, #tpu.memory_space<hbm>> -> memref<64xi32, #tpu.memory_space<hbm>>
      tpu.wait_dma2 semaphore(%dma_wait3A_1805 : memref<!tpu.dma_semaphore, #tpu.memory_space<semaphore_mem>>) src(%dma_wait3A_1810 : memref<64xi32, #tpu.memory_space<hbm>>) dst(%dma_wait3A_1808 : memref<64xi32, #tpu.memory_space<vmem>>)
      %dma_wait3A_1811 = arith.constant 2 : i32
      %dma_wait3A_1812 = arith.constant 2 : i32
      %dma_wait3A_1813 = arith.constant 0 : i32
      %dma_wait3A_1814 = arith.constant 0 : i32
      %dma_wait3A_1815 = tpu.memref_slice %arg6[%dma_wait3A_1811, %dma_wait3A_1813, %dma_wait3A_1814] : memref<5x64x128xf32, #tpu.memory_space<vmem>> -> memref<1x64x128xf32, #tpu.memory_space<vmem>>
      %dma_wait3A_1816 = tpu.memref_squeeze %dma_wait3A_1815 : memref<1x64x128xf32, #tpu.memory_space<vmem>> -> memref<64x128xf32, #tpu.memory_space<vmem>>
      %dma_wait3A_1817 = arith.constant 0 : i32
      %dma_wait3A_1818 = arith.constant 0 : i32
      %dma_wait3A_1819 = tpu.memref_slice %arg2[%dma_wait3A_1817, %dma_wait3A_1818] : memref<320000x128xf32, #tpu.memory_space<hbm>> -> memref<64x128xf32, #tpu.memory_space<hbm>>
      %dma_wait3A_1820 = tpu.memref_slice %arg12[%dma_wait3A_1812] : memref<5x!tpu.dma_semaphore, #tpu.memory_space<semaphore_mem>> -> memref<1x!tpu.dma_semaphore, #tpu.memory_space<semaphore_mem>>
      %dma_wait3A_1821 = tpu.memref_squeeze %dma_wait3A_1820 : memref<1x!tpu.dma_semaphore, #tpu.memory_space<semaphore_mem>> -> memref<!tpu.dma_semaphore, #tpu.memory_space<semaphore_mem>>
      %dma_wait3A_1822 = arith.constant 0 : i32
      %dma_wait3A_1823 = arith.constant 0 : i32
      %dma_wait3A_1824 = tpu.memref_slice %arg6[%dma_wait3A_1811, %dma_wait3A_1822, %dma_wait3A_1823] : memref<5x64x128xf32, #tpu.memory_space<vmem>> -> memref<1x64x128xf32, #tpu.memory_space<vmem>>
      %dma_wait3A_1825 = tpu.memref_squeeze %dma_wait3A_1824 : memref<1x64x128xf32, #tpu.memory_space<vmem>> -> memref<64x128xf32, #tpu.memory_space<vmem>>
      %dma_wait3A_1826 = arith.constant 0 : i32
      %dma_wait3A_1827 = arith.constant 0 : i32
      %dma_wait3A_1828 = tpu.memref_slice %arg2[%dma_wait3A_1826, %dma_wait3A_1827] : memref<320000x128xf32, #tpu.memory_space<hbm>> -> memref<64x128xf32, #tpu.memory_space<hbm>>
      tpu.wait_dma2 semaphore(%dma_wait3A_1821 : memref<!tpu.dma_semaphore, #tpu.memory_space<semaphore_mem>>) src(%dma_wait3A_1828 : memref<64x128xf32, #tpu.memory_space<hbm>>) dst(%dma_wait3A_1825 : memref<64x128xf32, #tpu.memory_space<vmem>>)
      %lt3A_1829 = arith.cmpi slt, %add3A_1739, %sub3A_216 : i32
      %jit3A_1830 = arith.constant 0 : i32
      %jit3A_1831 = arith.constant 10000 : i32
      %select_n3A_1832 = arith.select %lt3A_1829, %jit3A_1830, %jit3A_1831 : i32
      %sub3A_1833 = arith.subi %mul3A_218, %select_n3A_1832 : i32
      %broadcast_in_dim3A_1834 = vector.broadcast %sub3A_1833 : i32 to vector<16xi32>
      %get3A_1835 = arith.constant 2 : i32
      %get3A_1836 = arith.index_cast %get3A_1835 : i32 to index
      %get3A_1837 = arith.constant 0 : index
      %get3A_1838 = tpu.vector_load %arg5[%get3A_1836, %get3A_1837] {strides = array<i32>} : memref<5x64xi32, #tpu.memory_space<vmem>>, vector<1x16xi32>,
      %get3A_1839 = vector.shape_cast %get3A_1838 : vector<1x16xi32> to vector<16xi32>
      %sub3A_1840 = arith.subi %get3A_1839, %broadcast_in_dim3A_1834 : vector<16xi32>
      %min3A_1841 = arith.constant 5000 : i32
      %min3A_1842 = vector.broadcast %min3A_1841 : i32 to vector<16xi32>
      %min3A_1843 = arith.minui %sub3A_1840, %min3A_1842 : vector<16xi32>
      %swap3A_1844 = arith.constant 2 : i32
      %swap3A_1845 = arith.index_cast %swap3A_1844 : i32 to index
      %swap3A_1846 = arith.constant 0 : index
      %swap3A_1847 = tpu.vector_load %arg5[%swap3A_1845, %swap3A_1846] {strides = array<i32>} : memref<5x64xi32, #tpu.memory_space<vmem>>, vector<1x16xi32>,
      %swap3A_1848 = vector.shape_cast %swap3A_1847 : vector<1x16xi32> to vector<16xi32>
      %swap3A_1849 = vector.shape_cast %min3A_1843 : vector<16xi32> to vector<1x16xi32>
      tpu.vector_store %arg5[%swap3A_1845, %swap3A_1846], %swap3A_1849 {strides = array<i32>} : memref<5x64xi32, #tpu.memory_space<vmem>>, vector<1x16xi32>,
      %get3A_1850 = arith.constant 2 : i32
      %get3A_1851 = arith.index_cast %get3A_1850 : i32 to index
      %get3A_1852 = arith.constant 16 : index
      %get3A_1853 = tpu.vector_load %arg5[%get3A_1851, %get3A_1852] {strides = array<i32>} : memref<5x64xi32, #tpu.memory_space<vmem>>, vector<1x16xi32>,
      %get3A_1854 = vector.shape_cast %get3A_1853 : vector<1x16xi32> to vector<16xi32>
      %sub3A_1855 = arith.subi %get3A_1854, %broadcast_in_dim3A_1834 : vector<16xi32>
      %min3A_1856 = arith.constant 5000 : i32
      %min3A_1857 = vector.broadcast %min3A_1856 : i32 to vector<16xi32>
      %min3A_1858 = arith.minui %sub3A_1855, %min3A_1857 : vector<16xi32>
      %swap3A_1859 = arith.constant 2 : i32
      %swap3A_1860 = arith.index_cast %swap3A_1859 : i32 to index
      %swap3A_1861 = arith.constant 16 : index
      %swap3A_1862 = tpu.vector_load %arg5[%swap3A_1860, %swap3A_1861] {strides = array<i32>} : memref<5x64xi32, #tpu.memory_space<vmem>>, vector<1x16xi32>,
      %swap3A_1863 = vector.shape_cast %swap3A_1862 : vector<1x16xi32> to vector<16xi32>
      %swap3A_1864 = vector.shape_cast %min3A_1858 : vector<16xi32> to vector<1x16xi32>
      tpu.vector_store %arg5[%swap3A_1860, %swap3A_1861], %swap3A_1864 {strides = array<i32>} : memref<5x64xi32, #tpu.memory_space<vmem>>, vector<1x16xi32>,
      %get3A_1865 = arith.constant 2 : i32
      %get3A_1866 = arith.index_cast %get3A_1865 : i32 to index
      %get3A_1867 = arith.constant 32 : index
      %get3A_1868 = tpu.vector_load %arg5[%get3A_1866, %get3A_1867] {strides = array<i32>} : memref<5x64xi32, #tpu.memory_space<vmem>>, vector<1x16xi32>,
      %get3A_1869 = vector.shape_cast %get3A_1868 : vector<1x16xi32> to vector<16xi32>
      %sub3A_1870 = arith.subi %get3A_1869, %broadcast_in_dim3A_1834 : vector<16xi32>
      %min3A_1871 = arith.constant 5000 : i32
      %min3A_1872 = vector.broadcast %min3A_1871 : i32 to vector<16xi32>
      %min3A_1873 = arith.minui %sub3A_1870, %min3A_1872 : vector<16xi32>
      %swap3A_1874 = arith.constant 2 : i32
      %swap3A_1875 = arith.index_cast %swap3A_1874 : i32 to index
      %swap3A_1876 = arith.constant 32 : index
      %swap3A_1877 = tpu.vector_load %arg5[%swap3A_1875, %swap3A_1876] {strides = array<i32>} : memref<5x64xi32, #tpu.memory_space<vmem>>, vector<1x16xi32>,
      %swap3A_1878 = vector.shape_cast %swap3A_1877 : vector<1x16xi32> to vector<16xi32>
      %swap3A_1879 = vector.shape_cast %min3A_1873 : vector<16xi32> to vector<1x16xi32>
      tpu.vector_store %arg5[%swap3A_1875, %swap3A_1876], %swap3A_1879 {strides = array<i32>} : memref<5x64xi32, #tpu.memory_space<vmem>>, vector<1x16xi32>,
      %get3A_1880 = arith.constant 2 : i32
      %get3A_1881 = arith.index_cast %get3A_1880 : i32 to index
      %get3A_1882 = arith.constant 48 : index
      %get3A_1883 = tpu.vector_load %arg5[%get3A_1881, %get3A_1882] {strides = array<i32>} : memref<5x64xi32, #tpu.memory_space<vmem>>, vector<1x16xi32>,
      %get3A_1884 = vector.shape_cast %get3A_1883 : vector<1x16xi32> to vector<16xi32>
      %sub3A_1885 = arith.subi %get3A_1884, %broadcast_in_dim3A_1834 : vector<16xi32>
      %min3A_1886 = arith.constant 5000 : i32
      %min3A_1887 = vector.broadcast %min3A_1886 : i32 to vector<16xi32>
      %min3A_1888 = arith.minui %sub3A_1885, %min3A_1887 : vector<16xi32>
      %swap3A_1889 = arith.constant 2 : i32
      %swap3A_1890 = arith.index_cast %swap3A_1889 : i32 to index
      %swap3A_1891 = arith.constant 48 : index
      %swap3A_1892 = tpu.vector_load %arg5[%swap3A_1890, %swap3A_1891] {strides = array<i32>} : memref<5x64xi32, #tpu.memory_space<vmem>>, vector<1x16xi32>,
      %swap3A_1893 = vector.shape_cast %swap3A_1892 : vector<1x16xi32> to vector<16xi32>
      %swap3A_1894 = vector.shape_cast %min3A_1888 : vector<16xi32> to vector<1x16xi32>
      tpu.vector_store %arg5[%swap3A_1890, %swap3A_1891], %swap3A_1894 {strides = array<i32>} : memref<5x64xi32, #tpu.memory_space<vmem>>, vector<1x16xi32>,
      %dma_start3A_1895 = arith.constant 2 : i32
      %dma_start3A_1896 = arith.constant 2 : i32
      %dma_start3A_1897 = arith.constant 2 : i32
      %dma_start3A_1898 = arith.constant 0 : i32
      %dma_start3A_1899 = arith.constant 0 : i32
      %dma_start3A_1900 = tpu.memref_slice %arg6[%dma_start3A_1895, %dma_start3A_1898, %dma_start3A_1899] : memref<5x64x128xf32, #tpu.memory_space<vmem>> -> memref<1x64x128xf32, #tpu.memory_space<vmem>>
      %dma_start3A_1901 = tpu.memref_squeeze %dma_start3A_1900 : memref<1x64x128xf32, #tpu.memory_space<vmem>> -> memref<64x128xf32, #tpu.memory_space<vmem>>
      %dma_start3A_1902 = arith.constant 0 : i32
      %dma_start3A_1903 = tpu.memref_slice %arg5[%dma_start3A_1896, %dma_start3A_1902] : memref<5x64xi32, #tpu.memory_space<vmem>> -> memref<1x64xi32, #tpu.memory_space<vmem>>
      %dma_start3A_1904 = tpu.memref_squeeze %dma_start3A_1903 : memref<1x64xi32, #tpu.memory_space<vmem>> -> memref<64xi32, #tpu.memory_space<vmem>>
      %dma_start3A_1905 = arith.constant 0 : i32
      %dma_start3A_1906 = arith.constant 0 : i32
      %dma_start3A_1907 = tpu.memref_slice %arg10[%dma_start3A_1905, %dma_start3A_1906] : memref<5008x128xf32, #tpu.memory_space<vmem_shared>> -> memref<5008x128xf32, #tpu.memory_space<vmem_shared>>
      %dma_start3A_1908 = tpu.memref_slice %arg13[%dma_start3A_1897] : memref<5x!tpu.dma_semaphore, #tpu.memory_space<semaphore_mem>> -> memref<1x!tpu.dma_semaphore, #tpu.memory_space<semaphore_mem>>
      %dma_start3A_1909 = tpu.memref_squeeze %dma_start3A_1908 : memref<1x!tpu.dma_semaphore, #tpu.memory_space<semaphore_mem>> -> memref<!tpu.dma_semaphore, #tpu.memory_space<semaphore_mem>>
      tpu.enqueue_indirect_dma source(%dma_start3A_1901 : memref<64x128xf32, #tpu.memory_space<vmem>>) target(%dma_start3A_1907 : memref<5008x128xf32, #tpu.memory_space<vmem_shared>>) offsets(%dma_start3A_1904 : memref<64xi32, #tpu.memory_space<vmem>>) semaphore(%dma_start3A_1909 : memref<!tpu.dma_semaphore, #tpu.memory_space<semaphore_mem>>) {add = true}
      %mul3A_1910 = arith.constant 5 : i32
      %mul3A_1911 = arith.muli %while3A_1388, %mul3A_1910 : i32
      %add3A_1912 = arith.constant 3 : i32
      %add3A_1913 = arith.addi %mul3A_1911, %add3A_1912 : i32
      %dma_wait3A_1914 = arith.constant 2 : i32
      %dma_wait3A_1915 = arith.constant 2 : i32
      %dma_wait3A_1916 = arith.constant 2 : i32
      %dma_wait3A_1917 = arith.constant 0 : i32
      %dma_wait3A_1918 = arith.constant 0 : i32
      %dma_wait3A_1919 = tpu.memref_slice %arg6[%dma_wait3A_1914, %dma_wait3A_1917, %dma_wait3A_1918] : memref<5x64x128xf32, #tpu.memory_space<vmem>> -> memref<1x64x128xf32, #tpu.memory_space<vmem>>
      %dma_wait3A_1920 = tpu.memref_squeeze %dma_wait3A_1919 : memref<1x64x128xf32, #tpu.memory_space<vmem>> -> memref<64x128xf32, #tpu.memory_space<vmem>>
      %dma_wait3A_1921 = arith.constant 0 : i32
      %dma_wait3A_1922 = tpu.memref_slice %arg5[%dma_wait3A_1915, %dma_wait3A_1921] : memref<5x64xi32, #tpu.memory_space<vmem>> -> memref<1x64xi32, #tpu.memory_space<vmem>>
      %dma_wait3A_1923 = tpu.memref_squeeze %dma_wait3A_1922 : memref<1x64xi32, #tpu.memory_space<vmem>> -> memref<64xi32, #tpu.memory_space<vmem>>
      %dma_wait3A_1924 = arith.constant 0 : i32
      %dma_wait3A_1925 = arith.constant 0 : i32
      %dma_wait3A_1926 = tpu.memref_slice %arg10[%dma_wait3A_1924, %dma_wait3A_1925] : memref<5008x128xf32, #tpu.memory_space<vmem_shared>> -> memref<5008x128xf32, #tpu.memory_space<vmem_shared>>
      %dma_wait3A_1927 = tpu.memref_slice %arg13[%dma_wait3A_1916] : memref<5x!tpu.dma_semaphore, #tpu.memory_space<semaphore_mem>> -> memref<1x!tpu.dma_semaphore, #tpu.memory_space<semaphore_mem>>
      %dma_wait3A_1928 = tpu.memref_squeeze %dma_wait3A_1927 : memref<1x!tpu.dma_semaphore, #tpu.memory_space<semaphore_mem>> -> memref<!tpu.dma_semaphore, #tpu.memory_space<semaphore_mem>>
      tpu.wait_indirect_dma semaphore(%dma_wait3A_1928 : memref<!tpu.dma_semaphore, #tpu.memory_space<semaphore_mem>>) src(%dma_wait3A_1920 : memref<64x128xf32, #tpu.memory_space<vmem>>) dst(%dma_wait3A_1926 : memref<5008x128xf32, #tpu.memory_space<vmem_shared>>)
      %add3A_1929 = arith.constant 5 : i32
      %add3A_1930 = arith.addi %add3A_1913, %add3A_1929 : i32
      %sub3A_1931 = arith.constant 1 : i32
      %sub3A_1932 = arith.subi %add3A_1930, %sub3A_1931 : i32
      %sub3A_1933 = arith.constant 1 : i32
      %sub3A_1934 = arith.subi %sub3A_216, %sub3A_1933 : i32
      %min3A_1935 = arith.minsi %sub3A_1932, %sub3A_1934 : i32
      %add3A_1936 = arith.addi %add3A_187, %min3A_1935 : i32
      %max3A_1937 = arith.constant 0 : i32
      %max3A_1938 = arith.maxsi %add3A_1936, %max3A_1937 : i32
      %mul3A_1939 = arith.constant 64 : i32
      %mul3A_1940 = arith.muli %max3A_1938, %mul3A_1939 : i32
      %dma_start3A_1941 = arith.constant 2 : i32
      %dma_start3A_1942 = arith.constant 2 : i32
      %dma_start3A_1943 = arith.constant 0 : i32
      %dma_start3A_1944 = tpu.memref_slice %arg5[%dma_start3A_1941, %dma_start3A_1943] : memref<5x64xi32, #tpu.memory_space<vmem>> -> memref<1x64xi32, #tpu.memory_space<vmem>>
      %dma_start3A_1945 = tpu.memref_squeeze %dma_start3A_1944 : memref<1x64xi32, #tpu.memory_space<vmem>> -> memref<64xi32, #tpu.memory_space<vmem>>
      %dma_start3A_1946 = tpu.memref_slice %arg3[%mul3A_1940] : memref<320000xi32, #tpu.memory_space<hbm>> -> memref<64xi32, #tpu.memory_space<hbm>>
      %dma_start3A_1947 = tpu.memref_slice %arg12[%dma_start3A_1942] : memref<5x!tpu.dma_semaphore, #tpu.memory_space<semaphore_mem>> -> memref<1x!tpu.dma_semaphore, #tpu.memory_space<semaphore_mem>>
      %dma_start3A_1948 = tpu.memref_squeeze %dma_start3A_1947 : memref<1x!tpu.dma_semaphore, #tpu.memory_space<semaphore_mem>> -> memref<!tpu.dma_semaphore, #tpu.memory_space<semaphore_mem>>
      %dma_start3A_1949 = arith.constant 0 : i32
      %dma_start3A_1950 = tpu.memref_slice %arg5[%dma_start3A_1941, %dma_start3A_1949] : memref<5x64xi32, #tpu.memory_space<vmem>> -> memref<1x64xi32, #tpu.memory_space<vmem>>
      %dma_start3A_1951 = tpu.memref_squeeze %dma_start3A_1950 : memref<1x64xi32, #tpu.memory_space<vmem>> -> memref<64xi32, #tpu.memory_space<vmem>>
      %dma_start3A_1952 = tpu.memref_slice %arg3[%mul3A_1940] : memref<320000xi32, #tpu.memory_space<hbm>> -> memref<64xi32, #tpu.memory_space<hbm>>
      tpu.enqueue_dma source(%dma_start3A_1952 : memref<64xi32, #tpu.memory_space<hbm>>) target(%dma_start3A_1951 : memref<64xi32, #tpu.memory_space<vmem>>) target_semaphore(%dma_start3A_1948 : memref<!tpu.dma_semaphore, #tpu.memory_space<semaphore_mem>>)
      %mul3A_1953 = arith.constant 64 : i32
      %mul3A_1954 = arith.muli %max3A_1938, %mul3A_1953 : i32
      %dma_start3A_1955 = arith.constant 2 : i32
      %dma_start3A_1956 = arith.constant 2 : i32
      %dma_start3A_1957 = arith.constant 0 : i32
      %dma_start3A_1958 = arith.constant 0 : i32
      %dma_start3A_1959 = tpu.memref_slice %arg6[%dma_start3A_1955, %dma_start3A_1957, %dma_start3A_1958] : memref<5x64x128xf32, #tpu.memory_space<vmem>> -> memref<1x64x128xf32, #tpu.memory_space<vmem>>
      %dma_start3A_1960 = tpu.memref_squeeze %dma_start3A_1959 : memref<1x64x128xf32, #tpu.memory_space<vmem>> -> memref<64x128xf32, #tpu.memory_space<vmem>>
      %dma_start3A_1961 = arith.constant 0 : i32
      %dma_start3A_1962 = tpu.memref_slice %arg2[%mul3A_1954, %dma_start3A_1961] : memref<320000x128xf32, #tpu.memory_space<hbm>> -> memref<64x128xf32, #tpu.memory_space<hbm>>
      %dma_start3A_1963 = tpu.memref_slice %arg12[%dma_start3A_1956] : memref<5x!tpu.dma_semaphore, #tpu.memory_space<semaphore_mem>> -> memref<1x!tpu.dma_semaphore, #tpu.memory_space<semaphore_mem>>
      %dma_start3A_1964 = tpu.memref_squeeze %dma_start3A_1963 : memref<1x!tpu.dma_semaphore, #tpu.memory_space<semaphore_mem>> -> memref<!tpu.dma_semaphore, #tpu.memory_space<semaphore_mem>>
      %dma_start3A_1965 = arith.constant 0 : i32
      %dma_start3A_1966 = arith.constant 0 : i32
      %dma_start3A_1967 = tpu.memref_slice %arg6[%dma_start3A_1955, %dma_start3A_1965, %dma_start3A_1966] : memref<5x64x128xf32, #tpu.memory_space<vmem>> -> memref<1x64x128xf32, #tpu.memory_space<vmem>>
      %dma_start3A_1968 = tpu.memref_squeeze %dma_start3A_1967 : memref<1x64x128xf32, #tpu.memory_space<vmem>> -> memref<64x128xf32, #tpu.memory_space<vmem>>
      %dma_start3A_1969 = arith.constant 0 : i32
      %dma_start3A_1970 = tpu.memref_slice %arg2[%mul3A_1954, %dma_start3A_1969] : memref<320000x128xf32, #tpu.memory_space<hbm>> -> memref<64x128xf32, #tpu.memory_space<hbm>>
      tpu.enqueue_dma source(%dma_start3A_1970 : memref<64x128xf32, #tpu.memory_space<hbm>>) target(%dma_start3A_1968 : memref<64x128xf32, #tpu.memory_space<vmem>>) target_semaphore(%dma_start3A_1964 : memref<!tpu.dma_semaphore, #tpu.memory_space<semaphore_mem>>)
      %dma_wait3A_1971 = arith.constant 3 : i32
      %dma_wait3A_1972 = arith.constant 3 : i32
      %dma_wait3A_1973 = arith.constant 0 : i32
      %dma_wait3A_1974 = tpu.memref_slice %arg5[%dma_wait3A_1971, %dma_wait3A_1973] : memref<5x64xi32, #tpu.memory_space<vmem>> -> memref<1x64xi32, #tpu.memory_space<vmem>>
      %dma_wait3A_1975 = tpu.memref_squeeze %dma_wait3A_1974 : memref<1x64xi32, #tpu.memory_space<vmem>> -> memref<64xi32, #tpu.memory_space<vmem>>
      %dma_wait3A_1976 = arith.constant 0 : i32
      %dma_wait3A_1977 = tpu.memref_slice %arg3[%dma_wait3A_1976] : memref<320000xi32, #tpu.memory_space<hbm>> -> memref<64xi32, #tpu.memory_space<hbm>>
      %dma_wait3A_1978 = tpu.memref_slice %arg12[%dma_wait3A_1972] : memref<5x!tpu.dma_semaphore, #tpu.memory_space<semaphore_mem>> -> memref<1x!tpu.dma_semaphore, #tpu.memory_space<semaphore_mem>>
      %dma_wait3A_1979 = tpu.memref_squeeze %dma_wait3A_1978 : memref<1x!tpu.dma_semaphore, #tpu.memory_space<semaphore_mem>> -> memref<!tpu.dma_semaphore, #tpu.memory_space<semaphore_mem>>
      %dma_wait3A_1980 = arith.constant 0 : i32
      %dma_wait3A_1981 = tpu.memref_slice %arg5[%dma_wait3A_1971, %dma_wait3A_1980] : memref<5x64xi32, #tpu.memory_space<vmem>> -> memref<1x64xi32, #tpu.memory_space<vmem>>
      %dma_wait3A_1982 = tpu.memref_squeeze %dma_wait3A_1981 : memref<1x64xi32, #tpu.memory_space<vmem>> -> memref<64xi32, #tpu.memory_space<vmem>>
      %dma_wait3A_1983 = arith.constant 0 : i32
      %dma_wait3A_1984 = tpu.memref_slice %arg3[%dma_wait3A_1983] : memref<320000xi32, #tpu.memory_space<hbm>> -> memref<64xi32, #tpu.memory_space<hbm>>
      tpu.wait_dma2 semaphore(%dma_wait3A_1979 : memref<!tpu.dma_semaphore, #tpu.memory_space<semaphore_mem>>) src(%dma_wait3A_1984 : memref<64xi32, #tpu.memory_space<hbm>>) dst(%dma_wait3A_1982 : memref<64xi32, #tpu.memory_space<vmem>>)
      %dma_wait3A_1985 = arith.constant 3 : i32
      %dma_wait3A_1986 = arith.constant 3 : i32
      %dma_wait3A_1987 = arith.constant 0 : i32
      %dma_wait3A_1988 = arith.constant 0 : i32
      %dma_wait3A_1989 = tpu.memref_slice %arg6[%dma_wait3A_1985, %dma_wait3A_1987, %dma_wait3A_1988] : memref<5x64x128xf32, #tpu.memory_space<vmem>> -> memref<1x64x128xf32, #tpu.memory_space<vmem>>
      %dma_wait3A_1990 = tpu.memref_squeeze %dma_wait3A_1989 : memref<1x64x128xf32, #tpu.memory_space<vmem>> -> memref<64x128xf32, #tpu.memory_space<vmem>>
      %dma_wait3A_1991 = arith.constant 0 : i32
      %dma_wait3A_1992 = arith.constant 0 : i32
      %dma_wait3A_1993 = tpu.memref_slice %arg2[%dma_wait3A_1991, %dma_wait3A_1992] : memref<320000x128xf32, #tpu.memory_space<hbm>> -> memref<64x128xf32, #tpu.memory_space<hbm>>
      %dma_wait3A_1994 = tpu.memref_slice %arg12[%dma_wait3A_1986] : memref<5x!tpu.dma_semaphore, #tpu.memory_space<semaphore_mem>> -> memref<1x!tpu.dma_semaphore, #tpu.memory_space<semaphore_mem>>
      %dma_wait3A_1995 = tpu.memref_squeeze %dma_wait3A_1994 : memref<1x!tpu.dma_semaphore, #tpu.memory_space<semaphore_mem>> -> memref<!tpu.dma_semaphore, #tpu.memory_space<semaphore_mem>>
      %dma_wait3A_1996 = arith.constant 0 : i32
      %dma_wait3A_1997 = arith.constant 0 : i32
      %dma_wait3A_1998 = tpu.memref_slice %arg6[%dma_wait3A_1985, %dma_wait3A_1996, %dma_wait3A_1997] : memref<5x64x128xf32, #tpu.memory_space<vmem>> -> memref<1x64x128xf32, #tpu.memory_space<vmem>>
      %dma_wait3A_1999 = tpu.memref_squeeze %dma_wait3A_1998 : memref<1x64x128xf32, #tpu.memory_space<vmem>> -> memref<64x128xf32, #tpu.memory_space<vmem>>
      %dma_wait3A_2000 = arith.constant 0 : i32
      %dma_wait3A_2001 = arith.constant 0 : i32
      %dma_wait3A_2002 = tpu.memref_slice %arg2[%dma_wait3A_2000, %dma_wait3A_2001] : memref<320000x128xf32, #tpu.memory_space<hbm>> -> memref<64x128xf32, #tpu.memory_space<hbm>>
      tpu.wait_dma2 semaphore(%dma_wait3A_1995 : memref<!tpu.dma_semaphore, #tpu.memory_space<semaphore_mem>>) src(%dma_wait3A_2002 : memref<64x128xf32, #tpu.memory_space<hbm>>) dst(%dma_wait3A_1999 : memref<64x128xf32, #tpu.memory_space<vmem>>)
      %lt3A_2003 = arith.cmpi slt, %add3A_1913, %sub3A_216 : i32
      %jit3A_2004 = arith.constant 0 : i32
      %jit3A_2005 = arith.constant 10000 : i32
      %select_n3A_2006 = arith.select %lt3A_2003, %jit3A_2004, %jit3A_2005 : i32
      %sub3A_2007 = arith.subi %mul3A_218, %select_n3A_2006 : i32
      %broadcast_in_dim3A_2008 = vector.broadcast %sub3A_2007 : i32 to vector<16xi32>
      %get3A_2009 = arith.constant 3 : i32
      %get3A_2010 = arith.index_cast %get3A_2009 : i32 to index
      %get3A_2011 = arith.constant 0 : index
      %get3A_2012 = tpu.vector_load %arg5[%get3A_2010, %get3A_2011] {strides = array<i32>} : memref<5x64xi32, #tpu.memory_space<vmem>>, vector<1x16xi32>,
      %get3A_2013 = vector.shape_cast %get3A_2012 : vector<1x16xi32> to vector<16xi32>
      %sub3A_2014 = arith.subi %get3A_2013, %broadcast_in_dim3A_2008 : vector<16xi32>
      %min3A_2015 = arith.constant 5000 : i32
      %min3A_2016 = vector.broadcast %min3A_2015 : i32 to vector<16xi32>
      %min3A_2017 = arith.minui %sub3A_2014, %min3A_2016 : vector<16xi32>
      %swap3A_2018 = arith.constant 3 : i32
      %swap3A_2019 = arith.index_cast %swap3A_2018 : i32 to index
      %swap3A_2020 = arith.constant 0 : index
      %swap3A_2021 = tpu.vector_load %arg5[%swap3A_2019, %swap3A_2020] {strides = array<i32>} : memref<5x64xi32, #tpu.memory_space<vmem>>, vector<1x16xi32>,
      %swap3A_2022 = vector.shape_cast %swap3A_2021 : vector<1x16xi32> to vector<16xi32>
      %swap3A_2023 = vector.shape_cast %min3A_2017 : vector<16xi32> to vector<1x16xi32>
      tpu.vector_store %arg5[%swap3A_2019, %swap3A_2020], %swap3A_2023 {strides = array<i32>} : memref<5x64xi32, #tpu.memory_space<vmem>>, vector<1x16xi32>,
      %get3A_2024 = arith.constant 3 : i32
      %get3A_2025 = arith.index_cast %get3A_2024 : i32 to index
      %get3A_2026 = arith.constant 16 : index
      %get3A_2027 = tpu.vector_load %arg5[%get3A_2025, %get3A_2026] {strides = array<i32>} : memref<5x64xi32, #tpu.memory_space<vmem>>, vector<1x16xi32>,
      %get3A_2028 = vector.shape_cast %get3A_2027 : vector<1x16xi32> to vector<16xi32>
      %sub3A_2029 = arith.subi %get3A_2028, %broadcast_in_dim3A_2008 : vector<16xi32>
      %min3A_2030 = arith.constant 5000 : i32
      %min3A_2031 = vector.broadcast %min3A_2030 : i32 to vector<16xi32>
      %min3A_2032 = arith.minui %sub3A_2029, %min3A_2031 : vector<16xi32>
      %swap3A_2033 = arith.constant 3 : i32
      %swap3A_2034 = arith.index_cast %swap3A_2033 : i32 to index
      %swap3A_2035 = arith.constant 16 : index
      %swap3A_2036 = tpu.vector_load %arg5[%swap3A_2034, %swap3A_2035] {strides = array<i32>} : memref<5x64xi32, #tpu.memory_space<vmem>>, vector<1x16xi32>,
      %swap3A_2037 = vector.shape_cast %swap3A_2036 : vector<1x16xi32> to vector<16xi32>
      %swap3A_2038 = vector.shape_cast %min3A_2032 : vector<16xi32> to vector<1x16xi32>
      tpu.vector_store %arg5[%swap3A_2034, %swap3A_2035], %swap3A_2038 {strides = array<i32>} : memref<5x64xi32, #tpu.memory_space<vmem>>, vector<1x16xi32>,
      %get3A_2039 = arith.constant 3 : i32
      %get3A_2040 = arith.index_cast %get3A_2039 : i32 to index
      %get3A_2041 = arith.constant 32 : index
      %get3A_2042 = tpu.vector_load %arg5[%get3A_2040, %get3A_2041] {strides = array<i32>} : memref<5x64xi32, #tpu.memory_space<vmem>>, vector<1x16xi32>,
      %get3A_2043 = vector.shape_cast %get3A_2042 : vector<1x16xi32> to vector<16xi32>
      %sub3A_2044 = arith.subi %get3A_2043, %broadcast_in_dim3A_2008 : vector<16xi32>
      %min3A_2045 = arith.constant 5000 : i32
      %min3A_2046 = vector.broadcast %min3A_2045 : i32 to vector<16xi32>
      %min3A_2047 = arith.minui %sub3A_2044, %min3A_2046 : vector<16xi32>
      %swap3A_2048 = arith.constant 3 : i32
      %swap3A_2049 = arith.index_cast %swap3A_2048 : i32 to index
      %swap3A_2050 = arith.constant 32 : index
      %swap3A_2051 = tpu.vector_load %arg5[%swap3A_2049, %swap3A_2050] {strides = array<i32>} : memref<5x64xi32, #tpu.memory_space<vmem>>, vector<1x16xi32>,
      %swap3A_2052 = vector.shape_cast %swap3A_2051 : vector<1x16xi32> to vector<16xi32>
      %swap3A_2053 = vector.shape_cast %min3A_2047 : vector<16xi32> to vector<1x16xi32>
      tpu.vector_store %arg5[%swap3A_2049, %swap3A_2050], %swap3A_2053 {strides = array<i32>} : memref<5x64xi32, #tpu.memory_space<vmem>>, vector<1x16xi32>,
      %get3A_2054 = arith.constant 3 : i32
      %get3A_2055 = arith.index_cast %get3A_2054 : i32 to index
      %get3A_2056 = arith.constant 48 : index
      %get3A_2057 = tpu.vector_load %arg5[%get3A_2055, %get3A_2056] {strides = array<i32>} : memref<5x64xi32, #tpu.memory_space<vmem>>, vector<1x16xi32>,
      %get3A_2058 = vector.shape_cast %get3A_2057 : vector<1x16xi32> to vector<16xi32>
      %sub3A_2059 = arith.subi %get3A_2058, %broadcast_in_dim3A_2008 : vector<16xi32>
      %min3A_2060 = arith.constant 5000 : i32
      %min3A_2061 = vector.broadcast %min3A_2060 : i32 to vector<16xi32>
      %min3A_2062 = arith.minui %sub3A_2059, %min3A_2061 : vector<16xi32>
      %swap3A_2063 = arith.constant 3 : i32
      %swap3A_2064 = arith.index_cast %swap3A_2063 : i32 to index
      %swap3A_2065 = arith.constant 48 : index
      %swap3A_2066 = tpu.vector_load %arg5[%swap3A_2064, %swap3A_2065] {strides = array<i32>} : memref<5x64xi32, #tpu.memory_space<vmem>>, vector<1x16xi32>,
      %swap3A_2067 = vector.shape_cast %swap3A_2066 : vector<1x16xi32> to vector<16xi32>
      %swap3A_2068 = vector.shape_cast %min3A_2062 : vector<16xi32> to vector<1x16xi32>
      tpu.vector_store %arg5[%swap3A_2064, %swap3A_2065], %swap3A_2068 {strides = array<i32>} : memref<5x64xi32, #tpu.memory_space<vmem>>, vector<1x16xi32>,
      %dma_start3A_2069 = arith.constant 3 : i32
      %dma_start3A_2070 = arith.constant 3 : i32
      %dma_start3A_2071 = arith.constant 3 : i32
      %dma_start3A_2072 = arith.constant 0 : i32
      %dma_start3A_2073 = arith.constant 0 : i32
      %dma_start3A_2074 = tpu.memref_slice %arg6[%dma_start3A_2069, %dma_start3A_2072, %dma_start3A_2073] : memref<5x64x128xf32, #tpu.memory_space<vmem>> -> memref<1x64x128xf32, #tpu.memory_space<vmem>>
      %dma_start3A_2075 = tpu.memref_squeeze %dma_start3A_2074 : memref<1x64x128xf32, #tpu.memory_space<vmem>> -> memref<64x128xf32, #tpu.memory_space<vmem>>
      %dma_start3A_2076 = arith.constant 0 : i32
      %dma_start3A_2077 = tpu.memref_slice %arg5[%dma_start3A_2070, %dma_start3A_2076] : memref<5x64xi32, #tpu.memory_space<vmem>> -> memref<1x64xi32, #tpu.memory_space<vmem>>
      %dma_start3A_2078 = tpu.memref_squeeze %dma_start3A_2077 : memref<1x64xi32, #tpu.memory_space<vmem>> -> memref<64xi32, #tpu.memory_space<vmem>>
      %dma_start3A_2079 = arith.constant 0 : i32
      %dma_start3A_2080 = arith.constant 0 : i32
      %dma_start3A_2081 = tpu.memref_slice %arg10[%dma_start3A_2079, %dma_start3A_2080] : memref<5008x128xf32, #tpu.memory_space<vmem_shared>> -> memref<5008x128xf32, #tpu.memory_space<vmem_shared>>
      %dma_start3A_2082 = tpu.memref_slice %arg13[%dma_start3A_2071] : memref<5x!tpu.dma_semaphore, #tpu.memory_space<semaphore_mem>> -> memref<1x!tpu.dma_semaphore, #tpu.memory_space<semaphore_mem>>
      %dma_start3A_2083 = tpu.memref_squeeze %dma_start3A_2082 : memref<1x!tpu.dma_semaphore, #tpu.memory_space<semaphore_mem>> -> memref<!tpu.dma_semaphore, #tpu.memory_space<semaphore_mem>>
      tpu.enqueue_indirect_dma source(%dma_start3A_2075 : memref<64x128xf32, #tpu.memory_space<vmem>>) target(%dma_start3A_2081 : memref<5008x128xf32, #tpu.memory_space<vmem_shared>>) offsets(%dma_start3A_2078 : memref<64xi32, #tpu.memory_space<vmem>>) semaphore(%dma_start3A_2083 : memref<!tpu.dma_semaphore, #tpu.memory_space<semaphore_mem>>) {add = true}
      %mul3A_2084 = arith.constant 5 : i32
      %mul3A_2085 = arith.muli %while3A_1388, %mul3A_2084 : i32
      %add3A_2086 = arith.constant 4 : i32
      %add3A_2087 = arith.addi %mul3A_2085, %add3A_2086 : i32
      %dma_wait3A_2088 = arith.constant 3 : i32
      %dma_wait3A_2089 = arith.constant 3 : i32
      %dma_wait3A_2090 = arith.constant 3 : i32
      %dma_wait3A_2091 = arith.constant 0 : i32
      %dma_wait3A_2092 = arith.constant 0 : i32
      %dma_wait3A_2093 = tpu.memref_slice %arg6[%dma_wait3A_2088, %dma_wait3A_2091, %dma_wait3A_2092] : memref<5x64x128xf32, #tpu.memory_space<vmem>> -> memref<1x64x128xf32, #tpu.memory_space<vmem>>
      %dma_wait3A_2094 = tpu.memref_squeeze %dma_wait3A_2093 : memref<1x64x128xf32, #tpu.memory_space<vmem>> -> memref<64x128xf32, #tpu.memory_space<vmem>>
      %dma_wait3A_2095 = arith.constant 0 : i32
      %dma_wait3A_2096 = tpu.memref_slice %arg5[%dma_wait3A_2089, %dma_wait3A_2095] : memref<5x64xi32, #tpu.memory_space<vmem>> -> memref<1x64xi32, #tpu.memory_space<vmem>>
      %dma_wait3A_2097 = tpu.memref_squeeze %dma_wait3A_2096 : memref<1x64xi32, #tpu.memory_space<vmem>> -> memref<64xi32, #tpu.memory_space<vmem>>
      %dma_wait3A_2098 = arith.constant 0 : i32
      %dma_wait3A_2099 = arith.constant 0 : i32
      %dma_wait3A_2100 = tpu.memref_slice %arg10[%dma_wait3A_2098, %dma_wait3A_2099] : memref<5008x128xf32, #tpu.memory_space<vmem_shared>> -> memref<5008x128xf32, #tpu.memory_space<vmem_shared>>
      %dma_wait3A_2101 = tpu.memref_slice %arg13[%dma_wait3A_2090] : memref<5x!tpu.dma_semaphore, #tpu.memory_space<semaphore_mem>> -> memref<1x!tpu.dma_semaphore, #tpu.memory_space<semaphore_mem>>
      %dma_wait3A_2102 = tpu.memref_squeeze %dma_wait3A_2101 : memref<1x!tpu.dma_semaphore, #tpu.memory_space<semaphore_mem>> -> memref<!tpu.dma_semaphore, #tpu.memory_space<semaphore_mem>>
      tpu.wait_indirect_dma semaphore(%dma_wait3A_2102 : memref<!tpu.dma_semaphore, #tpu.memory_space<semaphore_mem>>) src(%dma_wait3A_2094 : memref<64x128xf32, #tpu.memory_space<vmem>>) dst(%dma_wait3A_2100 : memref<5008x128xf32, #tpu.memory_space<vmem_shared>>)
      %add3A_2103 = arith.constant 5 : i32
      %add3A_2104 = arith.addi %add3A_2087, %add3A_2103 : i32
      %sub3A_2105 = arith.constant 1 : i32
      %sub3A_2106 = arith.subi %add3A_2104, %sub3A_2105 : i32
      %sub3A_2107 = arith.constant 1 : i32
      %sub3A_2108 = arith.subi %sub3A_216, %sub3A_2107 : i32
      %min3A_2109 = arith.minsi %sub3A_2106, %sub3A_2108 : i32
      %add3A_2110 = arith.addi %add3A_187, %min3A_2109 : i32
      %max3A_2111 = arith.constant 0 : i32
      %max3A_2112 = arith.maxsi %add3A_2110, %max3A_2111 : i32
      %mul3A_2113 = arith.constant 64 : i32
      %mul3A_2114 = arith.muli %max3A_2112, %mul3A_2113 : i32
      %dma_start3A_2115 = arith.constant 3 : i32
      %dma_start3A_2116 = arith.constant 3 : i32
      %dma_start3A_2117 = arith.constant 0 : i32
      %dma_start3A_2118 = tpu.memref_slice %arg5[%dma_start3A_2115, %dma_start3A_2117] : memref<5x64xi32, #tpu.memory_space<vmem>> -> memref<1x64xi32, #tpu.memory_space<vmem>>
      %dma_start3A_2119 = tpu.memref_squeeze %dma_start3A_2118 : memref<1x64xi32, #tpu.memory_space<vmem>> -> memref<64xi32, #tpu.memory_space<vmem>>
      %dma_start3A_2120 = tpu.memref_slice %arg3[%mul3A_2114] : memref<320000xi32, #tpu.memory_space<hbm>> -> memref<64xi32, #tpu.memory_space<hbm>>
      %dma_start3A_2121 = tpu.memref_slice %arg12[%dma_start3A_2116] : memref<5x!tpu.dma_semaphore, #tpu.memory_space<semaphore_mem>> -> memref<1x!tpu.dma_semaphore, #tpu.memory_space<semaphore_mem>>
      %dma_start3A_2122 = tpu.memref_squeeze %dma_start3A_2121 : memref<1x!tpu.dma_semaphore, #tpu.memory_space<semaphore_mem>> -> memref<!tpu.dma_semaphore, #tpu.memory_space<semaphore_mem>>
      %dma_start3A_2123 = arith.constant 0 : i32
      %dma_start3A_2124 = tpu.memref_slice %arg5[%dma_start3A_2115, %dma_start3A_2123] : memref<5x64xi32, #tpu.memory_space<vmem>> -> memref<1x64xi32, #tpu.memory_space<vmem>>
      %dma_start3A_2125 = tpu.memref_squeeze %dma_start3A_2124 : memref<1x64xi32, #tpu.memory_space<vmem>> -> memref<64xi32, #tpu.memory_space<vmem>>
      %dma_start3A_2126 = tpu.memref_slice %arg3[%mul3A_2114] : memref<320000xi32, #tpu.memory_space<hbm>> -> memref<64xi32, #tpu.memory_space<hbm>>
      tpu.enqueue_dma source(%dma_start3A_2126 : memref<64xi32, #tpu.memory_space<hbm>>) target(%dma_start3A_2125 : memref<64xi32, #tpu.memory_space<vmem>>) target_semaphore(%dma_start3A_2122 : memref<!tpu.dma_semaphore, #tpu.memory_space<semaphore_mem>>)
      %mul3A_2127 = arith.constant 64 : i32
      %mul3A_2128 = arith.muli %max3A_2112, %mul3A_2127 : i32
      %dma_start3A_2129 = arith.constant 3 : i32
      %dma_start3A_2130 = arith.constant 3 : i32
      %dma_start3A_2131 = arith.constant 0 : i32
      %dma_start3A_2132 = arith.constant 0 : i32
      %dma_start3A_2133 = tpu.memref_slice %arg6[%dma_start3A_2129, %dma_start3A_2131, %dma_start3A_2132] : memref<5x64x128xf32, #tpu.memory_space<vmem>> -> memref<1x64x128xf32, #tpu.memory_space<vmem>>
      %dma_start3A_2134 = tpu.memref_squeeze %dma_start3A_2133 : memref<1x64x128xf32, #tpu.memory_space<vmem>> -> memref<64x128xf32, #tpu.memory_space<vmem>>
      %dma_start3A_2135 = arith.constant 0 : i32
      %dma_start3A_2136 = tpu.memref_slice %arg2[%mul3A_2128, %dma_start3A_2135] : memref<320000x128xf32, #tpu.memory_space<hbm>> -> memref<64x128xf32, #tpu.memory_space<hbm>>
      %dma_start3A_2137 = tpu.memref_slice %arg12[%dma_start3A_2130] : memref<5x!tpu.dma_semaphore, #tpu.memory_space<semaphore_mem>> -> memref<1x!tpu.dma_semaphore, #tpu.memory_space<semaphore_mem>>
      %dma_start3A_2138 = tpu.memref_squeeze %dma_start3A_2137 : memref<1x!tpu.dma_semaphore, #tpu.memory_space<semaphore_mem>> -> memref<!tpu.dma_semaphore, #tpu.memory_space<semaphore_mem>>
      %dma_start3A_2139 = arith.constant 0 : i32
      %dma_start3A_2140 = arith.constant 0 : i32
      %dma_start3A_2141 = tpu.memref_slice %arg6[%dma_start3A_2129, %dma_start3A_2139, %dma_start3A_2140] : memref<5x64x128xf32, #tpu.memory_space<vmem>> -> memref<1x64x128xf32, #tpu.memory_space<vmem>>
      %dma_start3A_2142 = tpu.memref_squeeze %dma_start3A_2141 : memref<1x64x128xf32, #tpu.memory_space<vmem>> -> memref<64x128xf32, #tpu.memory_space<vmem>>
      %dma_start3A_2143 = arith.constant 0 : i32
      %dma_start3A_2144 = tpu.memref_slice %arg2[%mul3A_2128, %dma_start3A_2143] : memref<320000x128xf32, #tpu.memory_space<hbm>> -> memref<64x128xf32, #tpu.memory_space<hbm>>
      tpu.enqueue_dma source(%dma_start3A_2144 : memref<64x128xf32, #tpu.memory_space<hbm>>) target(%dma_start3A_2142 : memref<64x128xf32, #tpu.memory_space<vmem>>) target_semaphore(%dma_start3A_2138 : memref<!tpu.dma_semaphore, #tpu.memory_space<semaphore_mem>>)
      %dma_wait3A_2145 = arith.constant 4 : i32
      %dma_wait3A_2146 = arith.constant 4 : i32
      %dma_wait3A_2147 = arith.constant 0 : i32
      %dma_wait3A_2148 = tpu.memref_slice %arg5[%dma_wait3A_2145, %dma_wait3A_2147] : memref<5x64xi32, #tpu.memory_space<vmem>> -> memref<1x64xi32, #tpu.memory_space<vmem>>
      %dma_wait3A_2149 = tpu.memref_squeeze %dma_wait3A_2148 : memref<1x64xi32, #tpu.memory_space<vmem>> -> memref<64xi32, #tpu.memory_space<vmem>>
      %dma_wait3A_2150 = arith.constant 0 : i32
      %dma_wait3A_2151 = tpu.memref_slice %arg3[%dma_wait3A_2150] : memref<320000xi32, #tpu.memory_space<hbm>> -> memref<64xi32, #tpu.memory_space<hbm>>
      %dma_wait3A_2152 = tpu.memref_slice %arg12[%dma_wait3A_2146] : memref<5x!tpu.dma_semaphore, #tpu.memory_space<semaphore_mem>> -> memref<1x!tpu.dma_semaphore, #tpu.memory_space<semaphore_mem>>
      %dma_wait3A_2153 = tpu.memref_squeeze %dma_wait3A_2152 : memref<1x!tpu.dma_semaphore, #tpu.memory_space<semaphore_mem>> -> memref<!tpu.dma_semaphore, #tpu.memory_space<semaphore_mem>>
      %dma_wait3A_2154 = arith.constant 0 : i32
      %dma_wait3A_2155 = tpu.memref_slice %arg5[%dma_wait3A_2145, %dma_wait3A_2154] : memref<5x64xi32, #tpu.memory_space<vmem>> -> memref<1x64xi32, #tpu.memory_space<vmem>>
      %dma_wait3A_2156 = tpu.memref_squeeze %dma_wait3A_2155 : memref<1x64xi32, #tpu.memory_space<vmem>> -> memref<64xi32, #tpu.memory_space<vmem>>
      %dma_wait3A_2157 = arith.constant 0 : i32
      %dma_wait3A_2158 = tpu.memref_slice %arg3[%dma_wait3A_2157] : memref<320000xi32, #tpu.memory_space<hbm>> -> memref<64xi32, #tpu.memory_space<hbm>>
      tpu.wait_dma2 semaphore(%dma_wait3A_2153 : memref<!tpu.dma_semaphore, #tpu.memory_space<semaphore_mem>>) src(%dma_wait3A_2158 : memref<64xi32, #tpu.memory_space<hbm>>) dst(%dma_wait3A_2156 : memref<64xi32, #tpu.memory_space<vmem>>)
      %dma_wait3A_2159 = arith.constant 4 : i32
      %dma_wait3A_2160 = arith.constant 4 : i32
      %dma_wait3A_2161 = arith.constant 0 : i32
      %dma_wait3A_2162 = arith.constant 0 : i32
      %dma_wait3A_2163 = tpu.memref_slice %arg6[%dma_wait3A_2159, %dma_wait3A_2161, %dma_wait3A_2162] : memref<5x64x128xf32, #tpu.memory_space<vmem>> -> memref<1x64x128xf32, #tpu.memory_space<vmem>>
      %dma_wait3A_2164 = tpu.memref_squeeze %dma_wait3A_2163 : memref<1x64x128xf32, #tpu.memory_space<vmem>> -> memref<64x128xf32, #tpu.memory_space<vmem>>
      %dma_wait3A_2165 = arith.constant 0 : i32
      %dma_wait3A_2166 = arith.constant 0 : i32
      %dma_wait3A_2167 = tpu.memref_slice %arg2[%dma_wait3A_2165, %dma_wait3A_2166] : memref<320000x128xf32, #tpu.memory_space<hbm>> -> memref<64x128xf32, #tpu.memory_space<hbm>>
      %dma_wait3A_2168 = tpu.memref_slice %arg12[%dma_wait3A_2160] : memref<5x!tpu.dma_semaphore, #tpu.memory_space<semaphore_mem>> -> memref<1x!tpu.dma_semaphore, #tpu.memory_space<semaphore_mem>>
      %dma_wait3A_2169 = tpu.memref_squeeze %dma_wait3A_2168 : memref<1x!tpu.dma_semaphore, #tpu.memory_space<semaphore_mem>> -> memref<!tpu.dma_semaphore, #tpu.memory_space<semaphore_mem>>
      %dma_wait3A_2170 = arith.constant 0 : i32
      %dma_wait3A_2171 = arith.constant 0 : i32
      %dma_wait3A_2172 = tpu.memref_slice %arg6[%dma_wait3A_2159, %dma_wait3A_2170, %dma_wait3A_2171] : memref<5x64x128xf32, #tpu.memory_space<vmem>> -> memref<1x64x128xf32, #tpu.memory_space<vmem>>
      %dma_wait3A_2173 = tpu.memref_squeeze %dma_wait3A_2172 : memref<1x64x128xf32, #tpu.memory_space<vmem>> -> memref<64x128xf32, #tpu.memory_space<vmem>>
      %dma_wait3A_2174 = arith.constant 0 : i32
      %dma_wait3A_2175 = arith.constant 0 : i32
      %dma_wait3A_2176 = tpu.memref_slice %arg2[%dma_wait3A_2174, %dma_wait3A_2175] : memref<320000x128xf32, #tpu.memory_space<hbm>> -> memref<64x128xf32, #tpu.memory_space<hbm>>
      tpu.wait_dma2 semaphore(%dma_wait3A_2169 : memref<!tpu.dma_semaphore, #tpu.memory_space<semaphore_mem>>) src(%dma_wait3A_2176 : memref<64x128xf32, #tpu.memory_space<hbm>>) dst(%dma_wait3A_2173 : memref<64x128xf32, #tpu.memory_space<vmem>>)
      %lt3A_2177 = arith.cmpi slt, %add3A_2087, %sub3A_216 : i32
      %jit3A_2178 = arith.constant 0 : i32
      %jit3A_2179 = arith.constant 10000 : i32
      %select_n3A_2180 = arith.select %lt3A_2177, %jit3A_2178, %jit3A_2179 : i32
      %sub3A_2181 = arith.subi %mul3A_218, %select_n3A_2180 : i32
      %broadcast_in_dim3A_2182 = vector.broadcast %sub3A_2181 : i32 to vector<16xi32>
      %get3A_2183 = arith.constant 4 : i32
      %get3A_2184 = arith.index_cast %get3A_2183 : i32 to index
      %get3A_2185 = arith.constant 0 : index
      %get3A_2186 = tpu.vector_load %arg5[%get3A_2184, %get3A_2185] {strides = array<i32>} : memref<5x64xi32, #tpu.memory_space<vmem>>, vector<1x16xi32>,
      %get3A_2187 = vector.shape_cast %get3A_2186 : vector<1x16xi32> to vector<16xi32>
      %sub3A_2188 = arith.subi %get3A_2187, %broadcast_in_dim3A_2182 : vector<16xi32>
      %min3A_2189 = arith.constant 5000 : i32
      %min3A_2190 = vector.broadcast %min3A_2189 : i32 to vector<16xi32>
      %min3A_2191 = arith.minui %sub3A_2188, %min3A_2190 : vector<16xi32>
      %swap3A_2192 = arith.constant 4 : i32
      %swap3A_2193 = arith.index_cast %swap3A_2192 : i32 to index
      %swap3A_2194 = arith.constant 0 : index
      %swap3A_2195 = tpu.vector_load %arg5[%swap3A_2193, %swap3A_2194] {strides = array<i32>} : memref<5x64xi32, #tpu.memory_space<vmem>>, vector<1x16xi32>,
      %swap3A_2196 = vector.shape_cast %swap3A_2195 : vector<1x16xi32> to vector<16xi32>
      %swap3A_2197 = vector.shape_cast %min3A_2191 : vector<16xi32> to vector<1x16xi32>
      tpu.vector_store %arg5[%swap3A_2193, %swap3A_2194], %swap3A_2197 {strides = array<i32>} : memref<5x64xi32, #tpu.memory_space<vmem>>, vector<1x16xi32>,
      %get3A_2198 = arith.constant 4 : i32
      %get3A_2199 = arith.index_cast %get3A_2198 : i32 to index
      %get3A_2200 = arith.constant 16 : index
      %get3A_2201 = tpu.vector_load %arg5[%get3A_2199, %get3A_2200] {strides = array<i32>} : memref<5x64xi32, #tpu.memory_space<vmem>>, vector<1x16xi32>,
      %get3A_2202 = vector.shape_cast %get3A_2201 : vector<1x16xi32> to vector<16xi32>
      %sub3A_2203 = arith.subi %get3A_2202, %broadcast_in_dim3A_2182 : vector<16xi32>
      %min3A_2204 = arith.constant 5000 : i32
      %min3A_2205 = vector.broadcast %min3A_2204 : i32 to vector<16xi32>
      %min3A_2206 = arith.minui %sub3A_2203, %min3A_2205 : vector<16xi32>
      %swap3A_2207 = arith.constant 4 : i32
      %swap3A_2208 = arith.index_cast %swap3A_2207 : i32 to index
      %swap3A_2209 = arith.constant 16 : index
      %swap3A_2210 = tpu.vector_load %arg5[%swap3A_2208, %swap3A_2209] {strides = array<i32>} : memref<5x64xi32, #tpu.memory_space<vmem>>, vector<1x16xi32>,
      %swap3A_2211 = vector.shape_cast %swap3A_2210 : vector<1x16xi32> to vector<16xi32>
      %swap3A_2212 = vector.shape_cast %min3A_2206 : vector<16xi32> to vector<1x16xi32>
      tpu.vector_store %arg5[%swap3A_2208, %swap3A_2209], %swap3A_2212 {strides = array<i32>} : memref<5x64xi32, #tpu.memory_space<vmem>>, vector<1x16xi32>,
      %get3A_2213 = arith.constant 4 : i32
      %get3A_2214 = arith.index_cast %get3A_2213 : i32 to index
      %get3A_2215 = arith.constant 32 : index
      %get3A_2216 = tpu.vector_load %arg5[%get3A_2214, %get3A_2215] {strides = array<i32>} : memref<5x64xi32, #tpu.memory_space<vmem>>, vector<1x16xi32>,
      %get3A_2217 = vector.shape_cast %get3A_2216 : vector<1x16xi32> to vector<16xi32>
      %sub3A_2218 = arith.subi %get3A_2217, %broadcast_in_dim3A_2182 : vector<16xi32>
      %min3A_2219 = arith.constant 5000 : i32
      %min3A_2220 = vector.broadcast %min3A_2219 : i32 to vector<16xi32>
      %min3A_2221 = arith.minui %sub3A_2218, %min3A_2220 : vector<16xi32>
      %swap3A_2222 = arith.constant 4 : i32
      %swap3A_2223 = arith.index_cast %swap3A_2222 : i32 to index
      %swap3A_2224 = arith.constant 32 : index
      %swap3A_2225 = tpu.vector_load %arg5[%swap3A_2223, %swap3A_2224] {strides = array<i32>} : memref<5x64xi32, #tpu.memory_space<vmem>>, vector<1x16xi32>,
      %swap3A_2226 = vector.shape_cast %swap3A_2225 : vector<1x16xi32> to vector<16xi32>
      %swap3A_2227 = vector.shape_cast %min3A_2221 : vector<16xi32> to vector<1x16xi32>
      tpu.vector_store %arg5[%swap3A_2223, %swap3A_2224], %swap3A_2227 {strides = array<i32>} : memref<5x64xi32, #tpu.memory_space<vmem>>, vector<1x16xi32>,
      %get3A_2228 = arith.constant 4 : i32
      %get3A_2229 = arith.index_cast %get3A_2228 : i32 to index
      %get3A_2230 = arith.constant 48 : index
      %get3A_2231 = tpu.vector_load %arg5[%get3A_2229, %get3A_2230] {strides = array<i32>} : memref<5x64xi32, #tpu.memory_space<vmem>>, vector<1x16xi32>,
      %get3A_2232 = vector.shape_cast %get3A_2231 : vector<1x16xi32> to vector<16xi32>
      %sub3A_2233 = arith.subi %get3A_2232, %broadcast_in_dim3A_2182 : vector<16xi32>
      %min3A_2234 = arith.constant 5000 : i32
      %min3A_2235 = vector.broadcast %min3A_2234 : i32 to vector<16xi32>
      %min3A_2236 = arith.minui %sub3A_2233, %min3A_2235 : vector<16xi32>
      %swap3A_2237 = arith.constant 4 : i32
      %swap3A_2238 = arith.index_cast %swap3A_2237 : i32 to index
      %swap3A_2239 = arith.constant 48 : index
      %swap3A_2240 = tpu.vector_load %arg5[%swap3A_2238, %swap3A_2239] {strides = array<i32>} : memref<5x64xi32, #tpu.memory_space<vmem>>, vector<1x16xi32>,
      %swap3A_2241 = vector.shape_cast %swap3A_2240 : vector<1x16xi32> to vector<16xi32>
      %swap3A_2242 = vector.shape_cast %min3A_2236 : vector<16xi32> to vector<1x16xi32>
      tpu.vector_store %arg5[%swap3A_2238, %swap3A_2239], %swap3A_2242 {strides = array<i32>} : memref<5x64xi32, #tpu.memory_space<vmem>>, vector<1x16xi32>,
      %dma_start3A_2243 = arith.constant 4 : i32
      %dma_start3A_2244 = arith.constant 4 : i32
      %dma_start3A_2245 = arith.constant 4 : i32
      %dma_start3A_2246 = arith.constant 0 : i32
      %dma_start3A_2247 = arith.constant 0 : i32
      %dma_start3A_2248 = tpu.memref_slice %arg6[%dma_start3A_2243, %dma_start3A_2246, %dma_start3A_2247] : memref<5x64x128xf32, #tpu.memory_space<vmem>> -> memref<1x64x128xf32, #tpu.memory_space<vmem>>
      %dma_start3A_2249 = tpu.memref_squeeze %dma_start3A_2248 : memref<1x64x128xf32, #tpu.memory_space<vmem>> -> memref<64x128xf32, #tpu.memory_space<vmem>>
      %dma_start3A_2250 = arith.constant 0 : i32
      %dma_start3A_2251 = tpu.memref_slice %arg5[%dma_start3A_2244, %dma_start3A_2250] : memref<5x64xi32, #tpu.memory_space<vmem>> -> memref<1x64xi32, #tpu.memory_space<vmem>>
      %dma_start3A_2252 = tpu.memref_squeeze %dma_start3A_2251 : memref<1x64xi32, #tpu.memory_space<vmem>> -> memref<64xi32, #tpu.memory_space<vmem>>
      %dma_start3A_2253 = arith.constant 0 : i32
      %dma_start3A_2254 = arith.constant 0 : i32
      %dma_start3A_2255 = tpu.memref_slice %arg10[%dma_start3A_2253, %dma_start3A_2254] : memref<5008x128xf32, #tpu.memory_space<vmem_shared>> -> memref<5008x128xf32, #tpu.memory_space<vmem_shared>>
      %dma_start3A_2256 = tpu.memref_slice %arg13[%dma_start3A_2245] : memref<5x!tpu.dma_semaphore, #tpu.memory_space<semaphore_mem>> -> memref<1x!tpu.dma_semaphore, #tpu.memory_space<semaphore_mem>>
      %dma_start3A_2257 = tpu.memref_squeeze %dma_start3A_2256 : memref<1x!tpu.dma_semaphore, #tpu.memory_space<semaphore_mem>> -> memref<!tpu.dma_semaphore, #tpu.memory_space<semaphore_mem>>
      tpu.enqueue_indirect_dma source(%dma_start3A_2249 : memref<64x128xf32, #tpu.memory_space<vmem>>) target(%dma_start3A_2255 : memref<5008x128xf32, #tpu.memory_space<vmem_shared>>) offsets(%dma_start3A_2252 : memref<64xi32, #tpu.memory_space<vmem>>) semaphore(%dma_start3A_2257 : memref<!tpu.dma_semaphore, #tpu.memory_space<semaphore_mem>>) {add = true}
    }
    %while3A_1235 = arith.constant 1 : i32
    scf.for %while3A_1388 = %while3A_1233 to %while3A_1229 step %while3A_1235  : i32 {
      %mul3A_1389 = arith.constant 5 : i32
      %mul3A_1390 = arith.muli %while3A_1388, %mul3A_1389 : i32
      %add3A_1391 = arith.constant 0 : i32
      %add3A_1392 = arith.addi %mul3A_1390, %add3A_1391 : i32
      %dma_wait3A_1393 = arith.constant 4 : i32
      %dma_wait3A_1394 = arith.constant 4 : i32
      %dma_wait3A_1395 = arith.constant 4 : i32
      %dma_wait3A_1396 = arith.constant 0 : i32
      %dma_wait3A_1397 = arith.constant 0 : i32
      %dma_wait3A_1398 = tpu.memref_slice %arg6[%dma_wait3A_1393, %dma_wait3A_1396, %dma_wait3A_1397] : memref<5x64x128xf32, #tpu.memory_space<vmem>> -> memref<1x64x128xf32, #tpu.memory_space<vmem>>
      %dma_wait3A_1399 = tpu.memref_squeeze %dma_wait3A_1398 : memref<1x64x128xf32, #tpu.memory_space<vmem>> -> memref<64x128xf32, #tpu.memory_space<vmem>>
      %dma_wait3A_1400 = arith.constant 0 : i32
      %dma_wait3A_1401 = tpu.memref_slice %arg5[%dma_wait3A_1394, %dma_wait3A_1400] : memref<5x64xi32, #tpu.memory_space<vmem>> -> memref<1x64xi32, #tpu.memory_space<vmem>>
      %dma_wait3A_1402 = tpu.memref_squeeze %dma_wait3A_1401 : memref<1x64xi32, #tpu.memory_space<vmem>> -> memref<64xi32, #tpu.memory_space<vmem>>
      %dma_wait3A_1403 = arith.constant 0 : i32
      %dma_wait3A_1404 = arith.constant 0 : i32
      %dma_wait3A_1405 = tpu.memref_slice %arg10[%dma_wait3A_1403, %dma_wait3A_1404] : memref<5008x128xf32, #tpu.memory_space<vmem_shared>> -> memref<5008x128xf32, #tpu.memory_space<vmem_shared>>
      %dma_wait3A_1406 = tpu.memref_slice %arg13[%dma_wait3A_1395] : memref<5x!tpu.dma_semaphore, #tpu.memory_space<semaphore_mem>> -> memref<1x!tpu.dma_semaphore, #tpu.memory_space<semaphore_mem>>
      %dma_wait3A_1407 = tpu.memref_squeeze %dma_wait3A_1406 : memref<1x!tpu.dma_semaphore, #tpu.memory_space<semaphore_mem>> -> memref<!tpu.dma_semaphore, #tpu.memory_space<semaphore_mem>>
      tpu.wait_indirect_dma semaphore(%dma_wait3A_1407 : memref<!tpu.dma_semaphore, #tpu.memory_space<semaphore_mem>>) src(%dma_wait3A_1399 : memref<64x128xf32, #tpu.memory_space<vmem>>) dst(%dma_wait3A_1405 : memref<5008x128xf32, #tpu.memory_space<vmem_shared>>)
      %add3A_1408 = arith.constant 5 : i32
      %add3A_1409 = arith.addi %add3A_1392, %add3A_1408 : i32
      %sub3A_1410 = arith.constant 1 : i32
      %sub3A_1411 = arith.subi %add3A_1409, %sub3A_1410 : i32
      %sub3A_1412 = arith.constant 1 : i32
      %sub3A_1413 = arith.subi %sub3A_216, %sub3A_1412 : i32
      %min3A_1414 = arith.minsi %sub3A_1411, %sub3A_1413 : i32
      %add3A_1415 = arith.addi %add3A_187, %min3A_1414 : i32
      %max3A_1416 = arith.constant 0 : i32
      %max3A_1417 = arith.maxsi %add3A_1415, %max3A_1416 : i32
      %mul3A_1418 = arith.constant 64 : i32
      %mul3A_1419 = arith.muli %max3A_1417, %mul3A_1418 : i32
      %dma_start3A_1420 = arith.constant 4 : i32
      %dma_start3A_1421 = arith.constant 4 : i32
      %dma_start3A_1422 = arith.constant 0 : i32
      %dma_start3A_1423 = tpu.memref_slice %arg5[%dma_start3A_1420, %dma_start3A_1422] : memref<5x64xi32, #tpu.memory_space<vmem>> -> memref<1x64xi32, #tpu.memory_space<vmem>>
      %dma_start3A_1424 = tpu.memref_squeeze %dma_start3A_1423 : memref<1x64xi32, #tpu.memory_space<vmem>> -> memref<64xi32, #tpu.memory_space<vmem>>
      %dma_start3A_1425 = tpu.memref_slice %arg3[%mul3A_1419] : memref<320000xi32, #tpu.memory_space<hbm>> -> memref<64xi32, #tpu.memory_space<hbm>>
      %dma_start3A_1426 = tpu.memref_slice %arg12[%dma_start3A_1421] : memref<5x!tpu.dma_semaphore, #tpu.memory_space<semaphore_mem>> -> memref<1x!tpu.dma_semaphore, #tpu.memory_space<semaphore_mem>>
      %dma_start3A_1427 = tpu.memref_squeeze %dma_start3A_1426 : memref<1x!tpu.dma_semaphore, #tpu.memory_space<semaphore_mem>> -> memref<!tpu.dma_semaphore, #tpu.memory_space<semaphore_mem>>
      %dma_start3A_1428 = arith.constant 0 : i32
      %dma_start3A_1429 = tpu.memref_slice %arg5[%dma_start3A_1420, %dma_start3A_1428] : memref<5x64xi32, #tpu.memory_space<vmem>> -> memref<1x64xi32, #tpu.memory_space<vmem>>
      %dma_start3A_1430 = tpu.memref_squeeze %dma_start3A_1429 : memref<1x64xi32, #tpu.memory_space<vmem>> -> memref<64xi32, #tpu.memory_space<vmem>>
      %dma_start3A_1431 = tpu.memref_slice %arg3[%mul3A_1419] : memref<320000xi32, #tpu.memory_space<hbm>> -> memref<64xi32, #tpu.memory_space<hbm>>
      tpu.enqueue_dma source(%dma_start3A_1431 : memref<64xi32, #tpu.memory_space<hbm>>) target(%dma_start3A_1430 : memref<64xi32, #tpu.memory_space<vmem>>) target_semaphore(%dma_start3A_1427 : memref<!tpu.dma_semaphore, #tpu.memory_space<semaphore_mem>>)
      %mul3A_1432 = arith.constant 64 : i32
      %mul3A_1433 = arith.muli %max3A_1417, %mul3A_1432 : i32
      %dma_start3A_1434 = arith.constant 4 : i32
      %dma_start3A_1435 = arith.constant 4 : i32
      %dma_start3A_1436 = arith.constant 0 : i32
      %dma_start3A_1437 = arith.constant 0 : i32
      %dma_start3A_1438 = tpu.memref_slice %arg6[%dma_start3A_1434, %dma_start3A_1436, %dma_start3A_1437] : memref<5x64x128xf32, #tpu.memory_space<vmem>> -> memref<1x64x128xf32, #tpu.memory_space<vmem>>
      %dma_start3A_1439 = tpu.memref_squeeze %dma_start3A_1438 : memref<1x64x128xf32, #tpu.memory_space<vmem>> -> memref<64x128xf32, #tpu.memory_space<vmem>>
      %dma_start3A_1440 = arith.constant 0 : i32
      %dma_start3A_1441 = tpu.memref_slice %arg2[%mul3A_1433, %dma_start3A_1440] : memref<320000x128xf32, #tpu.memory_space<hbm>> -> memref<64x128xf32, #tpu.memory_space<hbm>>
      %dma_start3A_1442 = tpu.memref_slice %arg12[%dma_start3A_1435] : memref<5x!tpu.dma_semaphore, #tpu.memory_space<semaphore_mem>> -> memref<1x!tpu.dma_semaphore, #tpu.memory_space<semaphore_mem>>
      %dma_start3A_1443 = tpu.memref_squeeze %dma_start3A_1442 : memref<1x!tpu.dma_semaphore, #tpu.memory_space<semaphore_mem>> -> memref<!tpu.dma_semaphore, #tpu.memory_space<semaphore_mem>>
      %dma_start3A_1444 = arith.constant 0 : i32
      %dma_start3A_1445 = arith.constant 0 : i32
      %dma_start3A_1446 = tpu.memref_slice %arg6[%dma_start3A_1434, %dma_start3A_1444, %dma_start3A_1445] : memref<5x64x128xf32, #tpu.memory_space<vmem>> -> memref<1x64x128xf32, #tpu.memory_space<vmem>>
      %dma_start3A_1447 = tpu.memref_squeeze %dma_start3A_1446 : memref<1x64x128xf32, #tpu.memory_space<vmem>> -> memref<64x128xf32, #tpu.memory_space<vmem>>
      %dma_start3A_1448 = arith.constant 0 : i32
      %dma_start3A_1449 = tpu.memref_slice %arg2[%mul3A_1433, %dma_start3A_1448] : memref<320000x128xf32, #tpu.memory_space<hbm>> -> memref<64x128xf32, #tpu.memory_space<hbm>>
      tpu.enqueue_dma source(%dma_start3A_1449 : memref<64x128xf32, #tpu.memory_space<hbm>>) target(%dma_start3A_1447 : memref<64x128xf32, #tpu.memory_space<vmem>>) target_semaphore(%dma_start3A_1443 : memref<!tpu.dma_semaphore, #tpu.memory_space<semaphore_mem>>)
      %dma_wait3A_1450 = arith.constant 0 : i32
      %dma_wait3A_1451 = arith.constant 0 : i32
      %dma_wait3A_1452 = arith.constant 0 : i32
      %dma_wait3A_1453 = tpu.memref_slice %arg5[%dma_wait3A_1450, %dma_wait3A_1452] : memref<5x64xi32, #tpu.memory_space<vmem>> -> memref<1x64xi32, #tpu.memory_space<vmem>>
      %dma_wait3A_1454 = tpu.memref_squeeze %dma_wait3A_1453 : memref<1x64xi32, #tpu.memory_space<vmem>> -> memref<64xi32, #tpu.memory_space<vmem>>
      %dma_wait3A_1455 = arith.constant 0 : i32
      %dma_wait3A_1456 = tpu.memref_slice %arg3[%dma_wait3A_1455] : memref<320000xi32, #tpu.memory_space<hbm>> -> memref<64xi32, #tpu.memory_space<hbm>>
      %dma_wait3A_1457 = tpu.memref_slice %arg12[%dma_wait3A_1451] : memref<5x!tpu.dma_semaphore, #tpu.memory_space<semaphore_mem>> -> memref<1x!tpu.dma_semaphore, #tpu.memory_space<semaphore_mem>>
      %dma_wait3A_1458 = tpu.memref_squeeze %dma_wait3A_1457 : memref<1x!tpu.dma_semaphore, #tpu.memory_space<semaphore_mem>> -> memref<!tpu.dma_semaphore, #tpu.memory_space<semaphore_mem>>
      %dma_wait3A_1459 = arith.constant 0 : i32
      %dma_wait3A_1460 = tpu.memref_slice %arg5[%dma_wait3A_1450, %dma_wait3A_1459] : memref<5x64xi32, #tpu.memory_space<vmem>> -> memref<1x64xi32, #tpu.memory_space<vmem>>
      %dma_wait3A_1461 = tpu.memref_squeeze %dma_wait3A_1460 : memref<1x64xi32, #tpu.memory_space<vmem>> -> memref<64xi32, #tpu.memory_space<vmem>>
      %dma_wait3A_1462 = arith.constant 0 : i32
      %dma_wait3A_1463 = tpu.memref_slice %arg3[%dma_wait3A_1462] : memref<320000xi32, #tpu.memory_space<hbm>> -> memref<64xi32, #tpu.memory_space<hbm>>
      tpu.wait_dma2 semaphore(%dma_wait3A_1458 : memref<!tpu.dma_semaphore, #tpu.memory_space<semaphore_mem>>) src(%dma_wait3A_1463 : memref<64xi32, #tpu.memory_space<hbm>>) dst(%dma_wait3A_1461 : memref<64xi32, #tpu.memory_space<vmem>>)
      %dma_wait3A_1464 = arith.constant 0 : i32
      %dma_wait3A_1465 = arith.constant 0 : i32
      %dma_wait3A_1466 = arith.constant 0 : i32
      %dma_wait3A_1467 = arith.constant 0 : i32
      %dma_wait3A_1468 = tpu.memref_slice %arg6[%dma_wait3A_1464, %dma_wait3A_1466, %dma_wait3A_1467] : memref<5x64x128xf32, #tpu.memory_space<vmem>> -> memref<1x64x128xf32, #tpu.memory_space<vmem>>
      %dma_wait3A_1469 = tpu.memref_squeeze %dma_wait3A_1468 : memref<1x64x128xf32, #tpu.memory_space<vmem>> -> memref<64x128xf32, #tpu.memory_space<vmem>>
      %dma_wait3A_1470 = arith.constant 0 : i32
      %dma_wait3A_1471 = arith.constant 0 : i32
      %dma_wait3A_1472 = tpu.memref_slice %arg2[%dma_wait3A_1470, %dma_wait3A_1471] : memref<320000x128xf32, #tpu.memory_space<hbm>> -> memref<64x128xf32, #tpu.memory_space<hbm>>
      %dma_wait3A_1473 = tpu.memref_slice %arg12[%dma_wait3A_1465] : memref<5x!tpu.dma_semaphore, #tpu.memory_space<semaphore_mem>> -> memref<1x!tpu.dma_semaphore, #tpu.memory_space<semaphore_mem>>
      %dma_wait3A_1474 = tpu.memref_squeeze %dma_wait3A_1473 : memref<1x!tpu.dma_semaphore, #tpu.memory_space<semaphore_mem>> -> memref<!tpu.dma_semaphore, #tpu.memory_space<semaphore_mem>>
      %dma_wait3A_1475 = arith.constant 0 : i32
      %dma_wait3A_1476 = arith.constant 0 : i32
      %dma_wait3A_1477 = tpu.memref_slice %arg6[%dma_wait3A_1464, %dma_wait3A_1475, %dma_wait3A_1476] : memref<5x64x128xf32, #tpu.memory_space<vmem>> -> memref<1x64x128xf32, #tpu.memory_space<vmem>>
      %dma_wait3A_1478 = tpu.memref_squeeze %dma_wait3A_1477 : memref<1x64x128xf32, #tpu.memory_space<vmem>> -> memref<64x128xf32, #tpu.memory_space<vmem>>
      %dma_wait3A_1479 = arith.constant 0 : i32
      %dma_wait3A_1480 = arith.constant 0 : i32
      %dma_wait3A_1481 = tpu.memref_slice %arg2[%dma_wait3A_1479, %dma_wait3A_1480] : memref<320000x128xf32, #tpu.memory_space<hbm>> -> memref<64x128xf32, #tpu.memory_space<hbm>>
      tpu.wait_dma2 semaphore(%dma_wait3A_1474 : memref<!tpu.dma_semaphore, #tpu.memory_space<semaphore_mem>>) src(%dma_wait3A_1481 : memref<64x128xf32, #tpu.memory_space<hbm>>) dst(%dma_wait3A_1478 : memref<64x128xf32, #tpu.memory_space<vmem>>)
      %lt3A = arith.cmpi slt, %add3A_1392, %sub3A_216 : i32
      %jit3A_1482 = arith.constant 0 : i32
      %jit3A_1483 = arith.constant 10000 : i32
      %select_n3A_1484 = arith.select %lt3A, %jit3A_1482, %jit3A_1483 : i32
      %sub3A_1485 = arith.subi %mul3A_218, %select_n3A_1484 : i32
      %broadcast_in_dim3A_1486 = vector.broadcast %sub3A_1485 : i32 to vector<16xi32>
      %get3A_1487 = arith.constant 0 : i32
      %get3A_1488 = arith.index_cast %get3A_1487 : i32 to index
      %get3A_1489 = arith.constant 0 : index
      %get3A_1490 = tpu.vector_load %arg5[%get3A_1488, %get3A_1489] {strides = array<i32>} : memref<5x64xi32, #tpu.memory_space<vmem>>, vector<1x16xi32>,
      %get3A_1491 = vector.shape_cast %get3A_1490 : vector<1x16xi32> to vector<16xi32>
      %sub3A_1492 = arith.subi %get3A_1491, %broadcast_in_dim3A_1486 : vector<16xi32>
      %min3A_1493 = arith.constant 5000 : i32
      %min3A_1494 = vector.broadcast %min3A_1493 : i32 to vector<16xi32>
      %min3A_1495 = arith.minui %sub3A_1492, %min3A_1494 : vector<16xi32>
      %swap3A_1496 = arith.constant 0 : i32
      %swap3A_1497 = arith.index_cast %swap3A_1496 : i32 to index
      %swap3A_1498 = arith.constant 0 : index
      %swap3A_1499 = tpu.vector_load %arg5[%swap3A_1497, %swap3A_1498] {strides = array<i32>} : memref<5x64xi32, #tpu.memory_space<vmem>>, vector<1x16xi32>,
      %swap3A_1500 = vector.shape_cast %swap3A_1499 : vector<1x16xi32> to vector<16xi32>
      %swap3A_1501 = vector.shape_cast %min3A_1495 : vector<16xi32> to vector<1x16xi32>
      tpu.vector_store %arg5[%swap3A_1497, %swap3A_1498], %swap3A_1501 {strides = array<i32>} : memref<5x64xi32, #tpu.memory_space<vmem>>, vector<1x16xi32>,
      %get3A_1502 = arith.constant 0 : i32
      %get3A_1503 = arith.index_cast %get3A_1502 : i32 to index
      %get3A_1504 = arith.constant 16 : index
      %get3A_1505 = tpu.vector_load %arg5[%get3A_1503, %get3A_1504] {strides = array<i32>} : memref<5x64xi32, #tpu.memory_space<vmem>>, vector<1x16xi32>,
      %get3A_1506 = vector.shape_cast %get3A_1505 : vector<1x16xi32> to vector<16xi32>
      %sub3A_1507 = arith.subi %get3A_1506, %broadcast_in_dim3A_1486 : vector<16xi32>
      %min3A_1508 = arith.constant 5000 : i32
      %min3A_1509 = vector.broadcast %min3A_1508 : i32 to vector<16xi32>
      %min3A_1510 = arith.minui %sub3A_1507, %min3A_1509 : vector<16xi32>
      %swap3A_1511 = arith.constant 0 : i32
      %swap3A_1512 = arith.index_cast %swap3A_1511 : i32 to index
      %swap3A_1513 = arith.constant 16 : index
      %swap3A_1514 = tpu.vector_load %arg5[%swap3A_1512, %swap3A_1513] {strides = array<i32>} : memref<5x64xi32, #tpu.memory_space<vmem>>, vector<1x16xi32>,
      %swap3A_1515 = vector.shape_cast %swap3A_1514 : vector<1x16xi32> to vector<16xi32>
      %swap3A_1516 = vector.shape_cast %min3A_1510 : vector<16xi32> to vector<1x16xi32>
      tpu.vector_store %arg5[%swap3A_1512, %swap3A_1513], %swap3A_1516 {strides = array<i32>} : memref<5x64xi32, #tpu.memory_space<vmem>>, vector<1x16xi32>,
      %get3A_1517 = arith.constant 0 : i32
      %get3A_1518 = arith.index_cast %get3A_1517 : i32 to index
      %get3A_1519 = arith.constant 32 : index
      %get3A_1520 = tpu.vector_load %arg5[%get3A_1518, %get3A_1519] {strides = array<i32>} : memref<5x64xi32, #tpu.memory_space<vmem>>, vector<1x16xi32>,
      %get3A_1521 = vector.shape_cast %get3A_1520 : vector<1x16xi32> to vector<16xi32>
      %sub3A_1522 = arith.subi %get3A_1521, %broadcast_in_dim3A_1486 : vector<16xi32>
      %min3A_1523 = arith.constant 5000 : i32
      %min3A_1524 = vector.broadcast %min3A_1523 : i32 to vector<16xi32>
      %min3A_1525 = arith.minui %sub3A_1522, %min3A_1524 : vector<16xi32>
      %swap3A_1526 = arith.constant 0 : i32
      %swap3A_1527 = arith.index_cast %swap3A_1526 : i32 to index
      %swap3A_1528 = arith.constant 32 : index
      %swap3A_1529 = tpu.vector_load %arg5[%swap3A_1527, %swap3A_1528] {strides = array<i32>} : memref<5x64xi32, #tpu.memory_space<vmem>>, vector<1x16xi32>,
      %swap3A_1530 = vector.shape_cast %swap3A_1529 : vector<1x16xi32> to vector<16xi32>
      %swap3A_1531 = vector.shape_cast %min3A_1525 : vector<16xi32> to vector<1x16xi32>
      tpu.vector_store %arg5[%swap3A_1527, %swap3A_1528], %swap3A_1531 {strides = array<i32>} : memref<5x64xi32, #tpu.memory_space<vmem>>, vector<1x16xi32>,
      %get3A_1532 = arith.constant 0 : i32
      %get3A_1533 = arith.index_cast %get3A_1532 : i32 to index
      %get3A_1534 = arith.constant 48 : index
      %get3A_1535 = tpu.vector_load %arg5[%get3A_1533, %get3A_1534] {strides = array<i32>} : memref<5x64xi32, #tpu.memory_space<vmem>>, vector<1x16xi32>,
      %get3A_1536 = vector.shape_cast %get3A_1535 : vector<1x16xi32> to vector<16xi32>
      %sub3A_1537 = arith.subi %get3A_1536, %broadcast_in_dim3A_1486 : vector<16xi32>
      %min3A_1538 = arith.constant 5000 : i32
      %min3A_1539 = vector.broadcast %min3A_1538 : i32 to vector<16xi32>
      %min3A_1540 = arith.minui %sub3A_1537, %min3A_1539 : vector<16xi32>
      %swap3A_1541 = arith.constant 0 : i32
      %swap3A_1542 = arith.index_cast %swap3A_1541 : i32 to index
      %swap3A_1543 = arith.constant 48 : index
      %swap3A_1544 = tpu.vector_load %arg5[%swap3A_1542, %swap3A_1543] {strides = array<i32>} : memref<5x64xi32, #tpu.memory_space<vmem>>, vector<1x16xi32>,
      %swap3A_1545 = vector.shape_cast %swap3A_1544 : vector<1x16xi32> to vector<16xi32>
      %swap3A_1546 = vector.shape_cast %min3A_1540 : vector<16xi32> to vector<1x16xi32>
      tpu.vector_store %arg5[%swap3A_1542, %swap3A_1543], %swap3A_1546 {strides = array<i32>} : memref<5x64xi32, #tpu.memory_space<vmem>>, vector<1x16xi32>,
      %dma_start3A_1547 = arith.constant 0 : i32
      %dma_start3A_1548 = arith.constant 0 : i32
      %dma_start3A_1549 = arith.constant 0 : i32
      %dma_start3A_1550 = arith.constant 0 : i32
      %dma_start3A_1551 = arith.constant 0 : i32
      %dma_start3A_1552 = tpu.memref_slice %arg6[%dma_start3A_1547, %dma_start3A_1550, %dma_start3A_1551] : memref<5x64x128xf32, #tpu.memory_space<vmem>> -> memref<1x64x128xf32, #tpu.memory_space<vmem>>
      %dma_start3A_1553 = tpu.memref_squeeze %dma_start3A_1552 : memref<1x64x128xf32, #tpu.memory_space<vmem>> -> memref<64x128xf32, #tpu.memory_space<vmem>>
      %dma_start3A_1554 = arith.constant 0 : i32
      %dma_start3A_1555 = tpu.memref_slice %arg5[%dma_start3A_1548, %dma_start3A_1554] : memref<5x64xi32, #tpu.memory_space<vmem>> -> memref<1x64xi32, #tpu.memory_space<vmem>>
      %dma_start3A_1556 = tpu.memref_squeeze %dma_start3A_1555 : memref<1x64xi32, #tpu.memory_space<vmem>> -> memref<64xi32, #tpu.memory_space<vmem>>
      %dma_start3A_1557 = arith.constant 0 : i32
      %dma_start3A_1558 = arith.constant 0 : i32
      %dma_start3A_1559 = tpu.memref_slice %arg10[%dma_start3A_1557, %dma_start3A_1558] : memref<5008x128xf32, #tpu.memory_space<vmem_shared>> -> memref<5008x128xf32, #tpu.memory_space<vmem_shared>>
      %dma_start3A_1560 = tpu.memref_slice %arg13[%dma_start3A_1549] : memref<5x!tpu.dma_semaphore, #tpu.memory_space<semaphore_mem>> -> memref<1x!tpu.dma_semaphore, #tpu.memory_space<semaphore_mem>>
      %dma_start3A_1561 = tpu.memref_squeeze %dma_start3A_1560 : memref<1x!tpu.dma_semaphore, #tpu.memory_space<semaphore_mem>> -> memref<!tpu.dma_semaphore, #tpu.memory_space<semaphore_mem>>
      tpu.enqueue_indirect_dma source(%dma_start3A_1553 : memref<64x128xf32, #tpu.memory_space<vmem>>) target(%dma_start3A_1559 : memref<5008x128xf32, #tpu.memory_space<vmem_shared>>) offsets(%dma_start3A_1556 : memref<64xi32, #tpu.memory_space<vmem>>) semaphore(%dma_start3A_1561 : memref<!tpu.dma_semaphore, #tpu.memory_space<semaphore_mem>>) {add = true}
      %mul3A_1562 = arith.constant 5 : i32
      %mul3A_1563 = arith.muli %while3A_1388, %mul3A_1562 : i32
      %add3A_1564 = arith.constant 1 : i32
      %add3A_1565 = arith.addi %mul3A_1563, %add3A_1564 : i32
      %dma_wait3A_1566 = arith.constant 0 : i32
      %dma_wait3A_1567 = arith.constant 0 : i32
      %dma_wait3A_1568 = arith.constant 0 : i32
      %dma_wait3A_1569 = arith.constant 0 : i32
      %dma_wait3A_1570 = arith.constant 0 : i32
      %dma_wait3A_1571 = tpu.memref_slice %arg6[%dma_wait3A_1566, %dma_wait3A_1569, %dma_wait3A_1570] : memref<5x64x128xf32, #tpu.memory_space<vmem>> -> memref<1x64x128xf32, #tpu.memory_space<vmem>>
      %dma_wait3A_1572 = tpu.memref_squeeze %dma_wait3A_1571 : memref<1x64x128xf32, #tpu.memory_space<vmem>> -> memref<64x128xf32, #tpu.memory_space<vmem>>
      %dma_wait3A_1573 = arith.constant 0 : i32
      %dma_wait3A_1574 = tpu.memref_slice %arg5[%dma_wait3A_1567, %dma_wait3A_1573] : memref<5x64xi32, #tpu.memory_space<vmem>> -> memref<1x64xi32, #tpu.memory_space<vmem>>
      %dma_wait3A_1575 = tpu.memref_squeeze %dma_wait3A_1574 : memref<1x64xi32, #tpu.memory_space<vmem>> -> memref<64xi32, #tpu.memory_space<vmem>>
      %dma_wait3A_1576 = arith.constant 0 : i32
      %dma_wait3A_1577 = arith.constant 0 : i32
      %dma_wait3A_1578 = tpu.memref_slice %arg10[%dma_wait3A_1576, %dma_wait3A_1577] : memref<5008x128xf32, #tpu.memory_space<vmem_shared>> -> memref<5008x128xf32, #tpu.memory_space<vmem_shared>>
      %dma_wait3A_1579 = tpu.memref_slice %arg13[%dma_wait3A_1568] : memref<5x!tpu.dma_semaphore, #tpu.memory_space<semaphore_mem>> -> memref<1x!tpu.dma_semaphore, #tpu.memory_space<semaphore_mem>>
      %dma_wait3A_1580 = tpu.memref_squeeze %dma_wait3A_1579 : memref<1x!tpu.dma_semaphore, #tpu.memory_space<semaphore_mem>> -> memref<!tpu.dma_semaphore, #tpu.memory_space<semaphore_mem>>
      tpu.wait_indirect_dma semaphore(%dma_wait3A_1580 : memref<!tpu.dma_semaphore, #tpu.memory_space<semaphore_mem>>) src(%dma_wait3A_1572 : memref<64x128xf32, #tpu.memory_space<vmem>>) dst(%dma_wait3A_1578 : memref<5008x128xf32, #tpu.memory_space<vmem_shared>>)
      %add3A_1581 = arith.constant 5 : i32
      %add3A_1582 = arith.addi %add3A_1565, %add3A_1581 : i32
      %sub3A_1583 = arith.constant 1 : i32
      %sub3A_1584 = arith.subi %add3A_1582, %sub3A_1583 : i32
      %sub3A_1585 = arith.constant 1 : i32
      %sub3A_1586 = arith.subi %sub3A_216, %sub3A_1585 : i32
      %min3A_1587 = arith.minsi %sub3A_1584, %sub3A_1586 : i32
      %add3A_1588 = arith.addi %add3A_187, %min3A_1587 : i32
      %max3A_1589 = arith.constant 0 : i32
      %max3A_1590 = arith.maxsi %add3A_1588, %max3A_1589 : i32
      %mul3A_1591 = arith.constant 64 : i32
      %mul3A_1592 = arith.muli %max3A_1590, %mul3A_1591 : i32
      %dma_start3A_1593 = arith.constant 0 : i32
      %dma_start3A_1594 = arith.constant 0 : i32
      %dma_start3A_1595 = arith.constant 0 : i32
      %dma_start3A_1596 = tpu.memref_slice %arg5[%dma_start3A_1593, %dma_start3A_1595] : memref<5x64xi32, #tpu.memory_space<vmem>> -> memref<1x64xi32, #tpu.memory_space<vmem>>
      %dma_start3A_1597 = tpu.memref_squeeze %dma_start3A_1596 : memref<1x64xi32, #tpu.memory_space<vmem>> -> memref<64xi32, #tpu.memory_space<vmem>>
      %dma_start3A_1598 = tpu.memref_slice %arg3[%mul3A_1592] : memref<320000xi32, #tpu.memory_space<hbm>> -> memref<64xi32, #tpu.memory_space<hbm>>
      %dma_start3A_1599 = tpu.memref_slice %arg12[%dma_start3A_1594] : memref<5x!tpu.dma_semaphore, #tpu.memory_space<semaphore_mem>> -> memref<1x!tpu.dma_semaphore, #tpu.memory_space<semaphore_mem>>
      %dma_start3A_1600 = tpu.memref_squeeze %dma_start3A_1599 : memref<1x!tpu.dma_semaphore, #tpu.memory_space<semaphore_mem>> -> memref<!tpu.dma_semaphore, #tpu.memory_space<semaphore_mem>>
      %dma_start3A_1601 = arith.constant 0 : i32
      %dma_start3A_1602 = tpu.memref_slice %arg5[%dma_start3A_1593, %dma_start3A_1601] : memref<5x64xi32, #tpu.memory_space<vmem>> -> memref<1x64xi32, #tpu.memory_space<vmem>>
      %dma_start3A_1603 = tpu.memref_squeeze %dma_start3A_1602 : memref<1x64xi32, #tpu.memory_space<vmem>> -> memref<64xi32, #tpu.memory_space<vmem>>
      %dma_start3A_1604 = tpu.memref_slice %arg3[%mul3A_1592] : memref<320000xi32, #tpu.memory_space<hbm>> -> memref<64xi32, #tpu.memory_space<hbm>>
      tpu.enqueue_dma source(%dma_start3A_1604 : memref<64xi32, #tpu.memory_space<hbm>>) target(%dma_start3A_1603 : memref<64xi32, #tpu.memory_space<vmem>>) target_semaphore(%dma_start3A_1600 : memref<!tpu.dma_semaphore, #tpu.memory_space<semaphore_mem>>)
      %mul3A_1605 = arith.constant 64 : i32
      %mul3A_1606 = arith.muli %max3A_1590, %mul3A_1605 : i32
      %dma_start3A_1607 = arith.constant 0 : i32
      %dma_start3A_1608 = arith.constant 0 : i32
      %dma_start3A_1609 = arith.constant 0 : i32
      %dma_start3A_1610 = arith.constant 0 : i32
      %dma_start3A_1611 = tpu.memref_slice %arg6[%dma_start3A_1607, %dma_start3A_1609, %dma_start3A_1610] : memref<5x64x128xf32, #tpu.memory_space<vmem>> -> memref<1x64x128xf32, #tpu.memory_space<vmem>>
      %dma_start3A_1612 = tpu.memref_squeeze %dma_start3A_1611 : memref<1x64x128xf32, #tpu.memory_space<vmem>> -> memref<64x128xf32, #tpu.memory_space<vmem>>
      %dma_start3A_1613 = arith.constant 0 : i32
      %dma_start3A_1614 = tpu.memref_slice %arg2[%mul3A_1606, %dma_start3A_1613] : memref<320000x128xf32, #tpu.memory_space<hbm>> -> memref<64x128xf32, #tpu.memory_space<hbm>>
      %dma_start3A_1615 = tpu.memref_slice %arg12[%dma_start3A_1608] : memref<5x!tpu.dma_semaphore, #tpu.memory_space<semaphore_mem>> -> memref<1x!tpu.dma_semaphore, #tpu.memory_space<semaphore_mem>>
      %dma_start3A_1616 = tpu.memref_squeeze %dma_start3A_1615 : memref<1x!tpu.dma_semaphore, #tpu.memory_space<semaphore_mem>> -> memref<!tpu.dma_semaphore, #tpu.memory_space<semaphore_mem>>
      %dma_start3A_1617 = arith.constant 0 : i32
      %dma_start3A_1618 = arith.constant 0 : i32
      %dma_start3A_1619 = tpu.memref_slice %arg6[%dma_start3A_1607, %dma_start3A_1617, %dma_start3A_1618] : memref<5x64x128xf32, #tpu.memory_space<vmem>> -> memref<1x64x128xf32, #tpu.memory_space<vmem>>
      %dma_start3A_1620 = tpu.memref_squeeze %dma_start3A_1619 : memref<1x64x128xf32, #tpu.memory_space<vmem>> -> memref<64x128xf32, #tpu.memory_space<vmem>>
      %dma_start3A_1621 = arith.constant 0 : i32
      %dma_start3A_1622 = tpu.memref_slice %arg2[%mul3A_1606, %dma_start3A_1621] : memref<320000x128xf32, #tpu.memory_space<hbm>> -> memref<64x128xf32, #tpu.memory_space<hbm>>
      tpu.enqueue_dma source(%dma_start3A_1622 : memref<64x128xf32, #tpu.memory_space<hbm>>) target(%dma_start3A_1620 : memref<64x128xf32, #tpu.memory_space<vmem>>) target_semaphore(%dma_start3A_1616 : memref<!tpu.dma_semaphore, #tpu.memory_space<semaphore_mem>>)
      %dma_wait3A_1623 = arith.constant 1 : i32
      %dma_wait3A_1624 = arith.constant 1 : i32
      %dma_wait3A_1625 = arith.constant 0 : i32
      %dma_wait3A_1626 = tpu.memref_slice %arg5[%dma_wait3A_1623, %dma_wait3A_1625] : memref<5x64xi32, #tpu.memory_space<vmem>> -> memref<1x64xi32, #tpu.memory_space<vmem>>
      %dma_wait3A_1627 = tpu.memref_squeeze %dma_wait3A_1626 : memref<1x64xi32, #tpu.memory_space<vmem>> -> memref<64xi32, #tpu.memory_space<vmem>>
      %dma_wait3A_1628 = arith.constant 0 : i32
      %dma_wait3A_1629 = tpu.memref_slice %arg3[%dma_wait3A_1628] : memref<320000xi32, #tpu.memory_space<hbm>> -> memref<64xi32, #tpu.memory_space<hbm>>
      %dma_wait3A_1630 = tpu.memref_slice %arg12[%dma_wait3A_1624] : memref<5x!tpu.dma_semaphore, #tpu.memory_space<semaphore_mem>> -> memref<1x!tpu.dma_semaphore, #tpu.memory_space<semaphore_mem>>
      %dma_wait3A_1631 = tpu.memref_squeeze %dma_wait3A_1630 : memref<1x!tpu.dma_semaphore, #tpu.memory_space<semaphore_mem>> -> memref<!tpu.dma_semaphore, #tpu.memory_space<semaphore_mem>>
      %dma_wait3A_1632 = arith.constant 0 : i32
      %dma_wait3A_1633 = tpu.memref_slice %arg5[%dma_wait3A_1623, %dma_wait3A_1632] : memref<5x64xi32, #tpu.memory_space<vmem>> -> memref<1x64xi32, #tpu.memory_space<vmem>>
      %dma_wait3A_1634 = tpu.memref_squeeze %dma_wait3A_1633 : memref<1x64xi32, #tpu.memory_space<vmem>> -> memref<64xi32, #tpu.memory_space<vmem>>
      %dma_wait3A_1635 = arith.constant 0 : i32
      %dma_wait3A_1636 = tpu.memref_slice %arg3[%dma_wait3A_1635] : memref<320000xi32, #tpu.memory_space<hbm>> -> memref<64xi32, #tpu.memory_space<hbm>>
      tpu.wait_dma2 semaphore(%dma_wait3A_1631 : memref<!tpu.dma_semaphore, #tpu.memory_space<semaphore_mem>>) src(%dma_wait3A_1636 : memref<64xi32, #tpu.memory_space<hbm>>) dst(%dma_wait3A_1634 : memref<64xi32, #tpu.memory_space<vmem>>)
      %dma_wait3A_1637 = arith.constant 1 : i32
      %dma_wait3A_1638 = arith.constant 1 : i32
      %dma_wait3A_1639 = arith.constant 0 : i32
      %dma_wait3A_1640 = arith.constant 0 : i32
      %dma_wait3A_1641 = tpu.memref_slice %arg6[%dma_wait3A_1637, %dma_wait3A_1639, %dma_wait3A_1640] : memref<5x64x128xf32, #tpu.memory_space<vmem>> -> memref<1x64x128xf32, #tpu.memory_space<vmem>>
      %dma_wait3A_1642 = tpu.memref_squeeze %dma_wait3A_1641 : memref<1x64x128xf32, #tpu.memory_space<vmem>> -> memref<64x128xf32, #tpu.memory_space<vmem>>
      %dma_wait3A_1643 = arith.constant 0 : i32
      %dma_wait3A_1644 = arith.constant 0 : i32
      %dma_wait3A_1645 = tpu.memref_slice %arg2[%dma_wait3A_1643, %dma_wait3A_1644] : memref<320000x128xf32, #tpu.memory_space<hbm>> -> memref<64x128xf32, #tpu.memory_space<hbm>>
      %dma_wait3A_1646 = tpu.memref_slice %arg12[%dma_wait3A_1638] : memref<5x!tpu.dma_semaphore, #tpu.memory_space<semaphore_mem>> -> memref<1x!tpu.dma_semaphore, #tpu.memory_space<semaphore_mem>>
      %dma_wait3A_1647 = tpu.memref_squeeze %dma_wait3A_1646 : memref<1x!tpu.dma_semaphore, #tpu.memory_space<semaphore_mem>> -> memref<!tpu.dma_semaphore, #tpu.memory_space<semaphore_mem>>
      %dma_wait3A_1648 = arith.constant 0 : i32
      %dma_wait3A_1649 = arith.constant 0 : i32
      %dma_wait3A_1650 = tpu.memref_slice %arg6[%dma_wait3A_1637, %dma_wait3A_1648, %dma_wait3A_1649] : memref<5x64x128xf32, #tpu.memory_space<vmem>> -> memref<1x64x128xf32, #tpu.memory_space<vmem>>
      %dma_wait3A_1651 = tpu.memref_squeeze %dma_wait3A_1650 : memref<1x64x128xf32, #tpu.memory_space<vmem>> -> memref<64x128xf32, #tpu.memory_space<vmem>>
      %dma_wait3A_1652 = arith.constant 0 : i32
      %dma_wait3A_1653 = arith.constant 0 : i32
      %dma_wait3A_1654 = tpu.memref_slice %arg2[%dma_wait3A_1652, %dma_wait3A_1653] : memref<320000x128xf32, #tpu.memory_space<hbm>> -> memref<64x128xf32, #tpu.memory_space<hbm>>
      tpu.wait_dma2 semaphore(%dma_wait3A_1647 : memref<!tpu.dma_semaphore, #tpu.memory_space<semaphore_mem>>) src(%dma_wait3A_1654 : memref<64x128xf32, #tpu.memory_space<hbm>>) dst(%dma_wait3A_1651 : memref<64x128xf32, #tpu.memory_space<vmem>>)
      %lt3A_1655 = arith.cmpi slt, %add3A_1565, %sub3A_216 : i32
      %jit3A_1656 = arith.constant 0 : i32
      %jit3A_1657 = arith.constant 10000 : i32
      %select_n3A_1658 = arith.select %lt3A_1655, %jit3A_1656, %jit3A_1657 : i32
      %sub3A_1659 = arith.subi %mul3A_218, %select_n3A_1658 : i32
      %broadcast_in_dim3A_1660 = vector.broadcast %sub3A_1659 : i32 to vector<16xi32>
      %get3A_1661 = arith.constant 1 : i32
      %get3A_1662 = arith.index_cast %get3A_1661 : i32 to index
      %get3A_1663 = arith.constant 0 : index
      %get3A_1664 = tpu.vector_load %arg5[%get3A_1662, %get3A_1663] {strides = array<i32>} : memref<5x64xi32, #tpu.memory_space<vmem>>, vector<1x16xi32>,
      %get3A_1665 = vector.shape_cast %get3A_1664 : vector<1x16xi32> to vector<16xi32>
      %sub3A_1666 = arith.subi %get3A_1665, %broadcast_in_dim3A_1660 : vector<16xi32>
      %min3A_1667 = arith.constant 5000 : i32
      %min3A_1668 = vector.broadcast %min3A_1667 : i32 to vector<16xi32>
      %min3A_1669 = arith.minui %sub3A_1666, %min3A_1668 : vector<16xi32>
      %swap3A_1670 = arith.constant 1 : i32
      %swap3A_1671 = arith.index_cast %swap3A_1670 : i32 to index
      %swap3A_1672 = arith.constant 0 : index
      %swap3A_1673 = tpu.vector_load %arg5[%swap3A_1671, %swap3A_1672] {strides = array<i32>} : memref<5x64xi32, #tpu.memory_space<vmem>>, vector<1x16xi32>,
      %swap3A_1674 = vector.shape_cast %swap3A_1673 : vector<1x16xi32> to vector<16xi32>
      %swap3A_1675 = vector.shape_cast %min3A_1669 : vector<16xi32> to vector<1x16xi32>
      tpu.vector_store %arg5[%swap3A_1671, %swap3A_1672], %swap3A_1675 {strides = array<i32>} : memref<5x64xi32, #tpu.memory_space<vmem>>, vector<1x16xi32>,
      %get3A_1676 = arith.constant 1 : i32
      %get3A_1677 = arith.index_cast %get3A_1676 : i32 to index
      %get3A_1678 = arith.constant 16 : index
      %get3A_1679 = tpu.vector_load %arg5[%get3A_1677, %get3A_1678] {strides = array<i32>} : memref<5x64xi32, #tpu.memory_space<vmem>>, vector<1x16xi32>,
      %get3A_1680 = vector.shape_cast %get3A_1679 : vector<1x16xi32> to vector<16xi32>
      %sub3A_1681 = arith.subi %get3A_1680, %broadcast_in_dim3A_1660 : vector<16xi32>
      %min3A_1682 = arith.constant 5000 : i32
      %min3A_1683 = vector.broadcast %min3A_1682 : i32 to vector<16xi32>
      %min3A_1684 = arith.minui %sub3A_1681, %min3A_1683 : vector<16xi32>
      %swap3A_1685 = arith.constant 1 : i32
      %swap3A_1686 = arith.index_cast %swap3A_1685 : i32 to index
      %swap3A_1687 = arith.constant 16 : index
      %swap3A_1688 = tpu.vector_load %arg5[%swap3A_1686, %swap3A_1687] {strides = array<i32>} : memref<5x64xi32, #tpu.memory_space<vmem>>, vector<1x16xi32>,
      %swap3A_1689 = vector.shape_cast %swap3A_1688 : vector<1x16xi32> to vector<16xi32>
      %swap3A_1690 = vector.shape_cast %min3A_1684 : vector<16xi32> to vector<1x16xi32>
      tpu.vector_store %arg5[%swap3A_1686, %swap3A_1687], %swap3A_1690 {strides = array<i32>} : memref<5x64xi32, #tpu.memory_space<vmem>>, vector<1x16xi32>,
      %get3A_1691 = arith.constant 1 : i32
      %get3A_1692 = arith.index_cast %get3A_1691 : i32 to index
      %get3A_1693 = arith.constant 32 : index
      %get3A_1694 = tpu.vector_load %arg5[%get3A_1692, %get3A_1693] {strides = array<i32>} : memref<5x64xi32, #tpu.memory_space<vmem>>, vector<1x16xi32>,
      %get3A_1695 = vector.shape_cast %get3A_1694 : vector<1x16xi32> to vector<16xi32>
      %sub3A_1696 = arith.subi %get3A_1695, %broadcast_in_dim3A_1660 : vector<16xi32>
      %min3A_1697 = arith.constant 5000 : i32
      %min3A_1698 = vector.broadcast %min3A_1697 : i32 to vector<16xi32>
      %min3A_1699 = arith.minui %sub3A_1696, %min3A_1698 : vector<16xi32>
      %swap3A_1700 = arith.constant 1 : i32
      %swap3A_1701 = arith.index_cast %swap3A_1700 : i32 to index
      %swap3A_1702 = arith.constant 32 : index
      %swap3A_1703 = tpu.vector_load %arg5[%swap3A_1701, %swap3A_1702] {strides = array<i32>} : memref<5x64xi32, #tpu.memory_space<vmem>>, vector<1x16xi32>,
      %swap3A_1704 = vector.shape_cast %swap3A_1703 : vector<1x16xi32> to vector<16xi32>
      %swap3A_1705 = vector.shape_cast %min3A_1699 : vector<16xi32> to vector<1x16xi32>
      tpu.vector_store %arg5[%swap3A_1701, %swap3A_1702], %swap3A_1705 {strides = array<i32>} : memref<5x64xi32, #tpu.memory_space<vmem>>, vector<1x16xi32>,
      %get3A_1706 = arith.constant 1 : i32
      %get3A_1707 = arith.index_cast %get3A_1706 : i32 to index
      %get3A_1708 = arith.constant 48 : index
      %get3A_1709 = tpu.vector_load %arg5[%get3A_1707, %get3A_1708] {strides = array<i32>} : memref<5x64xi32, #tpu.memory_space<vmem>>, vector<1x16xi32>,
      %get3A_1710 = vector.shape_cast %get3A_1709 : vector<1x16xi32> to vector<16xi32>
      %sub3A_1711 = arith.subi %get3A_1710, %broadcast_in_dim3A_1660 : vector<16xi32>
      %min3A_1712 = arith.constant 5000 : i32
      %min3A_1713 = vector.broadcast %min3A_1712 : i32 to vector<16xi32>
      %min3A_1714 = arith.minui %sub3A_1711, %min3A_1713 : vector<16xi32>
      %swap3A_1715 = arith.constant 1 : i32
      %swap3A_1716 = arith.index_cast %swap3A_1715 : i32 to index
      %swap3A_1717 = arith.constant 48 : index
      %swap3A_1718 = tpu.vector_load %arg5[%swap3A_1716, %swap3A_1717] {strides = array<i32>} : memref<5x64xi32, #tpu.memory_space<vmem>>, vector<1x16xi32>,
      %swap3A_1719 = vector.shape_cast %swap3A_1718 : vector<1x16xi32> to vector<16xi32>
      %swap3A_1720 = vector.shape_cast %min3A_1714 : vector<16xi32> to vector<1x16xi32>
      tpu.vector_store %arg5[%swap3A_1716, %swap3A_1717], %swap3A_1720 {strides = array<i32>} : memref<5x64xi32, #tpu.memory_space<vmem>>, vector<1x16xi32>,
      %dma_start3A_1721 = arith.constant 1 : i32
      %dma_start3A_1722 = arith.constant 1 : i32
      %dma_start3A_1723 = arith.constant 1 : i32
      %dma_start3A_1724 = arith.constant 0 : i32
      %dma_start3A_1725 = arith.constant 0 : i32
      %dma_start3A_1726 = tpu.memref_slice %arg6[%dma_start3A_1721, %dma_start3A_1724, %dma_start3A_1725] : memref<5x64x128xf32, #tpu.memory_space<vmem>> -> memref<1x64x128xf32, #tpu.memory_space<vmem>>
      %dma_start3A_1727 = tpu.memref_squeeze %dma_start3A_1726 : memref<1x64x128xf32, #tpu.memory_space<vmem>> -> memref<64x128xf32, #tpu.memory_space<vmem>>
      %dma_start3A_1728 = arith.constant 0 : i32
      %dma_start3A_1729 = tpu.memref_slice %arg5[%dma_start3A_1722, %dma_start3A_1728] : memref<5x64xi32, #tpu.memory_space<vmem>> -> memref<1x64xi32, #tpu.memory_space<vmem>>
      %dma_start3A_1730 = tpu.memref_squeeze %dma_start3A_1729 : memref<1x64xi32, #tpu.memory_space<vmem>> -> memref<64xi32, #tpu.memory_space<vmem>>
      %dma_start3A_1731 = arith.constant 0 : i32
      %dma_start3A_1732 = arith.constant 0 : i32
      %dma_start3A_1733 = tpu.memref_slice %arg10[%dma_start3A_1731, %dma_start3A_1732] : memref<5008x128xf32, #tpu.memory_space<vmem_shared>> -> memref<5008x128xf32, #tpu.memory_space<vmem_shared>>
      %dma_start3A_1734 = tpu.memref_slice %arg13[%dma_start3A_1723] : memref<5x!tpu.dma_semaphore, #tpu.memory_space<semaphore_mem>> -> memref<1x!tpu.dma_semaphore, #tpu.memory_space<semaphore_mem>>
      %dma_start3A_1735 = tpu.memref_squeeze %dma_start3A_1734 : memref<1x!tpu.dma_semaphore, #tpu.memory_space<semaphore_mem>> -> memref<!tpu.dma_semaphore, #tpu.memory_space<semaphore_mem>>
      tpu.enqueue_indirect_dma source(%dma_start3A_1727 : memref<64x128xf32, #tpu.memory_space<vmem>>) target(%dma_start3A_1733 : memref<5008x128xf32, #tpu.memory_space<vmem_shared>>) offsets(%dma_start3A_1730 : memref<64xi32, #tpu.memory_space<vmem>>) semaphore(%dma_start3A_1735 : memref<!tpu.dma_semaphore, #tpu.memory_space<semaphore_mem>>) {add = true}
      %mul3A_1736 = arith.constant 5 : i32
      %mul3A_1737 = arith.muli %while3A_1388, %mul3A_1736 : i32
      %add3A_1738 = arith.constant 2 : i32
      %add3A_1739 = arith.addi %mul3A_1737, %add3A_1738 : i32
      %dma_wait3A_1740 = arith.constant 1 : i32
      %dma_wait3A_1741 = arith.constant 1 : i32
      %dma_wait3A_1742 = arith.constant 1 : i32
      %dma_wait3A_1743 = arith.constant 0 : i32
      %dma_wait3A_1744 = arith.constant 0 : i32
      %dma_wait3A_1745 = tpu.memref_slice %arg6[%dma_wait3A_1740, %dma_wait3A_1743, %dma_wait3A_1744] : memref<5x64x128xf32, #tpu.memory_space<vmem>> -> memref<1x64x128xf32, #tpu.memory_space<vmem>>
      %dma_wait3A_1746 = tpu.memref_squeeze %dma_wait3A_1745 : memref<1x64x128xf32, #tpu.memory_space<vmem>> -> memref<64x128xf32, #tpu.memory_space<vmem>>
      %dma_wait3A_1747 = arith.constant 0 : i32
      %dma_wait3A_1748 = tpu.memref_slice %arg5[%dma_wait3A_1741, %dma_wait3A_1747] : memref<5x64xi32, #tpu.memory_space<vmem>> -> memref<1x64xi32, #tpu.memory_space<vmem>>
      %dma_wait3A_1749 = tpu.memref_squeeze %dma_wait3A_1748 : memref<1x64xi32, #tpu.memory_space<vmem>> -> memref<64xi32, #tpu.memory_space<vmem>>
      %dma_wait3A_1750 = arith.constant 0 : i32
      %dma_wait3A_1751 = arith.constant 0 : i32
      %dma_wait3A_1752 = tpu.memref_slice %arg10[%dma_wait3A_1750, %dma_wait3A_1751] : memref<5008x128xf32, #tpu.memory_space<vmem_shared>> -> memref<5008x128xf32, #tpu.memory_space<vmem_shared>>
      %dma_wait3A_1753 = tpu.memref_slice %arg13[%dma_wait3A_1742] : memref<5x!tpu.dma_semaphore, #tpu.memory_space<semaphore_mem>> -> memref<1x!tpu.dma_semaphore, #tpu.memory_space<semaphore_mem>>
      %dma_wait3A_1754 = tpu.memref_squeeze %dma_wait3A_1753 : memref<1x!tpu.dma_semaphore, #tpu.memory_space<semaphore_mem>> -> memref<!tpu.dma_semaphore, #tpu.memory_space<semaphore_mem>>
      tpu.wait_indirect_dma semaphore(%dma_wait3A_1754 : memref<!tpu.dma_semaphore, #tpu.memory_space<semaphore_mem>>) src(%dma_wait3A_1746 : memref<64x128xf32, #tpu.memory_space<vmem>>) dst(%dma_wait3A_1752 : memref<5008x128xf32, #tpu.memory_space<vmem_shared>>)
      %add3A_1755 = arith.constant 5 : i32
      %add3A_1756 = arith.addi %add3A_1739, %add3A_1755 : i32
      %sub3A_1757 = arith.constant 1 : i32
      %sub3A_1758 = arith.subi %add3A_1756, %sub3A_1757 : i32
      %sub3A_1759 = arith.constant 1 : i32
      %sub3A_1760 = arith.subi %sub3A_216, %sub3A_1759 : i32
      %min3A_1761 = arith.minsi %sub3A_1758, %sub3A_1760 : i32
      %add3A_1762 = arith.addi %add3A_187, %min3A_1761 : i32
      %max3A_1763 = arith.constant 0 : i32
      %max3A_1764 = arith.maxsi %add3A_1762, %max3A_1763 : i32
      %mul3A_1765 = arith.constant 64 : i32
      %mul3A_1766 = arith.muli %max3A_1764, %mul3A_1765 : i32
      %dma_start3A_1767 = arith.constant 1 : i32
      %dma_start3A_1768 = arith.constant 1 : i32
      %dma_start3A_1769 = arith.constant 0 : i32
      %dma_start3A_1770 = tpu.memref_slice %arg5[%dma_start3A_1767, %dma_start3A_1769] : memref<5x64xi32, #tpu.memory_space<vmem>> -> memref<1x64xi32, #tpu.memory_space<vmem>>
      %dma_start3A_1771 = tpu.memref_squeeze %dma_start3A_1770 : memref<1x64xi32, #tpu.memory_space<vmem>> -> memref<64xi32, #tpu.memory_space<vmem>>
      %dma_start3A_1772 = tpu.memref_slice %arg3[%mul3A_1766] : memref<320000xi32, #tpu.memory_space<hbm>> -> memref<64xi32, #tpu.memory_space<hbm>>
      %dma_start3A_1773 = tpu.memref_slice %arg12[%dma_start3A_1768] : memref<5x!tpu.dma_semaphore, #tpu.memory_space<semaphore_mem>> -> memref<1x!tpu.dma_semaphore, #tpu.memory_space<semaphore_mem>>
      %dma_start3A_1774 = tpu.memref_squeeze %dma_start3A_1773 : memref<1x!tpu.dma_semaphore, #tpu.memory_space<semaphore_mem>> -> memref<!tpu.dma_semaphore, #tpu.memory_space<semaphore_mem>>
      %dma_start3A_1775 = arith.constant 0 : i32
      %dma_start3A_1776 = tpu.memref_slice %arg5[%dma_start3A_1767, %dma_start3A_1775] : memref<5x64xi32, #tpu.memory_space<vmem>> -> memref<1x64xi32, #tpu.memory_space<vmem>>
      %dma_start3A_1777 = tpu.memref_squeeze %dma_start3A_1776 : memref<1x64xi32, #tpu.memory_space<vmem>> -> memref<64xi32, #tpu.memory_space<vmem>>
      %dma_start3A_1778 = tpu.memref_slice %arg3[%mul3A_1766] : memref<320000xi32, #tpu.memory_space<hbm>> -> memref<64xi32, #tpu.memory_space<hbm>>
      tpu.enqueue_dma source(%dma_start3A_1778 : memref<64xi32, #tpu.memory_space<hbm>>) target(%dma_start3A_1777 : memref<64xi32, #tpu.memory_space<vmem>>) target_semaphore(%dma_start3A_1774 : memref<!tpu.dma_semaphore, #tpu.memory_space<semaphore_mem>>)
      %mul3A_1779 = arith.constant 64 : i32
      %mul3A_1780 = arith.muli %max3A_1764, %mul3A_1779 : i32
      %dma_start3A_1781 = arith.constant 1 : i32
      %dma_start3A_1782 = arith.constant 1 : i32
      %dma_start3A_1783 = arith.constant 0 : i32
      %dma_start3A_1784 = arith.constant 0 : i32
      %dma_start3A_1785 = tpu.memref_slice %arg6[%dma_start3A_1781, %dma_start3A_1783, %dma_start3A_1784] : memref<5x64x128xf32, #tpu.memory_space<vmem>> -> memref<1x64x128xf32, #tpu.memory_space<vmem>>
      %dma_start3A_1786 = tpu.memref_squeeze %dma_start3A_1785 : memref<1x64x128xf32, #tpu.memory_space<vmem>> -> memref<64x128xf32, #tpu.memory_space<vmem>>
      %dma_start3A_1787 = arith.constant 0 : i32
      %dma_start3A_1788 = tpu.memref_slice %arg2[%mul3A_1780, %dma_start3A_1787] : memref<320000x128xf32, #tpu.memory_space<hbm>> -> memref<64x128xf32, #tpu.memory_space<hbm>>
      %dma_start3A_1789 = tpu.memref_slice %arg12[%dma_start3A_1782] : memref<5x!tpu.dma_semaphore, #tpu.memory_space<semaphore_mem>> -> memref<1x!tpu.dma_semaphore, #tpu.memory_space<semaphore_mem>>
      %dma_start3A_1790 = tpu.memref_squeeze %dma_start3A_1789 : memref<1x!tpu.dma_semaphore, #tpu.memory_space<semaphore_mem>> -> memref<!tpu.dma_semaphore, #tpu.memory_space<semaphore_mem>>
      %dma_start3A_1791 = arith.constant 0 : i32
      %dma_start3A_1792 = arith.constant 0 : i32
      %dma_start3A_1793 = tpu.memref_slice %arg6[%dma_start3A_1781, %dma_start3A_1791, %dma_start3A_1792] : memref<5x64x128xf32, #tpu.memory_space<vmem>> -> memref<1x64x128xf32, #tpu.memory_space<vmem>>
      %dma_start3A_1794 = tpu.memref_squeeze %dma_start3A_1793 : memref<1x64x128xf32, #tpu.memory_space<vmem>> -> memref<64x128xf32, #tpu.memory_space<vmem>>
      %dma_start3A_1795 = arith.constant 0 : i32
      %dma_start3A_1796 = tpu.memref_slice %arg2[%mul3A_1780, %dma_start3A_1795] : memref<320000x128xf32, #tpu.memory_space<hbm>> -> memref<64x128xf32, #tpu.memory_space<hbm>>
      tpu.enqueue_dma source(%dma_start3A_1796 : memref<64x128xf32, #tpu.memory_space<hbm>>) target(%dma_start3A_1794 : memref<64x128xf32, #tpu.memory_space<vmem>>) target_semaphore(%dma_start3A_1790 : memref<!tpu.dma_semaphore, #tpu.memory_space<semaphore_mem>>)
      %dma_wait3A_1797 = arith.constant 2 : i32
      %dma_wait3A_1798 = arith.constant 2 : i32
      %dma_wait3A_1799 = arith.constant 0 : i32
      %dma_wait3A_1800 = tpu.memref_slice %arg5[%dma_wait3A_1797, %dma_wait3A_1799] : memref<5x64xi32, #tpu.memory_space<vmem>> -> memref<1x64xi32, #tpu.memory_space<vmem>>
      %dma_wait3A_1801 = tpu.memref_squeeze %dma_wait3A_1800 : memref<1x64xi32, #tpu.memory_space<vmem>> -> memref<64xi32, #tpu.memory_space<vmem>>
      %dma_wait3A_1802 = arith.constant 0 : i32
      %dma_wait3A_1803 = tpu.memref_slice %arg3[%dma_wait3A_1802] : memref<320000xi32, #tpu.memory_space<hbm>> -> memref<64xi32, #tpu.memory_space<hbm>>
      %dma_wait3A_1804 = tpu.memref_slice %arg12[%dma_wait3A_1798] : memref<5x!tpu.dma_semaphore, #tpu.memory_space<semaphore_mem>> -> memref<1x!tpu.dma_semaphore, #tpu.memory_space<semaphore_mem>>
      %dma_wait3A_1805 = tpu.memref_squeeze %dma_wait3A_1804 : memref<1x!tpu.dma_semaphore, #tpu.memory_space<semaphore_mem>> -> memref<!tpu.dma_semaphore, #tpu.memory_space<semaphore_mem>>
      %dma_wait3A_1806 = arith.constant 0 : i32
      %dma_wait3A_1807 = tpu.memref_slice %arg5[%dma_wait3A_1797, %dma_wait3A_1806] : memref<5x64xi32, #tpu.memory_space<vmem>> -> memref<1x64xi32, #tpu.memory_space<vmem>>
      %dma_wait3A_1808 = tpu.memref_squeeze %dma_wait3A_1807 : memref<1x64xi32, #tpu.memory_space<vmem>> -> memref<64xi32, #tpu.memory_space<vmem>>
      %dma_wait3A_1809 = arith.constant 0 : i32
      %dma_wait3A_1810 = tpu.memref_slice %arg3[%dma_wait3A_1809] : memref<320000xi32, #tpu.memory_space<hbm>> -> memref<64xi32, #tpu.memory_space<hbm>>
      tpu.wait_dma2 semaphore(%dma_wait3A_1805 : memref<!tpu.dma_semaphore, #tpu.memory_space<semaphore_mem>>) src(%dma_wait3A_1810 : memref<64xi32, #tpu.memory_space<hbm>>) dst(%dma_wait3A_1808 : memref<64xi32, #tpu.memory_space<vmem>>)
      %dma_wait3A_1811 = arith.constant 2 : i32
      %dma_wait3A_1812 = arith.constant 2 : i32
      %dma_wait3A_1813 = arith.constant 0 : i32
      %dma_wait3A_1814 = arith.constant 0 : i32
      %dma_wait3A_1815 = tpu.memref_slice %arg6[%dma_wait3A_1811, %dma_wait3A_1813, %dma_wait3A_1814] : memref<5x64x128xf32, #tpu.memory_space<vmem>> -> memref<1x64x128xf32, #tpu.memory_space<vmem>>
      %dma_wait3A_1816 = tpu.memref_squeeze %dma_wait3A_1815 : memref<1x64x128xf32, #tpu.memory_space<vmem>> -> memref<64x128xf32, #tpu.memory_space<vmem>>
      %dma_wait3A_1817 = arith.constant 0 : i32
      %dma_wait3A_1818 = arith.constant 0 : i32
      %dma_wait3A_1819 = tpu.memref_slice %arg2[%dma_wait3A_1817, %dma_wait3A_1818] : memref<320000x128xf32, #tpu.memory_space<hbm>> -> memref<64x128xf32, #tpu.memory_space<hbm>>
      %dma_wait3A_1820 = tpu.memref_slice %arg12[%dma_wait3A_1812] : memref<5x!tpu.dma_semaphore, #tpu.memory_space<semaphore_mem>> -> memref<1x!tpu.dma_semaphore, #tpu.memory_space<semaphore_mem>>
      %dma_wait3A_1821 = tpu.memref_squeeze %dma_wait3A_1820 : memref<1x!tpu.dma_semaphore, #tpu.memory_space<semaphore_mem>> -> memref<!tpu.dma_semaphore, #tpu.memory_space<semaphore_mem>>
      %dma_wait3A_1822 = arith.constant 0 : i32
      %dma_wait3A_1823 = arith.constant 0 : i32
      %dma_wait3A_1824 = tpu.memref_slice %arg6[%dma_wait3A_1811, %dma_wait3A_1822, %dma_wait3A_1823] : memref<5x64x128xf32, #tpu.memory_space<vmem>> -> memref<1x64x128xf32, #tpu.memory_space<vmem>>
      %dma_wait3A_1825 = tpu.memref_squeeze %dma_wait3A_1824 : memref<1x64x128xf32, #tpu.memory_space<vmem>> -> memref<64x128xf32, #tpu.memory_space<vmem>>
      %dma_wait3A_1826 = arith.constant 0 : i32
      %dma_wait3A_1827 = arith.constant 0 : i32
      %dma_wait3A_1828 = tpu.memref_slice %arg2[%dma_wait3A_1826, %dma_wait3A_1827] : memref<320000x128xf32, #tpu.memory_space<hbm>> -> memref<64x128xf32, #tpu.memory_space<hbm>>
      tpu.wait_dma2 semaphore(%dma_wait3A_1821 : memref<!tpu.dma_semaphore, #tpu.memory_space<semaphore_mem>>) src(%dma_wait3A_1828 : memref<64x128xf32, #tpu.memory_space<hbm>>) dst(%dma_wait3A_1825 : memref<64x128xf32, #tpu.memory_space<vmem>>)
      %lt3A_1829 = arith.cmpi slt, %add3A_1739, %sub3A_216 : i32
      %jit3A_1830 = arith.constant 0 : i32
      %jit3A_1831 = arith.constant 10000 : i32
      %select_n3A_1832 = arith.select %lt3A_1829, %jit3A_1830, %jit3A_1831 : i32
      %sub3A_1833 = arith.subi %mul3A_218, %select_n3A_1832 : i32
      %broadcast_in_dim3A_1834 = vector.broadcast %sub3A_1833 : i32 to vector<16xi32>
      %get3A_1835 = arith.constant 2 : i32
      %get3A_1836 = arith.index_cast %get3A_1835 : i32 to index
      %get3A_1837 = arith.constant 0 : index
      %get3A_1838 = tpu.vector_load %arg5[%get3A_1836, %get3A_1837] {strides = array<i32>} : memref<5x64xi32, #tpu.memory_space<vmem>>, vector<1x16xi32>,
      %get3A_1839 = vector.shape_cast %get3A_1838 : vector<1x16xi32> to vector<16xi32>
      %sub3A_1840 = arith.subi %get3A_1839, %broadcast_in_dim3A_1834 : vector<16xi32>
      %min3A_1841 = arith.constant 5000 : i32
      %min3A_1842 = vector.broadcast %min3A_1841 : i32 to vector<16xi32>
      %min3A_1843 = arith.minui %sub3A_1840, %min3A_1842 : vector<16xi32>
      %swap3A_1844 = arith.constant 2 : i32
      %swap3A_1845 = arith.index_cast %swap3A_1844 : i32 to index
      %swap3A_1846 = arith.constant 0 : index
      %swap3A_1847 = tpu.vector_load %arg5[%swap3A_1845, %swap3A_1846] {strides = array<i32>} : memref<5x64xi32, #tpu.memory_space<vmem>>, vector<1x16xi32>,
      %swap3A_1848 = vector.shape_cast %swap3A_1847 : vector<1x16xi32> to vector<16xi32>
      %swap3A_1849 = vector.shape_cast %min3A_1843 : vector<16xi32> to vector<1x16xi32>
      tpu.vector_store %arg5[%swap3A_1845, %swap3A_1846], %swap3A_1849 {strides = array<i32>} : memref<5x64xi32, #tpu.memory_space<vmem>>, vector<1x16xi32>,
      %get3A_1850 = arith.constant 2 : i32
      %get3A_1851 = arith.index_cast %get3A_1850 : i32 to index
      %get3A_1852 = arith.constant 16 : index
      %get3A_1853 = tpu.vector_load %arg5[%get3A_1851, %get3A_1852] {strides = array<i32>} : memref<5x64xi32, #tpu.memory_space<vmem>>, vector<1x16xi32>,
      %get3A_1854 = vector.shape_cast %get3A_1853 : vector<1x16xi32> to vector<16xi32>
      %sub3A_1855 = arith.subi %get3A_1854, %broadcast_in_dim3A_1834 : vector<16xi32>
      %min3A_1856 = arith.constant 5000 : i32
      %min3A_1857 = vector.broadcast %min3A_1856 : i32 to vector<16xi32>
      %min3A_1858 = arith.minui %sub3A_1855, %min3A_1857 : vector<16xi32>
      %swap3A_1859 = arith.constant 2 : i32
      %swap3A_1860 = arith.index_cast %swap3A_1859 : i32 to index
      %swap3A_1861 = arith.constant 16 : index
      %swap3A_1862 = tpu.vector_load %arg5[%swap3A_1860, %swap3A_1861] {strides = array<i32>} : memref<5x64xi32, #tpu.memory_space<vmem>>, vector<1x16xi32>,
      %swap3A_1863 = vector.shape_cast %swap3A_1862 : vector<1x16xi32> to vector<16xi32>
      %swap3A_1864 = vector.shape_cast %min3A_1858 : vector<16xi32> to vector<1x16xi32>
      tpu.vector_store %arg5[%swap3A_1860, %swap3A_1861], %swap3A_1864 {strides = array<i32>} : memref<5x64xi32, #tpu.memory_space<vmem>>, vector<1x16xi32>,
      %get3A_1865 = arith.constant 2 : i32
      %get3A_1866 = arith.index_cast %get3A_1865 : i32 to index
      %get3A_1867 = arith.constant 32 : index
      %get3A_1868 = tpu.vector_load %arg5[%get3A_1866, %get3A_1867] {strides = array<i32>} : memref<5x64xi32, #tpu.memory_space<vmem>>, vector<1x16xi32>,
      %get3A_1869 = vector.shape_cast %get3A_1868 : vector<1x16xi32> to vector<16xi32>
      %sub3A_1870 = arith.subi %get3A_1869, %broadcast_in_dim3A_1834 : vector<16xi32>
      %min3A_1871 = arith.constant 5000 : i32
      %min3A_1872 = vector.broadcast %min3A_1871 : i32 to vector<16xi32>
      %min3A_1873 = arith.minui %sub3A_1870, %min3A_1872 : vector<16xi32>
      %swap3A_1874 = arith.constant 2 : i32
      %swap3A_1875 = arith.index_cast %swap3A_1874 : i32 to index
      %swap3A_1876 = arith.constant 32 : index
      %swap3A_1877 = tpu.vector_load %arg5[%swap3A_1875, %swap3A_1876] {strides = array<i32>} : memref<5x64xi32, #tpu.memory_space<vmem>>, vector<1x16xi32>,
      %swap3A_1878 = vector.shape_cast %swap3A_1877 : vector<1x16xi32> to vector<16xi32>
      %swap3A_1879 = vector.shape_cast %min3A_1873 : vector<16xi32> to vector<1x16xi32>
      tpu.vector_store %arg5[%swap3A_1875, %swap3A_1876], %swap3A_1879 {strides = array<i32>} : memref<5x64xi32, #tpu.memory_space<vmem>>, vector<1x16xi32>,
      %get3A_1880 = arith.constant 2 : i32
      %get3A_1881 = arith.index_cast %get3A_1880 : i32 to index
      %get3A_1882 = arith.constant 48 : index
      %get3A_1883 = tpu.vector_load %arg5[%get3A_1881, %get3A_1882] {strides = array<i32>} : memref<5x64xi32, #tpu.memory_space<vmem>>, vector<1x16xi32>,
      %get3A_1884 = vector.shape_cast %get3A_1883 : vector<1x16xi32> to vector<16xi32>
      %sub3A_1885 = arith.subi %get3A_1884, %broadcast_in_dim3A_1834 : vector<16xi32>
      %min3A_1886 = arith.constant 5000 : i32
      %min3A_1887 = vector.broadcast %min3A_1886 : i32 to vector<16xi32>
      %min3A_1888 = arith.minui %sub3A_1885, %min3A_1887 : vector<16xi32>
      %swap3A_1889 = arith.constant 2 : i32
      %swap3A_1890 = arith.index_cast %swap3A_1889 : i32 to index
      %swap3A_1891 = arith.constant 48 : index
      %swap3A_1892 = tpu.vector_load %arg5[%swap3A_1890, %swap3A_1891] {strides = array<i32>} : memref<5x64xi32, #tpu.memory_space<vmem>>, vector<1x16xi32>,
      %swap3A_1893 = vector.shape_cast %swap3A_1892 : vector<1x16xi32> to vector<16xi32>
      %swap3A_1894 = vector.shape_cast %min3A_1888 : vector<16xi32> to vector<1x16xi32>
      tpu.vector_store %arg5[%swap3A_1890, %swap3A_1891], %swap3A_1894 {strides = array<i32>} : memref<5x64xi32, #tpu.memory_space<vmem>>, vector<1x16xi32>,
      %dma_start3A_1895 = arith.constant 2 : i32
      %dma_start3A_1896 = arith.constant 2 : i32
      %dma_start3A_1897 = arith.constant 2 : i32
      %dma_start3A_1898 = arith.constant 0 : i32
      %dma_start3A_1899 = arith.constant 0 : i32
      %dma_start3A_1900 = tpu.memref_slice %arg6[%dma_start3A_1895, %dma_start3A_1898, %dma_start3A_1899] : memref<5x64x128xf32, #tpu.memory_space<vmem>> -> memref<1x64x128xf32, #tpu.memory_space<vmem>>
      %dma_start3A_1901 = tpu.memref_squeeze %dma_start3A_1900 : memref<1x64x128xf32, #tpu.memory_space<vmem>> -> memref<64x128xf32, #tpu.memory_space<vmem>>
      %dma_start3A_1902 = arith.constant 0 : i32
      %dma_start3A_1903 = tpu.memref_slice %arg5[%dma_start3A_1896, %dma_start3A_1902] : memref<5x64xi32, #tpu.memory_space<vmem>> -> memref<1x64xi32, #tpu.memory_space<vmem>>
      %dma_start3A_1904 = tpu.memref_squeeze %dma_start3A_1903 : memref<1x64xi32, #tpu.memory_space<vmem>> -> memref<64xi32, #tpu.memory_space<vmem>>
      %dma_start3A_1905 = arith.constant 0 : i32
      %dma_start3A_1906 = arith.constant 0 : i32
      %dma_start3A_1907 = tpu.memref_slice %arg10[%dma_start3A_1905, %dma_start3A_1906] : memref<5008x128xf32, #tpu.memory_space<vmem_shared>> -> memref<5008x128xf32, #tpu.memory_space<vmem_shared>>
      %dma_start3A_1908 = tpu.memref_slice %arg13[%dma_start3A_1897] : memref<5x!tpu.dma_semaphore, #tpu.memory_space<semaphore_mem>> -> memref<1x!tpu.dma_semaphore, #tpu.memory_space<semaphore_mem>>
      %dma_start3A_1909 = tpu.memref_squeeze %dma_start3A_1908 : memref<1x!tpu.dma_semaphore, #tpu.memory_space<semaphore_mem>> -> memref<!tpu.dma_semaphore, #tpu.memory_space<semaphore_mem>>
      tpu.enqueue_indirect_dma source(%dma_start3A_1901 : memref<64x128xf32, #tpu.memory_space<vmem>>) target(%dma_start3A_1907 : memref<5008x128xf32, #tpu.memory_space<vmem_shared>>) offsets(%dma_start3A_1904 : memref<64xi32, #tpu.memory_space<vmem>>) semaphore(%dma_start3A_1909 : memref<!tpu.dma_semaphore, #tpu.memory_space<semaphore_mem>>) {add = true}
      %mul3A_1910 = arith.constant 5 : i32
      %mul3A_1911 = arith.muli %while3A_1388, %mul3A_1910 : i32
      %add3A_1912 = arith.constant 3 : i32
      %add3A_1913 = arith.addi %mul3A_1911, %add3A_1912 : i32
      %dma_wait3A_1914 = arith.constant 2 : i32
      %dma_wait3A_1915 = arith.constant 2 : i32
      %dma_wait3A_1916 = arith.constant 2 : i32
      %dma_wait3A_1917 = arith.constant 0 : i32
      %dma_wait3A_1918 = arith.constant 0 : i32
      %dma_wait3A_1919 = tpu.memref_slice %arg6[%dma_wait3A_1914, %dma_wait3A_1917, %dma_wait3A_1918] : memref<5x64x128xf32, #tpu.memory_space<vmem>> -> memref<1x64x128xf32, #tpu.memory_space<vmem>>
      %dma_wait3A_1920 = tpu.memref_squeeze %dma_wait3A_1919 : memref<1x64x128xf32, #tpu.memory_space<vmem>> -> memref<64x128xf32, #tpu.memory_space<vmem>>
      %dma_wait3A_1921 = arith.constant 0 : i32
      %dma_wait3A_1922 = tpu.memref_slice %arg5[%dma_wait3A_1915, %dma_wait3A_1921] : memref<5x64xi32, #tpu.memory_space<vmem>> -> memref<1x64xi32, #tpu.memory_space<vmem>>
      %dma_wait3A_1923 = tpu.memref_squeeze %dma_wait3A_1922 : memref<1x64xi32, #tpu.memory_space<vmem>> -> memref<64xi32, #tpu.memory_space<vmem>>
      %dma_wait3A_1924 = arith.constant 0 : i32
      %dma_wait3A_1925 = arith.constant 0 : i32
      %dma_wait3A_1926 = tpu.memref_slice %arg10[%dma_wait3A_1924, %dma_wait3A_1925] : memref<5008x128xf32, #tpu.memory_space<vmem_shared>> -> memref<5008x128xf32, #tpu.memory_space<vmem_shared>>
      %dma_wait3A_1927 = tpu.memref_slice %arg13[%dma_wait3A_1916] : memref<5x!tpu.dma_semaphore, #tpu.memory_space<semaphore_mem>> -> memref<1x!tpu.dma_semaphore, #tpu.memory_space<semaphore_mem>>
      %dma_wait3A_1928 = tpu.memref_squeeze %dma_wait3A_1927 : memref<1x!tpu.dma_semaphore, #tpu.memory_space<semaphore_mem>> -> memref<!tpu.dma_semaphore, #tpu.memory_space<semaphore_mem>>
      tpu.wait_indirect_dma semaphore(%dma_wait3A_1928 : memref<!tpu.dma_semaphore, #tpu.memory_space<semaphore_mem>>) src(%dma_wait3A_1920 : memref<64x128xf32, #tpu.memory_space<vmem>>) dst(%dma_wait3A_1926 : memref<5008x128xf32, #tpu.memory_space<vmem_shared>>)
      %add3A_1929 = arith.constant 5 : i32
      %add3A_1930 = arith.addi %add3A_1913, %add3A_1929 : i32
      %sub3A_1931 = arith.constant 1 : i32
      %sub3A_1932 = arith.subi %add3A_1930, %sub3A_1931 : i32
      %sub3A_1933 = arith.constant 1 : i32
      %sub3A_1934 = arith.subi %sub3A_216, %sub3A_1933 : i32
      %min3A_1935 = arith.minsi %sub3A_1932, %sub3A_1934 : i32
      %add3A_1936 = arith.addi %add3A_187, %min3A_1935 : i32
      %max3A_1937 = arith.constant 0 : i32
      %max3A_1938 = arith.maxsi %add3A_1936, %max3A_1937 : i32
      %mul3A_1939 = arith.constant 64 : i32
      %mul3A_1940 = arith.muli %max3A_1938, %mul3A_1939 : i32
      %dma_start3A_1941 = arith.constant 2 : i32
      %dma_start3A_1942 = arith.constant 2 : i32
      %dma_start3A_1943 = arith.constant 0 : i32
      %dma_start3A_1944 = tpu.memref_slice %arg5[%dma_start3A_1941, %dma_start3A_1943] : memref<5x64xi32, #tpu.memory_space<vmem>> -> memref<1x64xi32, #tpu.memory_space<vmem>>
      %dma_start3A_1945 = tpu.memref_squeeze %dma_start3A_1944 : memref<1x64xi32, #tpu.memory_space<vmem>> -> memref<64xi32, #tpu.memory_space<vmem>>
      %dma_start3A_1946 = tpu.memref_slice %arg3[%mul3A_1940] : memref<320000xi32, #tpu.memory_space<hbm>> -> memref<64xi32, #tpu.memory_space<hbm>>
      %dma_start3A_1947 = tpu.memref_slice %arg12[%dma_start3A_1942] : memref<5x!tpu.dma_semaphore, #tpu.memory_space<semaphore_mem>> -> memref<1x!tpu.dma_semaphore, #tpu.memory_space<semaphore_mem>>
      %dma_start3A_1948 = tpu.memref_squeeze %dma_start3A_1947 : memref<1x!tpu.dma_semaphore, #tpu.memory_space<semaphore_mem>> -> memref<!tpu.dma_semaphore, #tpu.memory_space<semaphore_mem>>
      %dma_start3A_1949 = arith.constant 0 : i32
      %dma_start3A_1950 = tpu.memref_slice %arg5[%dma_start3A_1941, %dma_start3A_1949] : memref<5x64xi32, #tpu.memory_space<vmem>> -> memref<1x64xi32, #tpu.memory_space<vmem>>
      %dma_start3A_1951 = tpu.memref_squeeze %dma_start3A_1950 : memref<1x64xi32, #tpu.memory_space<vmem>> -> memref<64xi32, #tpu.memory_space<vmem>>
      %dma_start3A_1952 = tpu.memref_slice %arg3[%mul3A_1940] : memref<320000xi32, #tpu.memory_space<hbm>> -> memref<64xi32, #tpu.memory_space<hbm>>
      tpu.enqueue_dma source(%dma_start3A_1952 : memref<64xi32, #tpu.memory_space<hbm>>) target(%dma_start3A_1951 : memref<64xi32, #tpu.memory_space<vmem>>) target_semaphore(%dma_start3A_1948 : memref<!tpu.dma_semaphore, #tpu.memory_space<semaphore_mem>>)
      %mul3A_1953 = arith.constant 64 : i32
      %mul3A_1954 = arith.muli %max3A_1938, %mul3A_1953 : i32
      %dma_start3A_1955 = arith.constant 2 : i32
      %dma_start3A_1956 = arith.constant 2 : i32
      %dma_start3A_1957 = arith.constant 0 : i32
      %dma_start3A_1958 = arith.constant 0 : i32
      %dma_start3A_1959 = tpu.memref_slice %arg6[%dma_start3A_1955, %dma_start3A_1957, %dma_start3A_1958] : memref<5x64x128xf32, #tpu.memory_space<vmem>> -> memref<1x64x128xf32, #tpu.memory_space<vmem>>
      %dma_start3A_1960 = tpu.memref_squeeze %dma_start3A_1959 : memref<1x64x128xf32, #tpu.memory_space<vmem>> -> memref<64x128xf32, #tpu.memory_space<vmem>>
      %dma_start3A_1961 = arith.constant 0 : i32
      %dma_start3A_1962 = tpu.memref_slice %arg2[%mul3A_1954, %dma_start3A_1961] : memref<320000x128xf32, #tpu.memory_space<hbm>> -> memref<64x128xf32, #tpu.memory_space<hbm>>
      %dma_start3A_1963 = tpu.memref_slice %arg12[%dma_start3A_1956] : memref<5x!tpu.dma_semaphore, #tpu.memory_space<semaphore_mem>> -> memref<1x!tpu.dma_semaphore, #tpu.memory_space<semaphore_mem>>
      %dma_start3A_1964 = tpu.memref_squeeze %dma_start3A_1963 : memref<1x!tpu.dma_semaphore, #tpu.memory_space<semaphore_mem>> -> memref<!tpu.dma_semaphore, #tpu.memory_space<semaphore_mem>>
      %dma_start3A_1965 = arith.constant 0 : i32
      %dma_start3A_1966 = arith.constant 0 : i32
      %dma_start3A_1967 = tpu.memref_slice %arg6[%dma_start3A_1955, %dma_start3A_1965, %dma_start3A_1966] : memref<5x64x128xf32, #tpu.memory_space<vmem>> -> memref<1x64x128xf32, #tpu.memory_space<vmem>>
      %dma_start3A_1968 = tpu.memref_squeeze %dma_start3A_1967 : memref<1x64x128xf32, #tpu.memory_space<vmem>> -> memref<64x128xf32, #tpu.memory_space<vmem>>
      %dma_start3A_1969 = arith.constant 0 : i32
      %dma_start3A_1970 = tpu.memref_slice %arg2[%mul3A_1954, %dma_start3A_1969] : memref<320000x128xf32, #tpu.memory_space<hbm>> -> memref<64x128xf32, #tpu.memory_space<hbm>>
      tpu.enqueue_dma source(%dma_start3A_1970 : memref<64x128xf32, #tpu.memory_space<hbm>>) target(%dma_start3A_1968 : memref<64x128xf32, #tpu.memory_space<vmem>>) target_semaphore(%dma_start3A_1964 : memref<!tpu.dma_semaphore, #tpu.memory_space<semaphore_mem>>)
      %dma_wait3A_1971 = arith.constant 3 : i32
      %dma_wait3A_1972 = arith.constant 3 : i32
      %dma_wait3A_1973 = arith.constant 0 : i32
      %dma_wait3A_1974 = tpu.memref_slice %arg5[%dma_wait3A_1971, %dma_wait3A_1973] : memref<5x64xi32, #tpu.memory_space<vmem>> -> memref<1x64xi32, #tpu.memory_space<vmem>>
      %dma_wait3A_1975 = tpu.memref_squeeze %dma_wait3A_1974 : memref<1x64xi32, #tpu.memory_space<vmem>> -> memref<64xi32, #tpu.memory_space<vmem>>
      %dma_wait3A_1976 = arith.constant 0 : i32
      %dma_wait3A_1977 = tpu.memref_slice %arg3[%dma_wait3A_1976] : memref<320000xi32, #tpu.memory_space<hbm>> -> memref<64xi32, #tpu.memory_space<hbm>>
      %dma_wait3A_1978 = tpu.memref_slice %arg12[%dma_wait3A_1972] : memref<5x!tpu.dma_semaphore, #tpu.memory_space<semaphore_mem>> -> memref<1x!tpu.dma_semaphore, #tpu.memory_space<semaphore_mem>>
      %dma_wait3A_1979 = tpu.memref_squeeze %dma_wait3A_1978 : memref<1x!tpu.dma_semaphore, #tpu.memory_space<semaphore_mem>> -> memref<!tpu.dma_semaphore, #tpu.memory_space<semaphore_mem>>
      %dma_wait3A_1980 = arith.constant 0 : i32
      %dma_wait3A_1981 = tpu.memref_slice %arg5[%dma_wait3A_1971, %dma_wait3A_1980] : memref<5x64xi32, #tpu.memory_space<vmem>> -> memref<1x64xi32, #tpu.memory_space<vmem>>
      %dma_wait3A_1982 = tpu.memref_squeeze %dma_wait3A_1981 : memref<1x64xi32, #tpu.memory_space<vmem>> -> memref<64xi32, #tpu.memory_space<vmem>>
      %dma_wait3A_1983 = arith.constant 0 : i32
      %dma_wait3A_1984 = tpu.memref_slice %arg3[%dma_wait3A_1983] : memref<320000xi32, #tpu.memory_space<hbm>> -> memref<64xi32, #tpu.memory_space<hbm>>
      tpu.wait_dma2 semaphore(%dma_wait3A_1979 : memref<!tpu.dma_semaphore, #tpu.memory_space<semaphore_mem>>) src(%dma_wait3A_1984 : memref<64xi32, #tpu.memory_space<hbm>>) dst(%dma_wait3A_1982 : memref<64xi32, #tpu.memory_space<vmem>>)
      %dma_wait3A_1985 = arith.constant 3 : i32
      %dma_wait3A_1986 = arith.constant 3 : i32
      %dma_wait3A_1987 = arith.constant 0 : i32
      %dma_wait3A_1988 = arith.constant 0 : i32
      %dma_wait3A_1989 = tpu.memref_slice %arg6[%dma_wait3A_1985, %dma_wait3A_1987, %dma_wait3A_1988] : memref<5x64x128xf32, #tpu.memory_space<vmem>> -> memref<1x64x128xf32, #tpu.memory_space<vmem>>
      %dma_wait3A_1990 = tpu.memref_squeeze %dma_wait3A_1989 : memref<1x64x128xf32, #tpu.memory_space<vmem>> -> memref<64x128xf32, #tpu.memory_space<vmem>>
      %dma_wait3A_1991 = arith.constant 0 : i32
      %dma_wait3A_1992 = arith.constant 0 : i32
      %dma_wait3A_1993 = tpu.memref_slice %arg2[%dma_wait3A_1991, %dma_wait3A_1992] : memref<320000x128xf32, #tpu.memory_space<hbm>> -> memref<64x128xf32, #tpu.memory_space<hbm>>
      %dma_wait3A_1994 = tpu.memref_slice %arg12[%dma_wait3A_1986] : memref<5x!tpu.dma_semaphore, #tpu.memory_space<semaphore_mem>> -> memref<1x!tpu.dma_semaphore, #tpu.memory_space<semaphore_mem>>
      %dma_wait3A_1995 = tpu.memref_squeeze %dma_wait3A_1994 : memref<1x!tpu.dma_semaphore, #tpu.memory_space<semaphore_mem>> -> memref<!tpu.dma_semaphore, #tpu.memory_space<semaphore_mem>>
      %dma_wait3A_1996 = arith.constant 0 : i32
      %dma_wait3A_1997 = arith.constant 0 : i32
      %dma_wait3A_1998 = tpu.memref_slice %arg6[%dma_wait3A_1985, %dma_wait3A_1996, %dma_wait3A_1997] : memref<5x64x128xf32, #tpu.memory_space<vmem>> -> memref<1x64x128xf32, #tpu.memory_space<vmem>>
      %dma_wait3A_1999 = tpu.memref_squeeze %dma_wait3A_1998 : memref<1x64x128xf32, #tpu.memory_space<vmem>> -> memref<64x128xf32, #tpu.memory_space<vmem>>
      %dma_wait3A_2000 = arith.constant 0 : i32
      %dma_wait3A_2001 = arith.constant 0 : i32
      %dma_wait3A_2002 = tpu.memref_slice %arg2[%dma_wait3A_2000, %dma_wait3A_2001] : memref<320000x128xf32, #tpu.memory_space<hbm>> -> memref<64x128xf32, #tpu.memory_space<hbm>>
      tpu.wait_dma2 semaphore(%dma_wait3A_1995 : memref<!tpu.dma_semaphore, #tpu.memory_space<semaphore_mem>>) src(%dma_wait3A_2002 : memref<64x128xf32, #tpu.memory_space<hbm>>) dst(%dma_wait3A_1999 : memref<64x128xf32, #tpu.memory_space<vmem>>)
      %lt3A_2003 = arith.cmpi slt, %add3A_1913, %sub3A_216 : i32
      %jit3A_2004 = arith.constant 0 : i32
      %jit3A_2005 = arith.constant 10000 : i32
      %select_n3A_2006 = arith.select %lt3A_2003, %jit3A_2004, %jit3A_2005 : i32
      %sub3A_2007 = arith.subi %mul3A_218, %select_n3A_2006 : i32
      %broadcast_in_dim3A_2008 = vector.broadcast %sub3A_2007 : i32 to vector<16xi32>
      %get3A_2009 = arith.constant 3 : i32
      %get3A_2010 = arith.index_cast %get3A_2009 : i32 to index
      %get3A_2011 = arith.constant 0 : index
      %get3A_2012 = tpu.vector_load %arg5[%get3A_2010, %get3A_2011] {strides = array<i32>} : memref<5x64xi32, #tpu.memory_space<vmem>>, vector<1x16xi32>,
      %get3A_2013 = vector.shape_cast %get3A_2012 : vector<1x16xi32> to vector<16xi32>
      %sub3A_2014 = arith.subi %get3A_2013, %broadcast_in_dim3A_2008 : vector<16xi32>
      %min3A_2015 = arith.constant 5000 : i32
      %min3A_2016 = vector.broadcast %min3A_2015 : i32 to vector<16xi32>
      %min3A_2017 = arith.minui %sub3A_2014, %min3A_2016 : vector<16xi32>
      %swap3A_2018 = arith.constant 3 : i32
      %swap3A_2019 = arith.index_cast %swap3A_2018 : i32 to index
      %swap3A_2020 = arith.constant 0 : index
      %swap3A_2021 = tpu.vector_load %arg5[%swap3A_2019, %swap3A_2020] {strides = array<i32>} : memref<5x64xi32, #tpu.memory_space<vmem>>, vector<1x16xi32>,
      %swap3A_2022 = vector.shape_cast %swap3A_2021 : vector<1x16xi32> to vector<16xi32>
      %swap3A_2023 = vector.shape_cast %min3A_2017 : vector<16xi32> to vector<1x16xi32>
      tpu.vector_store %arg5[%swap3A_2019, %swap3A_2020], %swap3A_2023 {strides = array<i32>} : memref<5x64xi32, #tpu.memory_space<vmem>>, vector<1x16xi32>,
      %get3A_2024 = arith.constant 3 : i32
      %get3A_2025 = arith.index_cast %get3A_2024 : i32 to index
      %get3A_2026 = arith.constant 16 : index
      %get3A_2027 = tpu.vector_load %arg5[%get3A_2025, %get3A_2026] {strides = array<i32>} : memref<5x64xi32, #tpu.memory_space<vmem>>, vector<1x16xi32>,
      %get3A_2028 = vector.shape_cast %get3A_2027 : vector<1x16xi32> to vector<16xi32>
      %sub3A_2029 = arith.subi %get3A_2028, %broadcast_in_dim3A_2008 : vector<16xi32>
      %min3A_2030 = arith.constant 5000 : i32
      %min3A_2031 = vector.broadcast %min3A_2030 : i32 to vector<16xi32>
      %min3A_2032 = arith.minui %sub3A_2029, %min3A_2031 : vector<16xi32>
      %swap3A_2033 = arith.constant 3 : i32
      %swap3A_2034 = arith.index_cast %swap3A_2033 : i32 to index
      %swap3A_2035 = arith.constant 16 : index
      %swap3A_2036 = tpu.vector_load %arg5[%swap3A_2034, %swap3A_2035] {strides = array<i32>} : memref<5x64xi32, #tpu.memory_space<vmem>>, vector<1x16xi32>,
      %swap3A_2037 = vector.shape_cast %swap3A_2036 : vector<1x16xi32> to vector<16xi32>
      %swap3A_2038 = vector.shape_cast %min3A_2032 : vector<16xi32> to vector<1x16xi32>
      tpu.vector_store %arg5[%swap3A_2034, %swap3A_2035], %swap3A_2038 {strides = array<i32>} : memref<5x64xi32, #tpu.memory_space<vmem>>, vector<1x16xi32>,
      %get3A_2039 = arith.constant 3 : i32
      %get3A_2040 = arith.index_cast %get3A_2039 : i32 to index
      %get3A_2041 = arith.constant 32 : index
      %get3A_2042 = tpu.vector_load %arg5[%get3A_2040, %get3A_2041] {strides = array<i32>} : memref<5x64xi32, #tpu.memory_space<vmem>>, vector<1x16xi32>,
      %get3A_2043 = vector.shape_cast %get3A_2042 : vector<1x16xi32> to vector<16xi32>
      %sub3A_2044 = arith.subi %get3A_2043, %broadcast_in_dim3A_2008 : vector<16xi32>
      %min3A_2045 = arith.constant 5000 : i32
      %min3A_2046 = vector.broadcast %min3A_2045 : i32 to vector<16xi32>
      %min3A_2047 = arith.minui %sub3A_2044, %min3A_2046 : vector<16xi32>
      %swap3A_2048 = arith.constant 3 : i32
      %swap3A_2049 = arith.index_cast %swap3A_2048 : i32 to index
      %swap3A_2050 = arith.constant 32 : index
      %swap3A_2051 = tpu.vector_load %arg5[%swap3A_2049, %swap3A_2050] {strides = array<i32>} : memref<5x64xi32, #tpu.memory_space<vmem>>, vector<1x16xi32>,
      %swap3A_2052 = vector.shape_cast %swap3A_2051 : vector<1x16xi32> to vector<16xi32>
      %swap3A_2053 = vector.shape_cast %min3A_2047 : vector<16xi32> to vector<1x16xi32>
      tpu.vector_store %arg5[%swap3A_2049, %swap3A_2050], %swap3A_2053 {strides = array<i32>} : memref<5x64xi32, #tpu.memory_space<vmem>>, vector<1x16xi32>,
      %get3A_2054 = arith.constant 3 : i32
      %get3A_2055 = arith.index_cast %get3A_2054 : i32 to index
      %get3A_2056 = arith.constant 48 : index
      %get3A_2057 = tpu.vector_load %arg5[%get3A_2055, %get3A_2056] {strides = array<i32>} : memref<5x64xi32, #tpu.memory_space<vmem>>, vector<1x16xi32>,
      %get3A_2058 = vector.shape_cast %get3A_2057 : vector<1x16xi32> to vector<16xi32>
      %sub3A_2059 = arith.subi %get3A_2058, %broadcast_in_dim3A_2008 : vector<16xi32>
      %min3A_2060 = arith.constant 5000 : i32
      %min3A_2061 = vector.broadcast %min3A_2060 : i32 to vector<16xi32>
      %min3A_2062 = arith.minui %sub3A_2059, %min3A_2061 : vector<16xi32>
      %swap3A_2063 = arith.constant 3 : i32
      %swap3A_2064 = arith.index_cast %swap3A_2063 : i32 to index
      %swap3A_2065 = arith.constant 48 : index
      %swap3A_2066 = tpu.vector_load %arg5[%swap3A_2064, %swap3A_2065] {strides = array<i32>} : memref<5x64xi32, #tpu.memory_space<vmem>>, vector<1x16xi32>,
      %swap3A_2067 = vector.shape_cast %swap3A_2066 : vector<1x16xi32> to vector<16xi32>
      %swap3A_2068 = vector.shape_cast %min3A_2062 : vector<16xi32> to vector<1x16xi32>
      tpu.vector_store %arg5[%swap3A_2064, %swap3A_2065], %swap3A_2068 {strides = array<i32>} : memref<5x64xi32, #tpu.memory_space<vmem>>, vector<1x16xi32>,
      %dma_start3A_2069 = arith.constant 3 : i32
      %dma_start3A_2070 = arith.constant 3 : i32
      %dma_start3A_2071 = arith.constant 3 : i32
      %dma_start3A_2072 = arith.constant 0 : i32
      %dma_start3A_2073 = arith.constant 0 : i32
      %dma_start3A_2074 = tpu.memref_slice %arg6[%dma_start3A_2069, %dma_start3A_2072, %dma_start3A_2073] : memref<5x64x128xf32, #tpu.memory_space<vmem>> -> memref<1x64x128xf32, #tpu.memory_space<vmem>>
      %dma_start3A_2075 = tpu.memref_squeeze %dma_start3A_2074 : memref<1x64x128xf32, #tpu.memory_space<vmem>> -> memref<64x128xf32, #tpu.memory_space<vmem>>
      %dma_start3A_2076 = arith.constant 0 : i32
      %dma_start3A_2077 = tpu.memref_slice %arg5[%dma_start3A_2070, %dma_start3A_2076] : memref<5x64xi32, #tpu.memory_space<vmem>> -> memref<1x64xi32, #tpu.memory_space<vmem>>
      %dma_start3A_2078 = tpu.memref_squeeze %dma_start3A_2077 : memref<1x64xi32, #tpu.memory_space<vmem>> -> memref<64xi32, #tpu.memory_space<vmem>>
      %dma_start3A_2079 = arith.constant 0 : i32
      %dma_start3A_2080 = arith.constant 0 : i32
      %dma_start3A_2081 = tpu.memref_slice %arg10[%dma_start3A_2079, %dma_start3A_2080] : memref<5008x128xf32, #tpu.memory_space<vmem_shared>> -> memref<5008x128xf32, #tpu.memory_space<vmem_shared>>
      %dma_start3A_2082 = tpu.memref_slice %arg13[%dma_start3A_2071] : memref<5x!tpu.dma_semaphore, #tpu.memory_space<semaphore_mem>> -> memref<1x!tpu.dma_semaphore, #tpu.memory_space<semaphore_mem>>
      %dma_start3A_2083 = tpu.memref_squeeze %dma_start3A_2082 : memref<1x!tpu.dma_semaphore, #tpu.memory_space<semaphore_mem>> -> memref<!tpu.dma_semaphore, #tpu.memory_space<semaphore_mem>>
      tpu.enqueue_indirect_dma source(%dma_start3A_2075 : memref<64x128xf32, #tpu.memory_space<vmem>>) target(%dma_start3A_2081 : memref<5008x128xf32, #tpu.memory_space<vmem_shared>>) offsets(%dma_start3A_2078 : memref<64xi32, #tpu.memory_space<vmem>>) semaphore(%dma_start3A_2083 : memref<!tpu.dma_semaphore, #tpu.memory_space<semaphore_mem>>) {add = true}
      %mul3A_2084 = arith.constant 5 : i32
      %mul3A_2085 = arith.muli %while3A_1388, %mul3A_2084 : i32
      %add3A_2086 = arith.constant 4 : i32
      %add3A_2087 = arith.addi %mul3A_2085, %add3A_2086 : i32
      %dma_wait3A_2088 = arith.constant 3 : i32
      %dma_wait3A_2089 = arith.constant 3 : i32
      %dma_wait3A_2090 = arith.constant 3 : i32
      %dma_wait3A_2091 = arith.constant 0 : i32
      %dma_wait3A_2092 = arith.constant 0 : i32
      %dma_wait3A_2093 = tpu.memref_slice %arg6[%dma_wait3A_2088, %dma_wait3A_2091, %dma_wait3A_2092] : memref<5x64x128xf32, #tpu.memory_space<vmem>> -> memref<1x64x128xf32, #tpu.memory_space<vmem>>
      %dma_wait3A_2094 = tpu.memref_squeeze %dma_wait3A_2093 : memref<1x64x128xf32, #tpu.memory_space<vmem>> -> memref<64x128xf32, #tpu.memory_space<vmem>>
      %dma_wait3A_2095 = arith.constant 0 : i32
      %dma_wait3A_2096 = tpu.memref_slice %arg5[%dma_wait3A_2089, %dma_wait3A_2095] : memref<5x64xi32, #tpu.memory_space<vmem>> -> memref<1x64xi32, #tpu.memory_space<vmem>>
      %dma_wait3A_2097 = tpu.memref_squeeze %dma_wait3A_2096 : memref<1x64xi32, #tpu.memory_space<vmem>> -> memref<64xi32, #tpu.memory_space<vmem>>
      %dma_wait3A_2098 = arith.constant 0 : i32
      %dma_wait3A_2099 = arith.constant 0 : i32
      %dma_wait3A_2100 = tpu.memref_slice %arg10[%dma_wait3A_2098, %dma_wait3A_2099] : memref<5008x128xf32, #tpu.memory_space<vmem_shared>> -> memref<5008x128xf32, #tpu.memory_space<vmem_shared>>
      %dma_wait3A_2101 = tpu.memref_slice %arg13[%dma_wait3A_2090] : memref<5x!tpu.dma_semaphore, #tpu.memory_space<semaphore_mem>> -> memref<1x!tpu.dma_semaphore, #tpu.memory_space<semaphore_mem>>
      %dma_wait3A_2102 = tpu.memref_squeeze %dma_wait3A_2101 : memref<1x!tpu.dma_semaphore, #tpu.memory_space<semaphore_mem>> -> memref<!tpu.dma_semaphore, #tpu.memory_space<semaphore_mem>>
      tpu.wait_indirect_dma semaphore(%dma_wait3A_2102 : memref<!tpu.dma_semaphore, #tpu.memory_space<semaphore_mem>>) src(%dma_wait3A_2094 : memref<64x128xf32, #tpu.memory_space<vmem>>) dst(%dma_wait3A_2100 : memref<5008x128xf32, #tpu.memory_space<vmem_shared>>)
      %add3A_2103 = arith.constant 5 : i32
      %add3A_2104 = arith.addi %add3A_2087, %add3A_2103 : i32
      %sub3A_2105 = arith.constant 1 : i32
      %sub3A_2106 = arith.subi %add3A_2104, %sub3A_2105 : i32
      %sub3A_2107 = arith.constant 1 : i32
      %sub3A_2108 = arith.subi %sub3A_216, %sub3A_2107 : i32
      %min3A_2109 = arith.minsi %sub3A_2106, %sub3A_2108 : i32
      %add3A_2110 = arith.addi %add3A_187, %min3A_2109 : i32
      %max3A_2111 = arith.constant 0 : i32
      %max3A_2112 = arith.maxsi %add3A_2110, %max3A_2111 : i32
      %mul3A_2113 = arith.constant 64 : i32
      %mul3A_2114 = arith.muli %max3A_2112, %mul3A_2113 : i32
      %dma_start3A_2115 = arith.constant 3 : i32
      %dma_start3A_2116 = arith.constant 3 : i32
      %dma_start3A_2117 = arith.constant 0 : i32
      %dma_start3A_2118 = tpu.memref_slice %arg5[%dma_start3A_2115, %dma_start3A_2117] : memref<5x64xi32, #tpu.memory_space<vmem>> -> memref<1x64xi32, #tpu.memory_space<vmem>>
      %dma_start3A_2119 = tpu.memref_squeeze %dma_start3A_2118 : memref<1x64xi32, #tpu.memory_space<vmem>> -> memref<64xi32, #tpu.memory_space<vmem>>
      %dma_start3A_2120 = tpu.memref_slice %arg3[%mul3A_2114] : memref<320000xi32, #tpu.memory_space<hbm>> -> memref<64xi32, #tpu.memory_space<hbm>>
      %dma_start3A_2121 = tpu.memref_slice %arg12[%dma_start3A_2116] : memref<5x!tpu.dma_semaphore, #tpu.memory_space<semaphore_mem>> -> memref<1x!tpu.dma_semaphore, #tpu.memory_space<semaphore_mem>>
      %dma_start3A_2122 = tpu.memref_squeeze %dma_start3A_2121 : memref<1x!tpu.dma_semaphore, #tpu.memory_space<semaphore_mem>> -> memref<!tpu.dma_semaphore, #tpu.memory_space<semaphore_mem>>
      %dma_start3A_2123 = arith.constant 0 : i32
      %dma_start3A_2124 = tpu.memref_slice %arg5[%dma_start3A_2115, %dma_start3A_2123] : memref<5x64xi32, #tpu.memory_space<vmem>> -> memref<1x64xi32, #tpu.memory_space<vmem>>
      %dma_start3A_2125 = tpu.memref_squeeze %dma_start3A_2124 : memref<1x64xi32, #tpu.memory_space<vmem>> -> memref<64xi32, #tpu.memory_space<vmem>>
      %dma_start3A_2126 = tpu.memref_slice %arg3[%mul3A_2114] : memref<320000xi32, #tpu.memory_space<hbm>> -> memref<64xi32, #tpu.memory_space<hbm>>
      tpu.enqueue_dma source(%dma_start3A_2126 : memref<64xi32, #tpu.memory_space<hbm>>) target(%dma_start3A_2125 : memref<64xi32, #tpu.memory_space<vmem>>) target_semaphore(%dma_start3A_2122 : memref<!tpu.dma_semaphore, #tpu.memory_space<semaphore_mem>>)
      %mul3A_2127 = arith.constant 64 : i32
      %mul3A_2128 = arith.muli %max3A_2112, %mul3A_2127 : i32
      %dma_start3A_2129 = arith.constant 3 : i32
      %dma_start3A_2130 = arith.constant 3 : i32
      %dma_start3A_2131 = arith.constant 0 : i32
      %dma_start3A_2132 = arith.constant 0 : i32
      %dma_start3A_2133 = tpu.memref_slice %arg6[%dma_start3A_2129, %dma_start3A_2131, %dma_start3A_2132] : memref<5x64x128xf32, #tpu.memory_space<vmem>> -> memref<1x64x128xf32, #tpu.memory_space<vmem>>
      %dma_start3A_2134 = tpu.memref_squeeze %dma_start3A_2133 : memref<1x64x128xf32, #tpu.memory_space<vmem>> -> memref<64x128xf32, #tpu.memory_space<vmem>>
      %dma_start3A_2135 = arith.constant 0 : i32
      %dma_start3A_2136 = tpu.memref_slice %arg2[%mul3A_2128, %dma_start3A_2135] : memref<320000x128xf32, #tpu.memory_space<hbm>> -> memref<64x128xf32, #tpu.memory_space<hbm>>
      %dma_start3A_2137 = tpu.memref_slice %arg12[%dma_start3A_2130] : memref<5x!tpu.dma_semaphore, #tpu.memory_space<semaphore_mem>> -> memref<1x!tpu.dma_semaphore, #tpu.memory_space<semaphore_mem>>
      %dma_start3A_2138 = tpu.memref_squeeze %dma_start3A_2137 : memref<1x!tpu.dma_semaphore, #tpu.memory_space<semaphore_mem>> -> memref<!tpu.dma_semaphore, #tpu.memory_space<semaphore_mem>>
      %dma_start3A_2139 = arith.constant 0 : i32
      %dma_start3A_2140 = arith.constant 0 : i32
      %dma_start3A_2141 = tpu.memref_slice %arg6[%dma_start3A_2129, %dma_start3A_2139, %dma_start3A_2140] : memref<5x64x128xf32, #tpu.memory_space<vmem>> -> memref<1x64x128xf32, #tpu.memory_space<vmem>>
      %dma_start3A_2142 = tpu.memref_squeeze %dma_start3A_2141 : memref<1x64x128xf32, #tpu.memory_space<vmem>> -> memref<64x128xf32, #tpu.memory_space<vmem>>
      %dma_start3A_2143 = arith.constant 0 : i32
      %dma_start3A_2144 = tpu.memref_slice %arg2[%mul3A_2128, %dma_start3A_2143] : memref<320000x128xf32, #tpu.memory_space<hbm>> -> memref<64x128xf32, #tpu.memory_space<hbm>>
      tpu.enqueue_dma source(%dma_start3A_2144 : memref<64x128xf32, #tpu.memory_space<hbm>>) target(%dma_start3A_2142 : memref<64x128xf32, #tpu.memory_space<vmem>>) target_semaphore(%dma_start3A_2138 : memref<!tpu.dma_semaphore, #tpu.memory_space<semaphore_mem>>)
      %dma_wait3A_2145 = arith.constant 4 : i32
      %dma_wait3A_2146 = arith.constant 4 : i32
      %dma_wait3A_2147 = arith.constant 0 : i32
      %dma_wait3A_2148 = tpu.memref_slice %arg5[%dma_wait3A_2145, %dma_wait3A_2147] : memref<5x64xi32, #tpu.memory_space<vmem>> -> memref<1x64xi32, #tpu.memory_space<vmem>>
      %dma_wait3A_2149 = tpu.memref_squeeze %dma_wait3A_2148 : memref<1x64xi32, #tpu.memory_space<vmem>> -> memref<64xi32, #tpu.memory_space<vmem>>
      %dma_wait3A_2150 = arith.constant 0 : i32
      %dma_wait3A_2151 = tpu.memref_slice %arg3[%dma_wait3A_2150] : memref<320000xi32, #tpu.memory_space<hbm>> -> memref<64xi32, #tpu.memory_space<hbm>>
      %dma_wait3A_2152 = tpu.memref_slice %arg12[%dma_wait3A_2146] : memref<5x!tpu.dma_semaphore, #tpu.memory_space<semaphore_mem>> -> memref<1x!tpu.dma_semaphore, #tpu.memory_space<semaphore_mem>>
      %dma_wait3A_2153 = tpu.memref_squeeze %dma_wait3A_2152 : memref<1x!tpu.dma_semaphore, #tpu.memory_space<semaphore_mem>> -> memref<!tpu.dma_semaphore, #tpu.memory_space<semaphore_mem>>
      %dma_wait3A_2154 = arith.constant 0 : i32
      %dma_wait3A_2155 = tpu.memref_slice %arg5[%dma_wait3A_2145, %dma_wait3A_2154] : memref<5x64xi32, #tpu.memory_space<vmem>> -> memref<1x64xi32, #tpu.memory_space<vmem>>
      %dma_wait3A_2156 = tpu.memref_squeeze %dma_wait3A_2155 : memref<1x64xi32, #tpu.memory_space<vmem>> -> memref<64xi32, #tpu.memory_space<vmem>>
      %dma_wait3A_2157 = arith.constant 0 : i32
      %dma_wait3A_2158 = tpu.memref_slice %arg3[%dma_wait3A_2157] : memref<320000xi32, #tpu.memory_space<hbm>> -> memref<64xi32, #tpu.memory_space<hbm>>
      tpu.wait_dma2 semaphore(%dma_wait3A_2153 : memref<!tpu.dma_semaphore, #tpu.memory_space<semaphore_mem>>) src(%dma_wait3A_2158 : memref<64xi32, #tpu.memory_space<hbm>>) dst(%dma_wait3A_2156 : memref<64xi32, #tpu.memory_space<vmem>>)
      %dma_wait3A_2159 = arith.constant 4 : i32
      %dma_wait3A_2160 = arith.constant 4 : i32
      %dma_wait3A_2161 = arith.constant 0 : i32
      %dma_wait3A_2162 = arith.constant 0 : i32
      %dma_wait3A_2163 = tpu.memref_slice %arg6[%dma_wait3A_2159, %dma_wait3A_2161, %dma_wait3A_2162] : memref<5x64x128xf32, #tpu.memory_space<vmem>> -> memref<1x64x128xf32, #tpu.memory_space<vmem>>
      %dma_wait3A_2164 = tpu.memref_squeeze %dma_wait3A_2163 : memref<1x64x128xf32, #tpu.memory_space<vmem>> -> memref<64x128xf32, #tpu.memory_space<vmem>>
      %dma_wait3A_2165 = arith.constant 0 : i32
      %dma_wait3A_2166 = arith.constant 0 : i32
      %dma_wait3A_2167 = tpu.memref_slice %arg2[%dma_wait3A_2165, %dma_wait3A_2166] : memref<320000x128xf32, #tpu.memory_space<hbm>> -> memref<64x128xf32, #tpu.memory_space<hbm>>
      %dma_wait3A_2168 = tpu.memref_slice %arg12[%dma_wait3A_2160] : memref<5x!tpu.dma_semaphore, #tpu.memory_space<semaphore_mem>> -> memref<1x!tpu.dma_semaphore, #tpu.memory_space<semaphore_mem>>
      %dma_wait3A_2169 = tpu.memref_squeeze %dma_wait3A_2168 : memref<1x!tpu.dma_semaphore, #tpu.memory_space<semaphore_mem>> -> memref<!tpu.dma_semaphore, #tpu.memory_space<semaphore_mem>>
      %dma_wait3A_2170 = arith.constant 0 : i32
      %dma_wait3A_2171 = arith.constant 0 : i32
      %dma_wait3A_2172 = tpu.memref_slice %arg6[%dma_wait3A_2159, %dma_wait3A_2170, %dma_wait3A_2171] : memref<5x64x128xf32, #tpu.memory_space<vmem>> -> memref<1x64x128xf32, #tpu.memory_space<vmem>>
      %dma_wait3A_2173 = tpu.memref_squeeze %dma_wait3A_2172 : memref<1x64x128xf32, #tpu.memory_space<vmem>> -> memref<64x128xf32, #tpu.memory_space<vmem>>
      %dma_wait3A_2174 = arith.constant 0 : i32
      %dma_wait3A_2175 = arith.constant 0 : i32
      %dma_wait3A_2176 = tpu.memref_slice %arg2[%dma_wait3A_2174, %dma_wait3A_2175] : memref<320000x128xf32, #tpu.memory_space<hbm>> -> memref<64x128xf32, #tpu.memory_space<hbm>>
      tpu.wait_dma2 semaphore(%dma_wait3A_2169 : memref<!tpu.dma_semaphore, #tpu.memory_space<semaphore_mem>>) src(%dma_wait3A_2176 : memref<64x128xf32, #tpu.memory_space<hbm>>) dst(%dma_wait3A_2173 : memref<64x128xf32, #tpu.memory_space<vmem>>)
      %lt3A_2177 = arith.cmpi slt, %add3A_2087, %sub3A_216 : i32
      %jit3A_2178 = arith.constant 0 : i32
      %jit3A_2179 = arith.constant 10000 : i32
      %select_n3A_2180 = arith.select %lt3A_2177, %jit3A_2178, %jit3A_2179 : i32
      %sub3A_2181 = arith.subi %mul3A_218, %select_n3A_2180 : i32
      %broadcast_in_dim3A_2182 = vector.broadcast %sub3A_2181 : i32 to vector<16xi32>
      %get3A_2183 = arith.constant 4 : i32
      %get3A_2184 = arith.index_cast %get3A_2183 : i32 to index
      %get3A_2185 = arith.constant 0 : index
      %get3A_2186 = tpu.vector_load %arg5[%get3A_2184, %get3A_2185] {strides = array<i32>} : memref<5x64xi32, #tpu.memory_space<vmem>>, vector<1x16xi32>,
      %get3A_2187 = vector.shape_cast %get3A_2186 : vector<1x16xi32> to vector<16xi32>
      %sub3A_2188 = arith.subi %get3A_2187, %broadcast_in_dim3A_2182 : vector<16xi32>
      %min3A_2189 = arith.constant 5000 : i32
      %min3A_2190 = vector.broadcast %min3A_2189 : i32 to vector<16xi32>
      %min3A_2191 = arith.minui %sub3A_2188, %min3A_2190 : vector<16xi32>
      %swap3A_2192 = arith.constant 4 : i32
      %swap3A_2193 = arith.index_cast %swap3A_2192 : i32 to index
      %swap3A_2194 = arith.constant 0 : index
      %swap3A_2195 = tpu.vector_load %arg5[%swap3A_2193, %swap3A_2194] {strides = array<i32>} : memref<5x64xi32, #tpu.memory_space<vmem>>, vector<1x16xi32>,
      %swap3A_2196 = vector.shape_cast %swap3A_2195 : vector<1x16xi32> to vector<16xi32>
      %swap3A_2197 = vector.shape_cast %min3A_2191 : vector<16xi32> to vector<1x16xi32>
      tpu.vector_store %arg5[%swap3A_2193, %swap3A_2194], %swap3A_2197 {strides = array<i32>} : memref<5x64xi32, #tpu.memory_space<vmem>>, vector<1x16xi32>,
      %get3A_2198 = arith.constant 4 : i32
      %get3A_2199 = arith.index_cast %get3A_2198 : i32 to index
      %get3A_2200 = arith.constant 16 : index
      %get3A_2201 = tpu.vector_load %arg5[%get3A_2199, %get3A_2200] {strides = array<i32>} : memref<5x64xi32, #tpu.memory_space<vmem>>, vector<1x16xi32>,
      %get3A_2202 = vector.shape_cast %get3A_2201 : vector<1x16xi32> to vector<16xi32>
      %sub3A_2203 = arith.subi %get3A_2202, %broadcast_in_dim3A_2182 : vector<16xi32>
      %min3A_2204 = arith.constant 5000 : i32
      %min3A_2205 = vector.broadcast %min3A_2204 : i32 to vector<16xi32>
      %min3A_2206 = arith.minui %sub3A_2203, %min3A_2205 : vector<16xi32>
      %swap3A_2207 = arith.constant 4 : i32
      %swap3A_2208 = arith.index_cast %swap3A_2207 : i32 to index
      %swap3A_2209 = arith.constant 16 : index
      %swap3A_2210 = tpu.vector_load %arg5[%swap3A_2208, %swap3A_2209] {strides = array<i32>} : memref<5x64xi32, #tpu.memory_space<vmem>>, vector<1x16xi32>,
      %swap3A_2211 = vector.shape_cast %swap3A_2210 : vector<1x16xi32> to vector<16xi32>
      %swap3A_2212 = vector.shape_cast %min3A_2206 : vector<16xi32> to vector<1x16xi32>
      tpu.vector_store %arg5[%swap3A_2208, %swap3A_2209], %swap3A_2212 {strides = array<i32>} : memref<5x64xi32, #tpu.memory_space<vmem>>, vector<1x16xi32>,
      %get3A_2213 = arith.constant 4 : i32
      %get3A_2214 = arith.index_cast %get3A_2213 : i32 to index
      %get3A_2215 = arith.constant 32 : index
      %get3A_2216 = tpu.vector_load %arg5[%get3A_2214, %get3A_2215] {strides = array<i32>} : memref<5x64xi32, #tpu.memory_space<vmem>>, vector<1x16xi32>,
      %get3A_2217 = vector.shape_cast %get3A_2216 : vector<1x16xi32> to vector<16xi32>
      %sub3A_2218 = arith.subi %get3A_2217, %broadcast_in_dim3A_2182 : vector<16xi32>
      %min3A_2219 = arith.constant 5000 : i32
      %min3A_2220 = vector.broadcast %min3A_2219 : i32 to vector<16xi32>
      %min3A_2221 = arith.minui %sub3A_2218, %min3A_2220 : vector<16xi32>
      %swap3A_2222 = arith.constant 4 : i32
      %swap3A_2223 = arith.index_cast %swap3A_2222 : i32 to index
      %swap3A_2224 = arith.constant 32 : index
      %swap3A_2225 = tpu.vector_load %arg5[%swap3A_2223, %swap3A_2224] {strides = array<i32>} : memref<5x64xi32, #tpu.memory_space<vmem>>, vector<1x16xi32>,
      %swap3A_2226 = vector.shape_cast %swap3A_2225 : vector<1x16xi32> to vector<16xi32>
      %swap3A_2227 = vector.shape_cast %min3A_2221 : vector<16xi32> to vector<1x16xi32>
      tpu.vector_store %arg5[%swap3A_2223, %swap3A_2224], %swap3A_2227 {strides = array<i32>} : memref<5x64xi32, #tpu.memory_space<vmem>>, vector<1x16xi32>,
      %get3A_2228 = arith.constant 4 : i32
      %get3A_2229 = arith.index_cast %get3A_2228 : i32 to index
      %get3A_2230 = arith.constant 48 : index
      %get3A_2231 = tpu.vector_load %arg5[%get3A_2229, %get3A_2230] {strides = array<i32>} : memref<5x64xi32, #tpu.memory_space<vmem>>, vector<1x16xi32>,
      %get3A_2232 = vector.shape_cast %get3A_2231 : vector<1x16xi32> to vector<16xi32>
      %sub3A_2233 = arith.subi %get3A_2232, %broadcast_in_dim3A_2182 : vector<16xi32>
      %min3A_2234 = arith.constant 5000 : i32
      %min3A_2235 = vector.broadcast %min3A_2234 : i32 to vector<16xi32>
      %min3A_2236 = arith.minui %sub3A_2233, %min3A_2235 : vector<16xi32>
      %swap3A_2237 = arith.constant 4 : i32
      %swap3A_2238 = arith.index_cast %swap3A_2237 : i32 to index
      %swap3A_2239 = arith.constant 48 : index
      %swap3A_2240 = tpu.vector_load %arg5[%swap3A_2238, %swap3A_2239] {strides = array<i32>} : memref<5x64xi32, #tpu.memory_space<vmem>>, vector<1x16xi32>,
      %swap3A_2241 = vector.shape_cast %swap3A_2240 : vector<1x16xi32> to vector<16xi32>
      %swap3A_2242 = vector.shape_cast %min3A_2236 : vector<16xi32> to vector<1x16xi32>
      tpu.vector_store %arg5[%swap3A_2238, %swap3A_2239], %swap3A_2242 {strides = array<i32>} : memref<5x64xi32, #tpu.memory_space<vmem>>, vector<1x16xi32>,
      %dma_start3A_2243 = arith.constant 4 : i32
      %dma_start3A_2244 = arith.constant 4 : i32
      %dma_start3A_2245 = arith.constant 4 : i32
      %dma_start3A_2246 = arith.constant 0 : i32
      %dma_start3A_2247 = arith.constant 0 : i32
      %dma_start3A_2248 = tpu.memref_slice %arg6[%dma_start3A_2243, %dma_start3A_2246, %dma_start3A_2247] : memref<5x64x128xf32, #tpu.memory_space<vmem>> -> memref<1x64x128xf32, #tpu.memory_space<vmem>>
      %dma_start3A_2249 = tpu.memref_squeeze %dma_start3A_2248 : memref<1x64x128xf32, #tpu.memory_space<vmem>> -> memref<64x128xf32, #tpu.memory_space<vmem>>
      %dma_start3A_2250 = arith.constant 0 : i32
      %dma_start3A_2251 = tpu.memref_slice %arg5[%dma_start3A_2244, %dma_start3A_2250] : memref<5x64xi32, #tpu.memory_space<vmem>> -> memref<1x64xi32, #tpu.memory_space<vmem>>
      %dma_start3A_2252 = tpu.memref_squeeze %dma_start3A_2251 : memref<1x64xi32, #tpu.memory_space<vmem>> -> memref<64xi32, #tpu.memory_space<vmem>>
      %dma_start3A_2253 = arith.constant 0 : i32
      %dma_start3A_2254 = arith.constant 0 : i32
      %dma_start3A_2255 = tpu.memref_slice %arg10[%dma_start3A_2253, %dma_start3A_2254] : memref<5008x128xf32, #tpu.memory_space<vmem_shared>> -> memref<5008x128xf32, #tpu.memory_space<vmem_shared>>
      %dma_start3A_2256 = tpu.memref_slice %arg13[%dma_start3A_2245] : memref<5x!tpu.dma_semaphore, #tpu.memory_space<semaphore_mem>> -> memref<1x!tpu.dma_semaphore, #tpu.memory_space<semaphore_mem>>
      %dma_start3A_2257 = tpu.memref_squeeze %dma_start3A_2256 : memref<1x!tpu.dma_semaphore, #tpu.memory_space<semaphore_mem>> -> memref<!tpu.dma_semaphore, #tpu.memory_space<semaphore_mem>>
      tpu.enqueue_indirect_dma source(%dma_start3A_2249 : memref<64x128xf32, #tpu.memory_space<vmem>>) target(%dma_start3A_2255 : memref<5008x128xf32, #tpu.memory_space<vmem_shared>>) offsets(%dma_start3A_2252 : memref<64xi32, #tpu.memory_space<vmem>>) semaphore(%dma_start3A_2257 : memref<!tpu.dma_semaphore, #tpu.memory_space<semaphore_mem>>) {add = true}
    }
    %dma_wait3A_1236 = arith.constant 4 : i32
    %dma_wait3A_1237 = arith.constant 4 : i32
    %dma_wait3A_1238 = arith.constant 4 : i32
    %dma_wait3A_1239 = arith.constant 0 : i32
    %dma_wait3A_1240 = arith.constant 0 : i32
    %dma_wait3A_1241 = tpu.memref_slice %arg6[%dma_wait3A_1236, %dma_wait3A_1239, %dma_wait3A_1240] : memref<5x64x128xf32, #tpu.memory_space<vmem>> -> memref<1x64x128xf32, #tpu.memory_space<vmem>>
    %dma_wait3A_1242 = tpu.memref_squeeze %dma_wait3A_1241 : memref<1x64x128xf32, #tpu.memory_space<vmem>> -> memref<64x128xf32, #tpu.memory_space<vmem>>
    %dma_wait3A_1243 = arith.constant 0 : i32
    %dma_wait3A_1244 = tpu.memref_slice %arg5[%dma_wait3A_1237, %dma_wait3A_1243] : memref<5x64xi32, #tpu.memory_space<vmem>> -> memref<1x64xi32, #tpu.memory_space<vmem>>
    %dma_wait3A_1245 = tpu.memref_squeeze %dma_wait3A_1244 : memref<1x64xi32, #tpu.memory_space<vmem>> -> memref<64xi32, #tpu.memory_space<vmem>>
    %dma_wait3A_1246 = arith.constant 0 : i32
    %dma_wait3A_1247 = arith.constant 0 : i32
    %dma_wait3A_1248 = tpu.memref_slice %arg10[%dma_wait3A_1246, %dma_wait3A_1247] : memref<5008x128xf32, #tpu.memory_space<vmem_shared>> -> memref<5008x128xf32, #tpu.memory_space<vmem_shared>>
    %dma_wait3A_1249 = tpu.memref_slice %arg13[%dma_wait3A_1238] : memref<5x!tpu.dma_semaphore, #tpu.memory_space<semaphore_mem>> -> memref<1x!tpu.dma_semaphore, #tpu.memory_space<semaphore_mem>>
    %dma_wait3A_1250 = tpu.memref_squeeze %dma_wait3A_1249 : memref<1x!tpu.dma_semaphore, #tpu.memory_space<semaphore_mem>> -> memref<!tpu.dma_semaphore, #tpu.memory_space<semaphore_mem>>
    tpu.wait_indirect_dma semaphore(%dma_wait3A_1250 : memref<!tpu.dma_semaphore, #tpu.memory_space<semaphore_mem>>) src(%dma_wait3A_1242 : memref<64x128xf32, #tpu.memory_space<vmem>>) dst(%dma_wait3A_1248 : memref<5008x128xf32, #tpu.memory_space<vmem_shared>>)
    %dma_wait3A_1251 = arith.constant 0 : i32
    %dma_wait3A_1252 = arith.constant 0 : i32
    %dma_wait3A_1253 = arith.constant 0 : i32
    %dma_wait3A_1254 = tpu.memref_slice %arg5[%dma_wait3A_1251, %dma_wait3A_1253] : memref<5x64xi32, #tpu.memory_space<vmem>> -> memref<1x64xi32, #tpu.memory_space<vmem>>
    %dma_wait3A_1255 = tpu.memref_squeeze %dma_wait3A_1254 : memref<1x64xi32, #tpu.memory_space<vmem>> -> memref<64xi32, #tpu.memory_space<vmem>>
    %dma_wait3A_1256 = arith.constant 0 : i32
    %dma_wait3A_1257 = tpu.memref_slice %arg3[%dma_wait3A_1256] : memref<320000xi32, #tpu.memory_space<hbm>> -> memref<64xi32, #tpu.memory_space<hbm>>
    %dma_wait3A_1258 = tpu.memref_slice %arg12[%dma_wait3A_1252] : memref<5x!tpu.dma_semaphore, #tpu.memory_space<semaphore_mem>> -> memref<1x!tpu.dma_semaphore, #tpu.memory_space<semaphore_mem>>
    %dma_wait3A_1259 = tpu.memref_squeeze %dma_wait3A_1258 : memref<1x!tpu.dma_semaphore, #tpu.memory_space<semaphore_mem>> -> memref<!tpu.dma_semaphore, #tpu.memory_space<semaphore_mem>>
    %dma_wait3A_1260 = arith.constant 0 : i32
    %dma_wait3A_1261 = tpu.memref_slice %arg5[%dma_wait3A_1251, %dma_wait3A_1260] : memref<5x64xi32, #tpu.memory_space<vmem>> -> memref<1x64xi32, #tpu.memory_space<vmem>>
    %dma_wait3A_1262 = tpu.memref_squeeze %dma_wait3A_1261 : memref<1x64xi32, #tpu.memory_space<vmem>> -> memref<64xi32, #tpu.memory_space<vmem>>
    %dma_wait3A_1263 = arith.constant 0 : i32
    %dma_wait3A_1264 = tpu.memref_slice %arg3[%dma_wait3A_1263] : memref<320000xi32, #tpu.memory_space<hbm>> -> memref<64xi32, #tpu.memory_space<hbm>>
    tpu.wait_dma2 semaphore(%dma_wait3A_1259 : memref<!tpu.dma_semaphore, #tpu.memory_space<semaphore_mem>>) src(%dma_wait3A_1264 : memref<64xi32, #tpu.memory_space<hbm>>) dst(%dma_wait3A_1262 : memref<64xi32, #tpu.memory_space<vmem>>)
    %dma_wait3A_1265 = arith.constant 0 : i32
    %dma_wait3A_1266 = arith.constant 0 : i32
    %dma_wait3A_1267 = arith.constant 0 : i32
    %dma_wait3A_1268 = arith.constant 0 : i32
    %dma_wait3A_1269 = tpu.memref_slice %arg6[%dma_wait3A_1265, %dma_wait3A_1267, %dma_wait3A_1268] : memref<5x64x128xf32, #tpu.memory_space<vmem>> -> memref<1x64x128xf32, #tpu.memory_space<vmem>>
    %dma_wait3A_1270 = tpu.memref_squeeze %dma_wait3A_1269 : memref<1x64x128xf32, #tpu.memory_space<vmem>> -> memref<64x128xf32, #tpu.memory_space<vmem>>
    %dma_wait3A_1271 = arith.constant 0 : i32
    %dma_wait3A_1272 = arith.constant 0 : i32
    %dma_wait3A_1273 = tpu.memref_slice %arg2[%dma_wait3A_1271, %dma_wait3A_1272] : memref<320000x128xf32, #tpu.memory_space<hbm>> -> memref<64x128xf32, #tpu.memory_space<hbm>>
    %dma_wait3A_1274 = tpu.memref_slice %arg12[%dma_wait3A_1266] : memref<5x!tpu.dma_semaphore, #tpu.memory_space<semaphore_mem>> -> memref<1x!tpu.dma_semaphore, #tpu.memory_space<semaphore_mem>>
    %dma_wait3A_1275 = tpu.memref_squeeze %dma_wait3A_1274 : memref<1x!tpu.dma_semaphore, #tpu.memory_space<semaphore_mem>> -> memref<!tpu.dma_semaphore, #tpu.memory_space<semaphore_mem>>
    %dma_wait3A_1276 = arith.constant 0 : i32
    %dma_wait3A_1277 = arith.constant 0 : i32
    %dma_wait3A_1278 = tpu.memref_slice %arg6[%dma_wait3A_1265, %dma_wait3A_1276, %dma_wait3A_1277] : memref<5x64x128xf32, #tpu.memory_space<vmem>> -> memref<1x64x128xf32, #tpu.memory_space<vmem>>
    %dma_wait3A_1279 = tpu.memref_squeeze %dma_wait3A_1278 : memref<1x64x128xf32, #tpu.memory_space<vmem>> -> memref<64x128xf32, #tpu.memory_space<vmem>>
    %dma_wait3A_1280 = arith.constant 0 : i32
    %dma_wait3A_1281 = arith.constant 0 : i32
    %dma_wait3A_1282 = tpu.memref_slice %arg2[%dma_wait3A_1280, %dma_wait3A_1281] : memref<320000x128xf32, #tpu.memory_space<hbm>> -> memref<64x128xf32, #tpu.memory_space<hbm>>
    tpu.wait_dma2 semaphore(%dma_wait3A_1275 : memref<!tpu.dma_semaphore, #tpu.memory_space<semaphore_mem>>) src(%dma_wait3A_1282 : memref<64x128xf32, #tpu.memory_space<hbm>>) dst(%dma_wait3A_1279 : memref<64x128xf32, #tpu.memory_space<vmem>>)
    %dma_wait3A_1283 = arith.constant 1 : i32
    %dma_wait3A_1284 = arith.constant 1 : i32
    %dma_wait3A_1285 = arith.constant 0 : i32
    %dma_wait3A_1286 = tpu.memref_slice %arg5[%dma_wait3A_1283, %dma_wait3A_1285] : memref<5x64xi32, #tpu.memory_space<vmem>> -> memref<1x64xi32, #tpu.memory_space<vmem>>
    %dma_wait3A_1287 = tpu.memref_squeeze %dma_wait3A_1286 : memref<1x64xi32, #tpu.memory_space<vmem>> -> memref<64xi32, #tpu.memory_space<vmem>>
    %dma_wait3A_1288 = arith.constant 0 : i32
    %dma_wait3A_1289 = tpu.memref_slice %arg3[%dma_wait3A_1288] : memref<320000xi32, #tpu.memory_space<hbm>> -> memref<64xi32, #tpu.memory_space<hbm>>
    %dma_wait3A_1290 = tpu.memref_slice %arg12[%dma_wait3A_1284] : memref<5x!tpu.dma_semaphore, #tpu.memory_space<semaphore_mem>> -> memref<1x!tpu.dma_semaphore, #tpu.memory_space<semaphore_mem>>
    %dma_wait3A_1291 = tpu.memref_squeeze %dma_wait3A_1290 : memref<1x!tpu.dma_semaphore, #tpu.memory_space<semaphore_mem>> -> memref<!tpu.dma_semaphore, #tpu.memory_space<semaphore_mem>>
    %dma_wait3A_1292 = arith.constant 0 : i32
    %dma_wait3A_1293 = tpu.memref_slice %arg5[%dma_wait3A_1283, %dma_wait3A_1292] : memref<5x64xi32, #tpu.memory_space<vmem>> -> memref<1x64xi32, #tpu.memory_space<vmem>>
    %dma_wait3A_1294 = tpu.memref_squeeze %dma_wait3A_1293 : memref<1x64xi32, #tpu.memory_space<vmem>> -> memref<64xi32, #tpu.memory_space<vmem>>
    %dma_wait3A_1295 = arith.constant 0 : i32
    %dma_wait3A_1296 = tpu.memref_slice %arg3[%dma_wait3A_1295] : memref<320000xi32, #tpu.memory_space<hbm>> -> memref<64xi32, #tpu.memory_space<hbm>>
    tpu.wait_dma2 semaphore(%dma_wait3A_1291 : memref<!tpu.dma_semaphore, #tpu.memory_space<semaphore_mem>>) src(%dma_wait3A_1296 : memref<64xi32, #tpu.memory_space<hbm>>) dst(%dma_wait3A_1294 : memref<64xi32, #tpu.memory_space<vmem>>)
    %dma_wait3A_1297 = arith.constant 1 : i32
    %dma_wait3A_1298 = arith.constant 1 : i32
    %dma_wait3A_1299 = arith.constant 0 : i32
    %dma_wait3A_1300 = arith.constant 0 : i32
    %dma_wait3A_1301 = tpu.memref_slice %arg6[%dma_wait3A_1297, %dma_wait3A_1299, %dma_wait3A_1300] : memref<5x64x128xf32, #tpu.memory_space<vmem>> -> memref<1x64x128xf32, #tpu.memory_space<vmem>>
    %dma_wait3A_1302 = tpu.memref_squeeze %dma_wait3A_1301 : memref<1x64x128xf32, #tpu.memory_space<vmem>> -> memref<64x128xf32, #tpu.memory_space<vmem>>
    %dma_wait3A_1303 = arith.constant 0 : i32
    %dma_wait3A_1304 = arith.constant 0 : i32
    %dma_wait3A_1305 = tpu.memref_slice %arg2[%dma_wait3A_1303, %dma_wait3A_1304] : memref<320000x128xf32, #tpu.memory_space<hbm>> -> memref<64x128xf32, #tpu.memory_space<hbm>>
    %dma_wait3A_1306 = tpu.memref_slice %arg12[%dma_wait3A_1298] : memref<5x!tpu.dma_semaphore, #tpu.memory_space<semaphore_mem>> -> memref<1x!tpu.dma_semaphore, #tpu.memory_space<semaphore_mem>>
    %dma_wait3A_1307 = tpu.memref_squeeze %dma_wait3A_1306 : memref<1x!tpu.dma_semaphore, #tpu.memory_space<semaphore_mem>> -> memref<!tpu.dma_semaphore, #tpu.memory_space<semaphore_mem>>
    %dma_wait3A_1308 = arith.constant 0 : i32
    %dma_wait3A_1309 = arith.constant 0 : i32
    %dma_wait3A_1310 = tpu.memref_slice %arg6[%dma_wait3A_1297, %dma_wait3A_1308, %dma_wait3A_1309] : memref<5x64x128xf32, #tpu.memory_space<vmem>> -> memref<1x64x128xf32, #tpu.memory_space<vmem>>
    %dma_wait3A_1311 = tpu.memref_squeeze %dma_wait3A_1310 : memref<1x64x128xf32, #tpu.memory_space<vmem>> -> memref<64x128xf32, #tpu.memory_space<vmem>>
    %dma_wait3A_1312 = arith.constant 0 : i32
    %dma_wait3A_1313 = arith.constant 0 : i32
    %dma_wait3A_1314 = tpu.memref_slice %arg2[%dma_wait3A_1312, %dma_wait3A_1313] : memref<320000x128xf32, #tpu.memory_space<hbm>> -> memref<64x128xf32, #tpu.memory_space<hbm>>
    tpu.wait_dma2 semaphore(%dma_wait3A_1307 : memref<!tpu.dma_semaphore, #tpu.memory_space<semaphore_mem>>) src(%dma_wait3A_1314 : memref<64x128xf32, #tpu.memory_space<hbm>>) dst(%dma_wait3A_1311 : memref<64x128xf32, #tpu.memory_space<vmem>>)
    %dma_wait3A_1315 = arith.constant 2 : i32
    %dma_wait3A_1316 = arith.constant 2 : i32
    %dma_wait3A_1317 = arith.constant 0 : i32
    %dma_wait3A_1318 = tpu.memref_slice %arg5[%dma_wait3A_1315, %dma_wait3A_1317] : memref<5x64xi32, #tpu.memory_space<vmem>> -> memref<1x64xi32, #tpu.memory_space<vmem>>
    %dma_wait3A_1319 = tpu.memref_squeeze %dma_wait3A_1318 : memref<1x64xi32, #tpu.memory_space<vmem>> -> memref<64xi32, #tpu.memory_space<vmem>>
    %dma_wait3A_1320 = arith.constant 0 : i32
    %dma_wait3A_1321 = tpu.memref_slice %arg3[%dma_wait3A_1320] : memref<320000xi32, #tpu.memory_space<hbm>> -> memref<64xi32, #tpu.memory_space<hbm>>
    %dma_wait3A_1322 = tpu.memref_slice %arg12[%dma_wait3A_1316] : memref<5x!tpu.dma_semaphore, #tpu.memory_space<semaphore_mem>> -> memref<1x!tpu.dma_semaphore, #tpu.memory_space<semaphore_mem>>
    %dma_wait3A_1323 = tpu.memref_squeeze %dma_wait3A_1322 : memref<1x!tpu.dma_semaphore, #tpu.memory_space<semaphore_mem>> -> memref<!tpu.dma_semaphore, #tpu.memory_space<semaphore_mem>>
    %dma_wait3A_1324 = arith.constant 0 : i32
    %dma_wait3A_1325 = tpu.memref_slice %arg5[%dma_wait3A_1315, %dma_wait3A_1324] : memref<5x64xi32, #tpu.memory_space<vmem>> -> memref<1x64xi32, #tpu.memory_space<vmem>>
    %dma_wait3A_1326 = tpu.memref_squeeze %dma_wait3A_1325 : memref<1x64xi32, #tpu.memory_space<vmem>> -> memref<64xi32, #tpu.memory_space<vmem>>
    %dma_wait3A_1327 = arith.constant 0 : i32
    %dma_wait3A_1328 = tpu.memref_slice %arg3[%dma_wait3A_1327] : memref<320000xi32, #tpu.memory_space<hbm>> -> memref<64xi32, #tpu.memory_space<hbm>>
    tpu.wait_dma2 semaphore(%dma_wait3A_1323 : memref<!tpu.dma_semaphore, #tpu.memory_space<semaphore_mem>>) src(%dma_wait3A_1328 : memref<64xi32, #tpu.memory_space<hbm>>) dst(%dma_wait3A_1326 : memref<64xi32, #tpu.memory_space<vmem>>)
    %dma_wait3A_1329 = arith.constant 2 : i32
    %dma_wait3A_1330 = arith.constant 2 : i32
    %dma_wait3A_1331 = arith.constant 0 : i32
    %dma_wait3A_1332 = arith.constant 0 : i32
    %dma_wait3A_1333 = tpu.memref_slice %arg6[%dma_wait3A_1329, %dma_wait3A_1331, %dma_wait3A_1332] : memref<5x64x128xf32, #tpu.memory_space<vmem>> -> memref<1x64x128xf32, #tpu.memory_space<vmem>>
    %dma_wait3A_1334 = tpu.memref_squeeze %dma_wait3A_1333 : memref<1x64x128xf32, #tpu.memory_space<vmem>> -> memref<64x128xf32, #tpu.memory_space<vmem>>
    %dma_wait3A_1335 = arith.constant 0 : i32
    %dma_wait3A_1336 = arith.constant 0 : i32
    %dma_wait3A_1337 = tpu.memref_slice %arg2[%dma_wait3A_1335, %dma_wait3A_1336] : memref<320000x128xf32, #tpu.memory_space<hbm>> -> memref<64x128xf32, #tpu.memory_space<hbm>>
    %dma_wait3A_1338 = tpu.memref_slice %arg12[%dma_wait3A_1330] : memref<5x!tpu.dma_semaphore, #tpu.memory_space<semaphore_mem>> -> memref<1x!tpu.dma_semaphore, #tpu.memory_space<semaphore_mem>>
    %dma_wait3A_1339 = tpu.memref_squeeze %dma_wait3A_1338 : memref<1x!tpu.dma_semaphore, #tpu.memory_space<semaphore_mem>> -> memref<!tpu.dma_semaphore, #tpu.memory_space<semaphore_mem>>
    %dma_wait3A_1340 = arith.constant 0 : i32
    %dma_wait3A_1341 = arith.constant 0 : i32
    %dma_wait3A_1342 = tpu.memref_slice %arg6[%dma_wait3A_1329, %dma_wait3A_1340, %dma_wait3A_1341] : memref<5x64x128xf32, #tpu.memory_space<vmem>> -> memref<1x64x128xf32, #tpu.memory_space<vmem>>
    %dma_wait3A_1343 = tpu.memref_squeeze %dma_wait3A_1342 : memref<1x64x128xf32, #tpu.memory_space<vmem>> -> memref<64x128xf32, #tpu.memory_space<vmem>>
    %dma_wait3A_1344 = arith.constant 0 : i32
    %dma_wait3A_1345 = arith.constant 0 : i32
    %dma_wait3A_1346 = tpu.memref_slice %arg2[%dma_wait3A_1344, %dma_wait3A_1345] : memref<320000x128xf32, #tpu.memory_space<hbm>> -> memref<64x128xf32, #tpu.memory_space<hbm>>
    tpu.wait_dma2 semaphore(%dma_wait3A_1339 : memref<!tpu.dma_semaphore, #tpu.memory_space<semaphore_mem>>) src(%dma_wait3A_1346 : memref<64x128xf32, #tpu.memory_space<hbm>>) dst(%dma_wait3A_1343 : memref<64x128xf32, #tpu.memory_space<vmem>>)
    %dma_wait3A_1347 = arith.constant 3 : i32
    %dma_wait3A_1348 = arith.constant 3 : i32
    %dma_wait3A_1349 = arith.constant 0 : i32
    %dma_wait3A_1350 = tpu.memref_slice %arg5[%dma_wait3A_1347, %dma_wait3A_1349] : memref<5x64xi32, #tpu.memory_space<vmem>> -> memref<1x64xi32, #tpu.memory_space<vmem>>
    %dma_wait3A_1351 = tpu.memref_squeeze %dma_wait3A_1350 : memref<1x64xi32, #tpu.memory_space<vmem>> -> memref<64xi32, #tpu.memory_space<vmem>>
    %dma_wait3A_1352 = arith.constant 0 : i32
    %dma_wait3A_1353 = tpu.memref_slice %arg3[%dma_wait3A_1352] : memref<320000xi32, #tpu.memory_space<hbm>> -> memref<64xi32, #tpu.memory_space<hbm>>
    %dma_wait3A_1354 = tpu.memref_slice %arg12[%dma_wait3A_1348] : memref<5x!tpu.dma_semaphore, #tpu.memory_space<semaphore_mem>> -> memref<1x!tpu.dma_semaphore, #tpu.memory_space<semaphore_mem>>
    %dma_wait3A_1355 = tpu.memref_squeeze %dma_wait3A_1354 : memref<1x!tpu.dma_semaphore, #tpu.memory_space<semaphore_mem>> -> memref<!tpu.dma_semaphore, #tpu.memory_space<semaphore_mem>>
    %dma_wait3A_1356 = arith.constant 0 : i32
    %dma_wait3A_1357 = tpu.memref_slice %arg5[%dma_wait3A_1347, %dma_wait3A_1356] : memref<5x64xi32, #tpu.memory_space<vmem>> -> memref<1x64xi32, #tpu.memory_space<vmem>>
    %dma_wait3A_1358 = tpu.memref_squeeze %dma_wait3A_1357 : memref<1x64xi32, #tpu.memory_space<vmem>> -> memref<64xi32, #tpu.memory_space<vmem>>
    %dma_wait3A_1359 = arith.constant 0 : i32
    %dma_wait3A_1360 = tpu.memref_slice %arg3[%dma_wait3A_1359] : memref<320000xi32, #tpu.memory_space<hbm>> -> memref<64xi32, #tpu.memory_space<hbm>>
    tpu.wait_dma2 semaphore(%dma_wait3A_1355 : memref<!tpu.dma_semaphore, #tpu.memory_space<semaphore_mem>>) src(%dma_wait3A_1360 : memref<64xi32, #tpu.memory_space<hbm>>) dst(%dma_wait3A_1358 : memref<64xi32, #tpu.memory_space<vmem>>)
    %dma_wait3A_1361 = arith.constant 3 : i32
    %dma_wait3A_1362 = arith.constant 3 : i32
    %dma_wait3A_1363 = arith.constant 0 : i32
    %dma_wait3A_1364 = arith.constant 0 : i32
    %dma_wait3A_1365 = tpu.memref_slice %arg6[%dma_wait3A_1361, %dma_wait3A_1363, %dma_wait3A_1364] : memref<5x64x128xf32, #tpu.memory_space<vmem>> -> memref<1x64x128xf32, #tpu.memory_space<vmem>>
    %dma_wait3A_1366 = tpu.memref_squeeze %dma_wait3A_1365 : memref<1x64x128xf32, #tpu.memory_space<vmem>> -> memref<64x128xf32, #tpu.memory_space<vmem>>
    %dma_wait3A_1367 = arith.constant 0 : i32
    %dma_wait3A_1368 = arith.constant 0 : i32
    %dma_wait3A_1369 = tpu.memref_slice %arg2[%dma_wait3A_1367, %dma_wait3A_1368] : memref<320000x128xf32, #tpu.memory_space<hbm>> -> memref<64x128xf32, #tpu.memory_space<hbm>>
    %dma_wait3A_1370 = tpu.memref_slice %arg12[%dma_wait3A_1362] : memref<5x!tpu.dma_semaphore, #tpu.memory_space<semaphore_mem>> -> memref<1x!tpu.dma_semaphore, #tpu.memory_space<semaphore_mem>>
    %dma_wait3A_1371 = tpu.memref_squeeze %dma_wait3A_1370 : memref<1x!tpu.dma_semaphore, #tpu.memory_space<semaphore_mem>> -> memref<!tpu.dma_semaphore, #tpu.memory_space<semaphore_mem>>
    %dma_wait3A_1372 = arith.constant 0 : i32
    %dma_wait3A_1373 = arith.constant 0 : i32
    %dma_wait3A_1374 = tpu.memref_slice %arg6[%dma_wait3A_1361, %dma_wait3A_1372, %dma_wait3A_1373] : memref<5x64x128xf32, #tpu.memory_space<vmem>> -> memref<1x64x128xf32, #tpu.memory_space<vmem>>
    %dma_wait3A_1375 = tpu.memref_squeeze %dma_wait3A_1374 : memref<1x64x128xf32, #tpu.memory_space<vmem>> -> memref<64x128xf32, #tpu.memory_space<vmem>>
    %dma_wait3A_1376 = arith.constant 0 : i32
    %dma_wait3A_1377 = arith.constant 0 : i32
    %dma_wait3A_1378 = tpu.memref_slice %arg2[%dma_wait3A_1376, %dma_wait3A_1377] : memref<320000x128xf32, #tpu.memory_space<hbm>> -> memref<64x128xf32, #tpu.memory_space<hbm>>
    tpu.wait_dma2 semaphore(%dma_wait3A_1371 : memref<!tpu.dma_semaphore, #tpu.memory_space<semaphore_mem>>) src(%dma_wait3A_1378 : memref<64x128xf32, #tpu.memory_space<hbm>>) dst(%dma_wait3A_1375 : memref<64x128xf32, #tpu.memory_space<vmem>>)
    %barrier3A_1379 = arith.constant 0 : index
    tpu.barrier barrier_id(%barrier3A_1379)
    %mul3A_1380 = arith.constant 312 : i32
    %mul3A_1381 = arith.muli %arg1, %mul3A_1380 : i32
    %mul3A_1382 = arith.constant 312 : i32
    %mul3A_1383 = arith.muli %arg1, %mul3A_1382 : i32
    %add3A_1384 = arith.addi %mul3A_218, %mul3A_1383 : i32
    "tpu.region"() ({
      %run_scoped3A_1388 = tpu.sem_alloc : memref<!tpu.dma_semaphore, #tpu.memory_space<semaphore_mem>>
      %dma_start3A_1389 = arith.constant 0 : i32
      %dma_start3A_1390 = tpu.memref_slice %arg4[%add3A_1384, %dma_start3A_1389] : memref<10000x128xf32, #tpu.memory_space<hbm>> -> memref<312x128xf32, #tpu.memory_space<hbm>>
      %dma_start3A_1391 = arith.constant 0 : i32
      %dma_start3A_1392 = tpu.memref_slice %arg10[%mul3A_1381, %dma_start3A_1391] : memref<5008x128xf32, #tpu.memory_space<vmem_shared>> -> memref<312x128xf32, #tpu.memory_space<vmem_shared>>
      tpu.enqueue_dma source(%dma_start3A_1392 : memref<312x128xf32, #tpu.memory_space<vmem_shared>>) target(%dma_start3A_1390 : memref<312x128xf32, #tpu.memory_space<hbm>>) target_semaphore(%run_scoped3A_1388 : memref<!tpu.dma_semaphore, #tpu.memory_space<semaphore_mem>>)
      %dma_wait3A_1393 = arith.constant 0 : i32
      %dma_wait3A_1394 = tpu.memref_slice %arg4[%add3A_1384, %dma_wait3A_1393] : memref<10000x128xf32, #tpu.memory_space<hbm>> -> memref<312x128xf32, #tpu.memory_space<hbm>>
      %dma_wait3A_1395 = arith.constant 0 : i32
      %dma_wait3A_1396 = tpu.memref_slice %arg10[%mul3A_1381, %dma_wait3A_1395] : memref<5008x128xf32, #tpu.memory_space<vmem_shared>> -> memref<312x128xf32, #tpu.memory_space<vmem_shared>>
      tpu.wait_dma2 semaphore(%run_scoped3A_1388 : memref<!tpu.dma_semaphore, #tpu.memory_space<semaphore_mem>>) src(%dma_wait3A_1396 : memref<312x128xf32, #tpu.memory_space<vmem_shared>>) dst(%dma_wait3A_1394 : memref<312x128xf32, #tpu.memory_space<hbm>>)
      tpu.yield
    }) : () -> ()
    %eq3A_1385 = arith.constant 15 : i32
    %eq3A_1386 = arith.cmpi eq, %arg1, %eq3A_1385 : i32
    %convert_element_type3A = arith.extui %eq3A_1386 : i1 to i32
    %cond3A = arith.constant 0 : i32
    %cond3A_1387 = arith.cmpi ne, %convert_element_type3A, %cond3A : i32
    scf.if %cond3A_1387 {
      %add3A_1388 = arith.constant 4992 : i32
      %add3A_1389 = arith.addi %mul3A_218, %add3A_1388 : i32
      "tpu.region"() ({
        %run_scoped3A_1390 = tpu.sem_alloc : memref<!tpu.dma_semaphore, #tpu.memory_space<semaphore_mem>>
        %dma_start3A_1391 = arith.constant 0 : i32
        %dma_start3A_1392 = tpu.memref_slice %arg4[%add3A_1389, %dma_start3A_1391] : memref<10000x128xf32, #tpu.memory_space<hbm>> -> memref<8x128xf32, #tpu.memory_space<hbm>>
        %dma_start3A_1393 = arith.constant 4992 : i32
        %dma_start3A_1394 = arith.constant 0 : i32
        %dma_start3A_1395 = tpu.memref_slice %arg10[%dma_start3A_1393, %dma_start3A_1394] : memref<5008x128xf32, #tpu.memory_space<vmem_shared>> -> memref<8x128xf32, #tpu.memory_space<vmem_shared>>
        tpu.enqueue_dma source(%dma_start3A_1395 : memref<8x128xf32, #tpu.memory_space<vmem_shared>>) target(%dma_start3A_1392 : memref<8x128xf32, #tpu.memory_space<hbm>>) target_semaphore(%run_scoped3A_1390 : memref<!tpu.dma_semaphore, #tpu.memory_space<semaphore_mem>>)
        %dma_wait3A_1396 = arith.constant 0 : i32
        %dma_wait3A_1397 = tpu.memref_slice %arg4[%add3A_1389, %dma_wait3A_1396] : memref<10000x128xf32, #tpu.memory_space<hbm>> -> memref<8x128xf32, #tpu.memory_space<hbm>>
        %dma_wait3A_1398 = arith.constant 4992 : i32
        %dma_wait3A_1399 = arith.constant 0 : i32
        %dma_wait3A_1400 = tpu.memref_slice %arg10[%dma_wait3A_1398, %dma_wait3A_1399] : memref<5008x128xf32, #tpu.memory_space<vmem_shared>> -> memref<8x128xf32, #tpu.memory_space<vmem_shared>>
        tpu.wait_dma2 semaphore(%run_scoped3A_1390 : memref<!tpu.dma_semaphore, #tpu.memory_space<semaphore_mem>>) src(%dma_wait3A_1400 : memref<8x128xf32, #tpu.memory_space<vmem_shared>>) dst(%dma_wait3A_1397 : memref<8x128xf32, #tpu.memory_space<hbm>>)
        tpu.yield
      }) : () -> ()
    } else {
    }
    return
  }
}

</mosaic_0001>

<sc_bundles>
// kernel: kernel.3.cloned.1.call-start
scs
__scs_entry_jumppad:
0x0: {  	(pc) =	sbr.rel $0x88, $3  }
0x1: {  	(tag) =	ssettag $0x0;
	lr =	simm.s32 $0x1  }
0x2: {  	[smem:$0x3F9F] =	sst lr;
	_ =	strace $0xD0000000  }
0x3: {  	_ = 	snop  }
0x4: {  	_ = 	snop  }
0x5: {  	_ = 	snop  }
0x6: {  	_ = 	snop  }
0x7: {  	_ = 	snop  }
__scs_overlays_trampoline_lowered:
0x8: {  	[smem:$0x3FAE] =	sst s0  }
0x9: {  	[smem:$0x3FAF] =	sst s1  }
0xa: {  	[smem:$0x3FB0] =	sst s2  }
0xb: {  	[smem:$0x3FB1] =	sst s3  }
0xc: {  	[smem:$0x3FB2] =	sst s4  }
0xd: {  	[smem:$0x3FB3] =	sst s5  }
0xe: {  	[smem:$0x3FB4] =	sst s6  }
0xf: {  	[smem:$0x3FB5] =	sst s7  }
0x10: {  	[smem:$0x3FB6] =	sst s8  }
0x11: {  	[smem:$0x3FB7] =	sst s9;
	s0 =	simm.s32 @!p0 $0x0  }
0x12: {  	s1 =	sld [smem:$0x3F9D];
	s0 =	simm.s32 @p0 $0x1  }
0x13: {  	[smem:$0x3FB8] =	sst s0;
	s0 =	simm.s32 @!p1 $0x0  }
0x14: {  	s2 =	sld [smem:$0x3F9C];
	s0 =	simm.s32 @p1 $0x1  }
0x15: {  	[smem:$0x3FB9] =	sst s0;
	s0 =	simm.s32 @!p2 $0x0  }
0x16: {  	s3 =	sld [smem:$0x3FDB];
	s0 =	simm.s32 @p2 $0x1  }
0x17: {  	s4 =	simm.s32 $0x1BF5;
	[smem:$0x3FBB] =	sst s0  }
0x18: {  	s0 =	sld [smem:$0x3F9E];
	_ =	swait.ge [sflag:s4], $0x0  }
0x19: {  	s7 =	sld [smem:$0x3F9F]  }
0x1a: {  	s8 =	sadd.s32 $0xFFFFE003, lr  }
0x1b: {  	s9 =	sadd.s32 $0xFFFFFEF7, lr;
	s5 =	simm.s32 $0xFFFFFFFF;
	p2 =	slt.u32 s8, $0xFFFFF086  }
0x1c: {  	p1 =	slt.u32 s9, $0xF7A;
	s5 =	simm.s32 @!p2 $0x0  }
0x1d: {  	s5 =	simm.s32 @p1 $0x1;
	p0 =	seq.s32 s7, s2  }
0x1e: {  	s7 =	smul.u32 @!p0 $0xF7A, s2;
	p2 =	seq.s32 @!p0 s5, $0x0  }
0x1f: {  	s9 =	smul.u32 $0xF7A, s1;
	s8 =	simm.s32 @!p0 $0x1BF5;
	p2 =	por !p2, p0  }
0x20: {  	[sflag:s8] =	ssyncset.s32 @!p0 $0xFFFFF086;
	s6 =	sadd.s32 @!p0 s3, s7;
	s7 =	simm.s32 @!p0 $0x108  }
0x21: {  	s3 =	sadd.s32 s3, s9;
	s6 =	sadd.s32 @!p0 $0x88, s6;
	s7 =	simm.s32 @p2 $0x1082  }
0x22: {  	[simem:s7], [sflag:s8] =	dma.local @!p0 [hbm:s6], $0xF7A  }
0x23: {  	s9 =	sor.u32 $0xD0000000, s2;
	s6 =	simm.s32 $0x108;
	_ =	swait.ge @!p0 [sflag:s8], $0x0  }
0x24: {  	s3 =	sadd.s32 $0x88, s3;
	s6 =	simm.s32 @!p1 $0x1082;
	[sflag:s4] =	ssyncset.s32 $0xFFFFF086  }
0x25: {  	[simem:s6], [sflag:s4] =	dma.local [hbm:s3], $0xF7A  }
0x26: {  	[smem:$0x3F9F] =	sst s1;
	(tag) =	ssettag s2;
	_ =	strace s9  }
0x27: {  	s1 =	sld [smem:$0x3FAF]  }
0x28: {  	s2 =	sld [smem:$0x3FB0]  }
0x29: {  	s4 =	sld [smem:$0x3FB2]  }
0x2a: {  	p0 =	seq.s32 s5, $0x0;
	s5 =	sld [smem:$0x3FB3]  }
0x2b: {  	s6 =	sld [smem:$0x3FB4]  }
0x2c: {  	s7 =	sld [smem:$0x3FB5]  }
0x2d: {  	s3 =	simm.s32 $0x108;
	s8 =	sld [smem:$0x3FB6]  }
0x2e: {  	s3 =	simm.s32 @!p0 $0x1082;
	s9 =	sld [smem:$0x3FB7]  }
0x2f: {  	lr =	sadd.s32 s0, s3;
	s0 =	sld [smem:$0x3FAE]  }
0x30: {  	s3 =	sld [smem:$0x3FB1]  }
0x31: {  	[smem:$0x3FBA] =	sst s10  }
0x32: {  	s10 =	sld [smem:$0x3FB8];
	_ =	sdelay $0x3  }
0x33: {  	p0 =	seq.s32 s10, $0x1;
	s10 =	sld [smem:$0x3FBA];
	_ =	sdelay $0x3  }
0x34: {  	[smem:$0x3FBA] =	sst s10  }
0x35: {  	s10 =	sld [smem:$0x3FB9];
	_ =	sdelay $0x3  }
0x36: {  	p1 =	seq.s32 s10, $0x1;
	s10 =	sld [smem:$0x3FBA];
	_ =	sdelay $0x3  }
0x37: {  	[smem:$0x3FBA] =	sst s10  }
0x38: {  	s10 =	sld [smem:$0x3FBB]  }
0x39: {  	_ = 	snop;
	(pc) =	sbr.ind lr, $3  }
0x3a: {  	_ = 	snop  }
0x3b: {  	_ = 	snop  }
0x3c: {  	p2 =	seq.s32 s10, $0x1;
	s10 =	sld [smem:$0x3FBA]  }
0x3d: {  	_ =	shalt  }
0x3e: {  	_ =	shalt  }
0x3f: {  	_ =	shalt  }
0x40: {  	_ =	shalt  }
0x41: {  	_ =	shalt  }
0x42: {  	_ =	shalt  }
0x43: {  	_ =	shalt  }
0x44: {  	_ =	shalt  }
0x45: {  	_ =	shalt  }
0x46: {  	_ =	shalt  }
0x47: {  	_ =	shalt  }
0x48: {  	_ =	shalt  }
0x49: {  	_ =	shalt  }
0x4a: {  	_ =	shalt  }
0x4b: {  	_ =	shalt  }
0x4c: {  	_ =	shalt  }
0x4d: {  	_ =	shalt  }
0x4e: {  	_ =	shalt  }
0x4f: {  	_ =	shalt  }
0x50: {  	_ =	shalt  }
0x51: {  	_ =	shalt  }
0x52: {  	_ =	shalt  }
0x53: {  	_ =	shalt  }
0x54: {  	_ =	shalt  }
0x55: {  	_ =	shalt  }
0x56: {  	_ =	shalt  }
0x57: {  	_ =	shalt  }
0x58: {  	_ =	shalt  }
0x59: {  	_ =	shalt  }
0x5a: {  	_ =	shalt  }
0x5b: {  	_ =	shalt  }
0x5c: {  	_ =	shalt  }
0x5d: {  	_ =	shalt  }
0x5e: {  	_ =	shalt  }
0x5f: {  	_ =	shalt  }
0x60: {  	_ =	shalt  }
0x61: {  	_ =	shalt  }
0x62: {  	_ =	shalt  }
0x63: {  	_ =	shalt  }
0x64: {  	_ =	shalt  }
0x65: {  	_ =	shalt  }
0x66: {  	_ =	shalt  }
0x67: {  	_ =	shalt  }
0x68: {  	_ =	shalt  }
0x69: {  	_ =	shalt  }
0x6a: {  	_ =	shalt  }
0x6b: {  	_ =	shalt  }
0x6c: {  	_ =	shalt  }
0x6d: {  	_ =	shalt  }
0x6e: {  	_ =	shalt  }
0x6f: {  	_ =	shalt  }
0x70: {  	_ =	shalt  }
0x71: {  	_ =	shalt  }
0x72: {  	_ =	shalt  }
0x73: {  	_ =	shalt  }
0x74: {  	_ =	shalt  }
0x75: {  	_ =	shalt  }
0x76: {  	_ =	shalt  }
0x77: {  	_ =	shalt  }
0x78: {  	_ =	shalt  }
0x79: {  	_ =	shalt  }
0x7a: {  	_ =	shalt  }
0x7b: {  	_ =	shalt  }
0x7c: {  	_ =	shalt  }
0x7d: {  	_ =	shalt  }
0x7e: {  	_ =	shalt  }
0x7f: {  	_ =	shalt  }
0x80: {  	_ =	shalt  }
0x81: {  	_ =	shalt  }
0x82: {  	_ =	shalt  }
0x83: {  	_ =	shalt  }
0x84: {  	_ =	shalt  }
0x85: {  	_ =	shalt  }
0x86: {  	_ =	shalt  }
0x87: {  	_ =	shalt  }
.Lfunc_end0:
.L_simem_size_0:
called_computation_lowered:
.L_overlay_start_0:
0x88: {  	s2 =	sld [smem:$0x3FD9]  }
0x89: {  	s3 =	sld [smem:$0x3FFE];
	_ =	sdelay $0x1  }
0x8a: {  	s1 =	srdreg.scid  }
0x8b: {  	s0 =	sand.u32 $0x1, s1  }
0x8c: {  	s18 =	sshll.u32 s0, $0xA;
	s2 =	sadd.s32 s3, s2  }
0x8d: {  	s2 =	sadd.s32 s2, s18  }
0x8e: {  	[smem:$0x3FC6] =	sst s2  }
0x8f: {  	_ = 	snop  }
0x90: {  	s2 =	sld [smem:$0x3FC9]  }
0x91: {  	s19 =	sld [smem:$0x3FC8]  }
0x92: {  	s4 =	sld [smem:$0x3FD0];
	(tm) =	ssettm $0x1  }
0x93: {  	s5 =	sld [smem:$0x3FFB];
	_ =	sdelay $0x3  }
0x94: {  	_ =	strace s5  }
0x95: {  	s5 =	sld [smem:$0x3FFC];
	_ =	sdelay $0x3  }
0x96: {  	_ =	strace s5  }
0x97: {  	s5 =	sld [smem:$0x3FFD];
	_ =	sdelay $0x3  }
0x98: {  	_ =	strace s5  }
0x99: {  	_ =	strace $0x8FFFFFFF  }
0x9a: {  	s20 =	sld [smem:$0x3FDB];
	_ =	sdelay $0x1  }
0x9b: {  	s6 =	simm.s32 $_scs_section_size  }
0x9c: {  	s7 =	simm.s32 $_size__tile_overlayer_lowered;
	s8 =	simm.s32 $_tile_overlayer_lowered  }
0x9d: {  	s23 =	simm.s32 $0x1BFF;
	s22 =	sshll.u32 s8, $0x1;
	s5 =	sadd.s32 s6, s20  }
0x9e: {  	s9 =	simm.s32 $0x0;
	s21 =	sshll.u32 s7, $0x1;
	s7 =	sadd.s32 s22, s5  }
0x9f: {  	[timem:s9], [sflag:s23] =	dma.local [hbm:s7], s21  }
0xa0: {  	_ =	swait.ge [sflag:s23], s21  }
0xa1: {  	s6 =	ssub.s32 $0x0, s21;
	[sflag:s23] =	ssyncset.done $0x0  }
0xa2: {  	[sflag:s23] =	ssyncadd.s32 s6;
	_ =	sdelay $0x1  }
0xa3: {  	s24 =	simm.s32 $0x1B8B  }
0xa4: {  	_ =	swait.ge [sflag:s24], $0x1  }
0xa5: {  	[sflag:s24] =	ssyncset.done $0x0  }
0xa6: {  	s25 =	simm.s32 $0x1B8E;
	[sflag:s24] =	ssyncadd.s32 $0xFFFFFFFF  }
0xa7: {  	s26 =	simm.s32 $execute0_lowered;
	[smem:$0x3FD2] =	sst s25  }
0xa8: {  	s6 =	sshll.u32 s26, $0x1;
	_ =	strace $0x80000046;
	[dreg:$0x1] =	wrdreg $0xFFFFFFFF  }
0xa9: {  	s28 =	simm.s32 $_size_execute0_lowered;
	s5 =	sadd.s32 s5, s6;
	[dreg:$0x0] =	wrdreg $0x0  }
0xaa: {  	s6 =	sshll.u32 s28, $0x1;
	[dreg:$0x2] =	wrdreg s5  }
0xab: {  	[dreg:$0x3] =	wrdreg s6  }
0xac: {  	[dreg:$0x4] =	wrdreg $0xC0  }
0xad: {  	_ =	task [dreg:s9], $0x5FFFF  }
0xae: {  	[dreg:$0x1] =	wrdreg $0xFFFFFFFF  }
0xaf: {  	[dreg:$0x0] =	wrdreg $0x60  }
0xb0: {  	[dreg:$0x2] =	wrdreg s2  }
0xb1: {  	[dreg:$0x3] =	wrdreg s19  }
0xb2: {  	[dreg:$0x4] =	wrdreg s4  }
0xb3: {  	[dreg:$0x5] =	wrdreg $0xF4000  }
0xb4: {  	[dreg:$0x6] =	wrdreg $0x190800  }
0xb5: {  	[dreg:$0x7] =	wrdreg $0x9  }
0xb6: {  	_ =	task.clear_ibuf [dreg:s9], $0x8FFFF;
	_ =	strace $0x90000046  }
0xb7: {  	s29 =	simm.s32 $0x9;
	_ =	strace $0x80000048  }
0xb8: {  	_ =	swait.ge [sflag:s29], $0x1  }
0xb9: {  	[sflag:s29] =	ssyncadd.s32 $0xFFFFFFFF  }
0xba: {  	_ =	strace $0x90000048  }
0xbb: {  	_ =	sfence  }
0xbc: {  	s30 =	sld [smem:$0x0];
	_ =	sdelay $0x2  }
0xbd: {  	s31 =	sshll.u32 s1, $0xD;
	s1 =	sshrl.u32 s1, $0x2  }
0xbe: {  	s3 =	sand.u32 $0x4000, s31;
	s1 =	sadd.s32 s1, s30  }
0xbf: {  	s0 =	sor.u32 s3, s0;
	s1 =	sshll.u32 s1, $0x11  }
0xc0: {  	s0 =	sor.u32 s1, s0  }
0xc1: {  	s0 =	sadd.s32 $0x8F2B, s0  }
0xc2: {  	[sflag:s0] =	ssyncadd.remote.s32 $0x1  }
0xc3: {  	_ =	sfence.sel $0xFFFF  }
0xc4: {  	[dreg:$0x0] =	wrdreg $0xFFFFFFFF;
	(pc) =	sbr.abs _section_cstart, $3  }
0xc5: {  	[dreg:$0x1] =	wrdreg $0xFFFFFFFF  }
0xc6: {  	_ =	task.clear_ibuf [dreg:s9], $0x2FFFF;
	_ =	strace $0x9FFFFFFF  }
0xc7: {  	(tm) =	ssettm $0x7FFFFFFF  }
tec
execute0_lowered:
.L_overlay_start_1:
0x0: {  	(tag) =	ssettag $0x1  }
0x1: {  	s13 =	rddreg [dreg:$0x0]  }
0x2: {  	s1 =	rddreg [dreg:$0x1]  }
0x3: {  	s0 =	rddreg [dreg:$0x2]  }
0x4: {  	s2 =	rddreg [dreg:$0x3]  }
0x5: {  	s3 =	rddreg [dreg:$0x4];
	s28 =	stileid.u32  }
0x6: {  	s4 =	srdreg.scid;
	s6 =	simm.s32 $0x0;
	s7 =	smul.u32 $0x9C4, s28  }
0x7: {  	s14 =	simm.s32 $0x4;
	s16 =	simm.s32 $0x5;
	s9 =	smul.u32 $0x27200, s28  }
0x8: {  	s4 =	sand.u32 $0x1, s4;
	[smem:$0x7FF] =	sst s6;
	s10 =	smul.u32 $0x27000, s28  }
0x9: {  	s21 =	sshll.u32 s28, $0x4;
	s22 =	smul.u32 $0x138, s28;
	s25 =	sadd.s32 $0x1, s28  }
0xa: {  	p1 =	sne.s32 s28, $0xF;
	s5 =	ssub.s32 $0x2, s4;
	_ =	strace $0x80000047  }
0xb: {  	s31 =	sadd.s32 s21, s3;
	s24 =	smul.u32 $0x9C400, s4;
	[dreg:$0xd] =	wrdreg s25  }
0xc: {  	s25 =	simm.s32 $0xB;
	s21 =	simm.s32 $0x1;
	p0 =	seq.s32 s4, $0x0  }
0xd: {  	s30 =	sadd.s32 s1, s7;
	s9 =	sshrl.u32 s9, $0x2;
	[dreg:$0x7] =	wrdreg s31  }
0xe: {  	s8 =	sshrl.u32 s5, $0x1;
	s11 =	sadd.s32 s9, s2;
	[dreg:$0x6] =	wrdreg s30  }
0xf: {  	s10 =	sshrl.u32 s10, $0x2;
	s9 =	sadd.s32 $0x2000, s11;
	[dreg:$0x8] =	wrdreg s11  }
0x10: {  	s5 =	ssub.s32 s5, s8;
	s23 =	sadd.s32 $0x4000, s11;
	[dreg:$0x9] =	wrdreg s9  }
0x11: {  	s8 =	smul.u32 $0x1388, s4;
	s12 =	sadd.s32 $0x6000, s11;
	[dreg:$0xa] =	wrdreg s23  }
0x12: {  	s10 =	sadd.s32 s10, s2;
	s11 =	sadd.s32 $0x8000, s11;
	[dreg:$0xb] =	wrdreg s12  }
0x13: {  	s5 =	smax.u32 s5, $0x1;
	s29 =	sshrl.u32 s10, $0x3;
	[dreg:$0xc] =	wrdreg s11  }
0x14: {  	s7 =	sadd.s32 s22, s8;
	s9 =	sshrl.u32 s24, $0x3;
	[dreg:$0x10] =	wrdreg s5  }
.Ltmp0:
0x15: {  	[dreg:$0x11] =	wrdreg s29;
	s7 =	sshll.u32 s7, $0x4;
	(pc) =	sbr.rel .LBB2_1-.Ltmp0, $4  }
0x16: {  	s12 =	simm.s32 $0x3;
	s9 =	sadd.s32 s0, s9;
	s0 =	sadd.s32 s0, s7  }
0x17: {  	s26 =	sadd.s32 $0x13800, s9;
	[dreg:$0xe] =	wrdreg s0;
	s0 =	sadd.s32 $0x9C000, s2  }
0x18: {  	s9 =	simm.s32 $0x2;
	[dreg:$0xf] =	wrdreg s26;
	s0 =	sshrl.u32 @!p1 s0, $0x3  }
0x19: {  	v0 =	vimm.f32 $0.0e+00;
	s26 =	simm.s32 $0x40;
	[dreg:$0x12] =	wrdreg s0;
	s0 =	simm.s32 $0x0  }
.LBB2_8:
0x1a: {  	s4 =	sadd.s32 s8, s29;
	v4 =	vld [tilespmem:$0x1A0]  }
0x1b: {  	v5 =	vmov s4  }
0x1c: {  	v1 =	vsub.s32 v1, v5  }
0x1d: {  	v2 =	vsub.s32 v2, v5;
	v1 =	vmin.u32 v1, $0x1388  }
0x1e: {  	[tilespmem:$0x180] =	vst v1;
	v1 =	vmin.u32 v2, $0x1388;
	v2 =	vsub.s32 v3, v5  }
0x1f: {  	[tilespmem:$0x190] =	vst v1;
	v1 =	vsub.s32 v4, v5;
	v2 =	vmin.u32 v2, $0x1388  }
0x20: {  	v1 =	vmin.u32 v1, $0x1388;
	[tilespmem:$0x1B0] =	vst v2  }
0x21: {  	s0 =	simm.s32 $0x6400;
	s1 =	simm.s32 $0x180;
	[tilespmem:$0x1A0] =	vst v1  }
0x22: {  	[spmem:s2] =	stream.indirect.scatter.add.f32 [tilespmem:s0], [sflag:$0x9], $0x80, s1, s26, $0xb8;
	[tilespmem:$0x19090] =	vst v63  }
0x23: {  	_ =	swait.ge [sflag:s15], $0x2000  }
0x24: {  	[sflag:s15] =	ssyncset.done $0x0  }
0x25: {  	s25 =	sadd.s32 s31, s18;
	[sflag:s15] =	ssyncadd.s32 $0xFFFFE000  }
0x26: {  	[tilespmem:s1], [sflag:$0x4] =	stream.linear.gather [hbm4b:s25+s6], $0x40, $0x38;
	[tilespmem:$0x19090] =	vst v63  }
0x27: {  	s29 =	sadd.s32 s13, s28  }
0x28: {  	[tilespmem:s0], [sflag:$0x4] =	stream.linear.gather [hbm4b:s29+s6], $0x2000, $0x38;
	[tilespmem:$0x19090] =	vst v63  }
0x29: {  	_ =	swait.ge [sflag:s16], $0x40  }
0x2a: {  	[sflag:s16] =	ssyncset.done $0x0  }
0x2b: {  	[sflag:s16] =	ssyncadd.s32 $0xFFFFFFC0  }
0x2c: {  	_ =	swait.ge [sflag:s16], $0x2000  }
0x2d: {  	[sflag:s16] =	ssyncset.done $0x0  }
0x2e: {  	[sflag:s16] =	ssyncadd.s32 $0xFFFFE000  }
0x2f: {  	v1 =	vld [tilespmem:$0x200]  }
0x30: {  	v2 =	vld [tilespmem:$0x210]  }
0x31: {  	v3 =	vld [tilespmem:$0x220]  }
0x32: {  	v62 =	vld [tilespmem:$0x230]  }
0x33: {  	v63 =	vmov s10  }
0x34: {  	v1 =	vsub.s32 v1, v63  }
0x35: {  	v2 =	vsub.s32 v2, v63;
	v1 =	vmin.u32 v1, $0x1388  }
0x36: {  	[tilespmem:$0x200] =	vst v1;
	v1 =	vmin.u32 v2, $0x1388;
	v2 =	vsub.s32 v3, v63  }
0x37: {  	s30 =	rddreg [dreg:$0x6];
	[tilespmem:$0x210] =	vst v1;
	v1 =	vmin.u32 v2, $0x1388;
	v2 =	vsub.s32 v62, v63  }
0x38: {  	s31 =	rddreg [dreg:$0x7];
	[tilespmem:$0x220] =	vst v1;
	v1 =	vmin.u32 v2, $0x1388  }
0x39: {  	s28 =	stileid.u32;
	s3 =	rddreg [dreg:$0x13];
	[tilespmem:$0x230] =	vst v1  }
0x3a: {  	[spmem:s2] =	stream.indirect.scatter.add.f32 [tilespmem:s19], [sflag:$0xA], $0x80, s5, s26, $0xb8;
	[tilespmem:$0x19090] =	vst v63  }
.LBB2_9:
0x3b: {  	s0 =	simm.s32 $0xA  }
0x3c: {  	_ =	swait.ge [sflag:s0], $0x2000  }
0x3d: {  	[sflag:s0] =	ssyncset.done $0x0  }
0x3e: {  	[sflag:s0] =	ssyncadd.s32 $0xFFFFE000  }
0x3f: {  	_ =	swait.ge [sflag:s21], $0x40  }
0x40: {  	[sflag:s21] =	ssyncset.done $0x0  }
0x41: {  	[sflag:s21] =	ssyncadd.s32 $0xFFFFFFC0  }
0x42: {  	_ =	swait.ge [sflag:s21], $0x2000  }
0x43: {  	[sflag:s21] =	ssyncset.done $0x0  }
0x44: {  	[sflag:s21] =	ssyncadd.s32 $0xFFFFE000  }
0x45: {  	_ =	swait.ge [sflag:s9], $0x40  }
0x46: {  	[sflag:s9] =	ssyncset.done $0x0  }
0x47: {  	[sflag:s9] =	ssyncadd.s32 $0xFFFFFFC0  }
0x48: {  	_ =	swait.ge [sflag:s9], $0x2000  }
0x49: {  	[sflag:s9] =	ssyncset.done $0x0  }
0x4a: {  	[sflag:s9] =	ssyncadd.s32 $0xFFFFE000  }
0x4b: {  	_ =	swait.ge [sflag:s12], $0x40  }
0x4c: {  	[sflag:s12] =	ssyncset.done $0x0  }
0x4d: {  	[sflag:s12] =	ssyncadd.s32 $0xFFFFFFC0  }
0x4e: {  	_ =	swait.ge [sflag:s12], $0x2000  }
0x4f: {  	[sflag:s12] =	ssyncset.done $0x0  }
0x50: {  	[sflag:s12] =	ssyncadd.s32 $0xFFFFE000  }
0x51: {  	_ =	swait.ge [sflag:s14], $0x40  }
0x52: {  	[sflag:s14] =	ssyncset.done $0x0  }
0x53: {  	[sflag:s14] =	ssyncadd.s32 $0xFFFFFFC0  }
0x54: {  	_ =	swait.ge [sflag:s14], $0x2000  }
0x55: {  	[sflag:s14] =	ssyncset.done $0x0  }
0x56: {  	[sflag:s14] =	ssyncadd.s32 $0xFFFFE000  }
0x57: {  	[bflag:$0x0] =	sbarrier.arrive $0xFFFF  }
0x58: {  	s4 =	sshll.u32 s28, $0x6;
	s10 =	rddreg [dreg:$0xe]  }
0x59: {  	s4 =	sor.u32 $0x1C0B, s4;
	s25 =	rddreg [dreg:$0x11]  }
0x5a: {  	[hbm:s10], [sflag:s4] =	dma.local [spmem:s25], $0x1380  }
0x5b: {  	s25 =	simm.s32 $0xB  }
0x5c: {  	_ =	swait.ge [sflag:s25], $0x1380  }
0x5d: {  	[sflag:s25] =	ssyncset.done $0x0;
	s10 =	rddreg [dreg:$0xf]  }
0x5e: {  	s0 =	rddreg [dreg:$0x12];
	[sflag:s25] =	ssyncadd.s32 $0xFFFFEC80  }
0x5f: {  	[hbm:s10], [sflag:s4] =	dma.local @!p1 [spmem:s0], $0x80  }
0x60: {  	s4 =	simm.s32 @!p1 $0xB  }
0x61: {  	_ =	swait.ge @!p1 [sflag:s4], $0x80  }
0x62: {  	s0 =	sadd.s32 $0x1, s3;
	s29 =	rddreg [dreg:$0x10]  }
0x63: {  	p2 =	sne.s32 s0, s29  }
.Ltmp1:
0x64: {  	_ = 	snop;
	(pc) =	sbr.rel @!p2 .LBB2_10-.Ltmp1, $3  }
0x65: {  	_ =	sdelay $0x1  }
0x66: {  	[sflag:s4] =	ssyncset.done @!p1 $0x0  }
0x67: {  	[sflag:s4] =	ssyncadd.s32 @!p1 $0xFFFFFF80  }
.LBB2_1:
0x68: {  	s4 =	simm.s32 $0xA400  }
0x69: {  	[tilespmem:s4], [sflag:$0xB] =	stream.linear.gather [hbm4b:s30+s6], $0x4E20, $0x38;
	[tilespmem:$0x19090] =	vst v63  }
0x6a: {  	_ =	swait.ge [sflag:s25], $0x4E20  }
0x6b: {  	s10 =	simm.s32 $0x4E20;
	s20 =	simm.s32 $0x4E20;
	[sflag:s25] =	ssyncset.done $0x0  }
0x6c: {  	s18 =	simm.s32 $0xE;
	s4 =	simm.s32 $0x0;
	[sflag:s25] =	ssyncadd.s32 $0xFFFFB1E0  }
.LBB2_2:
0x6d: {  	p2 =	sne.s32 s18, $0x1;
	s23 =	sand.u32 $0x1, s20  }
0x6e: {  	p3 =	slt.s32 s20, $0x1;
	p4 =	seq.s32 s23, $0x1  }
0x6f: {  	s23 =	sshrl.u32 s20, $0x1F;
	p3 =	por !p3, !p4  }
0x70: {  	s20 =	sadd.s32 s23, s20;
	s23 =	simm.s32 $0x1;
	p3 =	por !p3, !p3  }
0x71: {  	s20 =	sshra.s32 s20, $0x1;
	s23 =	simm.s32 @!p3 $0x0  }
0x72: {  	s20 =	ssub.s32 s20, s23  }
0x73: {  	v1 =	vld [tilespmem:s20+$0xA400];
	s23 =	sadd.s32 $0x1, s20;
	_ =	sdelay $0x4  }
0x74: {  	(v2sf) =	vpush v1, $0x0;
	_ =	sdelay $0xe  }
0x75: {  	s24 =	spop (v2sf)  }
0x76: {  	p3 =	slt.s32 s4, s10;
	p4 =	slt.s32 s24, $0x1388  }
0x77: {  	p4 =	por !p3, !p4  }
.Ltmp2:
0x78: {  	p4 =	por !p4, !p4;
	(pc) =	sbr.rel @p2 .LBB2_2-.Ltmp2, $4  }
0x79: {  	s4 =	smov.u32 @p4 s23;
	p5 =	por !p4, !p4  }
0x7a: {  	p5 =	por @!p3 p4, p4  }
0x7b: {  	s10 =	smov.u32 @p5 s20  }
0x7c: {  	s18 =	sadd.s32 $0xFFFFFFFF, s18;
	s20 =	sadd.s32 s4, s10  }
0x7d: {  	s18 =	sand.u32 $0x1, s20  }
0x7e: {  	p2 =	slt.s32 s20, $0x1;
	p3 =	seq.s32 s18, $0x1  }
0x7f: {  	s23 =	sshrl.u32 s20, $0x1F;
	p2 =	por !p2, !p3  }
0x80: {  	s18 =	sadd.s32 s23, s20;
	s20 =	simm.s32 $0x1;
	p2 =	por !p2, !p2  }
0x81: {  	s18 =	sshra.s32 s18, $0x1;
	s20 =	simm.s32 @!p2 $0x0  }
0x82: {  	s18 =	ssub.s32 s18, s20  }
0x83: {  	v1 =	vld [tilespmem:s18+$0xA400];
	_ =	sdelay $0x4  }
0x84: {  	(v2sf) =	vpush v1, $0x0;
	_ =	sdelay $0xe  }
0x85: {  	s24 =	spop (v2sf)  }
0x86: {  	p5 =	slt.s32 s4, s10;
	p6 =	slt.s32 s24, $0x1388  }
0x87: {  	p2 =	por !p5, !p6  }
0x88: {  	s10 =	sadd.s32 $0x1, s18;
	p2 =	por !p2, !p2  }
0x89: {  	s4 =	smov.u32 @p2 s10  }
0x8a: {  	v1 =	vmov s4  }
0x8b: {  	[dreg:$0x13] =	wrdreg s0;
	s29 =	simm.s32 $0xF280;
	[tilespmem:$0xF280] =	vst v1  }
0x8c: {  	[spmem:s31] =	stream.linear.scatter [tilespmem:s29], [sflag:$0xB], $0x10, $0x38;
	[tilespmem:$0x19090] =	vst v63  }
0x8d: {  	_ =	swait.ge [sflag:s25], $0x10  }
0x8e: {  	[sflag:s25] =	ssyncset.done $0x0  }
0x8f: {  	s10 =	simm.s32 $0x200;
	s4 =	simm.s32 $0x0;
	[sflag:s25] =	ssyncadd.s32 $0xFFFFFFF0  }
.LBB2_4:
0x90: {  	p2 =	sne.s32 s10, $0x7E00;
	[tilespmem:s4+$0x8470] =	vst v0  }
0x91: {  	[tilespmem:s4+$0x8400] =	vst v0  }
0x92: {  	[tilespmem:s4+$0x8410] =	vst v0  }
.Ltmp3:
0x93: {  	[tilespmem:s4+$0x8420] =	vst v0;
	(pc) =	sbr.rel @p2 .LBB2_4-.Ltmp3, $4  }
0x94: {  	[tilespmem:s4+$0x8430] =	vst v0  }
0x95: {  	[tilespmem:s4+$0x8440] =	vst v0  }
0x96: {  	[tilespmem:s4+$0x8450] =	vst v0  }
0x97: {  	[tilespmem:s4+$0x8460] =	vst v0;
	s4 =	sshra.s32 s10, $0x2;
	s10 =	sadd.s32 $0x200, s10  }
0x98: {  	[tilespmem:s4+$0x8470] =	vst v0  }
0x99: {  	[tilespmem:s4+$0x8400] =	vst v0  }
0x9a: {  	[tilespmem:s4+$0x8410] =	vst v0  }
0x9b: {  	[tilespmem:s4+$0x8420] =	vst v0  }
0x9c: {  	[tilespmem:s4+$0x8430] =	vst v0  }
0x9d: {  	[tilespmem:s4+$0x8440] =	vst v0  }
0x9e: {  	[tilespmem:s4+$0x8450] =	vst v0  }
0x9f: {  	[tilespmem:s4+$0x8460] =	vst v0;
	s18 =	rddreg [dreg:$0x8];
	s0 =	simm.s32 $0x8400  }
0xa0: {  	[spmem:s18] =	stream.linear.scatter [tilespmem:s0], [sflag:$0xB], $0x2000, $0x38;
	[tilespmem:$0x19090] =	vst v63  }
0xa1: {  	_ =	swait.ge [sflag:s25], $0x2000  }
0xa2: {  	[sflag:s25] =	ssyncset.done $0x0  }
0xa3: {  	s19 =	rddreg [dreg:$0x9];
	[sflag:s25] =	ssyncadd.s32 $0xFFFFE000  }
0xa4: {  	[spmem:s19] =	stream.linear.scatter [tilespmem:s0], [sflag:$0xB], $0x2000, $0x38;
	[tilespmem:$0x19090] =	vst v63  }
0xa5: {  	_ =	swait.ge [sflag:s25], $0x2000  }
0xa6: {  	[sflag:s25] =	ssyncset.done $0x0  }
0xa7: {  	s20 =	rddreg [dreg:$0xa];
	[sflag:s25] =	ssyncadd.s32 $0xFFFFE000  }
0xa8: {  	[spmem:s20] =	stream.linear.scatter [tilespmem:s0], [sflag:$0xB], $0x2000, $0x38;
	[tilespmem:$0x19090] =	vst v63  }
0xa9: {  	_ =	swait.ge [sflag:s25], $0x2000  }
0xaa: {  	[sflag:s25] =	ssyncset.done $0x0  }
0xab: {  	s22 =	rddreg [dreg:$0xb];
	[sflag:s25] =	ssyncadd.s32 $0xFFFFE000  }
0xac: {  	[spmem:s22] =	stream.linear.scatter [tilespmem:s0], [sflag:$0xB], $0x2000, $0x38;
	[tilespmem:$0x19090] =	vst v63  }
0xad: {  	_ =	swait.ge [sflag:s25], $0x2000  }
0xae: {  	[sflag:s25] =	ssyncset.done $0x0  }
0xaf: {  	s23 =	rddreg [dreg:$0xc];
	[sflag:s25] =	ssyncadd.s32 $0xFFFFE000  }
0xb0: {  	[spmem:s23] =	stream.linear.scatter [tilespmem:s0], [sflag:$0xB], $0x1C80, $0x38;
	[tilespmem:$0x19090] =	vst v63  }
0xb1: {  	_ =	swait.ge [sflag:s25], $0x1C80  }
0xb2: {  	[sflag:s25] =	ssyncset.done $0x0  }
0xb3: {  	[sflag:s25] =	ssyncadd.s32 $0xFFFFE380  }
0xb4: {  	[bflag:$0x0] =	sbarrier.arrive $0xFFFF  }
0xb5: {  	s24 =	simm.s32 $0xF300;
	s1 =	rddreg [dreg:$0x4]  }
0xb6: {  	[tilespmem:s24], [sflag:$0xB] =	stream.linear.gather [spmem:s1], $0x100, $0x38;
	[tilespmem:$0x19090] =	vst v63  }
0xb7: {  	_ =	swait.ge [sflag:s25], $0x100  }
0xb8: {  	[sflag:s25] =	ssyncset.done $0x0  }
0xb9: {  	[sflag:s25] =	ssyncadd.s32 $0xFFFFFF00  }
0xba: {  	v1 =	vld [tilespmem:$0xF300]  }
0xbb: {  	v2 =	vld [tilespmem:$0xF310]  }
0xbc: {  	v3 =	vld [tilespmem:$0xF320]  }
0xbd: {  	v4 =	vld [tilespmem:$0xF330]  }
0xbe: {  	v5 =	vld [tilespmem:$0xF340]  }
0xbf: {  	v6 =	vld [tilespmem:$0xF350];
	(v2sf) =	vpush v1, $0x0  }
0xc0: {  	v1 =	vld [tilespmem:$0xF360];
	(v2sf) =	vpush v2, $0x0  }
0xc1: {  	v2 =	vld [tilespmem:$0xF370];
	(v2sf) =	vpush v3, $0x0  }
0xc2: {  	v3 =	vld [tilespmem:$0xF380];
	(v2sf) =	vpush v4, $0x0  }
0xc3: {  	v50 =	vld [tilespmem:$0xF390];
	(v2sf) =	vpush v5, $0x0  }
0xc4: {  	v51 =	vld [tilespmem:$0xF3A0];
	(v2sf) =	vpush v6, $0x0  }
0xc5: {  	v52 =	vld [tilespmem:$0xF3B0];
	(v2sf) =	vpush v1, $0x0  }
0xc6: {  	v1 =	vld [tilespmem:$0xF3C0];
	(v2sf) =	vpush v2, $0x0  }
0xc7: {  	v2 =	vld [tilespmem:$0xF3D0];
	(v2sf) =	vpush v3, $0x0  }
0xc8: {  	v3 =	vld [tilespmem:$0xF3E0];
	(v2sf) =	vpush v50, $0x0  }
0xc9: {  	v53 =	vld [tilespmem:$0xF3F0];
	(v2sf) =	vpush v51, $0x0  }
0xca: {  	(v2sf) =	vpush v52, $0x0  }
0xcb: {  	(v2sf) =	vpush v1, $0x0  }
0xcc: {  	(v2sf) =	vpush v2, $0x0  }
0xcd: {  	(v2sf) =	vpush v3, $0x0  }
0xce: {  	s25 =	spop (v2sf);
	(v2sf) =	vpush v53, $0x0  }
0xcf: {  	s10 =	spop (v2sf)  }
0xd0: {  	s18 =	spop (v2sf);
	s4 =	sadd.s32 s25, s10  }
0xd1: {  	s29 =	spop (v2sf);
	s4 =	sadd.s32 s18, s4  }
0xd2: {  	s0 =	spop (v2sf);
	s4 =	sadd.s32 s29, s4  }
0xd3: {  	s1 =	spop (v2sf);
	s4 =	sadd.s32 s0, s4  }
0xd4: {  	s3 =	spop (v2sf);
	s4 =	sadd.s32 s1, s4  }
0xd5: {  	s5 =	spop (v2sf);
	s4 =	sadd.s32 s3, s4  }
0xd6: {  	s7 =	spop (v2sf);
	s4 =	sadd.s32 s5, s4  }
0xd7: {  	s11 =	spop (v2sf);
	s4 =	sadd.s32 s7, s4  }
0xd8: {  	s15 =	spop (v2sf);
	s4 =	sadd.s32 s11, s4  }
0xd9: {  	s17 =	spop (v2sf);
	s4 =	sadd.s32 s15, s4  }
0xda: {  	s19 =	spop (v2sf);
	s4 =	sadd.s32 s17, s4  }
0xdb: {  	s20 =	spop (v2sf);
	s4 =	sadd.s32 s19, s4  }
0xdc: {  	s22 =	spop (v2sf);
	s4 =	sadd.s32 s20, s4  }
0xdd: {  	s4 =	sadd.s32 s22, s4;
	s23 =	spop (v2sf)  }
0xde: {  	s4 =	sadd.s32 s23, s4  }
0xdf: {  	p2 =	sgt.s32 s4, $0x0  }
0xe0: {  	p3 =	slt.s32 s4, $0x1;
	s4 =	simm.s32 @!p2 $0x0  }
0xe1: {  	s4 =	smin.u32 s4, $0x4E200  }
0xe2: {  	s24 =	sand.u32 $0x3F, s4  }
0xe3: {  	p6 =	sne.s32 s24, $0x0  }
0xe4: {  	p2 =	por !p3, !p6  }
0xe5: {  	s10 =	simm.s32 $0x1;
	p2 =	por !p2, !p2  }
0xe6: {  	s25 =	sshrl.u32 s4, $0x6;
	s10 =	simm.s32 @!p2 $0x0  }
0xe7: {  	s4 =	sadd.s32 $0x3F, s4;
	s10 =	ssub.s32 s25, s10  }
0xe8: {  	s4 =	sshrl.u32 s4, $0x6;
	s18 =	ssub.s32 $0x1388, s10  }
0xe9: {  	s18 =	smov.u32 @p0 s4  }
0xea: {  	s20 =	rddreg [dreg:$0xd];
	s4 =	smul.u32 s28, s18  }
0xeb: {  	s18 =	smul.u32 s20, s18  }
0xec: {  	s29 =	sand.u32 $0xF, s4  }
0xed: {  	p4 =	slt.s32 s4, $0x1;
	s0 =	sand.u32 $0xF, s18;
	p5 =	sne.s32 s29, $0x0  }
0xee: {  	p6 =	slt.s32 s18, $0x1;
	p2 =	por !p4, !p5;
	p4 =	sne.s32 s0, $0x0  }
0xef: {  	s23 =	simm.s32 $0x1;
	s20 =	simm.s32 $0x1;
	p3 =	por !p6, !p4  }
0xf0: {  	s4 =	sshrl.u32 s4, $0x4;
	p2 =	por !p2, !p2;
	p3 =	por !p3, !p3  }
0xf1: {  	s18 =	sshrl.u32 s18, $0x4;
	s20 =	simm.s32 @!p2 $0x0;
	s23 =	simm.s32 @!p3 $0x0  }
0xf2: {  	s4 =	ssub.s32 s4, s20;
	s18 =	ssub.s32 s18, s23  }
0xf3: {  	s24 =	ssub.s32 s18, s4  }
0xf4: {  	s25 =	sadd.s32 $0xFFFFFFFF, s24  }
0xf5: {  	s10 =	simm.s32 @p0 $0x0;
	s1 =	sshra.s32 s25, $0x1F  }
0xf6: {  	s4 =	sadd.s32 s10, s4;
	s3 =	sand.u32 s1, s25  }
0xf7: {  	s10 =	sadd.s32 s4, s3  }
0xf8: {  	p2 =	sgt.s32 s10, $0x0  }
0xf9: {  	s10 =	simm.s32 @!p2 $0x0  }
0xfa: {  	s5 =	sshll.u32 s10, $0x3  }
0xfb: {  	s20 =	rddreg [dreg:$0x1];
	s10 =	sshll.u32 s10, $0xA;
	s18 =	sand.u32 $0x1FFFFFF8, s5  }
0xfc: {  	s10 =	sand.u32 $0x1FFFFC00, s10;
	s18 =	sadd.s32 s20, s18  }
0xfd: {  	[tilespmem:s6], [sflag:$0x1] =	stream.linear.gather [hbm4b:s18+s6], $0x40, $0x38;
	[tilespmem:$0x19090] =	vst v63  }
0xfe: {  	s19 =	simm.s32 $0x400;
	s10 =	sadd.s32 s13, s10  }
0xff: {  	[tilespmem:s19], [sflag:$0x1] =	stream.linear.gather [hbm4b:s10+s6], $0x2000, $0x38;
	[tilespmem:$0x19090] =	vst v63  }
0x100: {  	p2 =	slt.s32 s25, $0x1;
	s10 =	smov.u32 s25  }
0x101: {  	s10 =	simm.s32 @!p2 $0x1  }
0x102: {  	s10 =	sadd.s32 s4, s10  }
0x103: {  	p2 =	sgt.s32 s10, $0x0  }
0x104: {  	s10 =	simm.s32 @!p2 $0x0  }
0x105: {  	s7 =	sshll.u32 s10, $0x3  }
0x106: {  	s10 =	sshll.u32 s10, $0xA;
	s18 =	sand.u32 $0x1FFFFFF8, s7  }
0x107: {  	s22 =	simm.s32 $0x80;
	s10 =	sand.u32 $0x1FFFFC00, s10;
	s18 =	sadd.s32 s20, s18  }
0x108: {  	[tilespmem:s22], [sflag:$0x2] =	stream.linear.gather [hbm4b:s18+s6], $0x40, $0x38;
	[tilespmem:$0x19090] =	vst v63  }
0x109: {  	s5 =	simm.s32 $0x2400;
	s10 =	sadd.s32 s13, s10  }
0x10a: {  	[tilespmem:s5], [sflag:$0x2] =	stream.linear.gather [hbm4b:s10+s6], $0x2000, $0x38;
	[tilespmem:$0x19090] =	vst v63  }
0x10b: {  	p2 =	slt.s32 s25, $0x2;
	s10 =	smov.u32 s25  }
0x10c: {  	s10 =	simm.s32 @!p2 $0x2  }
0x10d: {  	s10 =	sadd.s32 s4, s10  }
0x10e: {  	p2 =	sgt.s32 s10, $0x0  }
0x10f: {  	s10 =	simm.s32 @!p2 $0x0  }
0x110: {  	s11 =	sshll.u32 s10, $0x3  }
0x111: {  	s10 =	sshll.u32 s10, $0xA;
	s18 =	sand.u32 $0x1FFFFFF8, s11  }
0x112: {  	s7 =	simm.s32 $0x100;
	s10 =	sand.u32 $0x1FFFFC00, s10;
	s18 =	sadd.s32 s20, s18  }
0x113: {  	[tilespmem:s7], [sflag:$0x3] =	stream.linear.gather [hbm4b:s18+s6], $0x40, $0x38;
	[tilespmem:$0x19090] =	vst v63  }
0x114: {  	s11 =	simm.s32 $0x4400;
	s10 =	sadd.s32 s13, s10  }
0x115: {  	[tilespmem:s11], [sflag:$0x3] =	stream.linear.gather [hbm4b:s10+s6], $0x2000, $0x38;
	[tilespmem:$0x19090] =	vst v63  }
0x116: {  	p2 =	slt.s32 s25, $0x3;
	s10 =	smov.u32 s25  }
0x117: {  	s10 =	simm.s32 @!p2 $0x3  }
0x118: {  	s10 =	sadd.s32 s4, s10  }
0x119: {  	p2 =	sgt.s32 s10, $0x0  }
0x11a: {  	s10 =	simm.s32 @!p2 $0x0  }
0x11b: {  	s15 =	sshll.u32 s10, $0x3  }
0x11c: {  	s3 =	smov.u32 s13;
	s10 =	sshll.u32 s10, $0xA;
	s18 =	sand.u32 $0x1FFFFFF8, s15  }
0x11d: {  	s13 =	simm.s32 $0x180;
	s10 =	sand.u32 $0x1FFFFC00, s10;
	s18 =	sadd.s32 s20, s18  }
0x11e: {  	[tilespmem:s13], [sflag:$0x4] =	stream.linear.gather [hbm4b:s18+s6], $0x40, $0x38;
	[tilespmem:$0x19090] =	vst v63  }
0x11f: {  	s15 =	simm.s32 $0x6400;
	s10 =	sadd.s32 s3, s10  }
0x120: {  	[tilespmem:s15], [sflag:$0x4] =	stream.linear.gather [hbm4b:s10+s6], $0x2000, $0x38;
	[tilespmem:$0x19090] =	vst v63  }
0x121: {  	p2 =	slt.s32 s25, $0x4;
	s10 =	smov.u32 s25  }
0x122: {  	s10 =	simm.s32 @!p2 $0x4  }
0x123: {  	s10 =	sadd.s32 s4, s10  }
0x124: {  	p2 =	sgt.s32 s10, $0x0  }
0x125: {  	s10 =	simm.s32 @!p2 $0x0  }
0x126: {  	s17 =	sshll.u32 s10, $0x3  }
0x127: {  	s10 =	sshll.u32 s10, $0xA;
	s18 =	sand.u32 $0x1FFFFFF8, s17  }
0x128: {  	s17 =	simm.s32 $0x200;
	s10 =	sand.u32 $0x1FFFFC00, s10;
	s18 =	sadd.s32 s20, s18  }
0x129: {  	[tilespmem:s17], [sflag:$0x5] =	stream.linear.gather [hbm4b:s18+s6], $0x40, $0x38;
	[tilespmem:$0x19090] =	vst v63  }
0x12a: {  	s0 =	simm.s32 $0x8400;
	s10 =	sadd.s32 s3, s10  }
0x12b: {  	[tilespmem:s0], [sflag:$0x5] =	stream.linear.gather [hbm4b:s10+s6], $0x2000, $0x38;
	[tilespmem:$0x19090] =	vst v63  }
0x12c: {  	_ =	swait.ge [sflag:s21], $0x40  }
0x12d: {  	[sflag:s21] =	ssyncset.done $0x0  }
0x12e: {  	[sflag:s21] =	ssyncadd.s32 $0xFFFFFFC0  }
0x12f: {  	_ =	swait.ge [sflag:s21], $0x2000  }
0x130: {  	[sflag:s21] =	ssyncset.done $0x0  }
0x131: {  	[sflag:s21] =	ssyncadd.s32 $0xFFFFE000  }
0x132: {  	v1 =	vld [tilespmem:$0x0]  }
0x133: {  	p2 =	sgt.s32 s24, $0x0;
	s10 =	simm.s32 $0x0;
	v2 =	vld [tilespmem:$0x10]  }
0x134: {  	s10 =	simm.s32 @!p2 $0xFFFFD8F0;
	v3 =	vld [tilespmem:$0x20]  }
0x135: {  	s10 =	sadd.s32 s8, s10;
	v54 =	vld [tilespmem:$0x30]  }
0x136: {  	v55 =	vmov s10  }
0x137: {  	v1 =	vsub.s32 v1, v55  }
0x138: {  	p2 =	slt.s32 s25, $0x5;
	s10 =	smov.u32 s25;
	v2 =	vsub.s32 v2, v55;
	v1 =	vmin.u32 v1, $0x1388  }
0x139: {  	s10 =	simm.s32 @!p2 $0x5;
	[tilespmem:$0x0] =	vst v1;
	v1 =	vmin.u32 v2, $0x1388;
	v2 =	vsub.s32 v3, v55  }
0x13a: {  	s10 =	sadd.s32 s4, s10;
	[tilespmem:$0x10] =	vst v1;
	v1 =	vmin.u32 v2, $0x1388;
	v2 =	vsub.s32 v54, v55  }
0x13b: {  	p2 =	sgt.s32 s10, $0x0;
	[tilespmem:$0x20] =	vst v1;
	v1 =	vmin.u32 v2, $0x1388  }
0x13c: {  	s1 =	simm.s32 $0x6;
	s10 =	simm.s32 @!p2 $0x0;
	[tilespmem:$0x30] =	vst v1  }
0x13d: {  	[spmem:s2] =	stream.indirect.scatter.add.f32 [tilespmem:s19], [sflag:$0x6], $0x80, s6, s26, $0xb8;
	[tilespmem:$0x19090] =	vst v63  }
0x13e: {  	s23 =	sshll.u32 s10, $0x3;
	_ =	swait.ge [sflag:s1], $0x2000  }
0x13f: {  	s10 =	sshll.u32 s10, $0xA;
	s18 =	sand.u32 $0x1FFFFFF8, s23;
	[sflag:s1] =	ssyncset.done $0x0  }
0x140: {  	s10 =	sand.u32 $0x1FFFFC00, s10;
	s18 =	sadd.s32 s20, s18;
	[sflag:s1] =	ssyncadd.s32 $0xFFFFE000  }
0x141: {  	[tilespmem:s6], [sflag:$0x1] =	stream.linear.gather [hbm4b:s18+s6], $0x40, $0x38;
	[tilespmem:$0x19090] =	vst v63  }
0x142: {  	s10 =	sadd.s32 s3, s10  }
0x143: {  	[tilespmem:s19], [sflag:$0x1] =	stream.linear.gather [hbm4b:s10+s6], $0x2000, $0x38;
	[tilespmem:$0x19090] =	vst v63  }
0x144: {  	_ =	swait.ge [sflag:s9], $0x40  }
0x145: {  	[sflag:s9] =	ssyncset.done $0x0  }
0x146: {  	[sflag:s9] =	ssyncadd.s32 $0xFFFFFFC0  }
0x147: {  	_ =	swait.ge [sflag:s9], $0x2000  }
0x148: {  	[sflag:s9] =	ssyncset.done $0x0  }
0x149: {  	[sflag:s9] =	ssyncadd.s32 $0xFFFFE000  }
0x14a: {  	v1 =	vld [tilespmem:$0x80]  }
0x14b: {  	p2 =	sgt.s32 s24, $0x1;
	s10 =	simm.s32 $0x0;
	v2 =	vld [tilespmem:$0x90]  }
0x14c: {  	s10 =	simm.s32 @!p2 $0xFFFFD8F0;
	v3 =	vld [tilespmem:$0xA0]  }
0x14d: {  	s10 =	sadd.s32 s8, s10;
	v56 =	vld [tilespmem:$0xB0]  }
0x14e: {  	v57 =	vmov s10  }
0x14f: {  	v1 =	vsub.s32 v1, v57  }
0x150: {  	p2 =	slt.s32 s25, $0x6;
	s10 =	smov.u32 s25;
	v2 =	vsub.s32 v2, v57;
	v1 =	vmin.u32 v1, $0x1388  }
0x151: {  	s10 =	simm.s32 @!p2 $0x6;
	[tilespmem:$0x80] =	vst v1;
	v1 =	vmin.u32 v2, $0x1388;
	v2 =	vsub.s32 v3, v57  }
0x152: {  	s10 =	sadd.s32 s4, s10;
	[tilespmem:$0x90] =	vst v1;
	v1 =	vmin.u32 v2, $0x1388;
	v2 =	vsub.s32 v56, v57  }
0x153: {  	p2 =	sgt.s32 s10, $0x0;
	[tilespmem:$0xA0] =	vst v1;
	v1 =	vmin.u32 v2, $0x1388  }
0x154: {  	s23 =	simm.s32 $0x7;
	s10 =	simm.s32 @!p2 $0x0;
	[tilespmem:$0xB0] =	vst v1  }
0x155: {  	[spmem:s2] =	stream.indirect.scatter.add.f32 [tilespmem:s5], [sflag:$0x7], $0x80, s22, s26, $0xb8;
	[tilespmem:$0x19090] =	vst v63  }
0x156: {  	s29 =	sshll.u32 s10, $0x3;
	_ =	swait.ge [sflag:s23], $0x2000  }
0x157: {  	s10 =	sshll.u32 s10, $0xA;
	s18 =	sand.u32 $0x1FFFFFF8, s29;
	[sflag:s23] =	ssyncset.done $0x0  }
0x158: {  	s10 =	sand.u32 $0x1FFFFC00, s10;
	s18 =	sadd.s32 s20, s18;
	[sflag:s23] =	ssyncadd.s32 $0xFFFFE000  }
0x159: {  	[tilespmem:s22], [sflag:$0x2] =	stream.linear.gather [hbm4b:s18+s6], $0x40, $0x38;
	[tilespmem:$0x19090] =	vst v63  }
0x15a: {  	s10 =	sadd.s32 s3, s10  }
0x15b: {  	[tilespmem:s5], [sflag:$0x2] =	stream.linear.gather [hbm4b:s10+s6], $0x2000, $0x38;
	[tilespmem:$0x19090] =	vst v63  }
0x15c: {  	_ =	swait.ge [sflag:s12], $0x40  }
0x15d: {  	[sflag:s12] =	ssyncset.done $0x0  }
0x15e: {  	[sflag:s12] =	ssyncadd.s32 $0xFFFFFFC0  }
0x15f: {  	_ =	swait.ge [sflag:s12], $0x2000  }
0x160: {  	[sflag:s12] =	ssyncset.done $0x0  }
0x161: {  	[sflag:s12] =	ssyncadd.s32 $0xFFFFE000  }
0x162: {  	v1 =	vld [tilespmem:$0x100]  }
0x163: {  	p2 =	sgt.s32 s24, $0x2;
	s10 =	simm.s32 $0x0;
	v2 =	vld [tilespmem:$0x110]  }
0x164: {  	s10 =	simm.s32 @!p2 $0xFFFFD8F0;
	v3 =	vld [tilespmem:$0x120]  }
0x165: {  	s10 =	sadd.s32 s8, s10;
	v58 =	vld [tilespmem:$0x130]  }
0x166: {  	v59 =	vmov s10  }
0x167: {  	v1 =	vsub.s32 v1, v59  }
0x168: {  	p2 =	slt.s32 s25, $0x7;
	s10 =	smov.u32 s25;
	v2 =	vsub.s32 v2, v59;
	v1 =	vmin.u32 v1, $0x1388  }
0x169: {  	s10 =	simm.s32 @!p2 $0x7;
	[tilespmem:$0x100] =	vst v1;
	v1 =	vmin.u32 v2, $0x1388;
	v2 =	vsub.s32 v3, v59  }
0x16a: {  	s10 =	sadd.s32 s4, s10;
	[tilespmem:$0x110] =	vst v1;
	v1 =	vmin.u32 v2, $0x1388;
	v2 =	vsub.s32 v58, v59  }
0x16b: {  	p2 =	sgt.s32 s10, $0x0;
	[tilespmem:$0x120] =	vst v1;
	v1 =	vmin.u32 v2, $0x1388  }
0x16c: {  	s29 =	simm.s32 $0x8;
	s10 =	simm.s32 @!p2 $0x0;
	[tilespmem:$0x130] =	vst v1  }
0x16d: {  	[spmem:s2] =	stream.indirect.scatter.add.f32 [tilespmem:s11], [sflag:$0x8], $0x80, s7, s26, $0xb8;
	[tilespmem:$0x19090] =	vst v63  }
0x16e: {  	s18 =	sshll.u32 s10, $0x3;
	_ =	swait.ge [sflag:s29], $0x2000  }
0x16f: {  	s10 =	sshll.u32 s10, $0xA;
	s18 =	sand.u32 $0x1FFFFFF8, s18;
	[sflag:s29] =	ssyncset.done $0x0  }
0x170: {  	s10 =	sand.u32 $0x1FFFFC00, s10;
	s18 =	sadd.s32 s20, s18;
	[sflag:s29] =	ssyncadd.s32 $0xFFFFE000  }
0x171: {  	[tilespmem:s7], [sflag:$0x3] =	stream.linear.gather [hbm4b:s18+s6], $0x40, $0x38;
	[tilespmem:$0x19090] =	vst v63  }
0x172: {  	s10 =	sadd.s32 s3, s10  }
0x173: {  	[tilespmem:s11], [sflag:$0x3] =	stream.linear.gather [hbm4b:s10+s6], $0x2000, $0x38;
	[tilespmem:$0x19090] =	vst v63  }
0x174: {  	_ =	swait.ge [sflag:s14], $0x40  }
0x175: {  	[sflag:s14] =	ssyncset.done $0x0  }
0x176: {  	[sflag:s14] =	ssyncadd.s32 $0xFFFFFFC0  }
0x177: {  	_ =	swait.ge [sflag:s14], $0x2000  }
0x178: {  	[sflag:s14] =	ssyncset.done $0x0  }
0x179: {  	[sflag:s14] =	ssyncadd.s32 $0xFFFFE000  }
0x17a: {  	v1 =	vld [tilespmem:$0x180]  }
0x17b: {  	p2 =	sgt.s32 s24, $0x3;
	s10 =	simm.s32 $0x0;
	v2 =	vld [tilespmem:$0x190]  }
0x17c: {  	s10 =	simm.s32 @!p2 $0xFFFFD8F0;
	v3 =	vld [tilespmem:$0x1A0]  }
0x17d: {  	s10 =	sadd.s32 s8, s10;
	v60 =	vld [tilespmem:$0x1B0]  }
0x17e: {  	v61 =	vmov s10  }
0x17f: {  	v1 =	vsub.s32 v1, v61  }
0x180: {  	p2 =	slt.s32 s25, $0x8;
	s10 =	smov.u32 s25;
	v2 =	vsub.s32 v2, v61;
	v1 =	vmin.u32 v1, $0x1388  }
0x181: {  	s10 =	simm.s32 @!p2 $0x8;
	[tilespmem:$0x180] =	vst v1;
	v1 =	vmin.u32 v2, $0x1388;
	v2 =	vsub.s32 v3, v61  }
0x182: {  	s10 =	sadd.s32 s4, s10;
	[tilespmem:$0x190] =	vst v1;
	v1 =	vmin.u32 v2, $0x1388;
	v2 =	vsub.s32 v60, v61  }
0x183: {  	p2 =	sgt.s32 s10, $0x0;
	[tilespmem:$0x1A0] =	vst v1;
	v1 =	vmin.u32 v2, $0x1388  }
0x184: {  	s29 =	simm.s32 $0x9;
	s10 =	simm.s32 @!p2 $0x0;
	[tilespmem:$0x1B0] =	vst v1  }
0x185: {  	[spmem:s2] =	stream.indirect.scatter.add.f32 [tilespmem:s15], [sflag:$0x9], $0x80, s13, s26, $0xb8;
	[tilespmem:$0x19090] =	vst v63  }
0x186: {  	s18 =	sshll.u32 s10, $0x3;
	_ =	swait.ge [sflag:s29], $0x2000  }
0x187: {  	s10 =	sshll.u32 s10, $0xA;
	s18 =	sand.u32 $0x1FFFFFF8, s18;
	[sflag:s29] =	ssyncset.done $0x0  }
0x188: {  	s10 =	sand.u32 $0x1FFFFC00, s10;
	s18 =	sadd.s32 s20, s18;
	[sflag:s29] =	ssyncadd.s32 $0xFFFFE000  }
0x189: {  	[tilespmem:s13], [sflag:$0x4] =	stream.linear.gather [hbm4b:s18+s6], $0x40, $0x38;
	[tilespmem:$0x19090] =	vst v63  }
0x18a: {  	s10 =	sadd.s32 s3, s10  }
0x18b: {  	[tilespmem:s15], [sflag:$0x4] =	stream.linear.gather [hbm4b:s10+s6], $0x2000, $0x38;
	[tilespmem:$0x19090] =	vst v63  }
0x18c: {  	p2 =	sgt.s32 s24, $0x4;
	s10 =	simm.s32 $0x0  }
0x18d: {  	s10 =	simm.s32 @!p2 $0xFFFFD8F0  }
0x18e: {  	s18 =	sadd.s32 $0x4, s24;
	s10 =	sadd.s32 s8, s10  }
0x18f: {  	s20 =	smulhi.u32 $0x66666667, s18;
	v63 =	vmov s10;
	s10 =	sshra.s32 s18, $0x1F  }
0x190: {  	_ =	swait.ge [sflag:s16], $0x40;
	s10 =	smul.u32 $0x66666667, s10  }
0x191: {  	[sflag:s16] =	ssyncset.done $0x0  }
0x192: {  	[sflag:s16] =	ssyncadd.s32 $0xFFFFFFC0;
	s10 =	sadd.s32 s10, s20  }
0x193: {  	_ =	swait.ge [sflag:s16], $0x2000;
	s18 =	sshrl.u32 s10, $0x1F;
	s10 =	sshra.s32 s10, $0x1  }
0x194: {  	[sflag:s16] =	ssyncset.done $0x0;
	s10 =	sadd.s32 s18, s10  }
0x195: {  	[sflag:s16] =	ssyncadd.s32 $0xFFFFE000;
	s18 =	smul.u32 $0xFFFFFFFB, s10  }
0x196: {  	s29 =	ssub.s32 $0xFFFFFFFC, s24;
	v1 =	vld [tilespmem:$0x200]  }
0x197: {  	p6 =	slt.s32 s24, $0xFFFFFFFD;
	v2 =	vld [tilespmem:$0x210];
	p5 =	sne.s32 s18, s29  }
0x198: {  	v3 =	vld [tilespmem:$0x220];
	p2 =	por !p6, !p5  }
0x199: {  	v62 =	vld [tilespmem:$0x230];
	s18 =	simm.s32 $0x1;
	p2 =	por !p2, !p2  }
0x19a: {  	s18 =	simm.s32 @!p2 $0x0  }
0x19b: {  	v1 =	vsub.s32 v1, v63;
	s18 =	ssub.s32 s10, s18  }
0x19c: {  	v2 =	vsub.s32 v2, v63;
	v1 =	vmin.u32 v1, $0x1388;
	p3 =	slt.s32 s18, $0x2  }
.Ltmp4:
0x19d: {  	[tilespmem:$0x200] =	vst v1;
	v1 =	vmin.u32 v2, $0x1388;
	v2 =	vsub.s32 v3, v63;
	(pc) =	sbr.rel @p3 .LBB2_9-.Ltmp4, $4  }
0x19e: {  	[tilespmem:$0x210] =	vst v1;
	v1 =	vmin.u32 v2, $0x1388;
	v2 =	vsub.s32 v62, v63  }
0x19f: {  	[tilespmem:$0x220] =	vst v1;
	v1 =	vmin.u32 v2, $0x1388  }
0x1a0: {  	s13 =	smov.u32 s3;
	s3 =	rddreg [dreg:$0x13];
	[tilespmem:$0x230] =	vst v1  }
0x1a1: {  	[spmem:s2] =	stream.indirect.scatter.add.f32 [tilespmem:s0], [sflag:$0xA], $0x80, s17, s26, $0xb8;
	[tilespmem:$0x19090] =	vst v63  }
0x1a2: {  	s18 =	simm.s32 $0x9;
	p3 =	sgt.s32 s25, $0x9;
	s20 =	smov.u32 s25  }
0x1a3: {  	s20 =	smov.u32 @p3 s18  }
0x1a4: {  	s3 =	simm.s32 $0xA;
	s18 =	sadd.s32 s4, s20  }
0x1a5: {  	_ =	swait.ge [sflag:s3], $0x2000;
	p3 =	sgt.s32 s18, $0x0  }
0x1a6: {  	[sflag:s3] =	ssyncset.done $0x0;
	s18 =	simm.s32 @!p3 $0x0  }
0x1a7: {  	[sflag:s3] =	ssyncadd.s32 $0xFFFFE000;
	s30 =	sshll.u32 s18, $0x3  }
0x1a8: {  	s31 =	rddreg [dreg:$0x1];
	s18 =	sshll.u32 s18, $0xA;
	s20 =	sand.u32 $0x1FFFFFF8, s30  }
0x1a9: {  	s18 =	sand.u32 $0x1FFFFC00, s18;
	s20 =	sadd.s32 s31, s20  }
0x1aa: {  	[tilespmem:s17], [sflag:$0x5] =	stream.linear.gather [hbm4b:s20+s6], $0x40, $0x38;
	[tilespmem:$0x19090] =	vst v63  }
0x1ab: {  	s18 =	sadd.s32 s13, s18  }
0x1ac: {  	[tilespmem:s0], [sflag:$0x5] =	stream.linear.gather [hbm4b:s18+s6], $0x2000, $0x38;
	[tilespmem:$0x19090] =	vst v63  }
0x1ad: {  	_ =	swait.ge [sflag:s21], $0x40  }
0x1ae: {  	[sflag:s21] =	ssyncset.done $0x0  }
0x1af: {  	[sflag:s21] =	ssyncadd.s32 $0xFFFFFFC0  }
0x1b0: {  	_ =	swait.ge [sflag:s21], $0x2000  }
0x1b1: {  	[sflag:s21] =	ssyncset.done $0x0  }
0x1b2: {  	[sflag:s21] =	ssyncadd.s32 $0xFFFFE000  }
0x1b3: {  	v1 =	vld [tilespmem:$0x30]  }
0x1b4: {  	p3 =	sgt.s32 s24, $0x5;
	s18 =	simm.s32 $0x0;
	v2 =	vld [tilespmem:$0x10]  }
0x1b5: {  	s18 =	simm.s32 @!p3 $0xFFFFD8F0;
	v3 =	vld [tilespmem:$0x20]  }
0x1b6: {  	s18 =	sadd.s32 s8, s18;
	v4 =	vld [tilespmem:$0x0]  }
0x1b7: {  	v5 =	vmov s18  }
0x1b8: {  	v1 =	vsub.s32 v1, v5  }
0x1b9: {  	s20 =	smov.u32 s25;
	p3 =	sgt.s32 s25, $0xA;
	s18 =	simm.s32 $0xA;
	v2 =	vsub.s32 v2, v5;
	v1 =	vmin.u32 v1, $0x1388  }
0x1ba: {  	s20 =	smov.u32 @p3 s18;
	v3 =	vsub.s32 v3, v5;
	v2 =	vmin.u32 v2, $0x1388;
	[tilespmem:$0x30] =	vst v1  }
0x1bb: {  	s18 =	sadd.s32 s4, s20;
	v1 =	vsub.s32 v4, v5;
	[tilespmem:$0x10] =	vst v2;
	v2 =	vmin.u32 v3, $0x1388  }
0x1bc: {  	p3 =	sgt.s32 s18, $0x0;
	v1 =	vmin.u32 v1, $0x1388;
	[tilespmem:$0x20] =	vst v2  }
0x1bd: {  	s18 =	simm.s32 @!p3 $0x0;
	[tilespmem:$0x0] =	vst v1  }
0x1be: {  	[spmem:s2] =	stream.indirect.scatter.add.f32 [tilespmem:s19], [sflag:$0x6], $0x80, s6, s26, $0xb8;
	[tilespmem:$0x19090] =	vst v63  }
0x1bf: {  	s0 =	sshll.u32 s18, $0x3;
	_ =	swait.ge [sflag:s1], $0x2000  }
0x1c0: {  	s18 =	sshll.u32 s18, $0xA;
	s20 =	sand.u32 $0x1FFFFFF8, s0;
	[sflag:s1] =	ssyncset.done $0x0  }
0x1c1: {  	s18 =	sand.u32 $0x1FFFFC00, s18;
	s20 =	sadd.s32 s31, s20;
	[sflag:s1] =	ssyncadd.s32 $0xFFFFE000  }
0x1c2: {  	[tilespmem:s6], [sflag:$0x1] =	stream.linear.gather [hbm4b:s20+s6], $0x40, $0x38;
	[tilespmem:$0x19090] =	vst v63  }
0x1c3: {  	s18 =	sadd.s32 s13, s18  }
0x1c4: {  	[tilespmem:s19], [sflag:$0x1] =	stream.linear.gather [hbm4b:s18+s6], $0x2000, $0x38;
	[tilespmem:$0x19090] =	vst v63  }
0x1c5: {  	_ =	swait.ge [sflag:s9], $0x40  }
0x1c6: {  	[sflag:s9] =	ssyncset.done $0x0  }
0x1c7: {  	[sflag:s9] =	ssyncadd.s32 $0xFFFFFFC0  }
0x1c8: {  	_ =	swait.ge [sflag:s9], $0x2000  }
0x1c9: {  	[sflag:s9] =	ssyncset.done $0x0  }
0x1ca: {  	[sflag:s9] =	ssyncadd.s32 $0xFFFFE000  }
0x1cb: {  	v1 =	vld [tilespmem:$0x80]  }
0x1cc: {  	p3 =	sgt.s32 s24, $0x6;
	s18 =	simm.s32 $0x0;
	v2 =	vld [tilespmem:$0x90]  }
0x1cd: {  	s18 =	simm.s32 @!p3 $0xFFFFD8F0;
	v3 =	vld [tilespmem:$0xA0]  }
0x1ce: {  	s18 =	sadd.s32 s8, s18;
	v4 =	vld [tilespmem:$0xB0]  }
0x1cf: {  	v5 =	vmov s18  }
0x1d0: {  	v1 =	vsub.s32 v1, v5  }
0x1d1: {  	s20 =	smov.u32 s25;
	p3 =	sgt.s32 s25, $0xB;
	s18 =	simm.s32 $0xB;
	v2 =	vsub.s32 v2, v5;
	v1 =	vmin.u32 v1, $0x1388  }
0x1d2: {  	s20 =	smov.u32 @p3 s18;
	[tilespmem:$0x80] =	vst v1;
	v1 =	vmin.u32 v2, $0x1388;
	v2 =	vsub.s32 v3, v5  }
0x1d3: {  	s18 =	sadd.s32 s4, s20;
	[tilespmem:$0x90] =	vst v1;
	v1 =	vmin.u32 v2, $0x1388;
	v2 =	vsub.s32 v4, v5  }
0x1d4: {  	p3 =	sgt.s32 s18, $0x0;
	[tilespmem:$0xA0] =	vst v1;
	v1 =	vmin.u32 v2, $0x1388  }
0x1d5: {  	s18 =	simm.s32 @!p3 $0x0;
	[tilespmem:$0xB0] =	vst v1  }
0x1d6: {  	[spmem:s2] =	stream.indirect.scatter.add.f32 [tilespmem:s5], [sflag:$0x7], $0x80, s22, s26, $0xb8;
	[tilespmem:$0x19090] =	vst v63  }
0x1d7: {  	s1 =	sshll.u32 s18, $0x3;
	_ =	swait.ge [sflag:s23], $0x2000  }
0x1d8: {  	s18 =	sshll.u32 s18, $0xA;
	s20 =	sand.u32 $0x1FFFFFF8, s1;
	[sflag:s23] =	ssyncset.done $0x0  }
0x1d9: {  	s18 =	sand.u32 $0x1FFFFC00, s18;
	s20 =	sadd.s32 s31, s20;
	[sflag:s23] =	ssyncadd.s32 $0xFFFFE000  }
0x1da: {  	[tilespmem:s22], [sflag:$0x2] =	stream.linear.gather [hbm4b:s20+s6], $0x40, $0x38;
	[tilespmem:$0x19090] =	vst v63  }
0x1db: {  	s18 =	sadd.s32 s13, s18  }
0x1dc: {  	[tilespmem:s5], [sflag:$0x2] =	stream.linear.gather [hbm4b:s18+s6], $0x2000, $0x38;
	[tilespmem:$0x19090] =	vst v63  }
0x1dd: {  	_ =	swait.ge [sflag:s12], $0x40  }
0x1de: {  	[sflag:s12] =	ssyncset.done $0x0  }
0x1df: {  	[sflag:s12] =	ssyncadd.s32 $0xFFFFFFC0  }
0x1e0: {  	_ =	swait.ge [sflag:s12], $0x2000  }
0x1e1: {  	[sflag:s12] =	ssyncset.done $0x0  }
0x1e2: {  	[sflag:s12] =	ssyncadd.s32 $0xFFFFE000  }
0x1e3: {  	v1 =	vld [tilespmem:$0x100]  }
0x1e4: {  	p3 =	sgt.s32 s24, $0x7;
	s18 =	simm.s32 $0x0;
	v2 =	vld [tilespmem:$0x130]  }
0x1e5: {  	s18 =	simm.s32 @!p3 $0xFFFFD8F0;
	v3 =	vld [tilespmem:$0x110]  }
0x1e6: {  	s18 =	sadd.s32 s8, s18;
	v4 =	vld [tilespmem:$0x120]  }
0x1e7: {  	v5 =	vmov s18  }
0x1e8: {  	s15 =	simm.s32 $0x100;
	v1 =	vsub.s32 v1, v5  }
0x1e9: {  	s20 =	smov.u32 s25;
	p3 =	sgt.s32 s25, $0xC;
	s18 =	simm.s32 $0xC;
	v2 =	vsub.s32 v2, v5;
	v1 =	vmin.u32 v1, $0x1388  }
0x1ea: {  	s29 =	simm.s32 $0x0;
	s17 =	simm.s32 $0x8;
	s20 =	smov.u32 @p3 s18;
	v2 =	vmin.u32 v2, $0x1388;
	[tilespmem:$0x100] =	vst v1;
	v1 =	vsub.s32 v3, v5  }
0x1eb: {  	s0 =	simm.s32 $0x7;
	s19 =	simm.s32 $0x8400;
	s18 =	sadd.s32 s4, s20;
	[tilespmem:$0x130] =	vst v2;
	v2 =	vsub.s32 v4, v5;
	v1 =	vmin.u32 v1, $0x1388  }
0x1ec: {  	s1 =	simm.s32 $0x6;
	s23 =	simm.s32 $0xFFFFFFFF;
	p3 =	sgt.s32 s18, $0x0;
	[tilespmem:$0x110] =	vst v1;
	v1 =	vmin.u32 v2, $0x1388  }
0x1ed: {  	s23 =	simm.s32 @!p2 $0x0;
	p2 =	sgt.s32 s25, $0xD;
	s18 =	simm.s32 @!p3 $0x0;
	[tilespmem:$0x120] =	vst v1  }
0x1ee: {  	[spmem:s2] =	stream.indirect.scatter.add.f32 [tilespmem:s11], [sflag:$0x8], $0x80, s7, s26, $0xb8;
	[tilespmem:$0x19090] =	vst v63  }
0x1ef: {  	s10 =	sadd.s32 s23, s10;
	s22 =	sshll.u32 s18, $0x3;
	_ =	swait.ge [sflag:s17], $0x2000  }
0x1f0: {  	s18 =	sshll.u32 s18, $0xA;
	s20 =	sand.u32 $0x1FFFFFF8, s22;
	[sflag:s17] =	ssyncset.done $0x0  }
0x1f1: {  	s18 =	sand.u32 $0x1FFFFC00, s18;
	s20 =	sadd.s32 s31, s20;
	[sflag:s17] =	ssyncadd.s32 $0xFFFFE000  }
0x1f2: {  	[tilespmem:s15], [sflag:$0x3] =	stream.linear.gather [hbm4b:s20+s6], $0x40, $0x38;
	[tilespmem:$0x19090] =	vst v63  }
0x1f3: {  	s10 =	sadd.s32 $0xFFFFFFFF, s10;
	s18 =	sadd.s32 s13, s18;
	s11 =	simm.s32 $0x4400  }
0x1f4: {  	[tilespmem:s11], [sflag:$0x3] =	stream.linear.gather [hbm4b:s18+s6], $0x2000, $0x38;
	[tilespmem:$0x19090] =	vst v63  }
0x1f5: {  	s5 =	simm.s32 $0x200;
	s23 =	sadd.s32 $0xFFFFFFFF, s10;
	_ =	swait.ge [sflag:s14], $0x40  }
0x1f6: {  	s20 =	simm.s32 $0xD;
	s18 =	smov.u32 s25;
	[sflag:s14] =	ssyncset.done $0x0  }
0x1f7: {  	s15 =	simm.s32 $0x9;
	s18 =	smov.u32 @p2 s20;
	[sflag:s14] =	ssyncadd.s32 $0xFFFFFFC0  }
0x1f8: {  	p2 =	sne.s32 s10, $0x1;
	s18 =	sadd.s32 s4, s18;
	_ =	swait.ge [sflag:s14], $0x2000  }
.Ltmp5:
0x1f9: {  	p3 =	sgt.s32 s18, $0x0;
	[sflag:s14] =	ssyncset.done $0x0;
	(pc) =	sbr.rel @!p2 .LBB2_8-.Ltmp5, $4  }
0x1fa: {  	s10 =	simm.s32 $0x0;
	s18 =	simm.s32 @!p3 $0x0;
	[sflag:s14] =	ssyncadd.s32 $0xFFFFE000  }
0x1fb: {  	p3 =	sgt.s32 s24, $0x9;
	s30 =	sshll.u32 s18, $0x3;
	s28 =	sshll.u32 s18, $0xA;
	v1 =	vld [tilespmem:$0x180]  }
0x1fc: {  	s10 =	simm.s32 @!p3 $0xFFFFD8F0;
	p3 =	sgt.s32 s24, $0x8;
	s18 =	sand.u32 $0x1FFFFFF8, s30;
	v2 =	vld [tilespmem:$0x190]  }
0x1fd: {  	s28 =	sand.u32 $0x1FFFFC00, s28;
	s10 =	sadd.s32 s8, s10;
	s29 =	simm.s32 @!p3 $0xFFFFD8F0;
	v3 =	vld [tilespmem:$0x1B0]  }
.LBB2_7:
0x1fe: {  	s29 =	sadd.s32 s8, s29;
	v4 =	vld [tilespmem:$0x1A0]  }
0x1ff: {  	v5 =	vmov s29  }
0x200: {  	v1 =	vsub.s32 v1, v5  }
0x201: {  	v2 =	vsub.s32 v2, v5;
	v1 =	vmin.u32 v1, $0x1388  }
0x202: {  	[tilespmem:$0x180] =	vst v1;
	v1 =	vmin.u32 v2, $0x1388;
	v2 =	vsub.s32 v3, v5  }
0x203: {  	[tilespmem:$0x190] =	vst v1;
	v1 =	vsub.s32 v4, v5;
	v2 =	vmin.u32 v2, $0x1388  }
0x204: {  	v1 =	vmin.u32 v1, $0x1388;
	[tilespmem:$0x1B0] =	vst v2  }
0x205: {  	s5 =	simm.s32 $0x6400;
	s19 =	simm.s32 $0x180;
	[tilespmem:$0x1A0] =	vst v1  }
0x206: {  	[spmem:s2] =	stream.indirect.scatter.add.f32 [tilespmem:s5], [sflag:$0x9], $0x80, s19, s26, $0xb8;
	[tilespmem:$0x19090] =	vst v63  }
0x207: {  	_ =	swait.ge [sflag:s15], $0x2000  }
0x208: {  	[sflag:s15] =	ssyncset.done $0x0  }
0x209: {  	[sflag:s15] =	ssyncadd.s32 $0xFFFFE000  }
0x20a: {  	s31 =	rddreg [dreg:$0x1]  }
0x20b: {  	s31 =	sadd.s32 s31, s18  }
0x20c: {  	[tilespmem:s19], [sflag:$0x4] =	stream.linear.gather [hbm4b:s31+s6], $0x40, $0x38;
	[tilespmem:$0x19090] =	vst v63  }
0x20d: {  	s22 =	sadd.s32 s13, s28  }
0x20e: {  	[tilespmem:s5], [sflag:$0x4] =	stream.linear.gather [hbm4b:s22+s6], $0x2000, $0x38;
	[tilespmem:$0x19090] =	vst v63  }
0x20f: {  	_ =	swait.ge [sflag:s16], $0x40  }
0x210: {  	[sflag:s16] =	ssyncset.done $0x0  }
0x211: {  	[sflag:s16] =	ssyncadd.s32 $0xFFFFFFC0  }
0x212: {  	_ =	swait.ge [sflag:s16], $0x2000  }
0x213: {  	[sflag:s16] =	ssyncset.done $0x0  }
0x214: {  	s20 =	sadd.s32 $0x5, s20;
	[sflag:s16] =	ssyncadd.s32 $0xFFFFE000  }
0x215: {  	p3 =	slt.s32 s20, s25;
	s29 =	smov.u32 s25;
	v1 =	vld [tilespmem:$0x200]  }
0x216: {  	s29 =	smov.u32 @p3 s20;
	v2 =	vld [tilespmem:$0x210]  }
0x217: {  	s29 =	sadd.s32 s4, s29;
	v3 =	vld [tilespmem:$0x220]  }
0x218: {  	p3 =	sgt.s32 s29, $0x0;
	v4 =	vld [tilespmem:$0x230]  }
0x219: {  	s29 =	simm.s32 @!p3 $0x0;
	v5 =	vmov s10  }
0x21a: {  	s30 =	sshll.u32 s29, $0x3;
	s29 =	sshll.u32 s29, $0xA;
	v1 =	vsub.s32 v1, v5  }
0x21b: {  	s29 =	sand.u32 $0x1FFFFC00, s29;
	v2 =	vsub.s32 v2, v5;
	v1 =	vmin.u32 v1, $0x1388  }
0x21c: {  	s30 =	sand.u32 $0x1FFFFFF8, s30;
	s28 =	smov.u32 s29;
	s29 =	sadd.s32 $0xFFFFFFFC, s20;
	[tilespmem:$0x200] =	vst v1;
	v1 =	vmin.u32 v2, $0x1388;
	v2 =	vsub.s32 v3, v5  }
0x21d: {  	p3 =	slt.s32 s29, s25;
	s18 =	smov.u32 s30;
	s30 =	smov.u32 s25;
	[tilespmem:$0x210] =	vst v1;
	v1 =	vmin.u32 v2, $0x1388;
	v2 =	vsub.s32 v4, v5  }
0x21e: {  	s30 =	smov.u32 @p3 s29;
	[tilespmem:$0x220] =	vst v1;
	v1 =	vmin.u32 v2, $0x1388  }
0x21f: {  	s7 =	simm.s32 $0x200;
	s30 =	sadd.s32 s4, s30;
	s22 =	simm.s32 $0x8400;
	[tilespmem:$0x230] =	vst v1  }
0x220: {  	[spmem:s2] =	stream.indirect.scatter.add.f32 [tilespmem:s22], [sflag:$0xA], $0x80, s7, s26, $0xb8;
	[tilespmem:$0x19090] =	vst v63  }
0x221: {  	p3 =	sgt.s32 s30, $0x0;
	_ =	swait.ge [sflag:s3], $0x2000  }
0x222: {  	s30 =	simm.s32 @!p3 $0x0;
	[sflag:s3] =	ssyncset.done $0x0  }
0x223: {  	s31 =	sshll.u32 s30, $0x3;
	[sflag:s3] =	ssyncadd.s32 $0xFFFFE000  }
0x224: {  	s30 =	sshll.u32 s30, $0xA;
	s31 =	sand.u32 $0x1FFFFFF8, s31;
	s5 =	rddreg [dreg:$0x1]  }
0x225: {  	s30 =	sand.u32 $0x1FFFFC00, s30;
	s31 =	sadd.s32 s5, s31  }
0x226: {  	[tilespmem:s7], [sflag:$0x5] =	stream.linear.gather [hbm4b:s31+s6], $0x40, $0x38;
	[tilespmem:$0x19090] =	vst v63  }
0x227: {  	s30 =	sadd.s32 s13, s30  }
0x228: {  	[tilespmem:s22], [sflag:$0x5] =	stream.linear.gather [hbm4b:s30+s6], $0x2000, $0x38;
	[tilespmem:$0x19090] =	vst v63  }
0x229: {  	_ =	swait.ge [sflag:s21], $0x40  }
0x22a: {  	[sflag:s21] =	ssyncset.done $0x0  }
0x22b: {  	[sflag:s21] =	ssyncadd.s32 $0xFFFFFFC0  }
0x22c: {  	p4 =	slt.s32 s29, s24;
	s29 =	simm.s32 $0x0;
	_ =	swait.ge [sflag:s21], $0x2000  }
0x22d: {  	s29 =	simm.s32 @!p4 $0xFFFFD8F0;
	[sflag:s21] =	ssyncset.done $0x0  }
0x22e: {  	s29 =	sadd.s32 s8, s29;
	[sflag:s21] =	ssyncadd.s32 $0xFFFFE000  }
0x22f: {  	s10 =	smov.u32 s29;
	s29 =	sadd.s32 $0xFFFFFFF8, s20;
	v1 =	vld [tilespmem:$0x30]  }
0x230: {  	p3 =	slt.s32 s29, s24;
	s29 =	simm.s32 $0x0;
	v2 =	vld [tilespmem:$0x10]  }
0x231: {  	s29 =	simm.s32 @!p3 $0xFFFFD8F0;
	v3 =	vld [tilespmem:$0x20]  }
0x232: {  	s29 =	sadd.s32 s8, s29;
	v4 =	vld [tilespmem:$0x0]  }
0x233: {  	v5 =	vmov s29;
	s30 =	sadd.s32 $0xFFFFFFFD, s20  }
0x234: {  	s31 =	smov.u32 s25;
	p3 =	slt.s32 s30, s25;
	v1 =	vsub.s32 v1, v5  }
0x235: {  	s31 =	smov.u32 @p3 s30;
	v2 =	vsub.s32 v2, v5;
	v1 =	vmin.u32 v1, $0x1388  }
0x236: {  	s30 =	sadd.s32 s4, s31;
	v3 =	vsub.s32 v3, v5;
	v2 =	vmin.u32 v2, $0x1388;
	[tilespmem:$0x30] =	vst v1  }
0x237: {  	p3 =	sgt.s32 s30, $0x0;
	v1 =	vsub.s32 v4, v5;
	[tilespmem:$0x10] =	vst v2;
	v2 =	vmin.u32 v3, $0x1388  }
0x238: {  	s30 =	simm.s32 @!p3 $0x0;
	v1 =	vmin.u32 v1, $0x1388;
	[tilespmem:$0x20] =	vst v2  }
0x239: {  	s26 =	simm.s32 $0x40;
	s7 =	simm.s32 $0x400;
	s31 =	sshll.u32 s30, $0x3;
	[tilespmem:$0x0] =	vst v1  }
0x23a: {  	[spmem:s2] =	stream.indirect.scatter.add.f32 [tilespmem:s7], [sflag:$0x6], $0x80, s6, s26, $0xb8;
	[tilespmem:$0x19090] =	vst v63  }
0x23b: {  	s29 =	sand.u32 $0x1FFFFFF8, s31;
	s31 =	rddreg [dreg:$0x1];
	_ =	swait.ge [sflag:s1], $0x2000  }
0x23c: {  	s30 =	sshll.u32 s30, $0xA;
	[sflag:s1] =	ssyncset.done $0x0  }
0x23d: {  	s30 =	sand.u32 $0x1FFFFC00, s30;
	s29 =	sadd.s32 s31, s29;
	[sflag:s1] =	ssyncadd.s32 $0xFFFFE000  }
0x23e: {  	[tilespmem:s6], [sflag:$0x1] =	stream.linear.gather [hbm4b:s29+s6], $0x40, $0x38;
	[tilespmem:$0x19090] =	vst v63  }
0x23f: {  	s30 =	sadd.s32 s13, s30  }
0x240: {  	[tilespmem:s7], [sflag:$0x1] =	stream.linear.gather [hbm4b:s30+s6], $0x2000, $0x38;
	[tilespmem:$0x19090] =	vst v63  }
0x241: {  	_ =	swait.ge [sflag:s9], $0x40  }
0x242: {  	[sflag:s9] =	ssyncset.done $0x0  }
0x243: {  	[sflag:s9] =	ssyncadd.s32 $0xFFFFFFC0  }
0x244: {  	_ =	swait.ge [sflag:s9], $0x2000  }
0x245: {  	[sflag:s9] =	ssyncset.done $0x0  }
0x246: {  	[sflag:s9] =	ssyncadd.s32 $0xFFFFE000  }
0x247: {  	s29 =	sadd.s32 $0xFFFFFFF9, s20;
	v1 =	vld [tilespmem:$0x80]  }
0x248: {  	p3 =	slt.s32 s29, s24;
	s29 =	simm.s32 $0x0;
	v2 =	vld [tilespmem:$0x90]  }
0x249: {  	s29 =	simm.s32 @!p3 $0xFFFFD8F0;
	v3 =	vld [tilespmem:$0xA0]  }
0x24a: {  	s29 =	sadd.s32 s8, s29;
	v4 =	vld [tilespmem:$0xB0]  }
0x24b: {  	v5 =	vmov s29  }
0x24c: {  	s29 =	sadd.s32 $0xFFFFFFFE, s20;
	v1 =	vsub.s32 v1, v5  }
0x24d: {  	s30 =	smov.u32 s25;
	p3 =	slt.s32 s29, s25;
	v2 =	vsub.s32 v2, v5;
	v1 =	vmin.u32 v1, $0x1388  }
0x24e: {  	s30 =	smov.u32 @p3 s29;
	[tilespmem:$0x80] =	vst v1;
	v1 =	vmin.u32 v2, $0x1388;
	v2 =	vsub.s32 v3, v5  }
0x24f: {  	s29 =	sadd.s32 s4, s30;
	[tilespmem:$0x90] =	vst v1;
	v1 =	vmin.u32 v2, $0x1388;
	v2 =	vsub.s32 v4, v5  }
0x250: {  	p3 =	sgt.s32 s29, $0x0;
	[tilespmem:$0xA0] =	vst v1;
	v1 =	vmin.u32 v2, $0x1388  }
0x251: {  	s22 =	simm.s32 $0x80;
	s7 =	simm.s32 $0x2400;
	s29 =	simm.s32 @!p3 $0x0;
	[tilespmem:$0xB0] =	vst v1  }
0x252: {  	[spmem:s2] =	stream.indirect.scatter.add.f32 [tilespmem:s7], [sflag:$0x7], $0x80, s22, s26, $0xb8;
	[tilespmem:$0x19090] =	vst v63  }
0x253: {  	s30 =	sshll.u32 s29, $0x3;
	_ =	swait.ge [sflag:s0], $0x2000  }
0x254: {  	s29 =	sshll.u32 s29, $0xA;
	s30 =	sand.u32 $0x1FFFFFF8, s30;
	[sflag:s0] =	ssyncset.done $0x0  }
0x255: {  	s29 =	sand.u32 $0x1FFFFC00, s29;
	s30 =	sadd.s32 s31, s30;
	[sflag:s0] =	ssyncadd.s32 $0xFFFFE000  }
0x256: {  	[tilespmem:s22], [sflag:$0x2] =	stream.linear.gather [hbm4b:s30+s6], $0x40, $0x38;
	[tilespmem:$0x19090] =	vst v63  }
0x257: {  	s29 =	sadd.s32 s13, s29  }
0x258: {  	[tilespmem:s7], [sflag:$0x2] =	stream.linear.gather [hbm4b:s29+s6], $0x2000, $0x38;
	[tilespmem:$0x19090] =	vst v63  }
0x259: {  	_ =	swait.ge [sflag:s12], $0x40  }
0x25a: {  	[sflag:s12] =	ssyncset.done $0x0  }
0x25b: {  	[sflag:s12] =	ssyncadd.s32 $0xFFFFFFC0  }
0x25c: {  	_ =	swait.ge [sflag:s12], $0x2000  }
0x25d: {  	[sflag:s12] =	ssyncset.done $0x0  }
0x25e: {  	[sflag:s12] =	ssyncadd.s32 $0xFFFFE000  }
0x25f: {  	s29 =	sadd.s32 $0xFFFFFFFA, s20;
	v1 =	vld [tilespmem:$0x100]  }
0x260: {  	p3 =	slt.s32 s29, s24;
	s29 =	simm.s32 $0x0  }
0x261: {  	s29 =	simm.s32 @!p3 $0xFFFFD8F0;
	v3 =	vld [tilespmem:$0x110]  }
0x262: {  	s29 =	sadd.s32 s8, s29;
	v2 =	vld [tilespmem:$0x130]  }
0x263: {  	v4 =	vmov s29;
	v5 =	vld [tilespmem:$0x120]  }
0x264: {  	v1 =	vsub.s32 v1, v4  }
0x265: {  	s29 =	sadd.s32 $0xFFFFFFFF, s20;
	v1 =	vmin.u32 v1, $0x1388  }
0x266: {  	s30 =	smov.u32 s25;
	p3 =	slt.s32 s29, s25;
	[tilespmem:$0x100] =	vst v1;
	v1 =	vsub.s32 v3, v4  }
0x267: {  	s30 =	smov.u32 @p3 s29;
	v2 =	vsub.s32 v2, v4;
	v1 =	vmin.u32 v1, $0x1388  }
0x268: {  	s29 =	sadd.s32 s4, s30;
	v2 =	vmin.u32 v2, $0x1388;
	[tilespmem:$0x110] =	vst v1;
	v1 =	vsub.s32 v5, v4  }
0x269: {  	p3 =	sgt.s32 s29, $0x0;
	[tilespmem:$0x130] =	vst v2;
	v1 =	vmin.u32 v1, $0x1388  }
0x26a: {  	s7 =	simm.s32 $0x100;
	s29 =	simm.s32 @!p3 $0x0;
	[tilespmem:$0x120] =	vst v1  }
0x26b: {  	[spmem:s2] =	stream.indirect.scatter.add.f32 [tilespmem:s11], [sflag:$0x8], $0x80, s7, s26, $0xb8;
	[tilespmem:$0x19090] =	vst v63  }
0x26c: {  	s22 =	sshll.u32 s29, $0x3;
	_ =	swait.ge [sflag:s17], $0x2000  }
0x26d: {  	s29 =	sshll.u32 s29, $0xA;
	s30 =	sand.u32 $0x1FFFFFF8, s22;
	[sflag:s17] =	ssyncset.done $0x0  }
0x26e: {  	s29 =	sand.u32 $0x1FFFFC00, s29;
	s30 =	sadd.s32 s31, s30;
	[sflag:s17] =	ssyncadd.s32 $0xFFFFE000  }
0x26f: {  	[tilespmem:s7], [sflag:$0x3] =	stream.linear.gather [hbm4b:s30+s6], $0x40, $0x38;
	[tilespmem:$0x19090] =	vst v63  }
0x270: {  	s29 =	sadd.s32 s13, s29  }
0x271: {  	[tilespmem:s11], [sflag:$0x3] =	stream.linear.gather [hbm4b:s29+s6], $0x2000, $0x38;
	[tilespmem:$0x19090] =	vst v63  }
0x272: {  	_ =	swait.ge [sflag:s14], $0x40  }
0x273: {  	[sflag:s14] =	ssyncset.done $0x0  }
0x274: {  	[sflag:s14] =	ssyncadd.s32 $0xFFFFFFC0  }
0x275: {  	p2 =	sne.s32 s23, $0x1;
	_ =	swait.ge [sflag:s14], $0x2000  }
.Ltmp6:
0x276: {  	[sflag:s14] =	ssyncset.done $0x0;
	(pc) =	sbr.rel @p2 .LBB2_7-.Ltmp6, $4  }
0x277: {  	[sflag:s14] =	ssyncadd.s32 $0xFFFFE000  }
0x278: {  	s29 =	sadd.s32 $0xFFFFFFFB, s20;
	v1 =	vld [tilespmem:$0x180]  }
0x279: {  	s23 =	sadd.s32 $0xFFFFFFFF, s23;
	p3 =	slt.s32 s29, s24;
	s29 =	simm.s32 $0x0;
	v2 =	vld [tilespmem:$0x190]  }
0x27a: {  	s19 =	simm.s32 $0x8400;
	s5 =	simm.s32 $0x200;
	s29 =	simm.s32 @!p3 $0xFFFFD8F0;
	v3 =	vld [tilespmem:$0x1B0]  }
.Ltmp7:
0x27b: {  	_ = 	snop;
	(pc) =	sbr.rel .LBB2_8-.Ltmp7, $1  }
0x27c: {  	_ =	sdelay $0x3  }
.LBB2_10:
0x27d: {  	_ =	sfence.sel $0x180000  }
0x27e: {  	[bflag:$0x0] =	sbarrier.arrive $0xFFFF  }
0x27f: {  	_ =	strace $0x90000047  }
0x280: {  	[bflag:$0x2] =	sbarrier.arrive $0xFFFF  }
0x281: {  	p0 =	sne.s32 s28, $0x0;
	s0 =	rddreg [dreg:$0x5]  }
0x282: {  	s0 =	sadd.s32 @!p0 $0x100000, s0  }
0x283: {  	[sflag:s0] =	ssyncadd.tile.s32 @!p0 $0x1;
	_ =	shalt  }
.Lfunc_end2:
_tile_overlayer_lowered:
.L_overlay_start_2:
0x284: {  	(tag) =	ssettag $0x2  }
0x285: {  	s0 =	rddreg [dreg:$0x0];
	s2 =	stileid.u32  }
0x286: {  	s1 =	rddreg [dreg:$0x1];
	p0 =	sne.s32 s2, $0x0  }
0x287: {  	s3 =	rddreg [dreg:$0x2];
	[bflag:$0x3] =	sbarrier.arrive $0xFFFF;
	s2 =	simm.s32 @!p0 $0x1C0B  }
0x288: {  	[timem:s3], [sflag:s2] =	dma.local @!p0 [hbm:s0], s1  }
0x289: {  	s0 =	simm.s32 @!p0 $0xB  }
0x28a: {  	_ =	swait.ge @!p0 [sflag:s0], s1  }
0x28b: {  	s1 =	ssub.s32 @!p0 $0x0, s1;
	[sflag:s0] =	ssyncset.done @!p0 $0x0  }
0x28c: {  	[sflag:s0] =	ssyncadd.s32 @!p0 s1  }
0x28d: {  	[bflag:$0x3] =	sbarrier.arrive $0xFFFF  }
0x28e: {  	_ =	shalt  }

</sc_bundles>
